<compile_context>
chip_gen: v7x
topology: tpu7x:2x2x1
jax: 0.10.2.dev20260603
libtpu: 0.0.44.dev20260713+nightly
codegen_flags: <defaults>
</compile_context>

<pallas_src>
import dataclasses
import functools

import jax
import jax.numpy as jnp
from jax import lax
from jax.experimental import pallas as pl
from jax.experimental.pallas import tpu as pltpu
from jax.experimental.pallas import tpu_sc as plsc

N_NODES = 10000
N_EDGES = 320000
IN_DIM = 128
HID_DIM = 64
OUT_DIM = 3
D2 = 16

NC = 2
NS = 16
NW = NC * NS

R = N_NODES + 112
K = 128
NBUF = 8
NCHUNK = 80
WE = NCHUNK * K
EPAD = NW * WE

_mesh = plsc.VectorSubcoreMesh(core_axis_name="c", subcore_axis_name="s")

_cp = pltpu.CompilerParams()
if "needs_layout_passes" in pltpu.CompilerParams.__dataclass_fields__:
    _cp = dataclasses.replace(_cp, needs_layout_passes=False)
_cp = dataclasses.replace(_cp, use_tc_tiling_on_sc=False)


DEG_WE = N_EDGES // NW


@functools.partial(
    pl.kernel,
    mesh=_mesh,
    compiler_params=_cp,
    out_type=jax.ShapeDtypeStruct((NW, R), jnp.float32),
    scratch_types=[
        pltpu.VMEM((DEG_WE,), jnp.int32),
        pltpu.VMEM((R,), jnp.float32),
    ],
)
def _sc_degree(ei_hbm, hist_hbm, idx_v, hist_v):
    wid = lax.axis_index("s") * NC + lax.axis_index("c")
    zeros16 = jnp.zeros((16,), jnp.float32)
    ones16 = jnp.ones((16,), jnp.float32)

    pltpu.sync_copy(ei_hbm.at[1, pl.ds(wid * DEG_WE, DEG_WE)], idx_v)

    @pl.loop(0, R, step=16)
    def _zero(i):
        hist_v[pl.ds(i, 16)] = zeros16

    main = (DEG_WE // 128) * 128

    @pl.loop(0, main, step=128)
    def _count(i):
        for j in range(8):
            idx = idx_v[pl.ds(i + j * 16, 16)]
            plsc.addupdate_scatter(hist_v, [idx], ones16)

    @pl.loop(main, DEG_WE, step=16)
    def _count_tail(i):
        idx = idx_v[pl.ds(i, 16)]
        plsc.addupdate_scatter(hist_v, [idx], ones16)

    pltpu.sync_copy(hist_v, hist_hbm.at[wid])


def _make_sc_scatter(D):
    @functools.partial(
        pl.kernel,
        mesh=_mesh,
        compiler_params=_cp,
        out_type=jax.ShapeDtypeStruct((NC, R, D), jnp.float32),
        scratch_types=[
            pltpu.VMEM((NCHUNK, K), jnp.int32),
            pltpu.VMEM((NCHUNK, K), jnp.int32),
            pltpu.VMEM((NBUF, K, D), jnp.float32),
            pltpu.VMEM_SHARED((R, D), jnp.float32),
            pltpu.SemaphoreType.DMA((NBUF,)),
            pltpu.SemaphoreType.DMA((NBUF,)),
        ],
    )
    def _sc_scatter(table_hbm, ed_hbm, out_hbm,
                    sidx_v, didx_v, rows_v, acc_sh, gsem, ssem):
        c = lax.axis_index("c")
        s = lax.axis_index("s")
        wid = s * NC + c
        rpz = R // NS
        rslice = pl.ds(s * rpz, rpz)
        pltpu.async_copy(ed_hbm.at[0, wid], sidx_v, gsem.at[0])
        pltpu.async_copy(ed_hbm.at[1, wid], didx_v, gsem.at[1])
        zeros16 = jnp.zeros((16,), jnp.float32)

        @pl.loop(0, K)
        def _zrow(r):
            for j in range(D // 16):
                rows_v[0, r, pl.ds(j * 16, 16)] = zeros16

        nzcop = rpz // K
        for z in range(nzcop):
            pltpu.sync_copy(rows_v.at[0],
                            acc_sh.at[pl.ds(s * rpz + z * K, K)])
        rem = rpz - nzcop * K
        if rem:
            pltpu.sync_copy(rows_v.at[0].at[pl.ds(0, rem)],
                            acc_sh.at[pl.ds(s * rpz + nzcop * K, rem)])
        pltpu.make_async_copy(ed_hbm.at[0, wid], sidx_v, gsem.at[0]).wait()
        pltpu.make_async_copy(ed_hbm.at[1, wid], didx_v, gsem.at[1]).wait()
        plsc.subcore_barrier()

        def gather(ci, b):
            return pltpu.async_copy(table_hbm.at[sidx_v.at[ci]],
                                    rows_v.at[b], gsem.at[b])

        def scatter(ci, b):
            return pltpu.async_copy(rows_v.at[b], acc_sh.at[didx_v.at[ci]],
                                    ssem.at[b], add=True)

        for b in range(NBUF):
            gather(b, b)

        @pl.loop(0, NCHUNK - NBUF, step=NBUF)
        def _group(ci):
            for b in range(NBUF):
                pltpu.make_async_copy(table_hbm.at[sidx_v.at[ci + b]],
                                      rows_v.at[b], gsem.at[b]).wait()
                scatter(ci + b, b)
            for b in range(NBUF):
                pltpu.make_async_copy(rows_v.at[b],
                                      acc_sh.at[didx_v.at[ci + b]],
                                      ssem.at[b]).wait()
                gather(ci + b + NBUF, b)

        last = NCHUNK - NBUF
        for b in range(NBUF):
            pltpu.make_async_copy(table_hbm.at[sidx_v.at[last + b]],
                                  rows_v.at[b], gsem.at[b]).wait()
            scatter(last + b, b)
        for b in range(NBUF):
            pltpu.make_async_copy(rows_v.at[b],
                                  acc_sh.at[didx_v.at[last + b]],
                                  ssem.at[b]).wait()

        plsc.subcore_barrier()
        pltpu.sync_copy(acc_sh.at[rslice], out_hbm.at[c].at[rslice])

    return _sc_scatter


_sc_scatter_h = _make_sc_scatter(HID_DIM)
_sc_scatter_o = _make_sc_scatter(D2)


def _tc_scale1(xp_ref, w1_ref, hist_ref, g1_ref, d_ref):
    ones_w = jnp.ones((NW, 1), jnp.float32)
    deg = lax.dot_general(hist_ref[...], ones_w, (((0,), (0,)), ((), ())),
                          preferred_element_type=jnp.float32)
    d = lax.rsqrt(deg + 1.0)
    h1 = jnp.dot(xp_ref[...], w1_ref[...], preferred_element_type=jnp.float32)
    g1_ref[:N_NODES, :] = h1 * d[:N_NODES]
    g1_ref[N_NODES:, :] = jnp.zeros((R - N_NODES, HID_DIM), jnp.float32)
    d_ref[...] = d


def _tc_mid(d_ref, acc1_ref, g1_ref, b1_ref, w2_ref, g2_ref):
    d = d_ref[...]
    acc1 = acc1_ref[0] + acc1_ref[1]
    out1 = jnp.maximum(d * (acc1 + g1_ref[...]) + b1_ref[...], 0.0)
    h2 = jnp.dot(out1, w2_ref[...], preferred_element_type=jnp.float32)
    g2_ref[...] = h2 * d


def _tc_final(d_ref, acc2_ref, g2_ref, b2_ref, out_ref):
    d = d_ref[...]
    acc2 = acc2_ref[0] + acc2_ref[1]
    full = d * (acc2 + g2_ref[...]) + b2_ref[...]
    out_ref[...] = full[:N_NODES, :OUT_DIM]


def kernel(x, edge_index, W1, b1, W2, b2):
    ei = edge_index.astype(jnp.int32)
    pad_n = EPAD - N_EDGES
    pad_idx = (jnp.arange(pad_n, dtype=jnp.int32) % (R - N_NODES)) + N_NODES
    pad2 = jnp.broadcast_to(pad_idx, (2, pad_n))
    ed = jnp.concatenate([ei, pad2], axis=1).reshape(2, NW, NCHUNK, K)

    b1r = b1.reshape(1, HID_DIM)
    w2p = jnp.pad(W2, ((0, 0), (0, D2 - OUT_DIM)))
    b2r = jnp.pad(b2, (0, D2 - OUT_DIM)).reshape(1, D2)

    hist = _sc_degree(ei)

    g1, d_col = pl.pallas_call(
        _tc_scale1,
        out_shape=[jax.ShapeDtypeStruct((R, HID_DIM), jnp.float32),
                   jax.ShapeDtypeStruct((R, 1), jnp.float32)],
    )(x, W1, hist)

    acc1 = _sc_scatter_h(g1, ed)

    g2 = pl.pallas_call(
        _tc_mid,
        out_shape=jax.ShapeDtypeStruct((R, D2), jnp.float32),
    )(d_col, acc1, g1, b1r, w2p)

    acc2 = _sc_scatter_o(g2, ed)

    out = pl.pallas_call(
        _tc_final,
        out_shape=jax.ShapeDtypeStruct((N_NODES, OUT_DIM), jnp.float32),
    )(d_col, acc2, g2, b2r)

    return out

# --- scband reference (transcript-rebuilt; emitter-appended) ---
"""Pipeline reference for scband-pretrained-gnn-3934190044272 (READ-ONLY COPY).

The authoritative reference and input builder live on the scoring server;
editing this copy changes nothing except your own understanding.
"""

import jax, jax.numpy as jnp
import numpy as np

N_NODES = 10000
N_EDGES = 320000
IN_DIM = 128
HID_DIM = 64
OUT_DIM = 3


def gcn_conv(x, edge_index, W, b):
    n = x.shape[0]
    src = edge_index[0]
    dst = edge_index[1]
    # add self-loops (PyG GCNConv default add_self_loops=True)
    loop = jnp.arange(n, dtype=edge_index.dtype)
    src = jnp.concatenate([src, loop])
    dst = jnp.concatenate([dst, loop])
    # symmetric normalization: deg computed on destination with unit edge weights
    deg = jnp.zeros((n,), dtype=x.dtype).at[dst].add(1.0)
    deg_inv_sqrt = jnp.where(deg > 0, deg ** -0.5, 0.0)
    norm = deg_inv_sqrt[src] * deg_inv_sqrt[dst]
    h = x @ W
    msg = h[src] * norm[:, None]
    out = jnp.zeros((n, W.shape[1]), dtype=x.dtype).at[dst].add(msg)
    return out + b


def setup_inputs(seed: int = 0) -> dict:
    key = jax.random.key(seed)
    k1, k2, k3, k4, k5, k6 = jax.random.split(key, 6)
    x = jax.random.normal(k1, (N_NODES, IN_DIM), dtype=jnp.float32)
    edge_index = jax.random.randint(k2, (2, N_EDGES), 0, N_NODES, dtype=jnp.int64)
    # glorot-style init for GCN weights, zeros for bias (PyG default)
    s1 = (6.0 / (IN_DIM + HID_DIM)) ** 0.5
    W1 = jax.random.uniform(k3, (IN_DIM, HID_DIM), dtype=jnp.float32, minval=-s1, maxval=s1)
    b1 = jnp.zeros((HID_DIM,), dtype=jnp.float32)
    s2 = (6.0 / (HID_DIM + OUT_DIM)) ** 0.5
    W2 = jax.random.uniform(k4, (HID_DIM, OUT_DIM), dtype=jnp.float32, minval=-s2, maxval=s2)
    b2 = jnp.zeros((OUT_DIM,), dtype=jnp.float32)
    return {"x": x, "edge_index": edge_index, "W1": W1, "b1": b1, "W2": W2, "b2": b2}


def reference(x, edge_index, W1, b1, W2, b2):
    h = jax.nn.relu(gcn_conv(x, edge_index, W1, b1))
    out = gcn_conv(h, edge_index, W2, b2)
    return out

if __name__ == "__main__":
    import jax
    _d = setup_inputs()
    print(jax.jit(kernel)(*tuple(_d.values())))

</pallas_src>

<mosaic_0001>
#map = affine_map<(d0, d1) -> (0, 0)>
#map1 = affine_map<(d0, d1) -> (0, 0, 0, 0)>
#map2 = affine_map<(d0, d1) -> (0, 0, 0)>
module attributes {stable_mosaic.version = 14 : i64} {
  func.func @_sc_scatter(%arg0: i32, %arg1: i32, %arg2: memref<10112x64xf32, #tpu.memory_space<hbm>>, %arg3: memref<2x32x80x128xi32, #tpu.memory_space<hbm>>, %arg4: memref<2x10112x64xf32, #tpu.memory_space<hbm>>, %arg5: memref<80x128xi32, #tpu.memory_space<vmem>>, %arg6: memref<80x128xi32, #tpu.memory_space<vmem>>, %arg7: memref<8x128x64xf32, #tpu.memory_space<vmem>>, %arg8: memref<10112x64xf32, #tpu.memory_space<vmem_shared>>, %arg9: memref<8x!tpu.dma_semaphore, #tpu.memory_space<semaphore_mem>>, %arg10: memref<8x!tpu.dma_semaphore, #tpu.memory_space<semaphore_mem>>) attributes {dimension_semantics = [#tpu.dimension_semantics<core_parallel>, #tpu.dimension_semantics<subcore_parallel>], iteration_bounds = array<i64: 2, 16>, scalar_prefetch = 0 : i64, scratch_operands = 6 : i64, tpu.core_type = #tpu.core_type<sc_vector_subcore>, window_params = [{transform_indices = #map}, {transform_indices = #map1}, {transform_indices = #map2}]} {
    %mul3A = arith.constant 2 : i32
    %mul3A_0 = arith.muli %arg1, %mul3A : i32
    %add3A = arith.addi %mul3A_0, %arg0 : i32
    %mul3A_1 = arith.constant 632 : i32
    %mul3A_2 = arith.muli %arg1, %mul3A_1 : i32
    %dma_start3A = arith.constant 0 : i32
    %dma_start3A_3 = arith.constant 0 : i32
    %dma_start3A_4 = arith.constant 0 : i32
    %dma_start3A_5 = arith.constant 0 : i32
    %dma_start3A_6 = tpu.memref_slice %arg3[%dma_start3A, %add3A, %dma_start3A_4, %dma_start3A_5] : memref<2x32x80x128xi32, #tpu.memory_space<hbm>> -> memref<1x1x80x128xi32, #tpu.memory_space<hbm>>
    %dma_start3A_7 = tpu.memref_squeeze %dma_start3A_6 : memref<1x1x80x128xi32, #tpu.memory_space<hbm>> -> memref<80x128xi32, #tpu.memory_space<hbm>>
    %dma_start3A_8 = tpu.memref_slice %arg9[%dma_start3A_3] : memref<8x!tpu.dma_semaphore, #tpu.memory_space<semaphore_mem>> -> memref<1x!tpu.dma_semaphore, #tpu.memory_space<semaphore_mem>>
    %dma_start3A_9 = tpu.memref_squeeze %dma_start3A_8 : memref<1x!tpu.dma_semaphore, #tpu.memory_space<semaphore_mem>> -> memref<!tpu.dma_semaphore, #tpu.memory_space<semaphore_mem>>
    %dma_start3A_10 = arith.constant 0 : i32
    %dma_start3A_11 = arith.constant 0 : i32
    %dma_start3A_12 = tpu.memref_slice %arg3[%dma_start3A, %add3A, %dma_start3A_10, %dma_start3A_11] : memref<2x32x80x128xi32, #tpu.memory_space<hbm>> -> memref<1x1x80x128xi32, #tpu.memory_space<hbm>>
    %dma_start3A_13 = tpu.memref_squeeze %dma_start3A_12 : memref<1x1x80x128xi32, #tpu.memory_space<hbm>> -> memref<80x128xi32, #tpu.memory_space<hbm>>
    tpu.enqueue_dma source(%dma_start3A_13 : memref<80x128xi32, #tpu.memory_space<hbm>>) target(%arg5 : memref<80x128xi32, #tpu.memory_space<vmem>>) target_semaphore(%dma_start3A_9 : memref<!tpu.dma_semaphore, #tpu.memory_space<semaphore_mem>>)
    %dma_start3A_14 = arith.constant 1 : i32
    %dma_start3A_15 = arith.constant 1 : i32
    %dma_start3A_16 = arith.constant 0 : i32
    %dma_start3A_17 = arith.constant 0 : i32
    %dma_start3A_18 = tpu.memref_slice %arg3[%dma_start3A_14, %add3A, %dma_start3A_16, %dma_start3A_17] : memref<2x32x80x128xi32, #tpu.memory_space<hbm>> -> memref<1x1x80x128xi32, #tpu.memory_space<hbm>>
    %dma_start3A_19 = tpu.memref_squeeze %dma_start3A_18 : memref<1x1x80x128xi32, #tpu.memory_space<hbm>> -> memref<80x128xi32, #tpu.memory_space<hbm>>
    %dma_start3A_20 = tpu.memref_slice %arg9[%dma_start3A_15] : memref<8x!tpu.dma_semaphore, #tpu.memory_space<semaphore_mem>> -> memref<1x!tpu.dma_semaphore, #tpu.memory_space<semaphore_mem>>
    %dma_start3A_21 = tpu.memref_squeeze %dma_start3A_20 : memref<1x!tpu.dma_semaphore, #tpu.memory_space<semaphore_mem>> -> memref<!tpu.dma_semaphore, #tpu.memory_space<semaphore_mem>>
    %dma_start3A_22 = arith.constant 0 : i32
    %dma_start3A_23 = arith.constant 0 : i32
    %dma_start3A_24 = tpu.memref_slice %arg3[%dma_start3A_14, %add3A, %dma_start3A_22, %dma_start3A_23] : memref<2x32x80x128xi32, #tpu.memory_space<hbm>> -> memref<1x1x80x128xi32, #tpu.memory_space<hbm>>
    %dma_start3A_25 = tpu.memref_squeeze %dma_start3A_24 : memref<1x1x80x128xi32, #tpu.memory_space<hbm>> -> memref<80x128xi32, #tpu.memory_space<hbm>>
    tpu.enqueue_dma source(%dma_start3A_25 : memref<80x128xi32, #tpu.memory_space<hbm>>) target(%arg6 : memref<80x128xi32, #tpu.memory_space<vmem>>) target_semaphore(%dma_start3A_21 : memref<!tpu.dma_semaphore, #tpu.memory_space<semaphore_mem>>)
    %broadcast_in_dim3A = arith.constant 0.000000e+00 : f32
    %broadcast_in_dim3A_26 = vector.broadcast %broadcast_in_dim3A : f32 to vector<16xf32>
    %scan3A = arith.constant 0 : i32
    %scan3A_27 = arith.constant 128 : i32
    %scan3A_28 = arith.addi %scan3A, %scan3A_27 : i32
    %scan3A_29 = arith.constant 1 : i32
    scf.for %scan3A_564 = %scan3A to %scan3A_28 step %scan3A_29  : i32 {
      %mul3A_565 = arith.constant 1 : i32
      %mul3A_566 = arith.muli %scan3A_564, %mul3A_565 : i32
      %add3A_567 = arith.constant 0 : i32
      %add3A_568 = arith.addi %add3A_567, %mul3A_566 : i32
      %swap3A = arith.constant 0 : i32
      %swap3A_569 = arith.index_cast %swap3A : i32 to index
      %swap3A_570 = arith.index_cast %add3A_568 : i32 to index
      %swap3A_571 = arith.constant 0 : index
      %swap3A_572 = tpu.vector_load %arg7[%swap3A_569, %swap3A_570, %swap3A_571] {strides = array<i32>} : memref<8x128x64xf32, #tpu.memory_space<vmem>>, vector<16xf32>,
      tpu.vector_store %arg7[%swap3A_569, %swap3A_570, %swap3A_571], %broadcast_in_dim3A_26 {strides = array<i32>} : memref<8x128x64xf32, #tpu.memory_space<vmem>>, vector<16xf32>,
      %swap3A_573 = arith.constant 0 : i32
      %swap3A_574 = arith.index_cast %swap3A_573 : i32 to index
      %swap3A_575 = arith.index_cast %add3A_568 : i32 to index
      %swap3A_576 = arith.constant 16 : index
      %swap3A_577 = tpu.vector_load %arg7[%swap3A_574, %swap3A_575, %swap3A_576] {strides = array<i32>} : memref<8x128x64xf32, #tpu.memory_space<vmem>>, vector<16xf32>,
      tpu.vector_store %arg7[%swap3A_574, %swap3A_575, %swap3A_576], %broadcast_in_dim3A_26 {strides = array<i32>} : memref<8x128x64xf32, #tpu.memory_space<vmem>>, vector<16xf32>,
      %swap3A_578 = arith.constant 0 : i32
      %swap3A_579 = arith.index_cast %swap3A_578 : i32 to index
      %swap3A_580 = arith.index_cast %add3A_568 : i32 to index
      %swap3A_581 = arith.constant 32 : index
      %swap3A_582 = tpu.vector_load %arg7[%swap3A_579, %swap3A_580, %swap3A_581] {strides = array<i32>} : memref<8x128x64xf32, #tpu.memory_space<vmem>>, vector<16xf32>,
      tpu.vector_store %arg7[%swap3A_579, %swap3A_580, %swap3A_581], %broadcast_in_dim3A_26 {strides = array<i32>} : memref<8x128x64xf32, #tpu.memory_space<vmem>>, vector<16xf32>,
      %swap3A_583 = arith.constant 0 : i32
      %swap3A_584 = arith.index_cast %swap3A_583 : i32 to index
      %swap3A_585 = arith.index_cast %add3A_568 : i32 to index
      %swap3A_586 = arith.constant 48 : index
      %swap3A_587 = tpu.vector_load %arg7[%swap3A_584, %swap3A_585, %swap3A_586] {strides = array<i32>} : memref<8x128x64xf32, #tpu.memory_space<vmem>>, vector<16xf32>,
      tpu.vector_store %arg7[%swap3A_584, %swap3A_585, %swap3A_586], %broadcast_in_dim3A_26 {strides = array<i32>} : memref<8x128x64xf32, #tpu.memory_space<vmem>>, vector<16xf32>,
    }
    %scan3A_30 = arith.constant 128 : i32
    %mul3A_31 = arith.constant 632 : i32
    %mul3A_32 = arith.muli %arg1, %mul3A_31 : i32
    %add3A_33 = arith.constant 0 : i32
    %add3A_34 = arith.addi %mul3A_32, %add3A_33 : i32
    %run_scoped3A = arith.constant 0 : i32
    "tpu.region"() ({
      %run_scoped3A_564 = tpu.sem_alloc : memref<!tpu.dma_semaphore, #tpu.memory_space<semaphore_mem>>
      %dma_start3A_565 = arith.constant 0 : i32
      %dma_start3A_566 = arith.constant 0 : i32
      %dma_start3A_567 = tpu.memref_slice %arg7[%run_scoped3A, %dma_start3A_565, %dma_start3A_566] : memref<8x128x64xf32, #tpu.memory_space<vmem>> -> memref<1x128x64xf32, #tpu.memory_space<vmem>>
      %dma_start3A_568 = tpu.memref_squeeze %dma_start3A_567 : memref<1x128x64xf32, #tpu.memory_space<vmem>> -> memref<128x64xf32, #tpu.memory_space<vmem>>
      %dma_start3A_569 = arith.constant 0 : i32
      %dma_start3A_570 = tpu.memref_slice %arg8[%add3A_34, %dma_start3A_569] : memref<10112x64xf32, #tpu.memory_space<vmem_shared>> -> memref<128x64xf32, #tpu.memory_space<vmem_shared>>
      %dma_start3A_571 = arith.constant 0 : i32
      %dma_start3A_572 = tpu.memref_slice %arg8[%add3A_34, %dma_start3A_571] : memref<10112x64xf32, #tpu.memory_space<vmem_shared>> -> memref<128x64xf32, #tpu.memory_space<vmem_shared>>
      %dma_start3A_573 = arith.constant 0 : i32
      %dma_start3A_574 = arith.constant 0 : i32
      %dma_start3A_575 = tpu.memref_slice %arg7[%run_scoped3A, %dma_start3A_573, %dma_start3A_574] : memref<8x128x64xf32, #tpu.memory_space<vmem>> -> memref<1x128x64xf32, #tpu.memory_space<vmem>>
      %dma_start3A_576 = tpu.memref_squeeze %dma_start3A_575 : memref<1x128x64xf32, #tpu.memory_space<vmem>> -> memref<128x64xf32, #tpu.memory_space<vmem>>
      tpu.enqueue_dma source(%dma_start3A_576 : memref<128x64xf32, #tpu.memory_space<vmem>>) target(%dma_start3A_572 : memref<128x64xf32, #tpu.memory_space<vmem_shared>>) target_semaphore(%run_scoped3A_564 : memref<!tpu.dma_semaphore, #tpu.memory_space<semaphore_mem>>)
      %dma_wait3A_577 = arith.constant 0 : i32
      %dma_wait3A_578 = arith.constant 0 : i32
      %dma_wait3A_579 = tpu.memref_slice %arg7[%run_scoped3A, %dma_wait3A_577, %dma_wait3A_578] : memref<8x128x64xf32, #tpu.memory_space<vmem>> -> memref<1x128x64xf32, #tpu.memory_space<vmem>>
      %dma_wait3A_580 = tpu.memref_squeeze %dma_wait3A_579 : memref<1x128x64xf32, #tpu.memory_space<vmem>> -> memref<128x64xf32, #tpu.memory_space<vmem>>
      %dma_wait3A_581 = arith.constant 0 : i32
      %dma_wait3A_582 = tpu.memref_slice %arg8[%add3A_34, %dma_wait3A_581] : memref<10112x64xf32, #tpu.memory_space<vmem_shared>> -> memref<128x64xf32, #tpu.memory_space<vmem_shared>>
      %dma_wait3A_583 = arith.constant 0 : i32
      %dma_wait3A_584 = tpu.memref_slice %arg8[%add3A_34, %dma_wait3A_583] : memref<10112x64xf32, #tpu.memory_space<vmem_shared>> -> memref<128x64xf32, #tpu.memory_space<vmem_shared>>
      %dma_wait3A_585 = arith.constant 0 : i32
      %dma_wait3A_586 = arith.constant 0 : i32
      %dma_wait3A_587 = tpu.memref_slice %arg7[%run_scoped3A, %dma_wait3A_585, %dma_wait3A_586] : memref<8x128x64xf32, #tpu.memory_space<vmem>> -> memref<1x128x64xf32, #tpu.memory_space<vmem>>
      %dma_wait3A_588 = tpu.memref_squeeze %dma_wait3A_587 : memref<1x128x64xf32, #tpu.memory_space<vmem>> -> memref<128x64xf32, #tpu.memory_space<vmem>>
      tpu.wait_dma2 semaphore(%run_scoped3A_564 : memref<!tpu.dma_semaphore, #tpu.memory_space<semaphore_mem>>) src(%dma_wait3A_588 : memref<128x64xf32, #tpu.memory_space<vmem>>) dst(%dma_wait3A_584 : memref<128x64xf32, #tpu.memory_space<vmem_shared>>)
      tpu.yield
    }) : () -> ()
    %mul3A_35 = arith.constant 632 : i32
    %mul3A_36 = arith.muli %arg1, %mul3A_35 : i32
    %add3A_37 = arith.constant 128 : i32
    %add3A_38 = arith.addi %mul3A_36, %add3A_37 : i32
    %run_scoped3A_39 = arith.constant 0 : i32
    "tpu.region"() ({
      %run_scoped3A_564 = tpu.sem_alloc : memref<!tpu.dma_semaphore, #tpu.memory_space<semaphore_mem>>
      %dma_start3A_565 = arith.constant 0 : i32
      %dma_start3A_566 = arith.constant 0 : i32
      %dma_start3A_567 = tpu.memref_slice %arg7[%run_scoped3A_39, %dma_start3A_565, %dma_start3A_566] : memref<8x128x64xf32, #tpu.memory_space<vmem>> -> memref<1x128x64xf32, #tpu.memory_space<vmem>>
      %dma_start3A_568 = tpu.memref_squeeze %dma_start3A_567 : memref<1x128x64xf32, #tpu.memory_space<vmem>> -> memref<128x64xf32, #tpu.memory_space<vmem>>
      %dma_start3A_569 = arith.constant 0 : i32
      %dma_start3A_570 = tpu.memref_slice %arg8[%add3A_38, %dma_start3A_569] : memref<10112x64xf32, #tpu.memory_space<vmem_shared>> -> memref<128x64xf32, #tpu.memory_space<vmem_shared>>
      %dma_start3A_571 = arith.constant 0 : i32
      %dma_start3A_572 = tpu.memref_slice %arg8[%add3A_38, %dma_start3A_571] : memref<10112x64xf32, #tpu.memory_space<vmem_shared>> -> memref<128x64xf32, #tpu.memory_space<vmem_shared>>
      %dma_start3A_573 = arith.constant 0 : i32
      %dma_start3A_574 = arith.constant 0 : i32
      %dma_start3A_575 = tpu.memref_slice %arg7[%run_scoped3A_39, %dma_start3A_573, %dma_start3A_574] : memref<8x128x64xf32, #tpu.memory_space<vmem>> -> memref<1x128x64xf32, #tpu.memory_space<vmem>>
      %dma_start3A_576 = tpu.memref_squeeze %dma_start3A_575 : memref<1x128x64xf32, #tpu.memory_space<vmem>> -> memref<128x64xf32, #tpu.memory_space<vmem>>
      tpu.enqueue_dma source(%dma_start3A_576 : memref<128x64xf32, #tpu.memory_space<vmem>>) target(%dma_start3A_572 : memref<128x64xf32, #tpu.memory_space<vmem_shared>>) target_semaphore(%run_scoped3A_564 : memref<!tpu.dma_semaphore, #tpu.memory_space<semaphore_mem>>)
      %dma_wait3A_577 = arith.constant 0 : i32
      %dma_wait3A_578 = arith.constant 0 : i32
      %dma_wait3A_579 = tpu.memref_slice %arg7[%run_scoped3A_39, %dma_wait3A_577, %dma_wait3A_578] : memref<8x128x64xf32, #tpu.memory_space<vmem>> -> memref<1x128x64xf32, #tpu.memory_space<vmem>>
      %dma_wait3A_580 = tpu.memref_squeeze %dma_wait3A_579 : memref<1x128x64xf32, #tpu.memory_space<vmem>> -> memref<128x64xf32, #tpu.memory_space<vmem>>
      %dma_wait3A_581 = arith.constant 0 : i32
      %dma_wait3A_582 = tpu.memref_slice %arg8[%add3A_38, %dma_wait3A_581] : memref<10112x64xf32, #tpu.memory_space<vmem_shared>> -> memref<128x64xf32, #tpu.memory_space<vmem_shared>>
      %dma_wait3A_583 = arith.constant 0 : i32
      %dma_wait3A_584 = tpu.memref_slice %arg8[%add3A_38, %dma_wait3A_583] : memref<10112x64xf32, #tpu.memory_space<vmem_shared>> -> memref<128x64xf32, #tpu.memory_space<vmem_shared>>
      %dma_wait3A_585 = arith.constant 0 : i32
      %dma_wait3A_586 = arith.constant 0 : i32
      %dma_wait3A_587 = tpu.memref_slice %arg7[%run_scoped3A_39, %dma_wait3A_585, %dma_wait3A_586] : memref<8x128x64xf32, #tpu.memory_space<vmem>> -> memref<1x128x64xf32, #tpu.memory_space<vmem>>
      %dma_wait3A_588 = tpu.memref_squeeze %dma_wait3A_587 : memref<1x128x64xf32, #tpu.memory_space<vmem>> -> memref<128x64xf32, #tpu.memory_space<vmem>>
      tpu.wait_dma2 semaphore(%run_scoped3A_564 : memref<!tpu.dma_semaphore, #tpu.memory_space<semaphore_mem>>) src(%dma_wait3A_588 : memref<128x64xf32, #tpu.memory_space<vmem>>) dst(%dma_wait3A_584 : memref<128x64xf32, #tpu.memory_space<vmem_shared>>)
      tpu.yield
    }) : () -> ()
    %mul3A_40 = arith.constant 632 : i32
    %mul3A_41 = arith.muli %arg1, %mul3A_40 : i32
    %add3A_42 = arith.constant 256 : i32
    %add3A_43 = arith.addi %mul3A_41, %add3A_42 : i32
    %run_scoped3A_44 = arith.constant 0 : i32
    "tpu.region"() ({
      %run_scoped3A_564 = tpu.sem_alloc : memref<!tpu.dma_semaphore, #tpu.memory_space<semaphore_mem>>
      %dma_start3A_565 = arith.constant 0 : i32
      %dma_start3A_566 = arith.constant 0 : i32
      %dma_start3A_567 = tpu.memref_slice %arg7[%run_scoped3A_44, %dma_start3A_565, %dma_start3A_566] : memref<8x128x64xf32, #tpu.memory_space<vmem>> -> memref<1x128x64xf32, #tpu.memory_space<vmem>>
      %dma_start3A_568 = tpu.memref_squeeze %dma_start3A_567 : memref<1x128x64xf32, #tpu.memory_space<vmem>> -> memref<128x64xf32, #tpu.memory_space<vmem>>
      %dma_start3A_569 = arith.constant 0 : i32
      %dma_start3A_570 = tpu.memref_slice %arg8[%add3A_43, %dma_start3A_569] : memref<10112x64xf32, #tpu.memory_space<vmem_shared>> -> memref<128x64xf32, #tpu.memory_space<vmem_shared>>
      %dma_start3A_571 = arith.constant 0 : i32
      %dma_start3A_572 = tpu.memref_slice %arg8[%add3A_43, %dma_start3A_571] : memref<10112x64xf32, #tpu.memory_space<vmem_shared>> -> memref<128x64xf32, #tpu.memory_space<vmem_shared>>
      %dma_start3A_573 = arith.constant 0 : i32
      %dma_start3A_574 = arith.constant 0 : i32
      %dma_start3A_575 = tpu.memref_slice %arg7[%run_scoped3A_44, %dma_start3A_573, %dma_start3A_574] : memref<8x128x64xf32, #tpu.memory_space<vmem>> -> memref<1x128x64xf32, #tpu.memory_space<vmem>>
      %dma_start3A_576 = tpu.memref_squeeze %dma_start3A_575 : memref<1x128x64xf32, #tpu.memory_space<vmem>> -> memref<128x64xf32, #tpu.memory_space<vmem>>
      tpu.enqueue_dma source(%dma_start3A_576 : memref<128x64xf32, #tpu.memory_space<vmem>>) target(%dma_start3A_572 : memref<128x64xf32, #tpu.memory_space<vmem_shared>>) target_semaphore(%run_scoped3A_564 : memref<!tpu.dma_semaphore, #tpu.memory_space<semaphore_mem>>)
      %dma_wait3A_577 = arith.constant 0 : i32
      %dma_wait3A_578 = arith.constant 0 : i32
      %dma_wait3A_579 = tpu.memref_slice %arg7[%run_scoped3A_44, %dma_wait3A_577, %dma_wait3A_578] : memref<8x128x64xf32, #tpu.memory_space<vmem>> -> memref<1x128x64xf32, #tpu.memory_space<vmem>>
      %dma_wait3A_580 = tpu.memref_squeeze %dma_wait3A_579 : memref<1x128x64xf32, #tpu.memory_space<vmem>> -> memref<128x64xf32, #tpu.memory_space<vmem>>
      %dma_wait3A_581 = arith.constant 0 : i32
      %dma_wait3A_582 = tpu.memref_slice %arg8[%add3A_43, %dma_wait3A_581] : memref<10112x64xf32, #tpu.memory_space<vmem_shared>> -> memref<128x64xf32, #tpu.memory_space<vmem_shared>>
      %dma_wait3A_583 = arith.constant 0 : i32
      %dma_wait3A_584 = tpu.memref_slice %arg8[%add3A_43, %dma_wait3A_583] : memref<10112x64xf32, #tpu.memory_space<vmem_shared>> -> memref<128x64xf32, #tpu.memory_space<vmem_shared>>
      %dma_wait3A_585 = arith.constant 0 : i32
      %dma_wait3A_586 = arith.constant 0 : i32
      %dma_wait3A_587 = tpu.memref_slice %arg7[%run_scoped3A_44, %dma_wait3A_585, %dma_wait3A_586] : memref<8x128x64xf32, #tpu.memory_space<vmem>> -> memref<1x128x64xf32, #tpu.memory_space<vmem>>
      %dma_wait3A_588 = tpu.memref_squeeze %dma_wait3A_587 : memref<1x128x64xf32, #tpu.memory_space<vmem>> -> memref<128x64xf32, #tpu.memory_space<vmem>>
      tpu.wait_dma2 semaphore(%run_scoped3A_564 : memref<!tpu.dma_semaphore, #tpu.memory_space<semaphore_mem>>) src(%dma_wait3A_588 : memref<128x64xf32, #tpu.memory_space<vmem>>) dst(%dma_wait3A_584 : memref<128x64xf32, #tpu.memory_space<vmem_shared>>)
      tpu.yield
    }) : () -> ()
    %mul3A_45 = arith.constant 632 : i32
    %mul3A_46 = arith.muli %arg1, %mul3A_45 : i32
    %add3A_47 = arith.constant 384 : i32
    %add3A_48 = arith.addi %mul3A_46, %add3A_47 : i32
    %run_scoped3A_49 = arith.constant 0 : i32
    "tpu.region"() ({
      %run_scoped3A_564 = tpu.sem_alloc : memref<!tpu.dma_semaphore, #tpu.memory_space<semaphore_mem>>
      %dma_start3A_565 = arith.constant 0 : i32
      %dma_start3A_566 = arith.constant 0 : i32
      %dma_start3A_567 = tpu.memref_slice %arg7[%run_scoped3A_49, %dma_start3A_565, %dma_start3A_566] : memref<8x128x64xf32, #tpu.memory_space<vmem>> -> memref<1x128x64xf32, #tpu.memory_space<vmem>>
      %dma_start3A_568 = tpu.memref_squeeze %dma_start3A_567 : memref<1x128x64xf32, #tpu.memory_space<vmem>> -> memref<128x64xf32, #tpu.memory_space<vmem>>
      %dma_start3A_569 = arith.constant 0 : i32
      %dma_start3A_570 = tpu.memref_slice %arg8[%add3A_48, %dma_start3A_569] : memref<10112x64xf32, #tpu.memory_space<vmem_shared>> -> memref<128x64xf32, #tpu.memory_space<vmem_shared>>
      %dma_start3A_571 = arith.constant 0 : i32
      %dma_start3A_572 = tpu.memref_slice %arg8[%add3A_48, %dma_start3A_571] : memref<10112x64xf32, #tpu.memory_space<vmem_shared>> -> memref<128x64xf32, #tpu.memory_space<vmem_shared>>
      %dma_start3A_573 = arith.constant 0 : i32
      %dma_start3A_574 = arith.constant 0 : i32
      %dma_start3A_575 = tpu.memref_slice %arg7[%run_scoped3A_49, %dma_start3A_573, %dma_start3A_574] : memref<8x128x64xf32, #tpu.memory_space<vmem>> -> memref<1x128x64xf32, #tpu.memory_space<vmem>>
      %dma_start3A_576 = tpu.memref_squeeze %dma_start3A_575 : memref<1x128x64xf32, #tpu.memory_space<vmem>> -> memref<128x64xf32, #tpu.memory_space<vmem>>
      tpu.enqueue_dma source(%dma_start3A_576 : memref<128x64xf32, #tpu.memory_space<vmem>>) target(%dma_start3A_572 : memref<128x64xf32, #tpu.memory_space<vmem_shared>>) target_semaphore(%run_scoped3A_564 : memref<!tpu.dma_semaphore, #tpu.memory_space<semaphore_mem>>)
      %dma_wait3A_577 = arith.constant 0 : i32
      %dma_wait3A_578 = arith.constant 0 : i32
      %dma_wait3A_579 = tpu.memref_slice %arg7[%run_scoped3A_49, %dma_wait3A_577, %dma_wait3A_578] : memref<8x128x64xf32, #tpu.memory_space<vmem>> -> memref<1x128x64xf32, #tpu.memory_space<vmem>>
      %dma_wait3A_580 = tpu.memref_squeeze %dma_wait3A_579 : memref<1x128x64xf32, #tpu.memory_space<vmem>> -> memref<128x64xf32, #tpu.memory_space<vmem>>
      %dma_wait3A_581 = arith.constant 0 : i32
      %dma_wait3A_582 = tpu.memref_slice %arg8[%add3A_48, %dma_wait3A_581] : memref<10112x64xf32, #tpu.memory_space<vmem_shared>> -> memref<128x64xf32, #tpu.memory_space<vmem_shared>>
      %dma_wait3A_583 = arith.constant 0 : i32
      %dma_wait3A_584 = tpu.memref_slice %arg8[%add3A_48, %dma_wait3A_583] : memref<10112x64xf32, #tpu.memory_space<vmem_shared>> -> memref<128x64xf32, #tpu.memory_space<vmem_shared>>
      %dma_wait3A_585 = arith.constant 0 : i32
      %dma_wait3A_586 = arith.constant 0 : i32
      %dma_wait3A_587 = tpu.memref_slice %arg7[%run_scoped3A_49, %dma_wait3A_585, %dma_wait3A_586] : memref<8x128x64xf32, #tpu.memory_space<vmem>> -> memref<1x128x64xf32, #tpu.memory_space<vmem>>
      %dma_wait3A_588 = tpu.memref_squeeze %dma_wait3A_587 : memref<1x128x64xf32, #tpu.memory_space<vmem>> -> memref<128x64xf32, #tpu.memory_space<vmem>>
      tpu.wait_dma2 semaphore(%run_scoped3A_564 : memref<!tpu.dma_semaphore, #tpu.memory_space<semaphore_mem>>) src(%dma_wait3A_588 : memref<128x64xf32, #tpu.memory_space<vmem>>) dst(%dma_wait3A_584 : memref<128x64xf32, #tpu.memory_space<vmem_shared>>)
      tpu.yield
    }) : () -> ()
    %mul3A_50 = arith.constant 632 : i32
    %mul3A_51 = arith.muli %arg1, %mul3A_50 : i32
    %add3A_52 = arith.constant 512 : i32
    %add3A_53 = arith.addi %mul3A_51, %add3A_52 : i32
    %run_scoped3A_54 = arith.constant 0 : i32
    "tpu.region"() ({
      %run_scoped3A_564 = tpu.sem_alloc : memref<!tpu.dma_semaphore, #tpu.memory_space<semaphore_mem>>
      %dma_start3A_565 = arith.constant 0 : i32
      %dma_start3A_566 = arith.constant 0 : i32
      %dma_start3A_567 = tpu.memref_slice %arg7[%run_scoped3A_54, %dma_start3A_565, %dma_start3A_566] : memref<8x128x64xf32, #tpu.memory_space<vmem>> -> memref<1x128x64xf32, #tpu.memory_space<vmem>>
      %dma_start3A_568 = tpu.memref_squeeze %dma_start3A_567 : memref<1x128x64xf32, #tpu.memory_space<vmem>> -> memref<128x64xf32, #tpu.memory_space<vmem>>
      %dma_start3A_569 = arith.constant 0 : i32
      %dma_start3A_570 = arith.constant 0 : i32
      %dma_start3A_571 = tpu.memref_slice %dma_start3A_568[%dma_start3A_569, %dma_start3A_570] : memref<128x64xf32, #tpu.memory_space<vmem>> -> memref<120x64xf32, #tpu.memory_space<vmem>>
      %dma_start3A_572 = arith.constant 0 : i32
      %dma_start3A_573 = tpu.memref_slice %arg8[%add3A_53, %dma_start3A_572] : memref<10112x64xf32, #tpu.memory_space<vmem_shared>> -> memref<120x64xf32, #tpu.memory_space<vmem_shared>>
      %dma_start3A_574 = arith.constant 0 : i32
      %dma_start3A_575 = tpu.memref_slice %arg8[%add3A_53, %dma_start3A_574] : memref<10112x64xf32, #tpu.memory_space<vmem_shared>> -> memref<120x64xf32, #tpu.memory_space<vmem_shared>>
      %dma_start3A_576 = arith.constant 0 : i32
      %dma_start3A_577 = arith.constant 0 : i32
      %dma_start3A_578 = tpu.memref_slice %arg7[%run_scoped3A_54, %dma_start3A_576, %dma_start3A_577] : memref<8x128x64xf32, #tpu.memory_space<vmem>> -> memref<1x128x64xf32, #tpu.memory_space<vmem>>
      %dma_start3A_579 = tpu.memref_squeeze %dma_start3A_578 : memref<1x128x64xf32, #tpu.memory_space<vmem>> -> memref<128x64xf32, #tpu.memory_space<vmem>>
      %dma_start3A_580 = arith.constant 0 : i32
      %dma_start3A_581 = arith.constant 0 : i32
      %dma_start3A_582 = tpu.memref_slice %dma_start3A_579[%dma_start3A_580, %dma_start3A_581] : memref<128x64xf32, #tpu.memory_space<vmem>> -> memref<120x64xf32, #tpu.memory_space<vmem>>
      tpu.enqueue_dma source(%dma_start3A_582 : memref<120x64xf32, #tpu.memory_space<vmem>>) target(%dma_start3A_575 : memref<120x64xf32, #tpu.memory_space<vmem_shared>>) target_semaphore(%run_scoped3A_564 : memref<!tpu.dma_semaphore, #tpu.memory_space<semaphore_mem>>)
      %dma_wait3A_583 = arith.constant 0 : i32
      %dma_wait3A_584 = arith.constant 0 : i32
      %dma_wait3A_585 = tpu.memref_slice %arg7[%run_scoped3A_54, %dma_wait3A_583, %dma_wait3A_584] : memref<8x128x64xf32, #tpu.memory_space<vmem>> -> memref<1x128x64xf32, #tpu.memory_space<vmem>>
      %dma_wait3A_586 = tpu.memref_squeeze %dma_wait3A_585 : memref<1x128x64xf32, #tpu.memory_space<vmem>> -> memref<128x64xf32, #tpu.memory_space<vmem>>
      %dma_wait3A_587 = arith.constant 0 : i32
      %dma_wait3A_588 = arith.constant 0 : i32
      %dma_wait3A_589 = tpu.memref_slice %dma_wait3A_586[%dma_wait3A_587, %dma_wait3A_588] : memref<128x64xf32, #tpu.memory_space<vmem>> -> memref<120x64xf32, #tpu.memory_space<vmem>>
      %dma_wait3A_590 = arith.constant 0 : i32
      %dma_wait3A_591 = tpu.memref_slice %arg8[%add3A_53, %dma_wait3A_590] : memref<10112x64xf32, #tpu.memory_space<vmem_shared>> -> memref<120x64xf32, #tpu.memory_space<vmem_shared>>
      %dma_wait3A_592 = arith.constant 0 : i32
      %dma_wait3A_593 = tpu.memref_slice %arg8[%add3A_53, %dma_wait3A_592] : memref<10112x64xf32, #tpu.memory_space<vmem_shared>> -> memref<120x64xf32, #tpu.memory_space<vmem_shared>>
      %dma_wait3A_594 = arith.constant 0 : i32
      %dma_wait3A_595 = arith.constant 0 : i32
      %dma_wait3A_596 = tpu.memref_slice %arg7[%run_scoped3A_54, %dma_wait3A_594, %dma_wait3A_595] : memref<8x128x64xf32, #tpu.memory_space<vmem>> -> memref<1x128x64xf32, #tpu.memory_space<vmem>>
      %dma_wait3A_597 = tpu.memref_squeeze %dma_wait3A_596 : memref<1x128x64xf32, #tpu.memory_space<vmem>> -> memref<128x64xf32, #tpu.memory_space<vmem>>
      %dma_wait3A_598 = arith.constant 0 : i32
      %dma_wait3A_599 = arith.constant 0 : i32
      %dma_wait3A_600 = tpu.memref_slice %dma_wait3A_597[%dma_wait3A_598, %dma_wait3A_599] : memref<128x64xf32, #tpu.memory_space<vmem>> -> memref<120x64xf32, #tpu.memory_space<vmem>>
      tpu.wait_dma2 semaphore(%run_scoped3A_564 : memref<!tpu.dma_semaphore, #tpu.memory_space<semaphore_mem>>) src(%dma_wait3A_600 : memref<120x64xf32, #tpu.memory_space<vmem>>) dst(%dma_wait3A_593 : memref<120x64xf32, #tpu.memory_space<vmem_shared>>)
      tpu.yield
    }) : () -> ()
    %dma_wait3A = arith.constant 0 : i32
    %dma_wait3A_55 = arith.constant 0 : i32
    %dma_wait3A_56 = arith.constant 0 : i32
    %dma_wait3A_57 = arith.constant 0 : i32
    %dma_wait3A_58 = tpu.memref_slice %arg3[%dma_wait3A, %add3A, %dma_wait3A_56, %dma_wait3A_57] : memref<2x32x80x128xi32, #tpu.memory_space<hbm>> -> memref<1x1x80x128xi32, #tpu.memory_space<hbm>>
    %dma_wait3A_59 = tpu.memref_squeeze %dma_wait3A_58 : memref<1x1x80x128xi32, #tpu.memory_space<hbm>> -> memref<80x128xi32, #tpu.memory_space<hbm>>
    %dma_wait3A_60 = tpu.memref_slice %arg9[%dma_wait3A_55] : memref<8x!tpu.dma_semaphore, #tpu.memory_space<semaphore_mem>> -> memref<1x!tpu.dma_semaphore, #tpu.memory_space<semaphore_mem>>
    %dma_wait3A_61 = tpu.memref_squeeze %dma_wait3A_60 : memref<1x!tpu.dma_semaphore, #tpu.memory_space<semaphore_mem>> -> memref<!tpu.dma_semaphore, #tpu.memory_space<semaphore_mem>>
    %dma_wait3A_62 = arith.constant 0 : i32
    %dma_wait3A_63 = arith.constant 0 : i32
    %dma_wait3A_64 = tpu.memref_slice %arg3[%dma_wait3A, %add3A, %dma_wait3A_62, %dma_wait3A_63] : memref<2x32x80x128xi32, #tpu.memory_space<hbm>> -> memref<1x1x80x128xi32, #tpu.memory_space<hbm>>
    %dma_wait3A_65 = tpu.memref_squeeze %dma_wait3A_64 : memref<1x1x80x128xi32, #tpu.memory_space<hbm>> -> memref<80x128xi32, #tpu.memory_space<hbm>>
    tpu.wait_dma2 semaphore(%dma_wait3A_61 : memref<!tpu.dma_semaphore, #tpu.memory_space<semaphore_mem>>) src(%dma_wait3A_65 : memref<80x128xi32, #tpu.memory_space<hbm>>) dst(%arg5 : memref<80x128xi32, #tpu.memory_space<vmem>>)
    %dma_wait3A_66 = arith.constant 1 : i32
    %dma_wait3A_67 = arith.constant 1 : i32
    %dma_wait3A_68 = arith.constant 0 : i32
    %dma_wait3A_69 = arith.constant 0 : i32
    %dma_wait3A_70 = tpu.memref_slice %arg3[%dma_wait3A_66, %add3A, %dma_wait3A_68, %dma_wait3A_69] : memref<2x32x80x128xi32, #tpu.memory_space<hbm>> -> memref<1x1x80x128xi32, #tpu.memory_space<hbm>>
    %dma_wait3A_71 = tpu.memref_squeeze %dma_wait3A_70 : memref<1x1x80x128xi32, #tpu.memory_space<hbm>> -> memref<80x128xi32, #tpu.memory_space<hbm>>
    %dma_wait3A_72 = tpu.memref_slice %arg9[%dma_wait3A_67] : memref<8x!tpu.dma_semaphore, #tpu.memory_space<semaphore_mem>> -> memref<1x!tpu.dma_semaphore, #tpu.memory_space<semaphore_mem>>
    %dma_wait3A_73 = tpu.memref_squeeze %dma_wait3A_72 : memref<1x!tpu.dma_semaphore, #tpu.memory_space<semaphore_mem>> -> memref<!tpu.dma_semaphore, #tpu.memory_space<semaphore_mem>>
    %dma_wait3A_74 = arith.constant 0 : i32
    %dma_wait3A_75 = arith.constant 0 : i32
    %dma_wait3A_76 = tpu.memref_slice %arg3[%dma_wait3A_66, %add3A, %dma_wait3A_74, %dma_wait3A_75] : memref<2x32x80x128xi32, #tpu.memory_space<hbm>> -> memref<1x1x80x128xi32, #tpu.memory_space<hbm>>
    %dma_wait3A_77 = tpu.memref_squeeze %dma_wait3A_76 : memref<1x1x80x128xi32, #tpu.memory_space<hbm>> -> memref<80x128xi32, #tpu.memory_space<hbm>>
    tpu.wait_dma2 semaphore(%dma_wait3A_73 : memref<!tpu.dma_semaphore, #tpu.memory_space<semaphore_mem>>) src(%dma_wait3A_77 : memref<80x128xi32, #tpu.memory_space<hbm>>) dst(%arg6 : memref<80x128xi32, #tpu.memory_space<vmem>>)
    %barrier3A = arith.constant 0 : index
    tpu.barrier barrier_id(%barrier3A)
    %dma_start3A_78 = arith.constant 0 : i32
    %dma_start3A_79 = arith.constant 0 : i32
    %dma_start3A_80 = arith.constant 0 : i32
    %dma_start3A_81 = arith.constant 0 : i32
    %dma_start3A_82 = arith.constant 0 : i32
    %dma_start3A_83 = tpu.memref_slice %arg7[%dma_start3A_79, %dma_start3A_81, %dma_start3A_82] : memref<8x128x64xf32, #tpu.memory_space<vmem>> -> memref<1x128x64xf32, #tpu.memory_space<vmem>>
    %dma_start3A_84 = tpu.memref_squeeze %dma_start3A_83 : memref<1x128x64xf32, #tpu.memory_space<vmem>> -> memref<128x64xf32, #tpu.memory_space<vmem>>
    %dma_start3A_85 = arith.constant 0 : i32
    %dma_start3A_86 = tpu.memref_slice %arg5[%dma_start3A_78, %dma_start3A_85] : memref<80x128xi32, #tpu.memory_space<vmem>> -> memref<1x128xi32, #tpu.memory_space<vmem>>
    %dma_start3A_87 = tpu.memref_squeeze %dma_start3A_86 : memref<1x128xi32, #tpu.memory_space<vmem>> -> memref<128xi32, #tpu.memory_space<vmem>>
    %dma_start3A_88 = arith.constant 0 : i32
    %dma_start3A_89 = arith.constant 0 : i32
    %dma_start3A_90 = tpu.memref_slice %arg2[%dma_start3A_88, %dma_start3A_89] : memref<10112x64xf32, #tpu.memory_space<hbm>> -> memref<10112x64xf32, #tpu.memory_space<hbm>>
    %dma_start3A_91 = tpu.memref_slice %arg9[%dma_start3A_80] : memref<8x!tpu.dma_semaphore, #tpu.memory_space<semaphore_mem>> -> memref<1x!tpu.dma_semaphore, #tpu.memory_space<semaphore_mem>>
    %dma_start3A_92 = tpu.memref_squeeze %dma_start3A_91 : memref<1x!tpu.dma_semaphore, #tpu.memory_space<semaphore_mem>> -> memref<!tpu.dma_semaphore, #tpu.memory_space<semaphore_mem>>
    tpu.enqueue_indirect_dma source(%dma_start3A_90 : memref<10112x64xf32, #tpu.memory_space<hbm>>) target(%dma_start3A_84 : memref<128x64xf32, #tpu.memory_space<vmem>>) offsets(%dma_start3A_87 : memref<128xi32, #tpu.memory_space<vmem>>) semaphore(%dma_start3A_92 : memref<!tpu.dma_semaphore, #tpu.memory_space<semaphore_mem>>)
    %dma_start3A_93 = arith.constant 1 : i32
    %dma_start3A_94 = arith.constant 1 : i32
    %dma_start3A_95 = arith.constant 1 : i32
    %dma_start3A_96 = arith.constant 0 : i32
    %dma_start3A_97 = arith.constant 0 : i32
    %dma_start3A_98 = tpu.memref_slice %arg7[%dma_start3A_94, %dma_start3A_96, %dma_start3A_97] : memref<8x128x64xf32, #tpu.memory_space<vmem>> -> memref<1x128x64xf32, #tpu.memory_space<vmem>>
    %dma_start3A_99 = tpu.memref_squeeze %dma_start3A_98 : memref<1x128x64xf32, #tpu.memory_space<vmem>> -> memref<128x64xf32, #tpu.memory_space<vmem>>
    %dma_start3A_100 = arith.constant 0 : i32
    %dma_start3A_101 = tpu.memref_slice %arg5[%dma_start3A_93, %dma_start3A_100] : memref<80x128xi32, #tpu.memory_space<vmem>> -> memref<1x128xi32, #tpu.memory_space<vmem>>
    %dma_start3A_102 = tpu.memref_squeeze %dma_start3A_101 : memref<1x128xi32, #tpu.memory_space<vmem>> -> memref<128xi32, #tpu.memory_space<vmem>>
    %dma_start3A_103 = arith.constant 0 : i32
    %dma_start3A_104 = arith.constant 0 : i32
    %dma_start3A_105 = tpu.memref_slice %arg2[%dma_start3A_103, %dma_start3A_104] : memref<10112x64xf32, #tpu.memory_space<hbm>> -> memref<10112x64xf32, #tpu.memory_space<hbm>>
    %dma_start3A_106 = tpu.memref_slice %arg9[%dma_start3A_95] : memref<8x!tpu.dma_semaphore, #tpu.memory_space<semaphore_mem>> -> memref<1x!tpu.dma_semaphore, #tpu.memory_space<semaphore_mem>>
    %dma_start3A_107 = tpu.memref_squeeze %dma_start3A_106 : memref<1x!tpu.dma_semaphore, #tpu.memory_space<semaphore_mem>> -> memref<!tpu.dma_semaphore, #tpu.memory_space<semaphore_mem>>
    tpu.enqueue_indirect_dma source(%dma_start3A_105 : memref<10112x64xf32, #tpu.memory_space<hbm>>) target(%dma_start3A_99 : memref<128x64xf32, #tpu.memory_space<vmem>>) offsets(%dma_start3A_102 : memref<128xi32, #tpu.memory_space<vmem>>) semaphore(%dma_start3A_107 : memref<!tpu.dma_semaphore, #tpu.memory_space<semaphore_mem>>)
    %dma_start3A_108 = arith.constant 2 : i32
    %dma_start3A_109 = arith.constant 2 : i32
    %dma_start3A_110 = arith.constant 2 : i32
    %dma_start3A_111 = arith.constant 0 : i32
    %dma_start3A_112 = arith.constant 0 : i32
    %dma_start3A_113 = tpu.memref_slice %arg7[%dma_start3A_109, %dma_start3A_111, %dma_start3A_112] : memref<8x128x64xf32, #tpu.memory_space<vmem>> -> memref<1x128x64xf32, #tpu.memory_space<vmem>>
    %dma_start3A_114 = tpu.memref_squeeze %dma_start3A_113 : memref<1x128x64xf32, #tpu.memory_space<vmem>> -> memref<128x64xf32, #tpu.memory_space<vmem>>
    %dma_start3A_115 = arith.constant 0 : i32
    %dma_start3A_116 = tpu.memref_slice %arg5[%dma_start3A_108, %dma_start3A_115] : memref<80x128xi32, #tpu.memory_space<vmem>> -> memref<1x128xi32, #tpu.memory_space<vmem>>
    %dma_start3A_117 = tpu.memref_squeeze %dma_start3A_116 : memref<1x128xi32, #tpu.memory_space<vmem>> -> memref<128xi32, #tpu.memory_space<vmem>>
    %dma_start3A_118 = arith.constant 0 : i32
    %dma_start3A_119 = arith.constant 0 : i32
    %dma_start3A_120 = tpu.memref_slice %arg2[%dma_start3A_118, %dma_start3A_119] : memref<10112x64xf32, #tpu.memory_space<hbm>> -> memref<10112x64xf32, #tpu.memory_space<hbm>>
    %dma_start3A_121 = tpu.memref_slice %arg9[%dma_start3A_110] : memref<8x!tpu.dma_semaphore, #tpu.memory_space<semaphore_mem>> -> memref<1x!tpu.dma_semaphore, #tpu.memory_space<semaphore_mem>>
    %dma_start3A_122 = tpu.memref_squeeze %dma_start3A_121 : memref<1x!tpu.dma_semaphore, #tpu.memory_space<semaphore_mem>> -> memref<!tpu.dma_semaphore, #tpu.memory_space<semaphore_mem>>
    tpu.enqueue_indirect_dma source(%dma_start3A_120 : memref<10112x64xf32, #tpu.memory_space<hbm>>) target(%dma_start3A_114 : memref<128x64xf32, #tpu.memory_space<vmem>>) offsets(%dma_start3A_117 : memref<128xi32, #tpu.memory_space<vmem>>) semaphore(%dma_start3A_122 : memref<!tpu.dma_semaphore, #tpu.memory_space<semaphore_mem>>)
    %dma_start3A_123 = arith.constant 3 : i32
    %dma_start3A_124 = arith.constant 3 : i32
    %dma_start3A_125 = arith.constant 3 : i32
    %dma_start3A_126 = arith.constant 0 : i32
    %dma_start3A_127 = arith.constant 0 : i32
    %dma_start3A_128 = tpu.memref_slice %arg7[%dma_start3A_124, %dma_start3A_126, %dma_start3A_127] : memref<8x128x64xf32, #tpu.memory_space<vmem>> -> memref<1x128x64xf32, #tpu.memory_space<vmem>>
    %dma_start3A_129 = tpu.memref_squeeze %dma_start3A_128 : memref<1x128x64xf32, #tpu.memory_space<vmem>> -> memref<128x64xf32, #tpu.memory_space<vmem>>
    %dma_start3A_130 = arith.constant 0 : i32
    %dma_start3A_131 = tpu.memref_slice %arg5[%dma_start3A_123, %dma_start3A_130] : memref<80x128xi32, #tpu.memory_space<vmem>> -> memref<1x128xi32, #tpu.memory_space<vmem>>
    %dma_start3A_132 = tpu.memref_squeeze %dma_start3A_131 : memref<1x128xi32, #tpu.memory_space<vmem>> -> memref<128xi32, #tpu.memory_space<vmem>>
    %dma_start3A_133 = arith.constant 0 : i32
    %dma_start3A_134 = arith.constant 0 : i32
    %dma_start3A_135 = tpu.memref_slice %arg2[%dma_start3A_133, %dma_start3A_134] : memref<10112x64xf32, #tpu.memory_space<hbm>> -> memref<10112x64xf32, #tpu.memory_space<hbm>>
    %dma_start3A_136 = tpu.memref_slice %arg9[%dma_start3A_125] : memref<8x!tpu.dma_semaphore, #tpu.memory_space<semaphore_mem>> -> memref<1x!tpu.dma_semaphore, #tpu.memory_space<semaphore_mem>>
    %dma_start3A_137 = tpu.memref_squeeze %dma_start3A_136 : memref<1x!tpu.dma_semaphore, #tpu.memory_space<semaphore_mem>> -> memref<!tpu.dma_semaphore, #tpu.memory_space<semaphore_mem>>
    tpu.enqueue_indirect_dma source(%dma_start3A_135 : memref<10112x64xf32, #tpu.memory_space<hbm>>) target(%dma_start3A_129 : memref<128x64xf32, #tpu.memory_space<vmem>>) offsets(%dma_start3A_132 : memref<128xi32, #tpu.memory_space<vmem>>) semaphore(%dma_start3A_137 : memref<!tpu.dma_semaphore, #tpu.memory_space<semaphore_mem>>)
    %dma_start3A_138 = arith.constant 4 : i32
    %dma_start3A_139 = arith.constant 4 : i32
    %dma_start3A_140 = arith.constant 4 : i32
    %dma_start3A_141 = arith.constant 0 : i32
    %dma_start3A_142 = arith.constant 0 : i32
    %dma_start3A_143 = tpu.memref_slice %arg7[%dma_start3A_139, %dma_start3A_141, %dma_start3A_142] : memref<8x128x64xf32, #tpu.memory_space<vmem>> -> memref<1x128x64xf32, #tpu.memory_space<vmem>>
    %dma_start3A_144 = tpu.memref_squeeze %dma_start3A_143 : memref<1x128x64xf32, #tpu.memory_space<vmem>> -> memref<128x64xf32, #tpu.memory_space<vmem>>
    %dma_start3A_145 = arith.constant 0 : i32
    %dma_start3A_146 = tpu.memref_slice %arg5[%dma_start3A_138, %dma_start3A_145] : memref<80x128xi32, #tpu.memory_space<vmem>> -> memref<1x128xi32, #tpu.memory_space<vmem>>
    %dma_start3A_147 = tpu.memref_squeeze %dma_start3A_146 : memref<1x128xi32, #tpu.memory_space<vmem>> -> memref<128xi32, #tpu.memory_space<vmem>>
    %dma_start3A_148 = arith.constant 0 : i32
    %dma_start3A_149 = arith.constant 0 : i32
    %dma_start3A_150 = tpu.memref_slice %arg2[%dma_start3A_148, %dma_start3A_149] : memref<10112x64xf32, #tpu.memory_space<hbm>> -> memref<10112x64xf32, #tpu.memory_space<hbm>>
    %dma_start3A_151 = tpu.memref_slice %arg9[%dma_start3A_140] : memref<8x!tpu.dma_semaphore, #tpu.memory_space<semaphore_mem>> -> memref<1x!tpu.dma_semaphore, #tpu.memory_space<semaphore_mem>>
    %dma_start3A_152 = tpu.memref_squeeze %dma_start3A_151 : memref<1x!tpu.dma_semaphore, #tpu.memory_space<semaphore_mem>> -> memref<!tpu.dma_semaphore, #tpu.memory_space<semaphore_mem>>
    tpu.enqueue_indirect_dma source(%dma_start3A_150 : memref<10112x64xf32, #tpu.memory_space<hbm>>) target(%dma_start3A_144 : memref<128x64xf32, #tpu.memory_space<vmem>>) offsets(%dma_start3A_147 : memref<128xi32, #tpu.memory_space<vmem>>) semaphore(%dma_start3A_152 : memref<!tpu.dma_semaphore, #tpu.memory_space<semaphore_mem>>)
    %dma_start3A_153 = arith.constant 5 : i32
    %dma_start3A_154 = arith.constant 5 : i32
    %dma_start3A_155 = arith.constant 5 : i32
    %dma_start3A_156 = arith.constant 0 : i32
    %dma_start3A_157 = arith.constant 0 : i32
    %dma_start3A_158 = tpu.memref_slice %arg7[%dma_start3A_154, %dma_start3A_156, %dma_start3A_157] : memref<8x128x64xf32, #tpu.memory_space<vmem>> -> memref<1x128x64xf32, #tpu.memory_space<vmem>>
    %dma_start3A_159 = tpu.memref_squeeze %dma_start3A_158 : memref<1x128x64xf32, #tpu.memory_space<vmem>> -> memref<128x64xf32, #tpu.memory_space<vmem>>
    %dma_start3A_160 = arith.constant 0 : i32
    %dma_start3A_161 = tpu.memref_slice %arg5[%dma_start3A_153, %dma_start3A_160] : memref<80x128xi32, #tpu.memory_space<vmem>> -> memref<1x128xi32, #tpu.memory_space<vmem>>
    %dma_start3A_162 = tpu.memref_squeeze %dma_start3A_161 : memref<1x128xi32, #tpu.memory_space<vmem>> -> memref<128xi32, #tpu.memory_space<vmem>>
    %dma_start3A_163 = arith.constant 0 : i32
    %dma_start3A_164 = arith.constant 0 : i32
    %dma_start3A_165 = tpu.memref_slice %arg2[%dma_start3A_163, %dma_start3A_164] : memref<10112x64xf32, #tpu.memory_space<hbm>> -> memref<10112x64xf32, #tpu.memory_space<hbm>>
    %dma_start3A_166 = tpu.memref_slice %arg9[%dma_start3A_155] : memref<8x!tpu.dma_semaphore, #tpu.memory_space<semaphore_mem>> -> memref<1x!tpu.dma_semaphore, #tpu.memory_space<semaphore_mem>>
    %dma_start3A_167 = tpu.memref_squeeze %dma_start3A_166 : memref<1x!tpu.dma_semaphore, #tpu.memory_space<semaphore_mem>> -> memref<!tpu.dma_semaphore, #tpu.memory_space<semaphore_mem>>
    tpu.enqueue_indirect_dma source(%dma_start3A_165 : memref<10112x64xf32, #tpu.memory_space<hbm>>) target(%dma_start3A_159 : memref<128x64xf32, #tpu.memory_space<vmem>>) offsets(%dma_start3A_162 : memref<128xi32, #tpu.memory_space<vmem>>) semaphore(%dma_start3A_167 : memref<!tpu.dma_semaphore, #tpu.memory_space<semaphore_mem>>)
    %dma_start3A_168 = arith.constant 6 : i32
    %dma_start3A_169 = arith.constant 6 : i32
    %dma_start3A_170 = arith.constant 6 : i32
    %dma_start3A_171 = arith.constant 0 : i32
    %dma_start3A_172 = arith.constant 0 : i32
    %dma_start3A_173 = tpu.memref_slice %arg7[%dma_start3A_169, %dma_start3A_171, %dma_start3A_172] : memref<8x128x64xf32, #tpu.memory_space<vmem>> -> memref<1x128x64xf32, #tpu.memory_space<vmem>>
    %dma_start3A_174 = tpu.memref_squeeze %dma_start3A_173 : memref<1x128x64xf32, #tpu.memory_space<vmem>> -> memref<128x64xf32, #tpu.memory_space<vmem>>
    %dma_start3A_175 = arith.constant 0 : i32
    %dma_start3A_176 = tpu.memref_slice %arg5[%dma_start3A_168, %dma_start3A_175] : memref<80x128xi32, #tpu.memory_space<vmem>> -> memref<1x128xi32, #tpu.memory_space<vmem>>
    %dma_start3A_177 = tpu.memref_squeeze %dma_start3A_176 : memref<1x128xi32, #tpu.memory_space<vmem>> -> memref<128xi32, #tpu.memory_space<vmem>>
    %dma_start3A_178 = arith.constant 0 : i32
    %dma_start3A_179 = arith.constant 0 : i32
    %dma_start3A_180 = tpu.memref_slice %arg2[%dma_start3A_178, %dma_start3A_179] : memref<10112x64xf32, #tpu.memory_space<hbm>> -> memref<10112x64xf32, #tpu.memory_space<hbm>>
    %dma_start3A_181 = tpu.memref_slice %arg9[%dma_start3A_170] : memref<8x!tpu.dma_semaphore, #tpu.memory_space<semaphore_mem>> -> memref<1x!tpu.dma_semaphore, #tpu.memory_space<semaphore_mem>>
    %dma_start3A_182 = tpu.memref_squeeze %dma_start3A_181 : memref<1x!tpu.dma_semaphore, #tpu.memory_space<semaphore_mem>> -> memref<!tpu.dma_semaphore, #tpu.memory_space<semaphore_mem>>
    tpu.enqueue_indirect_dma source(%dma_start3A_180 : memref<10112x64xf32, #tpu.memory_space<hbm>>) target(%dma_start3A_174 : memref<128x64xf32, #tpu.memory_space<vmem>>) offsets(%dma_start3A_177 : memref<128xi32, #tpu.memory_space<vmem>>) semaphore(%dma_start3A_182 : memref<!tpu.dma_semaphore, #tpu.memory_space<semaphore_mem>>)
    %dma_start3A_183 = arith.constant 7 : i32
    %dma_start3A_184 = arith.constant 7 : i32
    %dma_start3A_185 = arith.constant 7 : i32
    %dma_start3A_186 = arith.constant 0 : i32
    %dma_start3A_187 = arith.constant 0 : i32
    %dma_start3A_188 = tpu.memref_slice %arg7[%dma_start3A_184, %dma_start3A_186, %dma_start3A_187] : memref<8x128x64xf32, #tpu.memory_space<vmem>> -> memref<1x128x64xf32, #tpu.memory_space<vmem>>
    %dma_start3A_189 = tpu.memref_squeeze %dma_start3A_188 : memref<1x128x64xf32, #tpu.memory_space<vmem>> -> memref<128x64xf32, #tpu.memory_space<vmem>>
    %dma_start3A_190 = arith.constant 0 : i32
    %dma_start3A_191 = tpu.memref_slice %arg5[%dma_start3A_183, %dma_start3A_190] : memref<80x128xi32, #tpu.memory_space<vmem>> -> memref<1x128xi32, #tpu.memory_space<vmem>>
    %dma_start3A_192 = tpu.memref_squeeze %dma_start3A_191 : memref<1x128xi32, #tpu.memory_space<vmem>> -> memref<128xi32, #tpu.memory_space<vmem>>
    %dma_start3A_193 = arith.constant 0 : i32
    %dma_start3A_194 = arith.constant 0 : i32
    %dma_start3A_195 = tpu.memref_slice %arg2[%dma_start3A_193, %dma_start3A_194] : memref<10112x64xf32, #tpu.memory_space<hbm>> -> memref<10112x64xf32, #tpu.memory_space<hbm>>
    %dma_start3A_196 = tpu.memref_slice %arg9[%dma_start3A_185] : memref<8x!tpu.dma_semaphore, #tpu.memory_space<semaphore_mem>> -> memref<1x!tpu.dma_semaphore, #tpu.memory_space<semaphore_mem>>
    %dma_start3A_197 = tpu.memref_squeeze %dma_start3A_196 : memref<1x!tpu.dma_semaphore, #tpu.memory_space<semaphore_mem>> -> memref<!tpu.dma_semaphore, #tpu.memory_space<semaphore_mem>>
    tpu.enqueue_indirect_dma source(%dma_start3A_195 : memref<10112x64xf32, #tpu.memory_space<hbm>>) target(%dma_start3A_189 : memref<128x64xf32, #tpu.memory_space<vmem>>) offsets(%dma_start3A_192 : memref<128xi32, #tpu.memory_space<vmem>>) semaphore(%dma_start3A_197 : memref<!tpu.dma_semaphore, #tpu.memory_space<semaphore_mem>>)
    %scan3A_198 = arith.constant 0 : i32
    %scan3A_199 = arith.constant 9 : i32
    %scan3A_200 = arith.addi %scan3A_198, %scan3A_199 : i32
    %scan3A_201 = arith.constant 1 : i32
    scf.for %scan3A_564 = %scan3A_198 to %scan3A_200 step %scan3A_201  : i32 {
      %mul3A_565 = arith.constant 8 : i32
      %mul3A_566 = arith.muli %scan3A_564, %mul3A_565 : i32
      %add3A_567 = arith.constant 0 : i32
      %add3A_568 = arith.addi %add3A_567, %mul3A_566 : i32
      %add3A_569 = arith.constant 0 : i32
      %add3A_570 = arith.addi %add3A_568, %add3A_569 : i32
      %dma_wait3A_571 = arith.constant 0 : i32
      %dma_wait3A_572 = arith.constant 0 : i32
      %dma_wait3A_573 = arith.constant 0 : i32
      %dma_wait3A_574 = arith.constant 0 : i32
      %dma_wait3A_575 = tpu.memref_slice %arg7[%dma_wait3A_571, %dma_wait3A_573, %dma_wait3A_574] : memref<8x128x64xf32, #tpu.memory_space<vmem>> -> memref<1x128x64xf32, #tpu.memory_space<vmem>>
      %dma_wait3A_576 = tpu.memref_squeeze %dma_wait3A_575 : memref<1x128x64xf32, #tpu.memory_space<vmem>> -> memref<128x64xf32, #tpu.memory_space<vmem>>
      %dma_wait3A_577 = arith.constant 0 : i32
      %dma_wait3A_578 = tpu.memref_slice %arg5[%add3A_570, %dma_wait3A_577] : memref<80x128xi32, #tpu.memory_space<vmem>> -> memref<1x128xi32, #tpu.memory_space<vmem>>
      %dma_wait3A_579 = tpu.memref_squeeze %dma_wait3A_578 : memref<1x128xi32, #tpu.memory_space<vmem>> -> memref<128xi32, #tpu.memory_space<vmem>>
      %dma_wait3A_580 = arith.constant 0 : i32
      %dma_wait3A_581 = arith.constant 0 : i32
      %dma_wait3A_582 = tpu.memref_slice %arg2[%dma_wait3A_580, %dma_wait3A_581] : memref<10112x64xf32, #tpu.memory_space<hbm>> -> memref<10112x64xf32, #tpu.memory_space<hbm>>
      %dma_wait3A_583 = tpu.memref_slice %arg9[%dma_wait3A_572] : memref<8x!tpu.dma_semaphore, #tpu.memory_space<semaphore_mem>> -> memref<1x!tpu.dma_semaphore, #tpu.memory_space<semaphore_mem>>
      %dma_wait3A_584 = tpu.memref_squeeze %dma_wait3A_583 : memref<1x!tpu.dma_semaphore, #tpu.memory_space<semaphore_mem>> -> memref<!tpu.dma_semaphore, #tpu.memory_space<semaphore_mem>>
      tpu.wait_indirect_dma semaphore(%dma_wait3A_584 : memref<!tpu.dma_semaphore, #tpu.memory_space<semaphore_mem>>) src(%dma_wait3A_582 : memref<10112x64xf32, #tpu.memory_space<hbm>>) dst(%dma_wait3A_576 : memref<128x64xf32, #tpu.memory_space<vmem>>)
      %add3A_585 = arith.constant 0 : i32
      %add3A_586 = arith.addi %add3A_568, %add3A_585 : i32
      %dma_start3A_587 = arith.constant 0 : i32
      %dma_start3A_588 = arith.constant 0 : i32
      %dma_start3A_589 = arith.constant 0 : i32
      %dma_start3A_590 = arith.constant 0 : i32
      %dma_start3A_591 = tpu.memref_slice %arg7[%dma_start3A_587, %dma_start3A_589, %dma_start3A_590] : memref<8x128x64xf32, #tpu.memory_space<vmem>> -> memref<1x128x64xf32, #tpu.memory_space<vmem>>
      %dma_start3A_592 = tpu.memref_squeeze %dma_start3A_591 : memref<1x128x64xf32, #tpu.memory_space<vmem>> -> memref<128x64xf32, #tpu.memory_space<vmem>>
      %dma_start3A_593 = arith.constant 0 : i32
      %dma_start3A_594 = tpu.memref_slice %arg6[%add3A_586, %dma_start3A_593] : memref<80x128xi32, #tpu.memory_space<vmem>> -> memref<1x128xi32, #tpu.memory_space<vmem>>
      %dma_start3A_595 = tpu.memref_squeeze %dma_start3A_594 : memref<1x128xi32, #tpu.memory_space<vmem>> -> memref<128xi32, #tpu.memory_space<vmem>>
      %dma_start3A_596 = arith.constant 0 : i32
      %dma_start3A_597 = arith.constant 0 : i32
      %dma_start3A_598 = tpu.memref_slice %arg8[%dma_start3A_596, %dma_start3A_597] : memref<10112x64xf32, #tpu.memory_space<vmem_shared>> -> memref<10112x64xf32, #tpu.memory_space<vmem_shared>>
      %dma_start3A_599 = tpu.memref_slice %arg10[%dma_start3A_588] : memref<8x!tpu.dma_semaphore, #tpu.memory_space<semaphore_mem>> -> memref<1x!tpu.dma_semaphore, #tpu.memory_space<semaphore_mem>>
      %dma_start3A_600 = tpu.memref_squeeze %dma_start3A_599 : memref<1x!tpu.dma_semaphore, #tpu.memory_space<semaphore_mem>> -> memref<!tpu.dma_semaphore, #tpu.memory_space<semaphore_mem>>
      tpu.enqueue_indirect_dma source(%dma_start3A_592 : memref<128x64xf32, #tpu.memory_space<vmem>>) target(%dma_start3A_598 : memref<10112x64xf32, #tpu.memory_space<vmem_shared>>) offsets(%dma_start3A_595 : memref<128xi32, #tpu.memory_space<vmem>>) semaphore(%dma_start3A_600 : memref<!tpu.dma_semaphore, #tpu.memory_space<semaphore_mem>>) {add = true}
      %add3A_601 = arith.constant 1 : i32
      %add3A_602 = arith.addi %add3A_568, %add3A_601 : i32
      %dma_wait3A_603 = arith.constant 1 : i32
      %dma_wait3A_604 = arith.constant 1 : i32
      %dma_wait3A_605 = arith.constant 0 : i32
      %dma_wait3A_606 = arith.constant 0 : i32
      %dma_wait3A_607 = tpu.memref_slice %arg7[%dma_wait3A_603, %dma_wait3A_605, %dma_wait3A_606] : memref<8x128x64xf32, #tpu.memory_space<vmem>> -> memref<1x128x64xf32, #tpu.memory_space<vmem>>
      %dma_wait3A_608 = tpu.memref_squeeze %dma_wait3A_607 : memref<1x128x64xf32, #tpu.memory_space<vmem>> -> memref<128x64xf32, #tpu.memory_space<vmem>>
      %dma_wait3A_609 = arith.constant 0 : i32
      %dma_wait3A_610 = tpu.memref_slice %arg5[%add3A_602, %dma_wait3A_609] : memref<80x128xi32, #tpu.memory_space<vmem>> -> memref<1x128xi32, #tpu.memory_space<vmem>>
      %dma_wait3A_611 = tpu.memref_squeeze %dma_wait3A_610 : memref<1x128xi32, #tpu.memory_space<vmem>> -> memref<128xi32, #tpu.memory_space<vmem>>
      %dma_wait3A_612 = arith.constant 0 : i32
      %dma_wait3A_613 = arith.constant 0 : i32
      %dma_wait3A_614 = tpu.memref_slice %arg2[%dma_wait3A_612, %dma_wait3A_613] : memref<10112x64xf32, #tpu.memory_space<hbm>> -> memref<10112x64xf32, #tpu.memory_space<hbm>>
      %dma_wait3A_615 = tpu.memref_slice %arg9[%dma_wait3A_604] : memref<8x!tpu.dma_semaphore, #tpu.memory_space<semaphore_mem>> -> memref<1x!tpu.dma_semaphore, #tpu.memory_space<semaphore_mem>>
      %dma_wait3A_616 = tpu.memref_squeeze %dma_wait3A_615 : memref<1x!tpu.dma_semaphore, #tpu.memory_space<semaphore_mem>> -> memref<!tpu.dma_semaphore, #tpu.memory_space<semaphore_mem>>
      tpu.wait_indirect_dma semaphore(%dma_wait3A_616 : memref<!tpu.dma_semaphore, #tpu.memory_space<semaphore_mem>>) src(%dma_wait3A_614 : memref<10112x64xf32, #tpu.memory_space<hbm>>) dst(%dma_wait3A_608 : memref<128x64xf32, #tpu.memory_space<vmem>>)
      %add3A_617 = arith.constant 1 : i32
      %add3A_618 = arith.addi %add3A_568, %add3A_617 : i32
      %dma_start3A_619 = arith.constant 1 : i32
      %dma_start3A_620 = arith.constant 1 : i32
      %dma_start3A_621 = arith.constant 0 : i32
      %dma_start3A_622 = arith.constant 0 : i32
      %dma_start3A_623 = tpu.memref_slice %arg7[%dma_start3A_619, %dma_start3A_621, %dma_start3A_622] : memref<8x128x64xf32, #tpu.memory_space<vmem>> -> memref<1x128x64xf32, #tpu.memory_space<vmem>>
      %dma_start3A_624 = tpu.memref_squeeze %dma_start3A_623 : memref<1x128x64xf32, #tpu.memory_space<vmem>> -> memref<128x64xf32, #tpu.memory_space<vmem>>
      %dma_start3A_625 = arith.constant 0 : i32
      %dma_start3A_626 = tpu.memref_slice %arg6[%add3A_618, %dma_start3A_625] : memref<80x128xi32, #tpu.memory_space<vmem>> -> memref<1x128xi32, #tpu.memory_space<vmem>>
      %dma_start3A_627 = tpu.memref_squeeze %dma_start3A_626 : memref<1x128xi32, #tpu.memory_space<vmem>> -> memref<128xi32, #tpu.memory_space<vmem>>
      %dma_start3A_628 = arith.constant 0 : i32
      %dma_start3A_629 = arith.constant 0 : i32
      %dma_start3A_630 = tpu.memref_slice %arg8[%dma_start3A_628, %dma_start3A_629] : memref<10112x64xf32, #tpu.memory_space<vmem_shared>> -> memref<10112x64xf32, #tpu.memory_space<vmem_shared>>
      %dma_start3A_631 = tpu.memref_slice %arg10[%dma_start3A_620] : memref<8x!tpu.dma_semaphore, #tpu.memory_space<semaphore_mem>> -> memref<1x!tpu.dma_semaphore, #tpu.memory_space<semaphore_mem>>
      %dma_start3A_632 = tpu.memref_squeeze %dma_start3A_631 : memref<1x!tpu.dma_semaphore, #tpu.memory_space<semaphore_mem>> -> memref<!tpu.dma_semaphore, #tpu.memory_space<semaphore_mem>>
      tpu.enqueue_indirect_dma source(%dma_start3A_624 : memref<128x64xf32, #tpu.memory_space<vmem>>) target(%dma_start3A_630 : memref<10112x64xf32, #tpu.memory_space<vmem_shared>>) offsets(%dma_start3A_627 : memref<128xi32, #tpu.memory_space<vmem>>) semaphore(%dma_start3A_632 : memref<!tpu.dma_semaphore, #tpu.memory_space<semaphore_mem>>) {add = true}
      %add3A_633 = arith.constant 2 : i32
      %add3A_634 = arith.addi %add3A_568, %add3A_633 : i32
      %dma_wait3A_635 = arith.constant 2 : i32
      %dma_wait3A_636 = arith.constant 2 : i32
      %dma_wait3A_637 = arith.constant 0 : i32
      %dma_wait3A_638 = arith.constant 0 : i32
      %dma_wait3A_639 = tpu.memref_slice %arg7[%dma_wait3A_635, %dma_wait3A_637, %dma_wait3A_638] : memref<8x128x64xf32, #tpu.memory_space<vmem>> -> memref<1x128x64xf32, #tpu.memory_space<vmem>>
      %dma_wait3A_640 = tpu.memref_squeeze %dma_wait3A_639 : memref<1x128x64xf32, #tpu.memory_space<vmem>> -> memref<128x64xf32, #tpu.memory_space<vmem>>
      %dma_wait3A_641 = arith.constant 0 : i32
      %dma_wait3A_642 = tpu.memref_slice %arg5[%add3A_634, %dma_wait3A_641] : memref<80x128xi32, #tpu.memory_space<vmem>> -> memref<1x128xi32, #tpu.memory_space<vmem>>
      %dma_wait3A_643 = tpu.memref_squeeze %dma_wait3A_642 : memref<1x128xi32, #tpu.memory_space<vmem>> -> memref<128xi32, #tpu.memory_space<vmem>>
      %dma_wait3A_644 = arith.constant 0 : i32
      %dma_wait3A_645 = arith.constant 0 : i32
      %dma_wait3A_646 = tpu.memref_slice %arg2[%dma_wait3A_644, %dma_wait3A_645] : memref<10112x64xf32, #tpu.memory_space<hbm>> -> memref<10112x64xf32, #tpu.memory_space<hbm>>
      %dma_wait3A_647 = tpu.memref_slice %arg9[%dma_wait3A_636] : memref<8x!tpu.dma_semaphore, #tpu.memory_space<semaphore_mem>> -> memref<1x!tpu.dma_semaphore, #tpu.memory_space<semaphore_mem>>
      %dma_wait3A_648 = tpu.memref_squeeze %dma_wait3A_647 : memref<1x!tpu.dma_semaphore, #tpu.memory_space<semaphore_mem>> -> memref<!tpu.dma_semaphore, #tpu.memory_space<semaphore_mem>>
      tpu.wait_indirect_dma semaphore(%dma_wait3A_648 : memref<!tpu.dma_semaphore, #tpu.memory_space<semaphore_mem>>) src(%dma_wait3A_646 : memref<10112x64xf32, #tpu.memory_space<hbm>>) dst(%dma_wait3A_640 : memref<128x64xf32, #tpu.memory_space<vmem>>)
      %add3A_649 = arith.constant 2 : i32
      %add3A_650 = arith.addi %add3A_568, %add3A_649 : i32
      %dma_start3A_651 = arith.constant 2 : i32
      %dma_start3A_652 = arith.constant 2 : i32
      %dma_start3A_653 = arith.constant 0 : i32
      %dma_start3A_654 = arith.constant 0 : i32
      %dma_start3A_655 = tpu.memref_slice %arg7[%dma_start3A_651, %dma_start3A_653, %dma_start3A_654] : memref<8x128x64xf32, #tpu.memory_space<vmem>> -> memref<1x128x64xf32, #tpu.memory_space<vmem>>
      %dma_start3A_656 = tpu.memref_squeeze %dma_start3A_655 : memref<1x128x64xf32, #tpu.memory_space<vmem>> -> memref<128x64xf32, #tpu.memory_space<vmem>>
      %dma_start3A_657 = arith.constant 0 : i32
      %dma_start3A_658 = tpu.memref_slice %arg6[%add3A_650, %dma_start3A_657] : memref<80x128xi32, #tpu.memory_space<vmem>> -> memref<1x128xi32, #tpu.memory_space<vmem>>
      %dma_start3A_659 = tpu.memref_squeeze %dma_start3A_658 : memref<1x128xi32, #tpu.memory_space<vmem>> -> memref<128xi32, #tpu.memory_space<vmem>>
      %dma_start3A_660 = arith.constant 0 : i32
      %dma_start3A_661 = arith.constant 0 : i32
      %dma_start3A_662 = tpu.memref_slice %arg8[%dma_start3A_660, %dma_start3A_661] : memref<10112x64xf32, #tpu.memory_space<vmem_shared>> -> memref<10112x64xf32, #tpu.memory_space<vmem_shared>>
      %dma_start3A_663 = tpu.memref_slice %arg10[%dma_start3A_652] : memref<8x!tpu.dma_semaphore, #tpu.memory_space<semaphore_mem>> -> memref<1x!tpu.dma_semaphore, #tpu.memory_space<semaphore_mem>>
      %dma_start3A_664 = tpu.memref_squeeze %dma_start3A_663 : memref<1x!tpu.dma_semaphore, #tpu.memory_space<semaphore_mem>> -> memref<!tpu.dma_semaphore, #tpu.memory_space<semaphore_mem>>
      tpu.enqueue_indirect_dma source(%dma_start3A_656 : memref<128x64xf32, #tpu.memory_space<vmem>>) target(%dma_start3A_662 : memref<10112x64xf32, #tpu.memory_space<vmem_shared>>) offsets(%dma_start3A_659 : memref<128xi32, #tpu.memory_space<vmem>>) semaphore(%dma_start3A_664 : memref<!tpu.dma_semaphore, #tpu.memory_space<semaphore_mem>>) {add = true}
      %add3A_665 = arith.constant 3 : i32
      %add3A_666 = arith.addi %add3A_568, %add3A_665 : i32
      %dma_wait3A_667 = arith.constant 3 : i32
      %dma_wait3A_668 = arith.constant 3 : i32
      %dma_wait3A_669 = arith.constant 0 : i32
      %dma_wait3A_670 = arith.constant 0 : i32
      %dma_wait3A_671 = tpu.memref_slice %arg7[%dma_wait3A_667, %dma_wait3A_669, %dma_wait3A_670] : memref<8x128x64xf32, #tpu.memory_space<vmem>> -> memref<1x128x64xf32, #tpu.memory_space<vmem>>
      %dma_wait3A_672 = tpu.memref_squeeze %dma_wait3A_671 : memref<1x128x64xf32, #tpu.memory_space<vmem>> -> memref<128x64xf32, #tpu.memory_space<vmem>>
      %dma_wait3A_673 = arith.constant 0 : i32
      %dma_wait3A_674 = tpu.memref_slice %arg5[%add3A_666, %dma_wait3A_673] : memref<80x128xi32, #tpu.memory_space<vmem>> -> memref<1x128xi32, #tpu.memory_space<vmem>>
      %dma_wait3A_675 = tpu.memref_squeeze %dma_wait3A_674 : memref<1x128xi32, #tpu.memory_space<vmem>> -> memref<128xi32, #tpu.memory_space<vmem>>
      %dma_wait3A_676 = arith.constant 0 : i32
      %dma_wait3A_677 = arith.constant 0 : i32
      %dma_wait3A_678 = tpu.memref_slice %arg2[%dma_wait3A_676, %dma_wait3A_677] : memref<10112x64xf32, #tpu.memory_space<hbm>> -> memref<10112x64xf32, #tpu.memory_space<hbm>>
      %dma_wait3A_679 = tpu.memref_slice %arg9[%dma_wait3A_668] : memref<8x!tpu.dma_semaphore, #tpu.memory_space<semaphore_mem>> -> memref<1x!tpu.dma_semaphore, #tpu.memory_space<semaphore_mem>>
      %dma_wait3A_680 = tpu.memref_squeeze %dma_wait3A_679 : memref<1x!tpu.dma_semaphore, #tpu.memory_space<semaphore_mem>> -> memref<!tpu.dma_semaphore, #tpu.memory_space<semaphore_mem>>
      tpu.wait_indirect_dma semaphore(%dma_wait3A_680 : memref<!tpu.dma_semaphore, #tpu.memory_space<semaphore_mem>>) src(%dma_wait3A_678 : memref<10112x64xf32, #tpu.memory_space<hbm>>) dst(%dma_wait3A_672 : memref<128x64xf32, #tpu.memory_space<vmem>>)
      %add3A_681 = arith.constant 3 : i32
      %add3A_682 = arith.addi %add3A_568, %add3A_681 : i32
      %dma_start3A_683 = arith.constant 3 : i32
      %dma_start3A_684 = arith.constant 3 : i32
      %dma_start3A_685 = arith.constant 0 : i32
      %dma_start3A_686 = arith.constant 0 : i32
      %dma_start3A_687 = tpu.memref_slice %arg7[%dma_start3A_683, %dma_start3A_685, %dma_start3A_686] : memref<8x128x64xf32, #tpu.memory_space<vmem>> -> memref<1x128x64xf32, #tpu.memory_space<vmem>>
      %dma_start3A_688 = tpu.memref_squeeze %dma_start3A_687 : memref<1x128x64xf32, #tpu.memory_space<vmem>> -> memref<128x64xf32, #tpu.memory_space<vmem>>
      %dma_start3A_689 = arith.constant 0 : i32
      %dma_start3A_690 = tpu.memref_slice %arg6[%add3A_682, %dma_start3A_689] : memref<80x128xi32, #tpu.memory_space<vmem>> -> memref<1x128xi32, #tpu.memory_space<vmem>>
      %dma_start3A_691 = tpu.memref_squeeze %dma_start3A_690 : memref<1x128xi32, #tpu.memory_space<vmem>> -> memref<128xi32, #tpu.memory_space<vmem>>
      %dma_start3A_692 = arith.constant 0 : i32
      %dma_start3A_693 = arith.constant 0 : i32
      %dma_start3A_694 = tpu.memref_slice %arg8[%dma_start3A_692, %dma_start3A_693] : memref<10112x64xf32, #tpu.memory_space<vmem_shared>> -> memref<10112x64xf32, #tpu.memory_space<vmem_shared>>
      %dma_start3A_695 = tpu.memref_slice %arg10[%dma_start3A_684] : memref<8x!tpu.dma_semaphore, #tpu.memory_space<semaphore_mem>> -> memref<1x!tpu.dma_semaphore, #tpu.memory_space<semaphore_mem>>
      %dma_start3A_696 = tpu.memref_squeeze %dma_start3A_695 : memref<1x!tpu.dma_semaphore, #tpu.memory_space<semaphore_mem>> -> memref<!tpu.dma_semaphore, #tpu.memory_space<semaphore_mem>>
      tpu.enqueue_indirect_dma source(%dma_start3A_688 : memref<128x64xf32, #tpu.memory_space<vmem>>) target(%dma_start3A_694 : memref<10112x64xf32, #tpu.memory_space<vmem_shared>>) offsets(%dma_start3A_691 : memref<128xi32, #tpu.memory_space<vmem>>) semaphore(%dma_start3A_696 : memref<!tpu.dma_semaphore, #tpu.memory_space<semaphore_mem>>) {add = true}
      %add3A_697 = arith.constant 4 : i32
      %add3A_698 = arith.addi %add3A_568, %add3A_697 : i32
      %dma_wait3A_699 = arith.constant 4 : i32
      %dma_wait3A_700 = arith.constant 4 : i32
      %dma_wait3A_701 = arith.constant 0 : i32
      %dma_wait3A_702 = arith.constant 0 : i32
      %dma_wait3A_703 = tpu.memref_slice %arg7[%dma_wait3A_699, %dma_wait3A_701, %dma_wait3A_702] : memref<8x128x64xf32, #tpu.memory_space<vmem>> -> memref<1x128x64xf32, #tpu.memory_space<vmem>>
      %dma_wait3A_704 = tpu.memref_squeeze %dma_wait3A_703 : memref<1x128x64xf32, #tpu.memory_space<vmem>> -> memref<128x64xf32, #tpu.memory_space<vmem>>
      %dma_wait3A_705 = arith.constant 0 : i32
      %dma_wait3A_706 = tpu.memref_slice %arg5[%add3A_698, %dma_wait3A_705] : memref<80x128xi32, #tpu.memory_space<vmem>> -> memref<1x128xi32, #tpu.memory_space<vmem>>
      %dma_wait3A_707 = tpu.memref_squeeze %dma_wait3A_706 : memref<1x128xi32, #tpu.memory_space<vmem>> -> memref<128xi32, #tpu.memory_space<vmem>>
      %dma_wait3A_708 = arith.constant 0 : i32
      %dma_wait3A_709 = arith.constant 0 : i32
      %dma_wait3A_710 = tpu.memref_slice %arg2[%dma_wait3A_708, %dma_wait3A_709] : memref<10112x64xf32, #tpu.memory_space<hbm>> -> memref<10112x64xf32, #tpu.memory_space<hbm>>
      %dma_wait3A_711 = tpu.memref_slice %arg9[%dma_wait3A_700] : memref<8x!tpu.dma_semaphore, #tpu.memory_space<semaphore_mem>> -> memref<1x!tpu.dma_semaphore, #tpu.memory_space<semaphore_mem>>
      %dma_wait3A_712 = tpu.memref_squeeze %dma_wait3A_711 : memref<1x!tpu.dma_semaphore, #tpu.memory_space<semaphore_mem>> -> memref<!tpu.dma_semaphore, #tpu.memory_space<semaphore_mem>>
      tpu.wait_indirect_dma semaphore(%dma_wait3A_712 : memref<!tpu.dma_semaphore, #tpu.memory_space<semaphore_mem>>) src(%dma_wait3A_710 : memref<10112x64xf32, #tpu.memory_space<hbm>>) dst(%dma_wait3A_704 : memref<128x64xf32, #tpu.memory_space<vmem>>)
      %add3A_713 = arith.constant 4 : i32
      %add3A_714 = arith.addi %add3A_568, %add3A_713 : i32
      %dma_start3A_715 = arith.constant 4 : i32
      %dma_start3A_716 = arith.constant 4 : i32
      %dma_start3A_717 = arith.constant 0 : i32
      %dma_start3A_718 = arith.constant 0 : i32
      %dma_start3A_719 = tpu.memref_slice %arg7[%dma_start3A_715, %dma_start3A_717, %dma_start3A_718] : memref<8x128x64xf32, #tpu.memory_space<vmem>> -> memref<1x128x64xf32, #tpu.memory_space<vmem>>
      %dma_start3A_720 = tpu.memref_squeeze %dma_start3A_719 : memref<1x128x64xf32, #tpu.memory_space<vmem>> -> memref<128x64xf32, #tpu.memory_space<vmem>>
      %dma_start3A_721 = arith.constant 0 : i32
      %dma_start3A_722 = tpu.memref_slice %arg6[%add3A_714, %dma_start3A_721] : memref<80x128xi32, #tpu.memory_space<vmem>> -> memref<1x128xi32, #tpu.memory_space<vmem>>
      %dma_start3A_723 = tpu.memref_squeeze %dma_start3A_722 : memref<1x128xi32, #tpu.memory_space<vmem>> -> memref<128xi32, #tpu.memory_space<vmem>>
      %dma_start3A_724 = arith.constant 0 : i32
      %dma_start3A_725 = arith.constant 0 : i32
      %dma_start3A_726 = tpu.memref_slice %arg8[%dma_start3A_724, %dma_start3A_725] : memref<10112x64xf32, #tpu.memory_space<vmem_shared>> -> memref<10112x64xf32, #tpu.memory_space<vmem_shared>>
      %dma_start3A_727 = tpu.memref_slice %arg10[%dma_start3A_716] : memref<8x!tpu.dma_semaphore, #tpu.memory_space<semaphore_mem>> -> memref<1x!tpu.dma_semaphore, #tpu.memory_space<semaphore_mem>>
      %dma_start3A_728 = tpu.memref_squeeze %dma_start3A_727 : memref<1x!tpu.dma_semaphore, #tpu.memory_space<semaphore_mem>> -> memref<!tpu.dma_semaphore, #tpu.memory_space<semaphore_mem>>
      tpu.enqueue_indirect_dma source(%dma_start3A_720 : memref<128x64xf32, #tpu.memory_space<vmem>>) target(%dma_start3A_726 : memref<10112x64xf32, #tpu.memory_space<vmem_shared>>) offsets(%dma_start3A_723 : memref<128xi32, #tpu.memory_space<vmem>>) semaphore(%dma_start3A_728 : memref<!tpu.dma_semaphore, #tpu.memory_space<semaphore_mem>>) {add = true}
      %add3A_729 = arith.constant 5 : i32
      %add3A_730 = arith.addi %add3A_568, %add3A_729 : i32
      %dma_wait3A_731 = arith.constant 5 : i32
      %dma_wait3A_732 = arith.constant 5 : i32
      %dma_wait3A_733 = arith.constant 0 : i32
      %dma_wait3A_734 = arith.constant 0 : i32
      %dma_wait3A_735 = tpu.memref_slice %arg7[%dma_wait3A_731, %dma_wait3A_733, %dma_wait3A_734] : memref<8x128x64xf32, #tpu.memory_space<vmem>> -> memref<1x128x64xf32, #tpu.memory_space<vmem>>
      %dma_wait3A_736 = tpu.memref_squeeze %dma_wait3A_735 : memref<1x128x64xf32, #tpu.memory_space<vmem>> -> memref<128x64xf32, #tpu.memory_space<vmem>>
      %dma_wait3A_737 = arith.constant 0 : i32
      %dma_wait3A_738 = tpu.memref_slice %arg5[%add3A_730, %dma_wait3A_737] : memref<80x128xi32, #tpu.memory_space<vmem>> -> memref<1x128xi32, #tpu.memory_space<vmem>>
      %dma_wait3A_739 = tpu.memref_squeeze %dma_wait3A_738 : memref<1x128xi32, #tpu.memory_space<vmem>> -> memref<128xi32, #tpu.memory_space<vmem>>
      %dma_wait3A_740 = arith.constant 0 : i32
      %dma_wait3A_741 = arith.constant 0 : i32
      %dma_wait3A_742 = tpu.memref_slice %arg2[%dma_wait3A_740, %dma_wait3A_741] : memref<10112x64xf32, #tpu.memory_space<hbm>> -> memref<10112x64xf32, #tpu.memory_space<hbm>>
      %dma_wait3A_743 = tpu.memref_slice %arg9[%dma_wait3A_732] : memref<8x!tpu.dma_semaphore, #tpu.memory_space<semaphore_mem>> -> memref<1x!tpu.dma_semaphore, #tpu.memory_space<semaphore_mem>>
      %dma_wait3A_744 = tpu.memref_squeeze %dma_wait3A_743 : memref<1x!tpu.dma_semaphore, #tpu.memory_space<semaphore_mem>> -> memref<!tpu.dma_semaphore, #tpu.memory_space<semaphore_mem>>
      tpu.wait_indirect_dma semaphore(%dma_wait3A_744 : memref<!tpu.dma_semaphore, #tpu.memory_space<semaphore_mem>>) src(%dma_wait3A_742 : memref<10112x64xf32, #tpu.memory_space<hbm>>) dst(%dma_wait3A_736 : memref<128x64xf32, #tpu.memory_space<vmem>>)
      %add3A_745 = arith.constant 5 : i32
      %add3A_746 = arith.addi %add3A_568, %add3A_745 : i32
      %dma_start3A_747 = arith.constant 5 : i32
      %dma_start3A_748 = arith.constant 5 : i32
      %dma_start3A_749 = arith.constant 0 : i32
      %dma_start3A_750 = arith.constant 0 : i32
      %dma_start3A_751 = tpu.memref_slice %arg7[%dma_start3A_747, %dma_start3A_749, %dma_start3A_750] : memref<8x128x64xf32, #tpu.memory_space<vmem>> -> memref<1x128x64xf32, #tpu.memory_space<vmem>>
      %dma_start3A_752 = tpu.memref_squeeze %dma_start3A_751 : memref<1x128x64xf32, #tpu.memory_space<vmem>> -> memref<128x64xf32, #tpu.memory_space<vmem>>
      %dma_start3A_753 = arith.constant 0 : i32
      %dma_start3A_754 = tpu.memref_slice %arg6[%add3A_746, %dma_start3A_753] : memref<80x128xi32, #tpu.memory_space<vmem>> -> memref<1x128xi32, #tpu.memory_space<vmem>>
      %dma_start3A_755 = tpu.memref_squeeze %dma_start3A_754 : memref<1x128xi32, #tpu.memory_space<vmem>> -> memref<128xi32, #tpu.memory_space<vmem>>
      %dma_start3A_756 = arith.constant 0 : i32
      %dma_start3A_757 = arith.constant 0 : i32
      %dma_start3A_758 = tpu.memref_slice %arg8[%dma_start3A_756, %dma_start3A_757] : memref<10112x64xf32, #tpu.memory_space<vmem_shared>> -> memref<10112x64xf32, #tpu.memory_space<vmem_shared>>
      %dma_start3A_759 = tpu.memref_slice %arg10[%dma_start3A_748] : memref<8x!tpu.dma_semaphore, #tpu.memory_space<semaphore_mem>> -> memref<1x!tpu.dma_semaphore, #tpu.memory_space<semaphore_mem>>
      %dma_start3A_760 = tpu.memref_squeeze %dma_start3A_759 : memref<1x!tpu.dma_semaphore, #tpu.memory_space<semaphore_mem>> -> memref<!tpu.dma_semaphore, #tpu.memory_space<semaphore_mem>>
      tpu.enqueue_indirect_dma source(%dma_start3A_752 : memref<128x64xf32, #tpu.memory_space<vmem>>) target(%dma_start3A_758 : memref<10112x64xf32, #tpu.memory_space<vmem_shared>>) offsets(%dma_start3A_755 : memref<128xi32, #tpu.memory_space<vmem>>) semaphore(%dma_start3A_760 : memref<!tpu.dma_semaphore, #tpu.memory_space<semaphore_mem>>) {add = true}
      %add3A_761 = arith.constant 6 : i32
      %add3A_762 = arith.addi %add3A_568, %add3A_761 : i32
      %dma_wait3A_763 = arith.constant 6 : i32
      %dma_wait3A_764 = arith.constant 6 : i32
      %dma_wait3A_765 = arith.constant 0 : i32
      %dma_wait3A_766 = arith.constant 0 : i32
      %dma_wait3A_767 = tpu.memref_slice %arg7[%dma_wait3A_763, %dma_wait3A_765, %dma_wait3A_766] : memref<8x128x64xf32, #tpu.memory_space<vmem>> -> memref<1x128x64xf32, #tpu.memory_space<vmem>>
      %dma_wait3A_768 = tpu.memref_squeeze %dma_wait3A_767 : memref<1x128x64xf32, #tpu.memory_space<vmem>> -> memref<128x64xf32, #tpu.memory_space<vmem>>
      %dma_wait3A_769 = arith.constant 0 : i32
      %dma_wait3A_770 = tpu.memref_slice %arg5[%add3A_762, %dma_wait3A_769] : memref<80x128xi32, #tpu.memory_space<vmem>> -> memref<1x128xi32, #tpu.memory_space<vmem>>
      %dma_wait3A_771 = tpu.memref_squeeze %dma_wait3A_770 : memref<1x128xi32, #tpu.memory_space<vmem>> -> memref<128xi32, #tpu.memory_space<vmem>>
      %dma_wait3A_772 = arith.constant 0 : i32
      %dma_wait3A_773 = arith.constant 0 : i32
      %dma_wait3A_774 = tpu.memref_slice %arg2[%dma_wait3A_772, %dma_wait3A_773] : memref<10112x64xf32, #tpu.memory_space<hbm>> -> memref<10112x64xf32, #tpu.memory_space<hbm>>
      %dma_wait3A_775 = tpu.memref_slice %arg9[%dma_wait3A_764] : memref<8x!tpu.dma_semaphore, #tpu.memory_space<semaphore_mem>> -> memref<1x!tpu.dma_semaphore, #tpu.memory_space<semaphore_mem>>
      %dma_wait3A_776 = tpu.memref_squeeze %dma_wait3A_775 : memref<1x!tpu.dma_semaphore, #tpu.memory_space<semaphore_mem>> -> memref<!tpu.dma_semaphore, #tpu.memory_space<semaphore_mem>>
      tpu.wait_indirect_dma semaphore(%dma_wait3A_776 : memref<!tpu.dma_semaphore, #tpu.memory_space<semaphore_mem>>) src(%dma_wait3A_774 : memref<10112x64xf32, #tpu.memory_space<hbm>>) dst(%dma_wait3A_768 : memref<128x64xf32, #tpu.memory_space<vmem>>)
      %add3A_777 = arith.constant 6 : i32
      %add3A_778 = arith.addi %add3A_568, %add3A_777 : i32
      %dma_start3A_779 = arith.constant 6 : i32
      %dma_start3A_780 = arith.constant 6 : i32
      %dma_start3A_781 = arith.constant 0 : i32
      %dma_start3A_782 = arith.constant 0 : i32
      %dma_start3A_783 = tpu.memref_slice %arg7[%dma_start3A_779, %dma_start3A_781, %dma_start3A_782] : memref<8x128x64xf32, #tpu.memory_space<vmem>> -> memref<1x128x64xf32, #tpu.memory_space<vmem>>
      %dma_start3A_784 = tpu.memref_squeeze %dma_start3A_783 : memref<1x128x64xf32, #tpu.memory_space<vmem>> -> memref<128x64xf32, #tpu.memory_space<vmem>>
      %dma_start3A_785 = arith.constant 0 : i32
      %dma_start3A_786 = tpu.memref_slice %arg6[%add3A_778, %dma_start3A_785] : memref<80x128xi32, #tpu.memory_space<vmem>> -> memref<1x128xi32, #tpu.memory_space<vmem>>
      %dma_start3A_787 = tpu.memref_squeeze %dma_start3A_786 : memref<1x128xi32, #tpu.memory_space<vmem>> -> memref<128xi32, #tpu.memory_space<vmem>>
      %dma_start3A_788 = arith.constant 0 : i32
      %dma_start3A_789 = arith.constant 0 : i32
      %dma_start3A_790 = tpu.memref_slice %arg8[%dma_start3A_788, %dma_start3A_789] : memref<10112x64xf32, #tpu.memory_space<vmem_shared>> -> memref<10112x64xf32, #tpu.memory_space<vmem_shared>>
      %dma_start3A_791 = tpu.memref_slice %arg10[%dma_start3A_780] : memref<8x!tpu.dma_semaphore, #tpu.memory_space<semaphore_mem>> -> memref<1x!tpu.dma_semaphore, #tpu.memory_space<semaphore_mem>>
      %dma_start3A_792 = tpu.memref_squeeze %dma_start3A_791 : memref<1x!tpu.dma_semaphore, #tpu.memory_space<semaphore_mem>> -> memref<!tpu.dma_semaphore, #tpu.memory_space<semaphore_mem>>
      tpu.enqueue_indirect_dma source(%dma_start3A_784 : memref<128x64xf32, #tpu.memory_space<vmem>>) target(%dma_start3A_790 : memref<10112x64xf32, #tpu.memory_space<vmem_shared>>) offsets(%dma_start3A_787 : memref<128xi32, #tpu.memory_space<vmem>>) semaphore(%dma_start3A_792 : memref<!tpu.dma_semaphore, #tpu.memory_space<semaphore_mem>>) {add = true}
      %add3A_793 = arith.constant 7 : i32
      %add3A_794 = arith.addi %add3A_568, %add3A_793 : i32
      %dma_wait3A_795 = arith.constant 7 : i32
      %dma_wait3A_796 = arith.constant 7 : i32
      %dma_wait3A_797 = arith.constant 0 : i32
      %dma_wait3A_798 = arith.constant 0 : i32
      %dma_wait3A_799 = tpu.memref_slice %arg7[%dma_wait3A_795, %dma_wait3A_797, %dma_wait3A_798] : memref<8x128x64xf32, #tpu.memory_space<vmem>> -> memref<1x128x64xf32, #tpu.memory_space<vmem>>
      %dma_wait3A_800 = tpu.memref_squeeze %dma_wait3A_799 : memref<1x128x64xf32, #tpu.memory_space<vmem>> -> memref<128x64xf32, #tpu.memory_space<vmem>>
      %dma_wait3A_801 = arith.constant 0 : i32
      %dma_wait3A_802 = tpu.memref_slice %arg5[%add3A_794, %dma_wait3A_801] : memref<80x128xi32, #tpu.memory_space<vmem>> -> memref<1x128xi32, #tpu.memory_space<vmem>>
      %dma_wait3A_803 = tpu.memref_squeeze %dma_wait3A_802 : memref<1x128xi32, #tpu.memory_space<vmem>> -> memref<128xi32, #tpu.memory_space<vmem>>
      %dma_wait3A_804 = arith.constant 0 : i32
      %dma_wait3A_805 = arith.constant 0 : i32
      %dma_wait3A_806 = tpu.memref_slice %arg2[%dma_wait3A_804, %dma_wait3A_805] : memref<10112x64xf32, #tpu.memory_space<hbm>> -> memref<10112x64xf32, #tpu.memory_space<hbm>>
      %dma_wait3A_807 = tpu.memref_slice %arg9[%dma_wait3A_796] : memref<8x!tpu.dma_semaphore, #tpu.memory_space<semaphore_mem>> -> memref<1x!tpu.dma_semaphore, #tpu.memory_space<semaphore_mem>>
      %dma_wait3A_808 = tpu.memref_squeeze %dma_wait3A_807 : memref<1x!tpu.dma_semaphore, #tpu.memory_space<semaphore_mem>> -> memref<!tpu.dma_semaphore, #tpu.memory_space<semaphore_mem>>
      tpu.wait_indirect_dma semaphore(%dma_wait3A_808 : memref<!tpu.dma_semaphore, #tpu.memory_space<semaphore_mem>>) src(%dma_wait3A_806 : memref<10112x64xf32, #tpu.memory_space<hbm>>) dst(%dma_wait3A_800 : memref<128x64xf32, #tpu.memory_space<vmem>>)
      %add3A_809 = arith.constant 7 : i32
      %add3A_810 = arith.addi %add3A_568, %add3A_809 : i32
      %dma_start3A_811 = arith.constant 7 : i32
      %dma_start3A_812 = arith.constant 7 : i32
      %dma_start3A_813 = arith.constant 0 : i32
      %dma_start3A_814 = arith.constant 0 : i32
      %dma_start3A_815 = tpu.memref_slice %arg7[%dma_start3A_811, %dma_start3A_813, %dma_start3A_814] : memref<8x128x64xf32, #tpu.memory_space<vmem>> -> memref<1x128x64xf32, #tpu.memory_space<vmem>>
      %dma_start3A_816 = tpu.memref_squeeze %dma_start3A_815 : memref<1x128x64xf32, #tpu.memory_space<vmem>> -> memref<128x64xf32, #tpu.memory_space<vmem>>
      %dma_start3A_817 = arith.constant 0 : i32
      %dma_start3A_818 = tpu.memref_slice %arg6[%add3A_810, %dma_start3A_817] : memref<80x128xi32, #tpu.memory_space<vmem>> -> memref<1x128xi32, #tpu.memory_space<vmem>>
      %dma_start3A_819 = tpu.memref_squeeze %dma_start3A_818 : memref<1x128xi32, #tpu.memory_space<vmem>> -> memref<128xi32, #tpu.memory_space<vmem>>
      %dma_start3A_820 = arith.constant 0 : i32
      %dma_start3A_821 = arith.constant 0 : i32
      %dma_start3A_822 = tpu.memref_slice %arg8[%dma_start3A_820, %dma_start3A_821] : memref<10112x64xf32, #tpu.memory_space<vmem_shared>> -> memref<10112x64xf32, #tpu.memory_space<vmem_shared>>
      %dma_start3A_823 = tpu.memref_slice %arg10[%dma_start3A_812] : memref<8x!tpu.dma_semaphore, #tpu.memory_space<semaphore_mem>> -> memref<1x!tpu.dma_semaphore, #tpu.memory_space<semaphore_mem>>
      %dma_start3A_824 = tpu.memref_squeeze %dma_start3A_823 : memref<1x!tpu.dma_semaphore, #tpu.memory_space<semaphore_mem>> -> memref<!tpu.dma_semaphore, #tpu.memory_space<semaphore_mem>>
      tpu.enqueue_indirect_dma source(%dma_start3A_816 : memref<128x64xf32, #tpu.memory_space<vmem>>) target(%dma_start3A_822 : memref<10112x64xf32, #tpu.memory_space<vmem_shared>>) offsets(%dma_start3A_819 : memref<128xi32, #tpu.memory_space<vmem>>) semaphore(%dma_start3A_824 : memref<!tpu.dma_semaphore, #tpu.memory_space<semaphore_mem>>) {add = true}
      %add3A_825 = arith.constant 0 : i32
      %add3A_826 = arith.addi %add3A_568, %add3A_825 : i32
      %dma_wait3A_827 = arith.constant 0 : i32
      %dma_wait3A_828 = arith.constant 0 : i32
      %dma_wait3A_829 = arith.constant 0 : i32
      %dma_wait3A_830 = arith.constant 0 : i32
      %dma_wait3A_831 = tpu.memref_slice %arg7[%dma_wait3A_827, %dma_wait3A_829, %dma_wait3A_830] : memref<8x128x64xf32, #tpu.memory_space<vmem>> -> memref<1x128x64xf32, #tpu.memory_space<vmem>>
      %dma_wait3A_832 = tpu.memref_squeeze %dma_wait3A_831 : memref<1x128x64xf32, #tpu.memory_space<vmem>> -> memref<128x64xf32, #tpu.memory_space<vmem>>
      %dma_wait3A_833 = arith.constant 0 : i32
      %dma_wait3A_834 = tpu.memref_slice %arg6[%add3A_826, %dma_wait3A_833] : memref<80x128xi32, #tpu.memory_space<vmem>> -> memref<1x128xi32, #tpu.memory_space<vmem>>
      %dma_wait3A_835 = tpu.memref_squeeze %dma_wait3A_834 : memref<1x128xi32, #tpu.memory_space<vmem>> -> memref<128xi32, #tpu.memory_space<vmem>>
      %dma_wait3A_836 = arith.constant 0 : i32
      %dma_wait3A_837 = arith.constant 0 : i32
      %dma_wait3A_838 = tpu.memref_slice %arg8[%dma_wait3A_836, %dma_wait3A_837] : memref<10112x64xf32, #tpu.memory_space<vmem_shared>> -> memref<10112x64xf32, #tpu.memory_space<vmem_shared>>
      %dma_wait3A_839 = tpu.memref_slice %arg10[%dma_wait3A_828] : memref<8x!tpu.dma_semaphore, #tpu.memory_space<semaphore_mem>> -> memref<1x!tpu.dma_semaphore, #tpu.memory_space<semaphore_mem>>
      %dma_wait3A_840 = tpu.memref_squeeze %dma_wait3A_839 : memref<1x!tpu.dma_semaphore, #tpu.memory_space<semaphore_mem>> -> memref<!tpu.dma_semaphore, #tpu.memory_space<semaphore_mem>>
      tpu.wait_indirect_dma semaphore(%dma_wait3A_840 : memref<!tpu.dma_semaphore, #tpu.memory_space<semaphore_mem>>) src(%dma_wait3A_832 : memref<128x64xf32, #tpu.memory_space<vmem>>) dst(%dma_wait3A_838 : memref<10112x64xf32, #tpu.memory_space<vmem_shared>>)
      %add3A_841 = arith.constant 0 : i32
      %add3A_842 = arith.addi %add3A_568, %add3A_841 : i32
      %add3A_843 = arith.constant 8 : i32
      %add3A_844 = arith.addi %add3A_842, %add3A_843 : i32
      %dma_start3A_845 = arith.constant 0 : i32
      %dma_start3A_846 = arith.constant 0 : i32
      %dma_start3A_847 = arith.constant 0 : i32
      %dma_start3A_848 = arith.constant 0 : i32
      %dma_start3A_849 = tpu.memref_slice %arg7[%dma_start3A_845, %dma_start3A_847, %dma_start3A_848] : memref<8x128x64xf32, #tpu.memory_space<vmem>> -> memref<1x128x64xf32, #tpu.memory_space<vmem>>
      %dma_start3A_850 = tpu.memref_squeeze %dma_start3A_849 : memref<1x128x64xf32, #tpu.memory_space<vmem>> -> memref<128x64xf32, #tpu.memory_space<vmem>>
      %dma_start3A_851 = arith.constant 0 : i32
      %dma_start3A_852 = tpu.memref_slice %arg5[%add3A_844, %dma_start3A_851] : memref<80x128xi32, #tpu.memory_space<vmem>> -> memref<1x128xi32, #tpu.memory_space<vmem>>
      %dma_start3A_853 = tpu.memref_squeeze %dma_start3A_852 : memref<1x128xi32, #tpu.memory_space<vmem>> -> memref<128xi32, #tpu.memory_space<vmem>>
      %dma_start3A_854 = arith.constant 0 : i32
      %dma_start3A_855 = arith.constant 0 : i32
      %dma_start3A_856 = tpu.memref_slice %arg2[%dma_start3A_854, %dma_start3A_855] : memref<10112x64xf32, #tpu.memory_space<hbm>> -> memref<10112x64xf32, #tpu.memory_space<hbm>>
      %dma_start3A_857 = tpu.memref_slice %arg9[%dma_start3A_846] : memref<8x!tpu.dma_semaphore, #tpu.memory_space<semaphore_mem>> -> memref<1x!tpu.dma_semaphore, #tpu.memory_space<semaphore_mem>>
      %dma_start3A_858 = tpu.memref_squeeze %dma_start3A_857 : memref<1x!tpu.dma_semaphore, #tpu.memory_space<semaphore_mem>> -> memref<!tpu.dma_semaphore, #tpu.memory_space<semaphore_mem>>
      tpu.enqueue_indirect_dma source(%dma_start3A_856 : memref<10112x64xf32, #tpu.memory_space<hbm>>) target(%dma_start3A_850 : memref<128x64xf32, #tpu.memory_space<vmem>>) offsets(%dma_start3A_853 : memref<128xi32, #tpu.memory_space<vmem>>) semaphore(%dma_start3A_858 : memref<!tpu.dma_semaphore, #tpu.memory_space<semaphore_mem>>)
      %add3A_859 = arith.constant 1 : i32
      %add3A_860 = arith.addi %add3A_568, %add3A_859 : i32
      %dma_wait3A_861 = arith.constant 1 : i32
      %dma_wait3A_862 = arith.constant 1 : i32
      %dma_wait3A_863 = arith.constant 0 : i32
      %dma_wait3A_864 = arith.constant 0 : i32
      %dma_wait3A_865 = tpu.memref_slice %arg7[%dma_wait3A_861, %dma_wait3A_863, %dma_wait3A_864] : memref<8x128x64xf32, #tpu.memory_space<vmem>> -> memref<1x128x64xf32, #tpu.memory_space<vmem>>
      %dma_wait3A_866 = tpu.memref_squeeze %dma_wait3A_865 : memref<1x128x64xf32, #tpu.memory_space<vmem>> -> memref<128x64xf32, #tpu.memory_space<vmem>>
      %dma_wait3A_867 = arith.constant 0 : i32
      %dma_wait3A_868 = tpu.memref_slice %arg6[%add3A_860, %dma_wait3A_867] : memref<80x128xi32, #tpu.memory_space<vmem>> -> memref<1x128xi32, #tpu.memory_space<vmem>>
      %dma_wait3A_869 = tpu.memref_squeeze %dma_wait3A_868 : memref<1x128xi32, #tpu.memory_space<vmem>> -> memref<128xi32, #tpu.memory_space<vmem>>
      %dma_wait3A_870 = arith.constant 0 : i32
      %dma_wait3A_871 = arith.constant 0 : i32
      %dma_wait3A_872 = tpu.memref_slice %arg8[%dma_wait3A_870, %dma_wait3A_871] : memref<10112x64xf32, #tpu.memory_space<vmem_shared>> -> memref<10112x64xf32, #tpu.memory_space<vmem_shared>>
      %dma_wait3A_873 = tpu.memref_slice %arg10[%dma_wait3A_862] : memref<8x!tpu.dma_semaphore, #tpu.memory_space<semaphore_mem>> -> memref<1x!tpu.dma_semaphore, #tpu.memory_space<semaphore_mem>>
      %dma_wait3A_874 = tpu.memref_squeeze %dma_wait3A_873 : memref<1x!tpu.dma_semaphore, #tpu.memory_space<semaphore_mem>> -> memref<!tpu.dma_semaphore, #tpu.memory_space<semaphore_mem>>
      tpu.wait_indirect_dma semaphore(%dma_wait3A_874 : memref<!tpu.dma_semaphore, #tpu.memory_space<semaphore_mem>>) src(%dma_wait3A_866 : memref<128x64xf32, #tpu.memory_space<vmem>>) dst(%dma_wait3A_872 : memref<10112x64xf32, #tpu.memory_space<vmem_shared>>)
      %add3A_875 = arith.constant 1 : i32
      %add3A_876 = arith.addi %add3A_568, %add3A_875 : i32
      %add3A_877 = arith.constant 8 : i32
      %add3A_878 = arith.addi %add3A_876, %add3A_877 : i32
      %dma_start3A_879 = arith.constant 1 : i32
      %dma_start3A_880 = arith.constant 1 : i32
      %dma_start3A_881 = arith.constant 0 : i32
      %dma_start3A_882 = arith.constant 0 : i32
      %dma_start3A_883 = tpu.memref_slice %arg7[%dma_start3A_879, %dma_start3A_881, %dma_start3A_882] : memref<8x128x64xf32, #tpu.memory_space<vmem>> -> memref<1x128x64xf32, #tpu.memory_space<vmem>>
      %dma_start3A_884 = tpu.memref_squeeze %dma_start3A_883 : memref<1x128x64xf32, #tpu.memory_space<vmem>> -> memref<128x64xf32, #tpu.memory_space<vmem>>
      %dma_start3A_885 = arith.constant 0 : i32
      %dma_start3A_886 = tpu.memref_slice %arg5[%add3A_878, %dma_start3A_885] : memref<80x128xi32, #tpu.memory_space<vmem>> -> memref<1x128xi32, #tpu.memory_space<vmem>>
      %dma_start3A_887 = tpu.memref_squeeze %dma_start3A_886 : memref<1x128xi32, #tpu.memory_space<vmem>> -> memref<128xi32, #tpu.memory_space<vmem>>
      %dma_start3A_888 = arith.constant 0 : i32
      %dma_start3A_889 = arith.constant 0 : i32
      %dma_start3A_890 = tpu.memref_slice %arg2[%dma_start3A_888, %dma_start3A_889] : memref<10112x64xf32, #tpu.memory_space<hbm>> -> memref<10112x64xf32, #tpu.memory_space<hbm>>
      %dma_start3A_891 = tpu.memref_slice %arg9[%dma_start3A_880] : memref<8x!tpu.dma_semaphore, #tpu.memory_space<semaphore_mem>> -> memref<1x!tpu.dma_semaphore, #tpu.memory_space<semaphore_mem>>
      %dma_start3A_892 = tpu.memref_squeeze %dma_start3A_891 : memref<1x!tpu.dma_semaphore, #tpu.memory_space<semaphore_mem>> -> memref<!tpu.dma_semaphore, #tpu.memory_space<semaphore_mem>>
      tpu.enqueue_indirect_dma source(%dma_start3A_890 : memref<10112x64xf32, #tpu.memory_space<hbm>>) target(%dma_start3A_884 : memref<128x64xf32, #tpu.memory_space<vmem>>) offsets(%dma_start3A_887 : memref<128xi32, #tpu.memory_space<vmem>>) semaphore(%dma_start3A_892 : memref<!tpu.dma_semaphore, #tpu.memory_space<semaphore_mem>>)
      %add3A_893 = arith.constant 2 : i32
      %add3A_894 = arith.addi %add3A_568, %add3A_893 : i32
      %dma_wait3A_895 = arith.constant 2 : i32
      %dma_wait3A_896 = arith.constant 2 : i32
      %dma_wait3A_897 = arith.constant 0 : i32
      %dma_wait3A_898 = arith.constant 0 : i32
      %dma_wait3A_899 = tpu.memref_slice %arg7[%dma_wait3A_895, %dma_wait3A_897, %dma_wait3A_898] : memref<8x128x64xf32, #tpu.memory_space<vmem>> -> memref<1x128x64xf32, #tpu.memory_space<vmem>>
      %dma_wait3A_900 = tpu.memref_squeeze %dma_wait3A_899 : memref<1x128x64xf32, #tpu.memory_space<vmem>> -> memref<128x64xf32, #tpu.memory_space<vmem>>
      %dma_wait3A_901 = arith.constant 0 : i32
      %dma_wait3A_902 = tpu.memref_slice %arg6[%add3A_894, %dma_wait3A_901] : memref<80x128xi32, #tpu.memory_space<vmem>> -> memref<1x128xi32, #tpu.memory_space<vmem>>
      %dma_wait3A_903 = tpu.memref_squeeze %dma_wait3A_902 : memref<1x128xi32, #tpu.memory_space<vmem>> -> memref<128xi32, #tpu.memory_space<vmem>>
      %dma_wait3A_904 = arith.constant 0 : i32
      %dma_wait3A_905 = arith.constant 0 : i32
      %dma_wait3A_906 = tpu.memref_slice %arg8[%dma_wait3A_904, %dma_wait3A_905] : memref<10112x64xf32, #tpu.memory_space<vmem_shared>> -> memref<10112x64xf32, #tpu.memory_space<vmem_shared>>
      %dma_wait3A_907 = tpu.memref_slice %arg10[%dma_wait3A_896] : memref<8x!tpu.dma_semaphore, #tpu.memory_space<semaphore_mem>> -> memref<1x!tpu.dma_semaphore, #tpu.memory_space<semaphore_mem>>
      %dma_wait3A_908 = tpu.memref_squeeze %dma_wait3A_907 : memref<1x!tpu.dma_semaphore, #tpu.memory_space<semaphore_mem>> -> memref<!tpu.dma_semaphore, #tpu.memory_space<semaphore_mem>>
      tpu.wait_indirect_dma semaphore(%dma_wait3A_908 : memref<!tpu.dma_semaphore, #tpu.memory_space<semaphore_mem>>) src(%dma_wait3A_900 : memref<128x64xf32, #tpu.memory_space<vmem>>) dst(%dma_wait3A_906 : memref<10112x64xf32, #tpu.memory_space<vmem_shared>>)
      %add3A_909 = arith.constant 2 : i32
      %add3A_910 = arith.addi %add3A_568, %add3A_909 : i32
      %add3A_911 = arith.constant 8 : i32
      %add3A_912 = arith.addi %add3A_910, %add3A_911 : i32
      %dma_start3A_913 = arith.constant 2 : i32
      %dma_start3A_914 = arith.constant 2 : i32
      %dma_start3A_915 = arith.constant 0 : i32
      %dma_start3A_916 = arith.constant 0 : i32
      %dma_start3A_917 = tpu.memref_slice %arg7[%dma_start3A_913, %dma_start3A_915, %dma_start3A_916] : memref<8x128x64xf32, #tpu.memory_space<vmem>> -> memref<1x128x64xf32, #tpu.memory_space<vmem>>
      %dma_start3A_918 = tpu.memref_squeeze %dma_start3A_917 : memref<1x128x64xf32, #tpu.memory_space<vmem>> -> memref<128x64xf32, #tpu.memory_space<vmem>>
      %dma_start3A_919 = arith.constant 0 : i32
      %dma_start3A_920 = tpu.memref_slice %arg5[%add3A_912, %dma_start3A_919] : memref<80x128xi32, #tpu.memory_space<vmem>> -> memref<1x128xi32, #tpu.memory_space<vmem>>
      %dma_start3A_921 = tpu.memref_squeeze %dma_start3A_920 : memref<1x128xi32, #tpu.memory_space<vmem>> -> memref<128xi32, #tpu.memory_space<vmem>>
      %dma_start3A_922 = arith.constant 0 : i32
      %dma_start3A_923 = arith.constant 0 : i32
      %dma_start3A_924 = tpu.memref_slice %arg2[%dma_start3A_922, %dma_start3A_923] : memref<10112x64xf32, #tpu.memory_space<hbm>> -> memref<10112x64xf32, #tpu.memory_space<hbm>>
      %dma_start3A_925 = tpu.memref_slice %arg9[%dma_start3A_914] : memref<8x!tpu.dma_semaphore, #tpu.memory_space<semaphore_mem>> -> memref<1x!tpu.dma_semaphore, #tpu.memory_space<semaphore_mem>>
      %dma_start3A_926 = tpu.memref_squeeze %dma_start3A_925 : memref<1x!tpu.dma_semaphore, #tpu.memory_space<semaphore_mem>> -> memref<!tpu.dma_semaphore, #tpu.memory_space<semaphore_mem>>
      tpu.enqueue_indirect_dma source(%dma_start3A_924 : memref<10112x64xf32, #tpu.memory_space<hbm>>) target(%dma_start3A_918 : memref<128x64xf32, #tpu.memory_space<vmem>>) offsets(%dma_start3A_921 : memref<128xi32, #tpu.memory_space<vmem>>) semaphore(%dma_start3A_926 : memref<!tpu.dma_semaphore, #tpu.memory_space<semaphore_mem>>)
      %add3A_927 = arith.constant 3 : i32
      %add3A_928 = arith.addi %add3A_568, %add3A_927 : i32
      %dma_wait3A_929 = arith.constant 3 : i32
      %dma_wait3A_930 = arith.constant 3 : i32
      %dma_wait3A_931 = arith.constant 0 : i32
      %dma_wait3A_932 = arith.constant 0 : i32
      %dma_wait3A_933 = tpu.memref_slice %arg7[%dma_wait3A_929, %dma_wait3A_931, %dma_wait3A_932] : memref<8x128x64xf32, #tpu.memory_space<vmem>> -> memref<1x128x64xf32, #tpu.memory_space<vmem>>
      %dma_wait3A_934 = tpu.memref_squeeze %dma_wait3A_933 : memref<1x128x64xf32, #tpu.memory_space<vmem>> -> memref<128x64xf32, #tpu.memory_space<vmem>>
      %dma_wait3A_935 = arith.constant 0 : i32
      %dma_wait3A_936 = tpu.memref_slice %arg6[%add3A_928, %dma_wait3A_935] : memref<80x128xi32, #tpu.memory_space<vmem>> -> memref<1x128xi32, #tpu.memory_space<vmem>>
      %dma_wait3A_937 = tpu.memref_squeeze %dma_wait3A_936 : memref<1x128xi32, #tpu.memory_space<vmem>> -> memref<128xi32, #tpu.memory_space<vmem>>
      %dma_wait3A_938 = arith.constant 0 : i32
      %dma_wait3A_939 = arith.constant 0 : i32
      %dma_wait3A_940 = tpu.memref_slice %arg8[%dma_wait3A_938, %dma_wait3A_939] : memref<10112x64xf32, #tpu.memory_space<vmem_shared>> -> memref<10112x64xf32, #tpu.memory_space<vmem_shared>>
      %dma_wait3A_941 = tpu.memref_slice %arg10[%dma_wait3A_930] : memref<8x!tpu.dma_semaphore, #tpu.memory_space<semaphore_mem>> -> memref<1x!tpu.dma_semaphore, #tpu.memory_space<semaphore_mem>>
      %dma_wait3A_942 = tpu.memref_squeeze %dma_wait3A_941 : memref<1x!tpu.dma_semaphore, #tpu.memory_space<semaphore_mem>> -> memref<!tpu.dma_semaphore, #tpu.memory_space<semaphore_mem>>
      tpu.wait_indirect_dma semaphore(%dma_wait3A_942 : memref<!tpu.dma_semaphore, #tpu.memory_space<semaphore_mem>>) src(%dma_wait3A_934 : memref<128x64xf32, #tpu.memory_space<vmem>>) dst(%dma_wait3A_940 : memref<10112x64xf32, #tpu.memory_space<vmem_shared>>)
      %add3A_943 = arith.constant 3 : i32
      %add3A_944 = arith.addi %add3A_568, %add3A_943 : i32
      %add3A_945 = arith.constant 8 : i32
      %add3A_946 = arith.addi %add3A_944, %add3A_945 : i32
      %dma_start3A_947 = arith.constant 3 : i32
      %dma_start3A_948 = arith.constant 3 : i32
      %dma_start3A_949 = arith.constant 0 : i32
      %dma_start3A_950 = arith.constant 0 : i32
      %dma_start3A_951 = tpu.memref_slice %arg7[%dma_start3A_947, %dma_start3A_949, %dma_start3A_950] : memref<8x128x64xf32, #tpu.memory_space<vmem>> -> memref<1x128x64xf32, #tpu.memory_space<vmem>>
      %dma_start3A_952 = tpu.memref_squeeze %dma_start3A_951 : memref<1x128x64xf32, #tpu.memory_space<vmem>> -> memref<128x64xf32, #tpu.memory_space<vmem>>
      %dma_start3A_953 = arith.constant 0 : i32
      %dma_start3A_954 = tpu.memref_slice %arg5[%add3A_946, %dma_start3A_953] : memref<80x128xi32, #tpu.memory_space<vmem>> -> memref<1x128xi32, #tpu.memory_space<vmem>>
      %dma_start3A_955 = tpu.memref_squeeze %dma_start3A_954 : memref<1x128xi32, #tpu.memory_space<vmem>> -> memref<128xi32, #tpu.memory_space<vmem>>
      %dma_start3A_956 = arith.constant 0 : i32
      %dma_start3A_957 = arith.constant 0 : i32
      %dma_start3A_958 = tpu.memref_slice %arg2[%dma_start3A_956, %dma_start3A_957] : memref<10112x64xf32, #tpu.memory_space<hbm>> -> memref<10112x64xf32, #tpu.memory_space<hbm>>
      %dma_start3A_959 = tpu.memref_slice %arg9[%dma_start3A_948] : memref<8x!tpu.dma_semaphore, #tpu.memory_space<semaphore_mem>> -> memref<1x!tpu.dma_semaphore, #tpu.memory_space<semaphore_mem>>
      %dma_start3A_960 = tpu.memref_squeeze %dma_start3A_959 : memref<1x!tpu.dma_semaphore, #tpu.memory_space<semaphore_mem>> -> memref<!tpu.dma_semaphore, #tpu.memory_space<semaphore_mem>>
      tpu.enqueue_indirect_dma source(%dma_start3A_958 : memref<10112x64xf32, #tpu.memory_space<hbm>>) target(%dma_start3A_952 : memref<128x64xf32, #tpu.memory_space<vmem>>) offsets(%dma_start3A_955 : memref<128xi32, #tpu.memory_space<vmem>>) semaphore(%dma_start3A_960 : memref<!tpu.dma_semaphore, #tpu.memory_space<semaphore_mem>>)
      %add3A_961 = arith.constant 4 : i32
      %add3A_962 = arith.addi %add3A_568, %add3A_961 : i32
      %dma_wait3A_963 = arith.constant 4 : i32
      %dma_wait3A_964 = arith.constant 4 : i32
      %dma_wait3A_965 = arith.constant 0 : i32
      %dma_wait3A_966 = arith.constant 0 : i32
      %dma_wait3A_967 = tpu.memref_slice %arg7[%dma_wait3A_963, %dma_wait3A_965, %dma_wait3A_966] : memref<8x128x64xf32, #tpu.memory_space<vmem>> -> memref<1x128x64xf32, #tpu.memory_space<vmem>>
      %dma_wait3A_968 = tpu.memref_squeeze %dma_wait3A_967 : memref<1x128x64xf32, #tpu.memory_space<vmem>> -> memref<128x64xf32, #tpu.memory_space<vmem>>
      %dma_wait3A_969 = arith.constant 0 : i32
      %dma_wait3A_970 = tpu.memref_slice %arg6[%add3A_962, %dma_wait3A_969] : memref<80x128xi32, #tpu.memory_space<vmem>> -> memref<1x128xi32, #tpu.memory_space<vmem>>
      %dma_wait3A_971 = tpu.memref_squeeze %dma_wait3A_970 : memref<1x128xi32, #tpu.memory_space<vmem>> -> memref<128xi32, #tpu.memory_space<vmem>>
      %dma_wait3A_972 = arith.constant 0 : i32
      %dma_wait3A_973 = arith.constant 0 : i32
      %dma_wait3A_974 = tpu.memref_slice %arg8[%dma_wait3A_972, %dma_wait3A_973] : memref<10112x64xf32, #tpu.memory_space<vmem_shared>> -> memref<10112x64xf32, #tpu.memory_space<vmem_shared>>
      %dma_wait3A_975 = tpu.memref_slice %arg10[%dma_wait3A_964] : memref<8x!tpu.dma_semaphore, #tpu.memory_space<semaphore_mem>> -> memref<1x!tpu.dma_semaphore, #tpu.memory_space<semaphore_mem>>
      %dma_wait3A_976 = tpu.memref_squeeze %dma_wait3A_975 : memref<1x!tpu.dma_semaphore, #tpu.memory_space<semaphore_mem>> -> memref<!tpu.dma_semaphore, #tpu.memory_space<semaphore_mem>>
      tpu.wait_indirect_dma semaphore(%dma_wait3A_976 : memref<!tpu.dma_semaphore, #tpu.memory_space<semaphore_mem>>) src(%dma_wait3A_968 : memref<128x64xf32, #tpu.memory_space<vmem>>) dst(%dma_wait3A_974 : memref<10112x64xf32, #tpu.memory_space<vmem_shared>>)
      %add3A_977 = arith.constant 4 : i32
      %add3A_978 = arith.addi %add3A_568, %add3A_977 : i32
      %add3A_979 = arith.constant 8 : i32
      %add3A_980 = arith.addi %add3A_978, %add3A_979 : i32
      %dma_start3A_981 = arith.constant 4 : i32
      %dma_start3A_982 = arith.constant 4 : i32
      %dma_start3A_983 = arith.constant 0 : i32
      %dma_start3A_984 = arith.constant 0 : i32
      %dma_start3A_985 = tpu.memref_slice %arg7[%dma_start3A_981, %dma_start3A_983, %dma_start3A_984] : memref<8x128x64xf32, #tpu.memory_space<vmem>> -> memref<1x128x64xf32, #tpu.memory_space<vmem>>
      %dma_start3A_986 = tpu.memref_squeeze %dma_start3A_985 : memref<1x128x64xf32, #tpu.memory_space<vmem>> -> memref<128x64xf32, #tpu.memory_space<vmem>>
      %dma_start3A_987 = arith.constant 0 : i32
      %dma_start3A_988 = tpu.memref_slice %arg5[%add3A_980, %dma_start3A_987] : memref<80x128xi32, #tpu.memory_space<vmem>> -> memref<1x128xi32, #tpu.memory_space<vmem>>
      %dma_start3A_989 = tpu.memref_squeeze %dma_start3A_988 : memref<1x128xi32, #tpu.memory_space<vmem>> -> memref<128xi32, #tpu.memory_space<vmem>>
      %dma_start3A_990 = arith.constant 0 : i32
      %dma_start3A_991 = arith.constant 0 : i32
      %dma_start3A_992 = tpu.memref_slice %arg2[%dma_start3A_990, %dma_start3A_991] : memref<10112x64xf32, #tpu.memory_space<hbm>> -> memref<10112x64xf32, #tpu.memory_space<hbm>>
      %dma_start3A_993 = tpu.memref_slice %arg9[%dma_start3A_982] : memref<8x!tpu.dma_semaphore, #tpu.memory_space<semaphore_mem>> -> memref<1x!tpu.dma_semaphore, #tpu.memory_space<semaphore_mem>>
      %dma_start3A_994 = tpu.memref_squeeze %dma_start3A_993 : memref<1x!tpu.dma_semaphore, #tpu.memory_space<semaphore_mem>> -> memref<!tpu.dma_semaphore, #tpu.memory_space<semaphore_mem>>
      tpu.enqueue_indirect_dma source(%dma_start3A_992 : memref<10112x64xf32, #tpu.memory_space<hbm>>) target(%dma_start3A_986 : memref<128x64xf32, #tpu.memory_space<vmem>>) offsets(%dma_start3A_989 : memref<128xi32, #tpu.memory_space<vmem>>) semaphore(%dma_start3A_994 : memref<!tpu.dma_semaphore, #tpu.memory_space<semaphore_mem>>)
      %add3A_995 = arith.constant 5 : i32
      %add3A_996 = arith.addi %add3A_568, %add3A_995 : i32
      %dma_wait3A_997 = arith.constant 5 : i32
      %dma_wait3A_998 = arith.constant 5 : i32
      %dma_wait3A_999 = arith.constant 0 : i32
      %dma_wait3A_1000 = arith.constant 0 : i32
      %dma_wait3A_1001 = tpu.memref_slice %arg7[%dma_wait3A_997, %dma_wait3A_999, %dma_wait3A_1000] : memref<8x128x64xf32, #tpu.memory_space<vmem>> -> memref<1x128x64xf32, #tpu.memory_space<vmem>>
      %dma_wait3A_1002 = tpu.memref_squeeze %dma_wait3A_1001 : memref<1x128x64xf32, #tpu.memory_space<vmem>> -> memref<128x64xf32, #tpu.memory_space<vmem>>
      %dma_wait3A_1003 = arith.constant 0 : i32
      %dma_wait3A_1004 = tpu.memref_slice %arg6[%add3A_996, %dma_wait3A_1003] : memref<80x128xi32, #tpu.memory_space<vmem>> -> memref<1x128xi32, #tpu.memory_space<vmem>>
      %dma_wait3A_1005 = tpu.memref_squeeze %dma_wait3A_1004 : memref<1x128xi32, #tpu.memory_space<vmem>> -> memref<128xi32, #tpu.memory_space<vmem>>
      %dma_wait3A_1006 = arith.constant 0 : i32
      %dma_wait3A_1007 = arith.constant 0 : i32
      %dma_wait3A_1008 = tpu.memref_slice %arg8[%dma_wait3A_1006, %dma_wait3A_1007] : memref<10112x64xf32, #tpu.memory_space<vmem_shared>> -> memref<10112x64xf32, #tpu.memory_space<vmem_shared>>
      %dma_wait3A_1009 = tpu.memref_slice %arg10[%dma_wait3A_998] : memref<8x!tpu.dma_semaphore, #tpu.memory_space<semaphore_mem>> -> memref<1x!tpu.dma_semaphore, #tpu.memory_space<semaphore_mem>>
      %dma_wait3A_1010 = tpu.memref_squeeze %dma_wait3A_1009 : memref<1x!tpu.dma_semaphore, #tpu.memory_space<semaphore_mem>> -> memref<!tpu.dma_semaphore, #tpu.memory_space<semaphore_mem>>
      tpu.wait_indirect_dma semaphore(%dma_wait3A_1010 : memref<!tpu.dma_semaphore, #tpu.memory_space<semaphore_mem>>) src(%dma_wait3A_1002 : memref<128x64xf32, #tpu.memory_space<vmem>>) dst(%dma_wait3A_1008 : memref<10112x64xf32, #tpu.memory_space<vmem_shared>>)
      %add3A_1011 = arith.constant 5 : i32
      %add3A_1012 = arith.addi %add3A_568, %add3A_1011 : i32
      %add3A_1013 = arith.constant 8 : i32
      %add3A_1014 = arith.addi %add3A_1012, %add3A_1013 : i32
      %dma_start3A_1015 = arith.constant 5 : i32
      %dma_start3A_1016 = arith.constant 5 : i32
      %dma_start3A_1017 = arith.constant 0 : i32
      %dma_start3A_1018 = arith.constant 0 : i32
      %dma_start3A_1019 = tpu.memref_slice %arg7[%dma_start3A_1015, %dma_start3A_1017, %dma_start3A_1018] : memref<8x128x64xf32, #tpu.memory_space<vmem>> -> memref<1x128x64xf32, #tpu.memory_space<vmem>>
      %dma_start3A_1020 = tpu.memref_squeeze %dma_start3A_1019 : memref<1x128x64xf32, #tpu.memory_space<vmem>> -> memref<128x64xf32, #tpu.memory_space<vmem>>
      %dma_start3A_1021 = arith.constant 0 : i32
      %dma_start3A_1022 = tpu.memref_slice %arg5[%add3A_1014, %dma_start3A_1021] : memref<80x128xi32, #tpu.memory_space<vmem>> -> memref<1x128xi32, #tpu.memory_space<vmem>>
      %dma_start3A_1023 = tpu.memref_squeeze %dma_start3A_1022 : memref<1x128xi32, #tpu.memory_space<vmem>> -> memref<128xi32, #tpu.memory_space<vmem>>
      %dma_start3A_1024 = arith.constant 0 : i32
      %dma_start3A_1025 = arith.constant 0 : i32
      %dma_start3A_1026 = tpu.memref_slice %arg2[%dma_start3A_1024, %dma_start3A_1025] : memref<10112x64xf32, #tpu.memory_space<hbm>> -> memref<10112x64xf32, #tpu.memory_space<hbm>>
      %dma_start3A_1027 = tpu.memref_slice %arg9[%dma_start3A_1016] : memref<8x!tpu.dma_semaphore, #tpu.memory_space<semaphore_mem>> -> memref<1x!tpu.dma_semaphore, #tpu.memory_space<semaphore_mem>>
      %dma_start3A_1028 = tpu.memref_squeeze %dma_start3A_1027 : memref<1x!tpu.dma_semaphore, #tpu.memory_space<semaphore_mem>> -> memref<!tpu.dma_semaphore, #tpu.memory_space<semaphore_mem>>
      tpu.enqueue_indirect_dma source(%dma_start3A_1026 : memref<10112x64xf32, #tpu.memory_space<hbm>>) target(%dma_start3A_1020 : memref<128x64xf32, #tpu.memory_space<vmem>>) offsets(%dma_start3A_1023 : memref<128xi32, #tpu.memory_space<vmem>>) semaphore(%dma_start3A_1028 : memref<!tpu.dma_semaphore, #tpu.memory_space<semaphore_mem>>)
      %add3A_1029 = arith.constant 6 : i32
      %add3A_1030 = arith.addi %add3A_568, %add3A_1029 : i32
      %dma_wait3A_1031 = arith.constant 6 : i32
      %dma_wait3A_1032 = arith.constant 6 : i32
      %dma_wait3A_1033 = arith.constant 0 : i32
      %dma_wait3A_1034 = arith.constant 0 : i32
      %dma_wait3A_1035 = tpu.memref_slice %arg7[%dma_wait3A_1031, %dma_wait3A_1033, %dma_wait3A_1034] : memref<8x128x64xf32, #tpu.memory_space<vmem>> -> memref<1x128x64xf32, #tpu.memory_space<vmem>>
      %dma_wait3A_1036 = tpu.memref_squeeze %dma_wait3A_1035 : memref<1x128x64xf32, #tpu.memory_space<vmem>> -> memref<128x64xf32, #tpu.memory_space<vmem>>
      %dma_wait3A_1037 = arith.constant 0 : i32
      %dma_wait3A_1038 = tpu.memref_slice %arg6[%add3A_1030, %dma_wait3A_1037] : memref<80x128xi32, #tpu.memory_space<vmem>> -> memref<1x128xi32, #tpu.memory_space<vmem>>
      %dma_wait3A_1039 = tpu.memref_squeeze %dma_wait3A_1038 : memref<1x128xi32, #tpu.memory_space<vmem>> -> memref<128xi32, #tpu.memory_space<vmem>>
      %dma_wait3A_1040 = arith.constant 0 : i32
      %dma_wait3A_1041 = arith.constant 0 : i32
      %dma_wait3A_1042 = tpu.memref_slice %arg8[%dma_wait3A_1040, %dma_wait3A_1041] : memref<10112x64xf32, #tpu.memory_space<vmem_shared>> -> memref<10112x64xf32, #tpu.memory_space<vmem_shared>>
      %dma_wait3A_1043 = tpu.memref_slice %arg10[%dma_wait3A_1032] : memref<8x!tpu.dma_semaphore, #tpu.memory_space<semaphore_mem>> -> memref<1x!tpu.dma_semaphore, #tpu.memory_space<semaphore_mem>>
      %dma_wait3A_1044 = tpu.memref_squeeze %dma_wait3A_1043 : memref<1x!tpu.dma_semaphore, #tpu.memory_space<semaphore_mem>> -> memref<!tpu.dma_semaphore, #tpu.memory_space<semaphore_mem>>
      tpu.wait_indirect_dma semaphore(%dma_wait3A_1044 : memref<!tpu.dma_semaphore, #tpu.memory_space<semaphore_mem>>) src(%dma_wait3A_1036 : memref<128x64xf32, #tpu.memory_space<vmem>>) dst(%dma_wait3A_1042 : memref<10112x64xf32, #tpu.memory_space<vmem_shared>>)
      %add3A_1045 = arith.constant 6 : i32
      %add3A_1046 = arith.addi %add3A_568, %add3A_1045 : i32
      %add3A_1047 = arith.constant 8 : i32
      %add3A_1048 = arith.addi %add3A_1046, %add3A_1047 : i32
      %dma_start3A_1049 = arith.constant 6 : i32
      %dma_start3A_1050 = arith.constant 6 : i32
      %dma_start3A_1051 = arith.constant 0 : i32
      %dma_start3A_1052 = arith.constant 0 : i32
      %dma_start3A_1053 = tpu.memref_slice %arg7[%dma_start3A_1049, %dma_start3A_1051, %dma_start3A_1052] : memref<8x128x64xf32, #tpu.memory_space<vmem>> -> memref<1x128x64xf32, #tpu.memory_space<vmem>>
      %dma_start3A_1054 = tpu.memref_squeeze %dma_start3A_1053 : memref<1x128x64xf32, #tpu.memory_space<vmem>> -> memref<128x64xf32, #tpu.memory_space<vmem>>
      %dma_start3A_1055 = arith.constant 0 : i32
      %dma_start3A_1056 = tpu.memref_slice %arg5[%add3A_1048, %dma_start3A_1055] : memref<80x128xi32, #tpu.memory_space<vmem>> -> memref<1x128xi32, #tpu.memory_space<vmem>>
      %dma_start3A_1057 = tpu.memref_squeeze %dma_start3A_1056 : memref<1x128xi32, #tpu.memory_space<vmem>> -> memref<128xi32, #tpu.memory_space<vmem>>
      %dma_start3A_1058 = arith.constant 0 : i32
      %dma_start3A_1059 = arith.constant 0 : i32
      %dma_start3A_1060 = tpu.memref_slice %arg2[%dma_start3A_1058, %dma_start3A_1059] : memref<10112x64xf32, #tpu.memory_space<hbm>> -> memref<10112x64xf32, #tpu.memory_space<hbm>>
      %dma_start3A_1061 = tpu.memref_slice %arg9[%dma_start3A_1050] : memref<8x!tpu.dma_semaphore, #tpu.memory_space<semaphore_mem>> -> memref<1x!tpu.dma_semaphore, #tpu.memory_space<semaphore_mem>>
      %dma_start3A_1062 = tpu.memref_squeeze %dma_start3A_1061 : memref<1x!tpu.dma_semaphore, #tpu.memory_space<semaphore_mem>> -> memref<!tpu.dma_semaphore, #tpu.memory_space<semaphore_mem>>
      tpu.enqueue_indirect_dma source(%dma_start3A_1060 : memref<10112x64xf32, #tpu.memory_space<hbm>>) target(%dma_start3A_1054 : memref<128x64xf32, #tpu.memory_space<vmem>>) offsets(%dma_start3A_1057 : memref<128xi32, #tpu.memory_space<vmem>>) semaphore(%dma_start3A_1062 : memref<!tpu.dma_semaphore, #tpu.memory_space<semaphore_mem>>)
      %add3A_1063 = arith.constant 7 : i32
      %add3A_1064 = arith.addi %add3A_568, %add3A_1063 : i32
      %dma_wait3A_1065 = arith.constant 7 : i32
      %dma_wait3A_1066 = arith.constant 7 : i32
      %dma_wait3A_1067 = arith.constant 0 : i32
      %dma_wait3A_1068 = arith.constant 0 : i32
      %dma_wait3A_1069 = tpu.memref_slice %arg7[%dma_wait3A_1065, %dma_wait3A_1067, %dma_wait3A_1068] : memref<8x128x64xf32, #tpu.memory_space<vmem>> -> memref<1x128x64xf32, #tpu.memory_space<vmem>>
      %dma_wait3A_1070 = tpu.memref_squeeze %dma_wait3A_1069 : memref<1x128x64xf32, #tpu.memory_space<vmem>> -> memref<128x64xf32, #tpu.memory_space<vmem>>
      %dma_wait3A_1071 = arith.constant 0 : i32
      %dma_wait3A_1072 = tpu.memref_slice %arg6[%add3A_1064, %dma_wait3A_1071] : memref<80x128xi32, #tpu.memory_space<vmem>> -> memref<1x128xi32, #tpu.memory_space<vmem>>
      %dma_wait3A_1073 = tpu.memref_squeeze %dma_wait3A_1072 : memref<1x128xi32, #tpu.memory_space<vmem>> -> memref<128xi32, #tpu.memory_space<vmem>>
      %dma_wait3A_1074 = arith.constant 0 : i32
      %dma_wait3A_1075 = arith.constant 0 : i32
      %dma_wait3A_1076 = tpu.memref_slice %arg8[%dma_wait3A_1074, %dma_wait3A_1075] : memref<10112x64xf32, #tpu.memory_space<vmem_shared>> -> memref<10112x64xf32, #tpu.memory_space<vmem_shared>>
      %dma_wait3A_1077 = tpu.memref_slice %arg10[%dma_wait3A_1066] : memref<8x!tpu.dma_semaphore, #tpu.memory_space<semaphore_mem>> -> memref<1x!tpu.dma_semaphore, #tpu.memory_space<semaphore_mem>>
      %dma_wait3A_1078 = tpu.memref_squeeze %dma_wait3A_1077 : memref<1x!tpu.dma_semaphore, #tpu.memory_space<semaphore_mem>> -> memref<!tpu.dma_semaphore, #tpu.memory_space<semaphore_mem>>
      tpu.wait_indirect_dma semaphore(%dma_wait3A_1078 : memref<!tpu.dma_semaphore, #tpu.memory_space<semaphore_mem>>) src(%dma_wait3A_1070 : memref<128x64xf32, #tpu.memory_space<vmem>>) dst(%dma_wait3A_1076 : memref<10112x64xf32, #tpu.memory_space<vmem_shared>>)
      %add3A_1079 = arith.constant 7 : i32
      %add3A_1080 = arith.addi %add3A_568, %add3A_1079 : i32
      %add3A_1081 = arith.constant 8 : i32
      %add3A_1082 = arith.addi %add3A_1080, %add3A_1081 : i32
      %dma_start3A_1083 = arith.constant 7 : i32
      %dma_start3A_1084 = arith.constant 7 : i32
      %dma_start3A_1085 = arith.constant 0 : i32
      %dma_start3A_1086 = arith.constant 0 : i32
      %dma_start3A_1087 = tpu.memref_slice %arg7[%dma_start3A_1083, %dma_start3A_1085, %dma_start3A_1086] : memref<8x128x64xf32, #tpu.memory_space<vmem>> -> memref<1x128x64xf32, #tpu.memory_space<vmem>>
      %dma_start3A_1088 = tpu.memref_squeeze %dma_start3A_1087 : memref<1x128x64xf32, #tpu.memory_space<vmem>> -> memref<128x64xf32, #tpu.memory_space<vmem>>
      %dma_start3A_1089 = arith.constant 0 : i32
      %dma_start3A_1090 = tpu.memref_slice %arg5[%add3A_1082, %dma_start3A_1089] : memref<80x128xi32, #tpu.memory_space<vmem>> -> memref<1x128xi32, #tpu.memory_space<vmem>>
      %dma_start3A_1091 = tpu.memref_squeeze %dma_start3A_1090 : memref<1x128xi32, #tpu.memory_space<vmem>> -> memref<128xi32, #tpu.memory_space<vmem>>
      %dma_start3A_1092 = arith.constant 0 : i32
      %dma_start3A_1093 = arith.constant 0 : i32
      %dma_start3A_1094 = tpu.memref_slice %arg2[%dma_start3A_1092, %dma_start3A_1093] : memref<10112x64xf32, #tpu.memory_space<hbm>> -> memref<10112x64xf32, #tpu.memory_space<hbm>>
      %dma_start3A_1095 = tpu.memref_slice %arg9[%dma_start3A_1084] : memref<8x!tpu.dma_semaphore, #tpu.memory_space<semaphore_mem>> -> memref<1x!tpu.dma_semaphore, #tpu.memory_space<semaphore_mem>>
      %dma_start3A_1096 = tpu.memref_squeeze %dma_start3A_1095 : memref<1x!tpu.dma_semaphore, #tpu.memory_space<semaphore_mem>> -> memref<!tpu.dma_semaphore, #tpu.memory_space<semaphore_mem>>
      tpu.enqueue_indirect_dma source(%dma_start3A_1094 : memref<10112x64xf32, #tpu.memory_space<hbm>>) target(%dma_start3A_1088 : memref<128x64xf32, #tpu.memory_space<vmem>>) offsets(%dma_start3A_1091 : memref<128xi32, #tpu.memory_space<vmem>>) semaphore(%dma_start3A_1096 : memref<!tpu.dma_semaphore, #tpu.memory_space<semaphore_mem>>)
    }
    %scan3A_202 = arith.constant 9 : i32
    %dma_wait3A_203 = arith.constant 72 : i32
    %dma_wait3A_204 = arith.constant 0 : i32
    %dma_wait3A_205 = arith.constant 0 : i32
    %dma_wait3A_206 = arith.constant 0 : i32
    %dma_wait3A_207 = arith.constant 0 : i32
    %dma_wait3A_208 = tpu.memref_slice %arg7[%dma_wait3A_204, %dma_wait3A_206, %dma_wait3A_207] : memref<8x128x64xf32, #tpu.memory_space<vmem>> -> memref<1x128x64xf32, #tpu.memory_space<vmem>>
    %dma_wait3A_209 = tpu.memref_squeeze %dma_wait3A_208 : memref<1x128x64xf32, #tpu.memory_space<vmem>> -> memref<128x64xf32, #tpu.memory_space<vmem>>
    %dma_wait3A_210 = arith.constant 0 : i32
    %dma_wait3A_211 = tpu.memref_slice %arg5[%dma_wait3A_203, %dma_wait3A_210] : memref<80x128xi32, #tpu.memory_space<vmem>> -> memref<1x128xi32, #tpu.memory_space<vmem>>
    %dma_wait3A_212 = tpu.memref_squeeze %dma_wait3A_211 : memref<1x128xi32, #tpu.memory_space<vmem>> -> memref<128xi32, #tpu.memory_space<vmem>>
    %dma_wait3A_213 = arith.constant 0 : i32
    %dma_wait3A_214 = arith.constant 0 : i32
    %dma_wait3A_215 = tpu.memref_slice %arg2[%dma_wait3A_213, %dma_wait3A_214] : memref<10112x64xf32, #tpu.memory_space<hbm>> -> memref<10112x64xf32, #tpu.memory_space<hbm>>
    %dma_wait3A_216 = tpu.memref_slice %arg9[%dma_wait3A_205] : memref<8x!tpu.dma_semaphore, #tpu.memory_space<semaphore_mem>> -> memref<1x!tpu.dma_semaphore, #tpu.memory_space<semaphore_mem>>
    %dma_wait3A_217 = tpu.memref_squeeze %dma_wait3A_216 : memref<1x!tpu.dma_semaphore, #tpu.memory_space<semaphore_mem>> -> memref<!tpu.dma_semaphore, #tpu.memory_space<semaphore_mem>>
    tpu.wait_indirect_dma semaphore(%dma_wait3A_217 : memref<!tpu.dma_semaphore, #tpu.memory_space<semaphore_mem>>) src(%dma_wait3A_215 : memref<10112x64xf32, #tpu.memory_space<hbm>>) dst(%dma_wait3A_209 : memref<128x64xf32, #tpu.memory_space<vmem>>)
    %dma_start3A_218 = arith.constant 0 : i32
    %dma_start3A_219 = arith.constant 72 : i32
    %dma_start3A_220 = arith.constant 0 : i32
    %dma_start3A_221 = arith.constant 0 : i32
    %dma_start3A_222 = arith.constant 0 : i32
    %dma_start3A_223 = tpu.memref_slice %arg7[%dma_start3A_218, %dma_start3A_221, %dma_start3A_222] : memref<8x128x64xf32, #tpu.memory_space<vmem>> -> memref<1x128x64xf32, #tpu.memory_space<vmem>>
    %dma_start3A_224 = tpu.memref_squeeze %dma_start3A_223 : memref<1x128x64xf32, #tpu.memory_space<vmem>> -> memref<128x64xf32, #tpu.memory_space<vmem>>
    %dma_start3A_225 = arith.constant 0 : i32
    %dma_start3A_226 = tpu.memref_slice %arg6[%dma_start3A_219, %dma_start3A_225] : memref<80x128xi32, #tpu.memory_space<vmem>> -> memref<1x128xi32, #tpu.memory_space<vmem>>
    %dma_start3A_227 = tpu.memref_squeeze %dma_start3A_226 : memref<1x128xi32, #tpu.memory_space<vmem>> -> memref<128xi32, #tpu.memory_space<vmem>>
    %dma_start3A_228 = arith.constant 0 : i32
    %dma_start3A_229 = arith.constant 0 : i32
    %dma_start3A_230 = tpu.memref_slice %arg8[%dma_start3A_228, %dma_start3A_229] : memref<10112x64xf32, #tpu.memory_space<vmem_shared>> -> memref<10112x64xf32, #tpu.memory_space<vmem_shared>>
    %dma_start3A_231 = tpu.memref_slice %arg10[%dma_start3A_220] : memref<8x!tpu.dma_semaphore, #tpu.memory_space<semaphore_mem>> -> memref<1x!tpu.dma_semaphore, #tpu.memory_space<semaphore_mem>>
    %dma_start3A_232 = tpu.memref_squeeze %dma_start3A_231 : memref<1x!tpu.dma_semaphore, #tpu.memory_space<semaphore_mem>> -> memref<!tpu.dma_semaphore, #tpu.memory_space<semaphore_mem>>
    tpu.enqueue_indirect_dma source(%dma_start3A_224 : memref<128x64xf32, #tpu.memory_space<vmem>>) target(%dma_start3A_230 : memref<10112x64xf32, #tpu.memory_space<vmem_shared>>) offsets(%dma_start3A_227 : memref<128xi32, #tpu.memory_space<vmem>>) semaphore(%dma_start3A_232 : memref<!tpu.dma_semaphore, #tpu.memory_space<semaphore_mem>>) {add = true}
    %dma_wait3A_233 = arith.constant 73 : i32
    %dma_wait3A_234 = arith.constant 1 : i32
    %dma_wait3A_235 = arith.constant 1 : i32
    %dma_wait3A_236 = arith.constant 0 : i32
    %dma_wait3A_237 = arith.constant 0 : i32
    %dma_wait3A_238 = tpu.memref_slice %arg7[%dma_wait3A_234, %dma_wait3A_236, %dma_wait3A_237] : memref<8x128x64xf32, #tpu.memory_space<vmem>> -> memref<1x128x64xf32, #tpu.memory_space<vmem>>
    %dma_wait3A_239 = tpu.memref_squeeze %dma_wait3A_238 : memref<1x128x64xf32, #tpu.memory_space<vmem>> -> memref<128x64xf32, #tpu.memory_space<vmem>>
    %dma_wait3A_240 = arith.constant 0 : i32
    %dma_wait3A_241 = tpu.memref_slice %arg5[%dma_wait3A_233, %dma_wait3A_240] : memref<80x128xi32, #tpu.memory_space<vmem>> -> memref<1x128xi32, #tpu.memory_space<vmem>>
    %dma_wait3A_242 = tpu.memref_squeeze %dma_wait3A_241 : memref<1x128xi32, #tpu.memory_space<vmem>> -> memref<128xi32, #tpu.memory_space<vmem>>
    %dma_wait3A_243 = arith.constant 0 : i32
    %dma_wait3A_244 = arith.constant 0 : i32
    %dma_wait3A_245 = tpu.memref_slice %arg2[%dma_wait3A_243, %dma_wait3A_244] : memref<10112x64xf32, #tpu.memory_space<hbm>> -> memref<10112x64xf32, #tpu.memory_space<hbm>>
    %dma_wait3A_246 = tpu.memref_slice %arg9[%dma_wait3A_235] : memref<8x!tpu.dma_semaphore, #tpu.memory_space<semaphore_mem>> -> memref<1x!tpu.dma_semaphore, #tpu.memory_space<semaphore_mem>>
    %dma_wait3A_247 = tpu.memref_squeeze %dma_wait3A_246 : memref<1x!tpu.dma_semaphore, #tpu.memory_space<semaphore_mem>> -> memref<!tpu.dma_semaphore, #tpu.memory_space<semaphore_mem>>
    tpu.wait_indirect_dma semaphore(%dma_wait3A_247 : memref<!tpu.dma_semaphore, #tpu.memory_space<semaphore_mem>>) src(%dma_wait3A_245 : memref<10112x64xf32, #tpu.memory_space<hbm>>) dst(%dma_wait3A_239 : memref<128x64xf32, #tpu.memory_space<vmem>>)
    %dma_start3A_248 = arith.constant 1 : i32
    %dma_start3A_249 = arith.constant 73 : i32
    %dma_start3A_250 = arith.constant 1 : i32
    %dma_start3A_251 = arith.constant 0 : i32
    %dma_start3A_252 = arith.constant 0 : i32
    %dma_start3A_253 = tpu.memref_slice %arg7[%dma_start3A_248, %dma_start3A_251, %dma_start3A_252] : memref<8x128x64xf32, #tpu.memory_space<vmem>> -> memref<1x128x64xf32, #tpu.memory_space<vmem>>
    %dma_start3A_254 = tpu.memref_squeeze %dma_start3A_253 : memref<1x128x64xf32, #tpu.memory_space<vmem>> -> memref<128x64xf32, #tpu.memory_space<vmem>>
    %dma_start3A_255 = arith.constant 0 : i32
    %dma_start3A_256 = tpu.memref_slice %arg6[%dma_start3A_249, %dma_start3A_255] : memref<80x128xi32, #tpu.memory_space<vmem>> -> memref<1x128xi32, #tpu.memory_space<vmem>>
    %dma_start3A_257 = tpu.memref_squeeze %dma_start3A_256 : memref<1x128xi32, #tpu.memory_space<vmem>> -> memref<128xi32, #tpu.memory_space<vmem>>
    %dma_start3A_258 = arith.constant 0 : i32
    %dma_start3A_259 = arith.constant 0 : i32
    %dma_start3A_260 = tpu.memref_slice %arg8[%dma_start3A_258, %dma_start3A_259] : memref<10112x64xf32, #tpu.memory_space<vmem_shared>> -> memref<10112x64xf32, #tpu.memory_space<vmem_shared>>
    %dma_start3A_261 = tpu.memref_slice %arg10[%dma_start3A_250] : memref<8x!tpu.dma_semaphore, #tpu.memory_space<semaphore_mem>> -> memref<1x!tpu.dma_semaphore, #tpu.memory_space<semaphore_mem>>
    %dma_start3A_262 = tpu.memref_squeeze %dma_start3A_261 : memref<1x!tpu.dma_semaphore, #tpu.memory_space<semaphore_mem>> -> memref<!tpu.dma_semaphore, #tpu.memory_space<semaphore_mem>>
    tpu.enqueue_indirect_dma source(%dma_start3A_254 : memref<128x64xf32, #tpu.memory_space<vmem>>) target(%dma_start3A_260 : memref<10112x64xf32, #tpu.memory_space<vmem_shared>>) offsets(%dma_start3A_257 : memref<128xi32, #tpu.memory_space<vmem>>) semaphore(%dma_start3A_262 : memref<!tpu.dma_semaphore, #tpu.memory_space<semaphore_mem>>) {add = true}
    %dma_wait3A_263 = arith.constant 74 : i32
    %dma_wait3A_264 = arith.constant 2 : i32
    %dma_wait3A_265 = arith.constant 2 : i32
    %dma_wait3A_266 = arith.constant 0 : i32
    %dma_wait3A_267 = arith.constant 0 : i32
    %dma_wait3A_268 = tpu.memref_slice %arg7[%dma_wait3A_264, %dma_wait3A_266, %dma_wait3A_267] : memref<8x128x64xf32, #tpu.memory_space<vmem>> -> memref<1x128x64xf32, #tpu.memory_space<vmem>>
    %dma_wait3A_269 = tpu.memref_squeeze %dma_wait3A_268 : memref<1x128x64xf32, #tpu.memory_space<vmem>> -> memref<128x64xf32, #tpu.memory_space<vmem>>
    %dma_wait3A_270 = arith.constant 0 : i32
    %dma_wait3A_271 = tpu.memref_slice %arg5[%dma_wait3A_263, %dma_wait3A_270] : memref<80x128xi32, #tpu.memory_space<vmem>> -> memref<1x128xi32, #tpu.memory_space<vmem>>
    %dma_wait3A_272 = tpu.memref_squeeze %dma_wait3A_271 : memref<1x128xi32, #tpu.memory_space<vmem>> -> memref<128xi32, #tpu.memory_space<vmem>>
    %dma_wait3A_273 = arith.constant 0 : i32
    %dma_wait3A_274 = arith.constant 0 : i32
    %dma_wait3A_275 = tpu.memref_slice %arg2[%dma_wait3A_273, %dma_wait3A_274] : memref<10112x64xf32, #tpu.memory_space<hbm>> -> memref<10112x64xf32, #tpu.memory_space<hbm>>
    %dma_wait3A_276 = tpu.memref_slice %arg9[%dma_wait3A_265] : memref<8x!tpu.dma_semaphore, #tpu.memory_space<semaphore_mem>> -> memref<1x!tpu.dma_semaphore, #tpu.memory_space<semaphore_mem>>
    %dma_wait3A_277 = tpu.memref_squeeze %dma_wait3A_276 : memref<1x!tpu.dma_semaphore, #tpu.memory_space<semaphore_mem>> -> memref<!tpu.dma_semaphore, #tpu.memory_space<semaphore_mem>>
    tpu.wait_indirect_dma semaphore(%dma_wait3A_277 : memref<!tpu.dma_semaphore, #tpu.memory_space<semaphore_mem>>) src(%dma_wait3A_275 : memref<10112x64xf32, #tpu.memory_space<hbm>>) dst(%dma_wait3A_269 : memref<128x64xf32, #tpu.memory_space<vmem>>)
    %dma_start3A_278 = arith.constant 2 : i32
    %dma_start3A_279 = arith.constant 74 : i32
    %dma_start3A_280 = arith.constant 2 : i32
    %dma_start3A_281 = arith.constant 0 : i32
    %dma_start3A_282 = arith.constant 0 : i32
    %dma_start3A_283 = tpu.memref_slice %arg7[%dma_start3A_278, %dma_start3A_281, %dma_start3A_282] : memref<8x128x64xf32, #tpu.memory_space<vmem>> -> memref<1x128x64xf32, #tpu.memory_space<vmem>>
    %dma_start3A_284 = tpu.memref_squeeze %dma_start3A_283 : memref<1x128x64xf32, #tpu.memory_space<vmem>> -> memref<128x64xf32, #tpu.memory_space<vmem>>
    %dma_start3A_285 = arith.constant 0 : i32
    %dma_start3A_286 = tpu.memref_slice %arg6[%dma_start3A_279, %dma_start3A_285] : memref<80x128xi32, #tpu.memory_space<vmem>> -> memref<1x128xi32, #tpu.memory_space<vmem>>
    %dma_start3A_287 = tpu.memref_squeeze %dma_start3A_286 : memref<1x128xi32, #tpu.memory_space<vmem>> -> memref<128xi32, #tpu.memory_space<vmem>>
    %dma_start3A_288 = arith.constant 0 : i32
    %dma_start3A_289 = arith.constant 0 : i32
    %dma_start3A_290 = tpu.memref_slice %arg8[%dma_start3A_288, %dma_start3A_289] : memref<10112x64xf32, #tpu.memory_space<vmem_shared>> -> memref<10112x64xf32, #tpu.memory_space<vmem_shared>>
    %dma_start3A_291 = tpu.memref_slice %arg10[%dma_start3A_280] : memref<8x!tpu.dma_semaphore, #tpu.memory_space<semaphore_mem>> -> memref<1x!tpu.dma_semaphore, #tpu.memory_space<semaphore_mem>>
    %dma_start3A_292 = tpu.memref_squeeze %dma_start3A_291 : memref<1x!tpu.dma_semaphore, #tpu.memory_space<semaphore_mem>> -> memref<!tpu.dma_semaphore, #tpu.memory_space<semaphore_mem>>
    tpu.enqueue_indirect_dma source(%dma_start3A_284 : memref<128x64xf32, #tpu.memory_space<vmem>>) target(%dma_start3A_290 : memref<10112x64xf32, #tpu.memory_space<vmem_shared>>) offsets(%dma_start3A_287 : memref<128xi32, #tpu.memory_space<vmem>>) semaphore(%dma_start3A_292 : memref<!tpu.dma_semaphore, #tpu.memory_space<semaphore_mem>>) {add = true}
    %dma_wait3A_293 = arith.constant 75 : i32
    %dma_wait3A_294 = arith.constant 3 : i32
    %dma_wait3A_295 = arith.constant 3 : i32
    %dma_wait3A_296 = arith.constant 0 : i32
    %dma_wait3A_297 = arith.constant 0 : i32
    %dma_wait3A_298 = tpu.memref_slice %arg7[%dma_wait3A_294, %dma_wait3A_296, %dma_wait3A_297] : memref<8x128x64xf32, #tpu.memory_space<vmem>> -> memref<1x128x64xf32, #tpu.memory_space<vmem>>
    %dma_wait3A_299 = tpu.memref_squeeze %dma_wait3A_298 : memref<1x128x64xf32, #tpu.memory_space<vmem>> -> memref<128x64xf32, #tpu.memory_space<vmem>>
    %dma_wait3A_300 = arith.constant 0 : i32
    %dma_wait3A_301 = tpu.memref_slice %arg5[%dma_wait3A_293, %dma_wait3A_300] : memref<80x128xi32, #tpu.memory_space<vmem>> -> memref<1x128xi32, #tpu.memory_space<vmem>>
    %dma_wait3A_302 = tpu.memref_squeeze %dma_wait3A_301 : memref<1x128xi32, #tpu.memory_space<vmem>> -> memref<128xi32, #tpu.memory_space<vmem>>
    %dma_wait3A_303 = arith.constant 0 : i32
    %dma_wait3A_304 = arith.constant 0 : i32
    %dma_wait3A_305 = tpu.memref_slice %arg2[%dma_wait3A_303, %dma_wait3A_304] : memref<10112x64xf32, #tpu.memory_space<hbm>> -> memref<10112x64xf32, #tpu.memory_space<hbm>>
    %dma_wait3A_306 = tpu.memref_slice %arg9[%dma_wait3A_295] : memref<8x!tpu.dma_semaphore, #tpu.memory_space<semaphore_mem>> -> memref<1x!tpu.dma_semaphore, #tpu.memory_space<semaphore_mem>>
    %dma_wait3A_307 = tpu.memref_squeeze %dma_wait3A_306 : memref<1x!tpu.dma_semaphore, #tpu.memory_space<semaphore_mem>> -> memref<!tpu.dma_semaphore, #tpu.memory_space<semaphore_mem>>
    tpu.wait_indirect_dma semaphore(%dma_wait3A_307 : memref<!tpu.dma_semaphore, #tpu.memory_space<semaphore_mem>>) src(%dma_wait3A_305 : memref<10112x64xf32, #tpu.memory_space<hbm>>) dst(%dma_wait3A_299 : memref<128x64xf32, #tpu.memory_space<vmem>>)
    %dma_start3A_308 = arith.constant 3 : i32
    %dma_start3A_309 = arith.constant 75 : i32
    %dma_start3A_310 = arith.constant 3 : i32
    %dma_start3A_311 = arith.constant 0 : i32
    %dma_start3A_312 = arith.constant 0 : i32
    %dma_start3A_313 = tpu.memref_slice %arg7[%dma_start3A_308, %dma_start3A_311, %dma_start3A_312] : memref<8x128x64xf32, #tpu.memory_space<vmem>> -> memref<1x128x64xf32, #tpu.memory_space<vmem>>
    %dma_start3A_314 = tpu.memref_squeeze %dma_start3A_313 : memref<1x128x64xf32, #tpu.memory_space<vmem>> -> memref<128x64xf32, #tpu.memory_space<vmem>>
    %dma_start3A_315 = arith.constant 0 : i32
    %dma_start3A_316 = tpu.memref_slice %arg6[%dma_start3A_309, %dma_start3A_315] : memref<80x128xi32, #tpu.memory_space<vmem>> -> memref<1x128xi32, #tpu.memory_space<vmem>>
    %dma_start3A_317 = tpu.memref_squeeze %dma_start3A_316 : memref<1x128xi32, #tpu.memory_space<vmem>> -> memref<128xi32, #tpu.memory_space<vmem>>
    %dma_start3A_318 = arith.constant 0 : i32
    %dma_start3A_319 = arith.constant 0 : i32
    %dma_start3A_320 = tpu.memref_slice %arg8[%dma_start3A_318, %dma_start3A_319] : memref<10112x64xf32, #tpu.memory_space<vmem_shared>> -> memref<10112x64xf32, #tpu.memory_space<vmem_shared>>
    %dma_start3A_321 = tpu.memref_slice %arg10[%dma_start3A_310] : memref<8x!tpu.dma_semaphore, #tpu.memory_space<semaphore_mem>> -> memref<1x!tpu.dma_semaphore, #tpu.memory_space<semaphore_mem>>
    %dma_start3A_322 = tpu.memref_squeeze %dma_start3A_321 : memref<1x!tpu.dma_semaphore, #tpu.memory_space<semaphore_mem>> -> memref<!tpu.dma_semaphore, #tpu.memory_space<semaphore_mem>>
    tpu.enqueue_indirect_dma source(%dma_start3A_314 : memref<128x64xf32, #tpu.memory_space<vmem>>) target(%dma_start3A_320 : memref<10112x64xf32, #tpu.memory_space<vmem_shared>>) offsets(%dma_start3A_317 : memref<128xi32, #tpu.memory_space<vmem>>) semaphore(%dma_start3A_322 : memref<!tpu.dma_semaphore, #tpu.memory_space<semaphore_mem>>) {add = true}
    %dma_wait3A_323 = arith.constant 76 : i32
    %dma_wait3A_324 = arith.constant 4 : i32
    %dma_wait3A_325 = arith.constant 4 : i32
    %dma_wait3A_326 = arith.constant 0 : i32
    %dma_wait3A_327 = arith.constant 0 : i32
    %dma_wait3A_328 = tpu.memref_slice %arg7[%dma_wait3A_324, %dma_wait3A_326, %dma_wait3A_327] : memref<8x128x64xf32, #tpu.memory_space<vmem>> -> memref<1x128x64xf32, #tpu.memory_space<vmem>>
    %dma_wait3A_329 = tpu.memref_squeeze %dma_wait3A_328 : memref<1x128x64xf32, #tpu.memory_space<vmem>> -> memref<128x64xf32, #tpu.memory_space<vmem>>
    %dma_wait3A_330 = arith.constant 0 : i32
    %dma_wait3A_331 = tpu.memref_slice %arg5[%dma_wait3A_323, %dma_wait3A_330] : memref<80x128xi32, #tpu.memory_space<vmem>> -> memref<1x128xi32, #tpu.memory_space<vmem>>
    %dma_wait3A_332 = tpu.memref_squeeze %dma_wait3A_331 : memref<1x128xi32, #tpu.memory_space<vmem>> -> memref<128xi32, #tpu.memory_space<vmem>>
    %dma_wait3A_333 = arith.constant 0 : i32
    %dma_wait3A_334 = arith.constant 0 : i32
    %dma_wait3A_335 = tpu.memref_slice %arg2[%dma_wait3A_333, %dma_wait3A_334] : memref<10112x64xf32, #tpu.memory_space<hbm>> -> memref<10112x64xf32, #tpu.memory_space<hbm>>
    %dma_wait3A_336 = tpu.memref_slice %arg9[%dma_wait3A_325] : memref<8x!tpu.dma_semaphore, #tpu.memory_space<semaphore_mem>> -> memref<1x!tpu.dma_semaphore, #tpu.memory_space<semaphore_mem>>
    %dma_wait3A_337 = tpu.memref_squeeze %dma_wait3A_336 : memref<1x!tpu.dma_semaphore, #tpu.memory_space<semaphore_mem>> -> memref<!tpu.dma_semaphore, #tpu.memory_space<semaphore_mem>>
    tpu.wait_indirect_dma semaphore(%dma_wait3A_337 : memref<!tpu.dma_semaphore, #tpu.memory_space<semaphore_mem>>) src(%dma_wait3A_335 : memref<10112x64xf32, #tpu.memory_space<hbm>>) dst(%dma_wait3A_329 : memref<128x64xf32, #tpu.memory_space<vmem>>)
    %dma_start3A_338 = arith.constant 4 : i32
    %dma_start3A_339 = arith.constant 76 : i32
    %dma_start3A_340 = arith.constant 4 : i32
    %dma_start3A_341 = arith.constant 0 : i32
    %dma_start3A_342 = arith.constant 0 : i32
    %dma_start3A_343 = tpu.memref_slice %arg7[%dma_start3A_338, %dma_start3A_341, %dma_start3A_342] : memref<8x128x64xf32, #tpu.memory_space<vmem>> -> memref<1x128x64xf32, #tpu.memory_space<vmem>>
    %dma_start3A_344 = tpu.memref_squeeze %dma_start3A_343 : memref<1x128x64xf32, #tpu.memory_space<vmem>> -> memref<128x64xf32, #tpu.memory_space<vmem>>
    %dma_start3A_345 = arith.constant 0 : i32
    %dma_start3A_346 = tpu.memref_slice %arg6[%dma_start3A_339, %dma_start3A_345] : memref<80x128xi32, #tpu.memory_space<vmem>> -> memref<1x128xi32, #tpu.memory_space<vmem>>
    %dma_start3A_347 = tpu.memref_squeeze %dma_start3A_346 : memref<1x128xi32, #tpu.memory_space<vmem>> -> memref<128xi32, #tpu.memory_space<vmem>>
    %dma_start3A_348 = arith.constant 0 : i32
    %dma_start3A_349 = arith.constant 0 : i32
    %dma_start3A_350 = tpu.memref_slice %arg8[%dma_start3A_348, %dma_start3A_349] : memref<10112x64xf32, #tpu.memory_space<vmem_shared>> -> memref<10112x64xf32, #tpu.memory_space<vmem_shared>>
    %dma_start3A_351 = tpu.memref_slice %arg10[%dma_start3A_340] : memref<8x!tpu.dma_semaphore, #tpu.memory_space<semaphore_mem>> -> memref<1x!tpu.dma_semaphore, #tpu.memory_space<semaphore_mem>>
    %dma_start3A_352 = tpu.memref_squeeze %dma_start3A_351 : memref<1x!tpu.dma_semaphore, #tpu.memory_space<semaphore_mem>> -> memref<!tpu.dma_semaphore, #tpu.memory_space<semaphore_mem>>
    tpu.enqueue_indirect_dma source(%dma_start3A_344 : memref<128x64xf32, #tpu.memory_space<vmem>>) target(%dma_start3A_350 : memref<10112x64xf32, #tpu.memory_space<vmem_shared>>) offsets(%dma_start3A_347 : memref<128xi32, #tpu.memory_space<vmem>>) semaphore(%dma_start3A_352 : memref<!tpu.dma_semaphore, #tpu.memory_space<semaphore_mem>>) {add = true}
    %dma_wait3A_353 = arith.constant 77 : i32
    %dma_wait3A_354 = arith.constant 5 : i32
    %dma_wait3A_355 = arith.constant 5 : i32
    %dma_wait3A_356 = arith.constant 0 : i32
    %dma_wait3A_357 = arith.constant 0 : i32
    %dma_wait3A_358 = tpu.memref_slice %arg7[%dma_wait3A_354, %dma_wait3A_356, %dma_wait3A_357] : memref<8x128x64xf32, #tpu.memory_space<vmem>> -> memref<1x128x64xf32, #tpu.memory_space<vmem>>
    %dma_wait3A_359 = tpu.memref_squeeze %dma_wait3A_358 : memref<1x128x64xf32, #tpu.memory_space<vmem>> -> memref<128x64xf32, #tpu.memory_space<vmem>>
    %dma_wait3A_360 = arith.constant 0 : i32
    %dma_wait3A_361 = tpu.memref_slice %arg5[%dma_wait3A_353, %dma_wait3A_360] : memref<80x128xi32, #tpu.memory_space<vmem>> -> memref<1x128xi32, #tpu.memory_space<vmem>>
    %dma_wait3A_362 = tpu.memref_squeeze %dma_wait3A_361 : memref<1x128xi32, #tpu.memory_space<vmem>> -> memref<128xi32, #tpu.memory_space<vmem>>
    %dma_wait3A_363 = arith.constant 0 : i32
    %dma_wait3A_364 = arith.constant 0 : i32
    %dma_wait3A_365 = tpu.memref_slice %arg2[%dma_wait3A_363, %dma_wait3A_364] : memref<10112x64xf32, #tpu.memory_space<hbm>> -> memref<10112x64xf32, #tpu.memory_space<hbm>>
    %dma_wait3A_366 = tpu.memref_slice %arg9[%dma_wait3A_355] : memref<8x!tpu.dma_semaphore, #tpu.memory_space<semaphore_mem>> -> memref<1x!tpu.dma_semaphore, #tpu.memory_space<semaphore_mem>>
    %dma_wait3A_367 = tpu.memref_squeeze %dma_wait3A_366 : memref<1x!tpu.dma_semaphore, #tpu.memory_space<semaphore_mem>> -> memref<!tpu.dma_semaphore, #tpu.memory_space<semaphore_mem>>
    tpu.wait_indirect_dma semaphore(%dma_wait3A_367 : memref<!tpu.dma_semaphore, #tpu.memory_space<semaphore_mem>>) src(%dma_wait3A_365 : memref<10112x64xf32, #tpu.memory_space<hbm>>) dst(%dma_wait3A_359 : memref<128x64xf32, #tpu.memory_space<vmem>>)
    %dma_start3A_368 = arith.constant 5 : i32
    %dma_start3A_369 = arith.constant 77 : i32
    %dma_start3A_370 = arith.constant 5 : i32
    %dma_start3A_371 = arith.constant 0 : i32
    %dma_start3A_372 = arith.constant 0 : i32
    %dma_start3A_373 = tpu.memref_slice %arg7[%dma_start3A_368, %dma_start3A_371, %dma_start3A_372] : memref<8x128x64xf32, #tpu.memory_space<vmem>> -> memref<1x128x64xf32, #tpu.memory_space<vmem>>
    %dma_start3A_374 = tpu.memref_squeeze %dma_start3A_373 : memref<1x128x64xf32, #tpu.memory_space<vmem>> -> memref<128x64xf32, #tpu.memory_space<vmem>>
    %dma_start3A_375 = arith.constant 0 : i32
    %dma_start3A_376 = tpu.memref_slice %arg6[%dma_start3A_369, %dma_start3A_375] : memref<80x128xi32, #tpu.memory_space<vmem>> -> memref<1x128xi32, #tpu.memory_space<vmem>>
    %dma_start3A_377 = tpu.memref_squeeze %dma_start3A_376 : memref<1x128xi32, #tpu.memory_space<vmem>> -> memref<128xi32, #tpu.memory_space<vmem>>
    %dma_start3A_378 = arith.constant 0 : i32
    %dma_start3A_379 = arith.constant 0 : i32
    %dma_start3A_380 = tpu.memref_slice %arg8[%dma_start3A_378, %dma_start3A_379] : memref<10112x64xf32, #tpu.memory_space<vmem_shared>> -> memref<10112x64xf32, #tpu.memory_space<vmem_shared>>
    %dma_start3A_381 = tpu.memref_slice %arg10[%dma_start3A_370] : memref<8x!tpu.dma_semaphore, #tpu.memory_space<semaphore_mem>> -> memref<1x!tpu.dma_semaphore, #tpu.memory_space<semaphore_mem>>
    %dma_start3A_382 = tpu.memref_squeeze %dma_start3A_381 : memref<1x!tpu.dma_semaphore, #tpu.memory_space<semaphore_mem>> -> memref<!tpu.dma_semaphore, #tpu.memory_space<semaphore_mem>>
    tpu.enqueue_indirect_dma source(%dma_start3A_374 : memref<128x64xf32, #tpu.memory_space<vmem>>) target(%dma_start3A_380 : memref<10112x64xf32, #tpu.memory_space<vmem_shared>>) offsets(%dma_start3A_377 : memref<128xi32, #tpu.memory_space<vmem>>) semaphore(%dma_start3A_382 : memref<!tpu.dma_semaphore, #tpu.memory_space<semaphore_mem>>) {add = true}
    %dma_wait3A_383 = arith.constant 78 : i32
    %dma_wait3A_384 = arith.constant 6 : i32
    %dma_wait3A_385 = arith.constant 6 : i32
    %dma_wait3A_386 = arith.constant 0 : i32
    %dma_wait3A_387 = arith.constant 0 : i32
    %dma_wait3A_388 = tpu.memref_slice %arg7[%dma_wait3A_384, %dma_wait3A_386, %dma_wait3A_387] : memref<8x128x64xf32, #tpu.memory_space<vmem>> -> memref<1x128x64xf32, #tpu.memory_space<vmem>>
    %dma_wait3A_389 = tpu.memref_squeeze %dma_wait3A_388 : memref<1x128x64xf32, #tpu.memory_space<vmem>> -> memref<128x64xf32, #tpu.memory_space<vmem>>
    %dma_wait3A_390 = arith.constant 0 : i32
    %dma_wait3A_391 = tpu.memref_slice %arg5[%dma_wait3A_383, %dma_wait3A_390] : memref<80x128xi32, #tpu.memory_space<vmem>> -> memref<1x128xi32, #tpu.memory_space<vmem>>
    %dma_wait3A_392 = tpu.memref_squeeze %dma_wait3A_391 : memref<1x128xi32, #tpu.memory_space<vmem>> -> memref<128xi32, #tpu.memory_space<vmem>>
    %dma_wait3A_393 = arith.constant 0 : i32
    %dma_wait3A_394 = arith.constant 0 : i32
    %dma_wait3A_395 = tpu.memref_slice %arg2[%dma_wait3A_393, %dma_wait3A_394] : memref<10112x64xf32, #tpu.memory_space<hbm>> -> memref<10112x64xf32, #tpu.memory_space<hbm>>
    %dma_wait3A_396 = tpu.memref_slice %arg9[%dma_wait3A_385] : memref<8x!tpu.dma_semaphore, #tpu.memory_space<semaphore_mem>> -> memref<1x!tpu.dma_semaphore, #tpu.memory_space<semaphore_mem>>
    %dma_wait3A_397 = tpu.memref_squeeze %dma_wait3A_396 : memref<1x!tpu.dma_semaphore, #tpu.memory_space<semaphore_mem>> -> memref<!tpu.dma_semaphore, #tpu.memory_space<semaphore_mem>>
    tpu.wait_indirect_dma semaphore(%dma_wait3A_397 : memref<!tpu.dma_semaphore, #tpu.memory_space<semaphore_mem>>) src(%dma_wait3A_395 : memref<10112x64xf32, #tpu.memory_space<hbm>>) dst(%dma_wait3A_389 : memref<128x64xf32, #tpu.memory_space<vmem>>)
    %dma_start3A_398 = arith.constant 6 : i32
    %dma_start3A_399 = arith.constant 78 : i32
    %dma_start3A_400 = arith.constant 6 : i32
    %dma_start3A_401 = arith.constant 0 : i32
    %dma_start3A_402 = arith.constant 0 : i32
    %dma_start3A_403 = tpu.memref_slice %arg7[%dma_start3A_398, %dma_start3A_401, %dma_start3A_402] : memref<8x128x64xf32, #tpu.memory_space<vmem>> -> memref<1x128x64xf32, #tpu.memory_space<vmem>>
    %dma_start3A_404 = tpu.memref_squeeze %dma_start3A_403 : memref<1x128x64xf32, #tpu.memory_space<vmem>> -> memref<128x64xf32, #tpu.memory_space<vmem>>
    %dma_start3A_405 = arith.constant 0 : i32
    %dma_start3A_406 = tpu.memref_slice %arg6[%dma_start3A_399, %dma_start3A_405] : memref<80x128xi32, #tpu.memory_space<vmem>> -> memref<1x128xi32, #tpu.memory_space<vmem>>
    %dma_start3A_407 = tpu.memref_squeeze %dma_start3A_406 : memref<1x128xi32, #tpu.memory_space<vmem>> -> memref<128xi32, #tpu.memory_space<vmem>>
    %dma_start3A_408 = arith.constant 0 : i32
    %dma_start3A_409 = arith.constant 0 : i32
    %dma_start3A_410 = tpu.memref_slice %arg8[%dma_start3A_408, %dma_start3A_409] : memref<10112x64xf32, #tpu.memory_space<vmem_shared>> -> memref<10112x64xf32, #tpu.memory_space<vmem_shared>>
    %dma_start3A_411 = tpu.memref_slice %arg10[%dma_start3A_400] : memref<8x!tpu.dma_semaphore, #tpu.memory_space<semaphore_mem>> -> memref<1x!tpu.dma_semaphore, #tpu.memory_space<semaphore_mem>>
    %dma_start3A_412 = tpu.memref_squeeze %dma_start3A_411 : memref<1x!tpu.dma_semaphore, #tpu.memory_space<semaphore_mem>> -> memref<!tpu.dma_semaphore, #tpu.memory_space<semaphore_mem>>
    tpu.enqueue_indirect_dma source(%dma_start3A_404 : memref<128x64xf32, #tpu.memory_space<vmem>>) target(%dma_start3A_410 : memref<10112x64xf32, #tpu.memory_space<vmem_shared>>) offsets(%dma_start3A_407 : memref<128xi32, #tpu.memory_space<vmem>>) semaphore(%dma_start3A_412 : memref<!tpu.dma_semaphore, #tpu.memory_space<semaphore_mem>>) {add = true}
    %dma_wait3A_413 = arith.constant 79 : i32
    %dma_wait3A_414 = arith.constant 7 : i32
    %dma_wait3A_415 = arith.constant 7 : i32
    %dma_wait3A_416 = arith.constant 0 : i32
    %dma_wait3A_417 = arith.constant 0 : i32
    %dma_wait3A_418 = tpu.memref_slice %arg7[%dma_wait3A_414, %dma_wait3A_416, %dma_wait3A_417] : memref<8x128x64xf32, #tpu.memory_space<vmem>> -> memref<1x128x64xf32, #tpu.memory_space<vmem>>
    %dma_wait3A_419 = tpu.memref_squeeze %dma_wait3A_418 : memref<1x128x64xf32, #tpu.memory_space<vmem>> -> memref<128x64xf32, #tpu.memory_space<vmem>>
    %dma_wait3A_420 = arith.constant 0 : i32
    %dma_wait3A_421 = tpu.memref_slice %arg5[%dma_wait3A_413, %dma_wait3A_420] : memref<80x128xi32, #tpu.memory_space<vmem>> -> memref<1x128xi32, #tpu.memory_space<vmem>>
    %dma_wait3A_422 = tpu.memref_squeeze %dma_wait3A_421 : memref<1x128xi32, #tpu.memory_space<vmem>> -> memref<128xi32, #tpu.memory_space<vmem>>
    %dma_wait3A_423 = arith.constant 0 : i32
    %dma_wait3A_424 = arith.constant 0 : i32
    %dma_wait3A_425 = tpu.memref_slice %arg2[%dma_wait3A_423, %dma_wait3A_424] : memref<10112x64xf32, #tpu.memory_space<hbm>> -> memref<10112x64xf32, #tpu.memory_space<hbm>>
    %dma_wait3A_426 = tpu.memref_slice %arg9[%dma_wait3A_415] : memref<8x!tpu.dma_semaphore, #tpu.memory_space<semaphore_mem>> -> memref<1x!tpu.dma_semaphore, #tpu.memory_space<semaphore_mem>>
    %dma_wait3A_427 = tpu.memref_squeeze %dma_wait3A_426 : memref<1x!tpu.dma_semaphore, #tpu.memory_space<semaphore_mem>> -> memref<!tpu.dma_semaphore, #tpu.memory_space<semaphore_mem>>
    tpu.wait_indirect_dma semaphore(%dma_wait3A_427 : memref<!tpu.dma_semaphore, #tpu.memory_space<semaphore_mem>>) src(%dma_wait3A_425 : memref<10112x64xf32, #tpu.memory_space<hbm>>) dst(%dma_wait3A_419 : memref<128x64xf32, #tpu.memory_space<vmem>>)
    %dma_start3A_428 = arith.constant 7 : i32
    %dma_start3A_429 = arith.constant 79 : i32
    %dma_start3A_430 = arith.constant 7 : i32
    %dma_start3A_431 = arith.constant 0 : i32
    %dma_start3A_432 = arith.constant 0 : i32
    %dma_start3A_433 = tpu.memref_slice %arg7[%dma_start3A_428, %dma_start3A_431, %dma_start3A_432] : memref<8x128x64xf32, #tpu.memory_space<vmem>> -> memref<1x128x64xf32, #tpu.memory_space<vmem>>
    %dma_start3A_434 = tpu.memref_squeeze %dma_start3A_433 : memref<1x128x64xf32, #tpu.memory_space<vmem>> -> memref<128x64xf32, #tpu.memory_space<vmem>>
    %dma_start3A_435 = arith.constant 0 : i32
    %dma_start3A_436 = tpu.memref_slice %arg6[%dma_start3A_429, %dma_start3A_435] : memref<80x128xi32, #tpu.memory_space<vmem>> -> memref<1x128xi32, #tpu.memory_space<vmem>>
    %dma_start3A_437 = tpu.memref_squeeze %dma_start3A_436 : memref<1x128xi32, #tpu.memory_space<vmem>> -> memref<128xi32, #tpu.memory_space<vmem>>
    %dma_start3A_438 = arith.constant 0 : i32
    %dma_start3A_439 = arith.constant 0 : i32
    %dma_start3A_440 = tpu.memref_slice %arg8[%dma_start3A_438, %dma_start3A_439] : memref<10112x64xf32, #tpu.memory_space<vmem_shared>> -> memref<10112x64xf32, #tpu.memory_space<vmem_shared>>
    %dma_start3A_441 = tpu.memref_slice %arg10[%dma_start3A_430] : memref<8x!tpu.dma_semaphore, #tpu.memory_space<semaphore_mem>> -> memref<1x!tpu.dma_semaphore, #tpu.memory_space<semaphore_mem>>
    %dma_start3A_442 = tpu.memref_squeeze %dma_start3A_441 : memref<1x!tpu.dma_semaphore, #tpu.memory_space<semaphore_mem>> -> memref<!tpu.dma_semaphore, #tpu.memory_space<semaphore_mem>>
    tpu.enqueue_indirect_dma source(%dma_start3A_434 : memref<128x64xf32, #tpu.memory_space<vmem>>) target(%dma_start3A_440 : memref<10112x64xf32, #tpu.memory_space<vmem_shared>>) offsets(%dma_start3A_437 : memref<128xi32, #tpu.memory_space<vmem>>) semaphore(%dma_start3A_442 : memref<!tpu.dma_semaphore, #tpu.memory_space<semaphore_mem>>) {add = true}
    %dma_wait3A_443 = arith.constant 0 : i32
    %dma_wait3A_444 = arith.constant 72 : i32
    %dma_wait3A_445 = arith.constant 0 : i32
    %dma_wait3A_446 = arith.constant 0 : i32
    %dma_wait3A_447 = arith.constant 0 : i32
    %dma_wait3A_448 = tpu.memref_slice %arg7[%dma_wait3A_443, %dma_wait3A_446, %dma_wait3A_447] : memref<8x128x64xf32, #tpu.memory_space<vmem>> -> memref<1x128x64xf32, #tpu.memory_space<vmem>>
    %dma_wait3A_449 = tpu.memref_squeeze %dma_wait3A_448 : memref<1x128x64xf32, #tpu.memory_space<vmem>> -> memref<128x64xf32, #tpu.memory_space<vmem>>
    %dma_wait3A_450 = arith.constant 0 : i32
    %dma_wait3A_451 = tpu.memref_slice %arg6[%dma_wait3A_444, %dma_wait3A_450] : memref<80x128xi32, #tpu.memory_space<vmem>> -> memref<1x128xi32, #tpu.memory_space<vmem>>
    %dma_wait3A_452 = tpu.memref_squeeze %dma_wait3A_451 : memref<1x128xi32, #tpu.memory_space<vmem>> -> memref<128xi32, #tpu.memory_space<vmem>>
    %dma_wait3A_453 = arith.constant 0 : i32
    %dma_wait3A_454 = arith.constant 0 : i32
    %dma_wait3A_455 = tpu.memref_slice %arg8[%dma_wait3A_453, %dma_wait3A_454] : memref<10112x64xf32, #tpu.memory_space<vmem_shared>> -> memref<10112x64xf32, #tpu.memory_space<vmem_shared>>
    %dma_wait3A_456 = tpu.memref_slice %arg10[%dma_wait3A_445] : memref<8x!tpu.dma_semaphore, #tpu.memory_space<semaphore_mem>> -> memref<1x!tpu.dma_semaphore, #tpu.memory_space<semaphore_mem>>
    %dma_wait3A_457 = tpu.memref_squeeze %dma_wait3A_456 : memref<1x!tpu.dma_semaphore, #tpu.memory_space<semaphore_mem>> -> memref<!tpu.dma_semaphore, #tpu.memory_space<semaphore_mem>>
    tpu.wait_indirect_dma semaphore(%dma_wait3A_457 : memref<!tpu.dma_semaphore, #tpu.memory_space<semaphore_mem>>) src(%dma_wait3A_449 : memref<128x64xf32, #tpu.memory_space<vmem>>) dst(%dma_wait3A_455 : memref<10112x64xf32, #tpu.memory_space<vmem_shared>>)
    %dma_wait3A_458 = arith.constant 1 : i32
    %dma_wait3A_459 = arith.constant 73 : i32
    %dma_wait3A_460 = arith.constant 1 : i32
    %dma_wait3A_461 = arith.constant 0 : i32
    %dma_wait3A_462 = arith.constant 0 : i32
    %dma_wait3A_463 = tpu.memref_slice %arg7[%dma_wait3A_458, %dma_wait3A_461, %dma_wait3A_462] : memref<8x128x64xf32, #tpu.memory_space<vmem>> -> memref<1x128x64xf32, #tpu.memory_space<vmem>>
    %dma_wait3A_464 = tpu.memref_squeeze %dma_wait3A_463 : memref<1x128x64xf32, #tpu.memory_space<vmem>> -> memref<128x64xf32, #tpu.memory_space<vmem>>
    %dma_wait3A_465 = arith.constant 0 : i32
    %dma_wait3A_466 = tpu.memref_slice %arg6[%dma_wait3A_459, %dma_wait3A_465] : memref<80x128xi32, #tpu.memory_space<vmem>> -> memref<1x128xi32, #tpu.memory_space<vmem>>
    %dma_wait3A_467 = tpu.memref_squeeze %dma_wait3A_466 : memref<1x128xi32, #tpu.memory_space<vmem>> -> memref<128xi32, #tpu.memory_space<vmem>>
    %dma_wait3A_468 = arith.constant 0 : i32
    %dma_wait3A_469 = arith.constant 0 : i32
    %dma_wait3A_470 = tpu.memref_slice %arg8[%dma_wait3A_468, %dma_wait3A_469] : memref<10112x64xf32, #tpu.memory_space<vmem_shared>> -> memref<10112x64xf32, #tpu.memory_space<vmem_shared>>
    %dma_wait3A_471 = tpu.memref_slice %arg10[%dma_wait3A_460] : memref<8x!tpu.dma_semaphore, #tpu.memory_space<semaphore_mem>> -> memref<1x!tpu.dma_semaphore, #tpu.memory_space<semaphore_mem>>
    %dma_wait3A_472 = tpu.memref_squeeze %dma_wait3A_471 : memref<1x!tpu.dma_semaphore, #tpu.memory_space<semaphore_mem>> -> memref<!tpu.dma_semaphore, #tpu.memory_space<semaphore_mem>>
    tpu.wait_indirect_dma semaphore(%dma_wait3A_472 : memref<!tpu.dma_semaphore, #tpu.memory_space<semaphore_mem>>) src(%dma_wait3A_464 : memref<128x64xf32, #tpu.memory_space<vmem>>) dst(%dma_wait3A_470 : memref<10112x64xf32, #tpu.memory_space<vmem_shared>>)
    %dma_wait3A_473 = arith.constant 2 : i32
    %dma_wait3A_474 = arith.constant 74 : i32
    %dma_wait3A_475 = arith.constant 2 : i32
    %dma_wait3A_476 = arith.constant 0 : i32
    %dma_wait3A_477 = arith.constant 0 : i32
    %dma_wait3A_478 = tpu.memref_slice %arg7[%dma_wait3A_473, %dma_wait3A_476, %dma_wait3A_477] : memref<8x128x64xf32, #tpu.memory_space<vmem>> -> memref<1x128x64xf32, #tpu.memory_space<vmem>>
    %dma_wait3A_479 = tpu.memref_squeeze %dma_wait3A_478 : memref<1x128x64xf32, #tpu.memory_space<vmem>> -> memref<128x64xf32, #tpu.memory_space<vmem>>
    %dma_wait3A_480 = arith.constant 0 : i32
    %dma_wait3A_481 = tpu.memref_slice %arg6[%dma_wait3A_474, %dma_wait3A_480] : memref<80x128xi32, #tpu.memory_space<vmem>> -> memref<1x128xi32, #tpu.memory_space<vmem>>
    %dma_wait3A_482 = tpu.memref_squeeze %dma_wait3A_481 : memref<1x128xi32, #tpu.memory_space<vmem>> -> memref<128xi32, #tpu.memory_space<vmem>>
    %dma_wait3A_483 = arith.constant 0 : i32
    %dma_wait3A_484 = arith.constant 0 : i32
    %dma_wait3A_485 = tpu.memref_slice %arg8[%dma_wait3A_483, %dma_wait3A_484] : memref<10112x64xf32, #tpu.memory_space<vmem_shared>> -> memref<10112x64xf32, #tpu.memory_space<vmem_shared>>
    %dma_wait3A_486 = tpu.memref_slice %arg10[%dma_wait3A_475] : memref<8x!tpu.dma_semaphore, #tpu.memory_space<semaphore_mem>> -> memref<1x!tpu.dma_semaphore, #tpu.memory_space<semaphore_mem>>
    %dma_wait3A_487 = tpu.memref_squeeze %dma_wait3A_486 : memref<1x!tpu.dma_semaphore, #tpu.memory_space<semaphore_mem>> -> memref<!tpu.dma_semaphore, #tpu.memory_space<semaphore_mem>>
    tpu.wait_indirect_dma semaphore(%dma_wait3A_487 : memref<!tpu.dma_semaphore, #tpu.memory_space<semaphore_mem>>) src(%dma_wait3A_479 : memref<128x64xf32, #tpu.memory_space<vmem>>) dst(%dma_wait3A_485 : memref<10112x64xf32, #tpu.memory_space<vmem_shared>>)
    %dma_wait3A_488 = arith.constant 3 : i32
    %dma_wait3A_489 = arith.constant 75 : i32
    %dma_wait3A_490 = arith.constant 3 : i32
    %dma_wait3A_491 = arith.constant 0 : i32
    %dma_wait3A_492 = arith.constant 0 : i32
    %dma_wait3A_493 = tpu.memref_slice %arg7[%dma_wait3A_488, %dma_wait3A_491, %dma_wait3A_492] : memref<8x128x64xf32, #tpu.memory_space<vmem>> -> memref<1x128x64xf32, #tpu.memory_space<vmem>>
    %dma_wait3A_494 = tpu.memref_squeeze %dma_wait3A_493 : memref<1x128x64xf32, #tpu.memory_space<vmem>> -> memref<128x64xf32, #tpu.memory_space<vmem>>
    %dma_wait3A_495 = arith.constant 0 : i32
    %dma_wait3A_496 = tpu.memref_slice %arg6[%dma_wait3A_489, %dma_wait3A_495] : memref<80x128xi32, #tpu.memory_space<vmem>> -> memref<1x128xi32, #tpu.memory_space<vmem>>
    %dma_wait3A_497 = tpu.memref_squeeze %dma_wait3A_496 : memref<1x128xi32, #tpu.memory_space<vmem>> -> memref<128xi32, #tpu.memory_space<vmem>>
    %dma_wait3A_498 = arith.constant 0 : i32
    %dma_wait3A_499 = arith.constant 0 : i32
    %dma_wait3A_500 = tpu.memref_slice %arg8[%dma_wait3A_498, %dma_wait3A_499] : memref<10112x64xf32, #tpu.memory_space<vmem_shared>> -> memref<10112x64xf32, #tpu.memory_space<vmem_shared>>
    %dma_wait3A_501 = tpu.memref_slice %arg10[%dma_wait3A_490] : memref<8x!tpu.dma_semaphore, #tpu.memory_space<semaphore_mem>> -> memref<1x!tpu.dma_semaphore, #tpu.memory_space<semaphore_mem>>
    %dma_wait3A_502 = tpu.memref_squeeze %dma_wait3A_501 : memref<1x!tpu.dma_semaphore, #tpu.memory_space<semaphore_mem>> -> memref<!tpu.dma_semaphore, #tpu.memory_space<semaphore_mem>>
    tpu.wait_indirect_dma semaphore(%dma_wait3A_502 : memref<!tpu.dma_semaphore, #tpu.memory_space<semaphore_mem>>) src(%dma_wait3A_494 : memref<128x64xf32, #tpu.memory_space<vmem>>) dst(%dma_wait3A_500 : memref<10112x64xf32, #tpu.memory_space<vmem_shared>>)
    %dma_wait3A_503 = arith.constant 4 : i32
    %dma_wait3A_504 = arith.constant 76 : i32
    %dma_wait3A_505 = arith.constant 4 : i32
    %dma_wait3A_506 = arith.constant 0 : i32
    %dma_wait3A_507 = arith.constant 0 : i32
    %dma_wait3A_508 = tpu.memref_slice %arg7[%dma_wait3A_503, %dma_wait3A_506, %dma_wait3A_507] : memref<8x128x64xf32, #tpu.memory_space<vmem>> -> memref<1x128x64xf32, #tpu.memory_space<vmem>>
    %dma_wait3A_509 = tpu.memref_squeeze %dma_wait3A_508 : memref<1x128x64xf32, #tpu.memory_space<vmem>> -> memref<128x64xf32, #tpu.memory_space<vmem>>
    %dma_wait3A_510 = arith.constant 0 : i32
    %dma_wait3A_511 = tpu.memref_slice %arg6[%dma_wait3A_504, %dma_wait3A_510] : memref<80x128xi32, #tpu.memory_space<vmem>> -> memref<1x128xi32, #tpu.memory_space<vmem>>
    %dma_wait3A_512 = tpu.memref_squeeze %dma_wait3A_511 : memref<1x128xi32, #tpu.memory_space<vmem>> -> memref<128xi32, #tpu.memory_space<vmem>>
    %dma_wait3A_513 = arith.constant 0 : i32
    %dma_wait3A_514 = arith.constant 0 : i32
    %dma_wait3A_515 = tpu.memref_slice %arg8[%dma_wait3A_513, %dma_wait3A_514] : memref<10112x64xf32, #tpu.memory_space<vmem_shared>> -> memref<10112x64xf32, #tpu.memory_space<vmem_shared>>
    %dma_wait3A_516 = tpu.memref_slice %arg10[%dma_wait3A_505] : memref<8x!tpu.dma_semaphore, #tpu.memory_space<semaphore_mem>> -> memref<1x!tpu.dma_semaphore, #tpu.memory_space<semaphore_mem>>
    %dma_wait3A_517 = tpu.memref_squeeze %dma_wait3A_516 : memref<1x!tpu.dma_semaphore, #tpu.memory_space<semaphore_mem>> -> memref<!tpu.dma_semaphore, #tpu.memory_space<semaphore_mem>>
    tpu.wait_indirect_dma semaphore(%dma_wait3A_517 : memref<!tpu.dma_semaphore, #tpu.memory_space<semaphore_mem>>) src(%dma_wait3A_509 : memref<128x64xf32, #tpu.memory_space<vmem>>) dst(%dma_wait3A_515 : memref<10112x64xf32, #tpu.memory_space<vmem_shared>>)
    %dma_wait3A_518 = arith.constant 5 : i32
    %dma_wait3A_519 = arith.constant 77 : i32
    %dma_wait3A_520 = arith.constant 5 : i32
    %dma_wait3A_521 = arith.constant 0 : i32
    %dma_wait3A_522 = arith.constant 0 : i32
    %dma_wait3A_523 = tpu.memref_slice %arg7[%dma_wait3A_518, %dma_wait3A_521, %dma_wait3A_522] : memref<8x128x64xf32, #tpu.memory_space<vmem>> -> memref<1x128x64xf32, #tpu.memory_space<vmem>>
    %dma_wait3A_524 = tpu.memref_squeeze %dma_wait3A_523 : memref<1x128x64xf32, #tpu.memory_space<vmem>> -> memref<128x64xf32, #tpu.memory_space<vmem>>
    %dma_wait3A_525 = arith.constant 0 : i32
    %dma_wait3A_526 = tpu.memref_slice %arg6[%dma_wait3A_519, %dma_wait3A_525] : memref<80x128xi32, #tpu.memory_space<vmem>> -> memref<1x128xi32, #tpu.memory_space<vmem>>
    %dma_wait3A_527 = tpu.memref_squeeze %dma_wait3A_526 : memref<1x128xi32, #tpu.memory_space<vmem>> -> memref<128xi32, #tpu.memory_space<vmem>>
    %dma_wait3A_528 = arith.constant 0 : i32
    %dma_wait3A_529 = arith.constant 0 : i32
    %dma_wait3A_530 = tpu.memref_slice %arg8[%dma_wait3A_528, %dma_wait3A_529] : memref<10112x64xf32, #tpu.memory_space<vmem_shared>> -> memref<10112x64xf32, #tpu.memory_space<vmem_shared>>
    %dma_wait3A_531 = tpu.memref_slice %arg10[%dma_wait3A_520] : memref<8x!tpu.dma_semaphore, #tpu.memory_space<semaphore_mem>> -> memref<1x!tpu.dma_semaphore, #tpu.memory_space<semaphore_mem>>
    %dma_wait3A_532 = tpu.memref_squeeze %dma_wait3A_531 : memref<1x!tpu.dma_semaphore, #tpu.memory_space<semaphore_mem>> -> memref<!tpu.dma_semaphore, #tpu.memory_space<semaphore_mem>>
    tpu.wait_indirect_dma semaphore(%dma_wait3A_532 : memref<!tpu.dma_semaphore, #tpu.memory_space<semaphore_mem>>) src(%dma_wait3A_524 : memref<128x64xf32, #tpu.memory_space<vmem>>) dst(%dma_wait3A_530 : memref<10112x64xf32, #tpu.memory_space<vmem_shared>>)
    %dma_wait3A_533 = arith.constant 6 : i32
    %dma_wait3A_534 = arith.constant 78 : i32
    %dma_wait3A_535 = arith.constant 6 : i32
    %dma_wait3A_536 = arith.constant 0 : i32
    %dma_wait3A_537 = arith.constant 0 : i32
    %dma_wait3A_538 = tpu.memref_slice %arg7[%dma_wait3A_533, %dma_wait3A_536, %dma_wait3A_537] : memref<8x128x64xf32, #tpu.memory_space<vmem>> -> memref<1x128x64xf32, #tpu.memory_space<vmem>>
    %dma_wait3A_539 = tpu.memref_squeeze %dma_wait3A_538 : memref<1x128x64xf32, #tpu.memory_space<vmem>> -> memref<128x64xf32, #tpu.memory_space<vmem>>
    %dma_wait3A_540 = arith.constant 0 : i32
    %dma_wait3A_541 = tpu.memref_slice %arg6[%dma_wait3A_534, %dma_wait3A_540] : memref<80x128xi32, #tpu.memory_space<vmem>> -> memref<1x128xi32, #tpu.memory_space<vmem>>
    %dma_wait3A_542 = tpu.memref_squeeze %dma_wait3A_541 : memref<1x128xi32, #tpu.memory_space<vmem>> -> memref<128xi32, #tpu.memory_space<vmem>>
    %dma_wait3A_543 = arith.constant 0 : i32
    %dma_wait3A_544 = arith.constant 0 : i32
    %dma_wait3A_545 = tpu.memref_slice %arg8[%dma_wait3A_543, %dma_wait3A_544] : memref<10112x64xf32, #tpu.memory_space<vmem_shared>> -> memref<10112x64xf32, #tpu.memory_space<vmem_shared>>
    %dma_wait3A_546 = tpu.memref_slice %arg10[%dma_wait3A_535] : memref<8x!tpu.dma_semaphore, #tpu.memory_space<semaphore_mem>> -> memref<1x!tpu.dma_semaphore, #tpu.memory_space<semaphore_mem>>
    %dma_wait3A_547 = tpu.memref_squeeze %dma_wait3A_546 : memref<1x!tpu.dma_semaphore, #tpu.memory_space<semaphore_mem>> -> memref<!tpu.dma_semaphore, #tpu.memory_space<semaphore_mem>>
    tpu.wait_indirect_dma semaphore(%dma_wait3A_547 : memref<!tpu.dma_semaphore, #tpu.memory_space<semaphore_mem>>) src(%dma_wait3A_539 : memref<128x64xf32, #tpu.memory_space<vmem>>) dst(%dma_wait3A_545 : memref<10112x64xf32, #tpu.memory_space<vmem_shared>>)
    %dma_wait3A_548 = arith.constant 7 : i32
    %dma_wait3A_549 = arith.constant 79 : i32
    %dma_wait3A_550 = arith.constant 7 : i32
    %dma_wait3A_551 = arith.constant 0 : i32
    %dma_wait3A_552 = arith.constant 0 : i32
    %dma_wait3A_553 = tpu.memref_slice %arg7[%dma_wait3A_548, %dma_wait3A_551, %dma_wait3A_552] : memref<8x128x64xf32, #tpu.memory_space<vmem>> -> memref<1x128x64xf32, #tpu.memory_space<vmem>>
    %dma_wait3A_554 = tpu.memref_squeeze %dma_wait3A_553 : memref<1x128x64xf32, #tpu.memory_space<vmem>> -> memref<128x64xf32, #tpu.memory_space<vmem>>
    %dma_wait3A_555 = arith.constant 0 : i32
    %dma_wait3A_556 = tpu.memref_slice %arg6[%dma_wait3A_549, %dma_wait3A_555] : memref<80x128xi32, #tpu.memory_space<vmem>> -> memref<1x128xi32, #tpu.memory_space<vmem>>
    %dma_wait3A_557 = tpu.memref_squeeze %dma_wait3A_556 : memref<1x128xi32, #tpu.memory_space<vmem>> -> memref<128xi32, #tpu.memory_space<vmem>>
    %dma_wait3A_558 = arith.constant 0 : i32
    %dma_wait3A_559 = arith.constant 0 : i32
    %dma_wait3A_560 = tpu.memref_slice %arg8[%dma_wait3A_558, %dma_wait3A_559] : memref<10112x64xf32, #tpu.memory_space<vmem_shared>> -> memref<10112x64xf32, #tpu.memory_space<vmem_shared>>
    %dma_wait3A_561 = tpu.memref_slice %arg10[%dma_wait3A_550] : memref<8x!tpu.dma_semaphore, #tpu.memory_space<semaphore_mem>> -> memref<1x!tpu.dma_semaphore, #tpu.memory_space<semaphore_mem>>
    %dma_wait3A_562 = tpu.memref_squeeze %dma_wait3A_561 : memref<1x!tpu.dma_semaphore, #tpu.memory_space<semaphore_mem>> -> memref<!tpu.dma_semaphore, #tpu.memory_space<semaphore_mem>>
    tpu.wait_indirect_dma semaphore(%dma_wait3A_562 : memref<!tpu.dma_semaphore, #tpu.memory_space<semaphore_mem>>) src(%dma_wait3A_554 : memref<128x64xf32, #tpu.memory_space<vmem>>) dst(%dma_wait3A_560 : memref<10112x64xf32, #tpu.memory_space<vmem_shared>>)
    %barrier3A_563 = arith.constant 0 : index
    tpu.barrier barrier_id(%barrier3A_563)
    "tpu.region"() ({
      %run_scoped3A_564 = tpu.sem_alloc : memref<!tpu.dma_semaphore, #tpu.memory_space<semaphore_mem>>
      %dma_start3A_565 = arith.constant 0 : i32
      %dma_start3A_566 = arith.constant 0 : i32
      %dma_start3A_567 = tpu.memref_slice %arg4[%arg0, %dma_start3A_565, %dma_start3A_566] : memref<2x10112x64xf32, #tpu.memory_space<hbm>> -> memref<1x10112x64xf32, #tpu.memory_space<hbm>>
      %dma_start3A_568 = tpu.memref_squeeze %dma_start3A_567 : memref<1x10112x64xf32, #tpu.memory_space<hbm>> -> memref<10112x64xf32, #tpu.memory_space<hbm>>
      %dma_start3A_569 = arith.constant 0 : i32
      %dma_start3A_570 = tpu.memref_slice %dma_start3A_568[%mul3A_2, %dma_start3A_569] : memref<10112x64xf32, #tpu.memory_space<hbm>> -> memref<632x64xf32, #tpu.memory_space<hbm>>
      %dma_start3A_571 = arith.constant 0 : i32
      %dma_start3A_572 = tpu.memref_slice %arg8[%mul3A_2, %dma_start3A_571] : memref<10112x64xf32, #tpu.memory_space<vmem_shared>> -> memref<632x64xf32, #tpu.memory_space<vmem_shared>>
      tpu.enqueue_dma source(%dma_start3A_572 : memref<632x64xf32, #tpu.memory_space<vmem_shared>>) target(%dma_start3A_570 : memref<632x64xf32, #tpu.memory_space<hbm>>) target_semaphore(%run_scoped3A_564 : memref<!tpu.dma_semaphore, #tpu.memory_space<semaphore_mem>>)
      %dma_wait3A_573 = arith.constant 0 : i32
      %dma_wait3A_574 = arith.constant 0 : i32
      %dma_wait3A_575 = tpu.memref_slice %arg4[%arg0, %dma_wait3A_573, %dma_wait3A_574] : memref<2x10112x64xf32, #tpu.memory_space<hbm>> -> memref<1x10112x64xf32, #tpu.memory_space<hbm>>
      %dma_wait3A_576 = tpu.memref_squeeze %dma_wait3A_575 : memref<1x10112x64xf32, #tpu.memory_space<hbm>> -> memref<10112x64xf32, #tpu.memory_space<hbm>>
      %dma_wait3A_577 = arith.constant 0 : i32
      %dma_wait3A_578 = tpu.memref_slice %dma_wait3A_576[%mul3A_2, %dma_wait3A_577] : memref<10112x64xf32, #tpu.memory_space<hbm>> -> memref<632x64xf32, #tpu.memory_space<hbm>>
      %dma_wait3A_579 = arith.constant 0 : i32
      %dma_wait3A_580 = tpu.memref_slice %arg8[%mul3A_2, %dma_wait3A_579] : memref<10112x64xf32, #tpu.memory_space<vmem_shared>> -> memref<632x64xf32, #tpu.memory_space<vmem_shared>>
      tpu.wait_dma2 semaphore(%run_scoped3A_564 : memref<!tpu.dma_semaphore, #tpu.memory_space<semaphore_mem>>) src(%dma_wait3A_580 : memref<632x64xf32, #tpu.memory_space<vmem_shared>>) dst(%dma_wait3A_578 : memref<632x64xf32, #tpu.memory_space<hbm>>)
      tpu.yield
    }) : () -> ()
    return
  }
}

#map = affine_map<(d0, d1) -> (0, 0)>
#map1 = affine_map<(d0, d1) -> (0, 0, 0, 0)>
#map2 = affine_map<(d0, d1) -> (0, 0, 0)>
module attributes {stable_mosaic.version = 14 : i64} {
  func.func @_sc_scatter(%arg0: i32, %arg1: i32, %arg2: memref<10112x16xf32, #tpu.memory_space<hbm>>, %arg3: memref<2x32x80x128xi32, #tpu.memory_space<hbm>>, %arg4: memref<2x10112x16xf32, #tpu.memory_space<hbm>>, %arg5: memref<80x128xi32, #tpu.memory_space<vmem>>, %arg6: memref<80x128xi32, #tpu.memory_space<vmem>>, %arg7: memref<8x128x16xf32, #tpu.memory_space<vmem>>, %arg8: memref<10112x16xf32, #tpu.memory_space<vmem_shared>>, %arg9: memref<8x!tpu.dma_semaphore, #tpu.memory_space<semaphore_mem>>, %arg10: memref<8x!tpu.dma_semaphore, #tpu.memory_space<semaphore_mem>>) attributes {dimension_semantics = [#tpu.dimension_semantics<core_parallel>, #tpu.dimension_semantics<subcore_parallel>], iteration_bounds = array<i64: 2, 16>, scalar_prefetch = 0 : i64, scratch_operands = 6 : i64, tpu.core_type = #tpu.core_type<sc_vector_subcore>, window_params = [{transform_indices = #map}, {transform_indices = #map1}, {transform_indices = #map2}]} {
    %mul3A = arith.constant 2 : i32
    %mul3A_0 = arith.muli %arg1, %mul3A : i32
    %add3A = arith.addi %mul3A_0, %arg0 : i32
    %mul3A_1 = arith.constant 632 : i32
    %mul3A_2 = arith.muli %arg1, %mul3A_1 : i32
    %dma_start3A = arith.constant 0 : i32
    %dma_start3A_3 = arith.constant 0 : i32
    %dma_start3A_4 = arith.constant 0 : i32
    %dma_start3A_5 = arith.constant 0 : i32
    %dma_start3A_6 = tpu.memref_slice %arg3[%dma_start3A, %add3A, %dma_start3A_4, %dma_start3A_5] : memref<2x32x80x128xi32, #tpu.memory_space<hbm>> -> memref<1x1x80x128xi32, #tpu.memory_space<hbm>>
    %dma_start3A_7 = tpu.memref_squeeze %dma_start3A_6 : memref<1x1x80x128xi32, #tpu.memory_space<hbm>> -> memref<80x128xi32, #tpu.memory_space<hbm>>
    %dma_start3A_8 = tpu.memref_slice %arg9[%dma_start3A_3] : memref<8x!tpu.dma_semaphore, #tpu.memory_space<semaphore_mem>> -> memref<1x!tpu.dma_semaphore, #tpu.memory_space<semaphore_mem>>
    %dma_start3A_9 = tpu.memref_squeeze %dma_start3A_8 : memref<1x!tpu.dma_semaphore, #tpu.memory_space<semaphore_mem>> -> memref<!tpu.dma_semaphore, #tpu.memory_space<semaphore_mem>>
    %dma_start3A_10 = arith.constant 0 : i32
    %dma_start3A_11 = arith.constant 0 : i32
    %dma_start3A_12 = tpu.memref_slice %arg3[%dma_start3A, %add3A, %dma_start3A_10, %dma_start3A_11] : memref<2x32x80x128xi32, #tpu.memory_space<hbm>> -> memref<1x1x80x128xi32, #tpu.memory_space<hbm>>
    %dma_start3A_13 = tpu.memref_squeeze %dma_start3A_12 : memref<1x1x80x128xi32, #tpu.memory_space<hbm>> -> memref<80x128xi32, #tpu.memory_space<hbm>>
    tpu.enqueue_dma source(%dma_start3A_13 : memref<80x128xi32, #tpu.memory_space<hbm>>) target(%arg5 : memref<80x128xi32, #tpu.memory_space<vmem>>) target_semaphore(%dma_start3A_9 : memref<!tpu.dma_semaphore, #tpu.memory_space<semaphore_mem>>)
    %dma_start3A_14 = arith.constant 1 : i32
    %dma_start3A_15 = arith.constant 1 : i32
    %dma_start3A_16 = arith.constant 0 : i32
    %dma_start3A_17 = arith.constant 0 : i32
    %dma_start3A_18 = tpu.memref_slice %arg3[%dma_start3A_14, %add3A, %dma_start3A_16, %dma_start3A_17] : memref<2x32x80x128xi32, #tpu.memory_space<hbm>> -> memref<1x1x80x128xi32, #tpu.memory_space<hbm>>
    %dma_start3A_19 = tpu.memref_squeeze %dma_start3A_18 : memref<1x1x80x128xi32, #tpu.memory_space<hbm>> -> memref<80x128xi32, #tpu.memory_space<hbm>>
    %dma_start3A_20 = tpu.memref_slice %arg9[%dma_start3A_15] : memref<8x!tpu.dma_semaphore, #tpu.memory_space<semaphore_mem>> -> memref<1x!tpu.dma_semaphore, #tpu.memory_space<semaphore_mem>>
    %dma_start3A_21 = tpu.memref_squeeze %dma_start3A_20 : memref<1x!tpu.dma_semaphore, #tpu.memory_space<semaphore_mem>> -> memref<!tpu.dma_semaphore, #tpu.memory_space<semaphore_mem>>
    %dma_start3A_22 = arith.constant 0 : i32
    %dma_start3A_23 = arith.constant 0 : i32
    %dma_start3A_24 = tpu.memref_slice %arg3[%dma_start3A_14, %add3A, %dma_start3A_22, %dma_start3A_23] : memref<2x32x80x128xi32, #tpu.memory_space<hbm>> -> memref<1x1x80x128xi32, #tpu.memory_space<hbm>>
    %dma_start3A_25 = tpu.memref_squeeze %dma_start3A_24 : memref<1x1x80x128xi32, #tpu.memory_space<hbm>> -> memref<80x128xi32, #tpu.memory_space<hbm>>
    tpu.enqueue_dma source(%dma_start3A_25 : memref<80x128xi32, #tpu.memory_space<hbm>>) target(%arg6 : memref<80x128xi32, #tpu.memory_space<vmem>>) target_semaphore(%dma_start3A_21 : memref<!tpu.dma_semaphore, #tpu.memory_space<semaphore_mem>>)
    %broadcast_in_dim3A = arith.constant 0.000000e+00 : f32
    %broadcast_in_dim3A_26 = vector.broadcast %broadcast_in_dim3A : f32 to vector<16xf32>
    %scan3A = arith.constant 0 : i32
    %scan3A_27 = arith.constant 128 : i32
    %scan3A_28 = arith.addi %scan3A, %scan3A_27 : i32
    %scan3A_29 = arith.constant 1 : i32
    scf.for %scan3A_564 = %scan3A to %scan3A_28 step %scan3A_29  : i32 {
      %mul3A_565 = arith.constant 1 : i32
      %mul3A_566 = arith.muli %scan3A_564, %mul3A_565 : i32
      %add3A_567 = arith.constant 0 : i32
      %add3A_568 = arith.addi %add3A_567, %mul3A_566 : i32
      %swap3A = arith.constant 0 : i32
      %swap3A_569 = arith.index_cast %swap3A : i32 to index
      %swap3A_570 = arith.index_cast %add3A_568 : i32 to index
      %swap3A_571 = arith.constant 0 : index
      %swap3A_572 = tpu.vector_load %arg7[%swap3A_569, %swap3A_570, %swap3A_571] {strides = array<i32>} : memref<8x128x16xf32, #tpu.memory_space<vmem>>, vector<16xf32>,
      tpu.vector_store %arg7[%swap3A_569, %swap3A_570, %swap3A_571], %broadcast_in_dim3A_26 {strides = array<i32>} : memref<8x128x16xf32, #tpu.memory_space<vmem>>, vector<16xf32>,
    }
    %scan3A_30 = arith.constant 128 : i32
    %mul3A_31 = arith.constant 632 : i32
    %mul3A_32 = arith.muli %arg1, %mul3A_31 : i32
    %add3A_33 = arith.constant 0 : i32
    %add3A_34 = arith.addi %mul3A_32, %add3A_33 : i32
    %run_scoped3A = arith.constant 0 : i32
    "tpu.region"() ({
      %run_scoped3A_564 = tpu.sem_alloc : memref<!tpu.dma_semaphore, #tpu.memory_space<semaphore_mem>>
      %dma_start3A_565 = arith.constant 0 : i32
      %dma_start3A_566 = arith.constant 0 : i32
      %dma_start3A_567 = tpu.memref_slice %arg7[%run_scoped3A, %dma_start3A_565, %dma_start3A_566] : memref<8x128x16xf32, #tpu.memory_space<vmem>> -> memref<1x128x16xf32, #tpu.memory_space<vmem>>
      %dma_start3A_568 = tpu.memref_squeeze %dma_start3A_567 : memref<1x128x16xf32, #tpu.memory_space<vmem>> -> memref<128x16xf32, #tpu.memory_space<vmem>>
      %dma_start3A_569 = arith.constant 0 : i32
      %dma_start3A_570 = tpu.memref_slice %arg8[%add3A_34, %dma_start3A_569] : memref<10112x16xf32, #tpu.memory_space<vmem_shared>> -> memref<128x16xf32, #tpu.memory_space<vmem_shared>>
      %dma_start3A_571 = arith.constant 0 : i32
      %dma_start3A_572 = tpu.memref_slice %arg8[%add3A_34, %dma_start3A_571] : memref<10112x16xf32, #tpu.memory_space<vmem_shared>> -> memref<128x16xf32, #tpu.memory_space<vmem_shared>>
      %dma_start3A_573 = arith.constant 0 : i32
      %dma_start3A_574 = arith.constant 0 : i32
      %dma_start3A_575 = tpu.memref_slice %arg7[%run_scoped3A, %dma_start3A_573, %dma_start3A_574] : memref<8x128x16xf32, #tpu.memory_space<vmem>> -> memref<1x128x16xf32, #tpu.memory_space<vmem>>
      %dma_start3A_576 = tpu.memref_squeeze %dma_start3A_575 : memref<1x128x16xf32, #tpu.memory_space<vmem>> -> memref<128x16xf32, #tpu.memory_space<vmem>>
      tpu.enqueue_dma source(%dma_start3A_576 : memref<128x16xf32, #tpu.memory_space<vmem>>) target(%dma_start3A_572 : memref<128x16xf32, #tpu.memory_space<vmem_shared>>) target_semaphore(%run_scoped3A_564 : memref<!tpu.dma_semaphore, #tpu.memory_space<semaphore_mem>>)
      %dma_wait3A_577 = arith.constant 0 : i32
      %dma_wait3A_578 = arith.constant 0 : i32
      %dma_wait3A_579 = tpu.memref_slice %arg7[%run_scoped3A, %dma_wait3A_577, %dma_wait3A_578] : memref<8x128x16xf32, #tpu.memory_space<vmem>> -> memref<1x128x16xf32, #tpu.memory_space<vmem>>
      %dma_wait3A_580 = tpu.memref_squeeze %dma_wait3A_579 : memref<1x128x16xf32, #tpu.memory_space<vmem>> -> memref<128x16xf32, #tpu.memory_space<vmem>>
      %dma_wait3A_581 = arith.constant 0 : i32
      %dma_wait3A_582 = tpu.memref_slice %arg8[%add3A_34, %dma_wait3A_581] : memref<10112x16xf32, #tpu.memory_space<vmem_shared>> -> memref<128x16xf32, #tpu.memory_space<vmem_shared>>
      %dma_wait3A_583 = arith.constant 0 : i32
      %dma_wait3A_584 = tpu.memref_slice %arg8[%add3A_34, %dma_wait3A_583] : memref<10112x16xf32, #tpu.memory_space<vmem_shared>> -> memref<128x16xf32, #tpu.memory_space<vmem_shared>>
      %dma_wait3A_585 = arith.constant 0 : i32
      %dma_wait3A_586 = arith.constant 0 : i32
      %dma_wait3A_587 = tpu.memref_slice %arg7[%run_scoped3A, %dma_wait3A_585, %dma_wait3A_586] : memref<8x128x16xf32, #tpu.memory_space<vmem>> -> memref<1x128x16xf32, #tpu.memory_space<vmem>>
      %dma_wait3A_588 = tpu.memref_squeeze %dma_wait3A_587 : memref<1x128x16xf32, #tpu.memory_space<vmem>> -> memref<128x16xf32, #tpu.memory_space<vmem>>
      tpu.wait_dma2 semaphore(%run_scoped3A_564 : memref<!tpu.dma_semaphore, #tpu.memory_space<semaphore_mem>>) src(%dma_wait3A_588 : memref<128x16xf32, #tpu.memory_space<vmem>>) dst(%dma_wait3A_584 : memref<128x16xf32, #tpu.memory_space<vmem_shared>>)
      tpu.yield
    }) : () -> ()
    %mul3A_35 = arith.constant 632 : i32
    %mul3A_36 = arith.muli %arg1, %mul3A_35 : i32
    %add3A_37 = arith.constant 128 : i32
    %add3A_38 = arith.addi %mul3A_36, %add3A_37 : i32
    %run_scoped3A_39 = arith.constant 0 : i32
    "tpu.region"() ({
      %run_scoped3A_564 = tpu.sem_alloc : memref<!tpu.dma_semaphore, #tpu.memory_space<semaphore_mem>>
      %dma_start3A_565 = arith.constant 0 : i32
      %dma_start3A_566 = arith.constant 0 : i32
      %dma_start3A_567 = tpu.memref_slice %arg7[%run_scoped3A_39, %dma_start3A_565, %dma_start3A_566] : memref<8x128x16xf32, #tpu.memory_space<vmem>> -> memref<1x128x16xf32, #tpu.memory_space<vmem>>
      %dma_start3A_568 = tpu.memref_squeeze %dma_start3A_567 : memref<1x128x16xf32, #tpu.memory_space<vmem>> -> memref<128x16xf32, #tpu.memory_space<vmem>>
      %dma_start3A_569 = arith.constant 0 : i32
      %dma_start3A_570 = tpu.memref_slice %arg8[%add3A_38, %dma_start3A_569] : memref<10112x16xf32, #tpu.memory_space<vmem_shared>> -> memref<128x16xf32, #tpu.memory_space<vmem_shared>>
      %dma_start3A_571 = arith.constant 0 : i32
      %dma_start3A_572 = tpu.memref_slice %arg8[%add3A_38, %dma_start3A_571] : memref<10112x16xf32, #tpu.memory_space<vmem_shared>> -> memref<128x16xf32, #tpu.memory_space<vmem_shared>>
      %dma_start3A_573 = arith.constant 0 : i32
      %dma_start3A_574 = arith.constant 0 : i32
      %dma_start3A_575 = tpu.memref_slice %arg7[%run_scoped3A_39, %dma_start3A_573, %dma_start3A_574] : memref<8x128x16xf32, #tpu.memory_space<vmem>> -> memref<1x128x16xf32, #tpu.memory_space<vmem>>
      %dma_start3A_576 = tpu.memref_squeeze %dma_start3A_575 : memref<1x128x16xf32, #tpu.memory_space<vmem>> -> memref<128x16xf32, #tpu.memory_space<vmem>>
      tpu.enqueue_dma source(%dma_start3A_576 : memref<128x16xf32, #tpu.memory_space<vmem>>) target(%dma_start3A_572 : memref<128x16xf32, #tpu.memory_space<vmem_shared>>) target_semaphore(%run_scoped3A_564 : memref<!tpu.dma_semaphore, #tpu.memory_space<semaphore_mem>>)
      %dma_wait3A_577 = arith.constant 0 : i32
      %dma_wait3A_578 = arith.constant 0 : i32
      %dma_wait3A_579 = tpu.memref_slice %arg7[%run_scoped3A_39, %dma_wait3A_577, %dma_wait3A_578] : memref<8x128x16xf32, #tpu.memory_space<vmem>> -> memref<1x128x16xf32, #tpu.memory_space<vmem>>
      %dma_wait3A_580 = tpu.memref_squeeze %dma_wait3A_579 : memref<1x128x16xf32, #tpu.memory_space<vmem>> -> memref<128x16xf32, #tpu.memory_space<vmem>>
      %dma_wait3A_581 = arith.constant 0 : i32
      %dma_wait3A_582 = tpu.memref_slice %arg8[%add3A_38, %dma_wait3A_581] : memref<10112x16xf32, #tpu.memory_space<vmem_shared>> -> memref<128x16xf32, #tpu.memory_space<vmem_shared>>
      %dma_wait3A_583 = arith.constant 0 : i32
      %dma_wait3A_584 = tpu.memref_slice %arg8[%add3A_38, %dma_wait3A_583] : memref<10112x16xf32, #tpu.memory_space<vmem_shared>> -> memref<128x16xf32, #tpu.memory_space<vmem_shared>>
      %dma_wait3A_585 = arith.constant 0 : i32
      %dma_wait3A_586 = arith.constant 0 : i32
      %dma_wait3A_587 = tpu.memref_slice %arg7[%run_scoped3A_39, %dma_wait3A_585, %dma_wait3A_586] : memref<8x128x16xf32, #tpu.memory_space<vmem>> -> memref<1x128x16xf32, #tpu.memory_space<vmem>>
      %dma_wait3A_588 = tpu.memref_squeeze %dma_wait3A_587 : memref<1x128x16xf32, #tpu.memory_space<vmem>> -> memref<128x16xf32, #tpu.memory_space<vmem>>
      tpu.wait_dma2 semaphore(%run_scoped3A_564 : memref<!tpu.dma_semaphore, #tpu.memory_space<semaphore_mem>>) src(%dma_wait3A_588 : memref<128x16xf32, #tpu.memory_space<vmem>>) dst(%dma_wait3A_584 : memref<128x16xf32, #tpu.memory_space<vmem_shared>>)
      tpu.yield
    }) : () -> ()
    %mul3A_40 = arith.constant 632 : i32
    %mul3A_41 = arith.muli %arg1, %mul3A_40 : i32
    %add3A_42 = arith.constant 256 : i32
    %add3A_43 = arith.addi %mul3A_41, %add3A_42 : i32
    %run_scoped3A_44 = arith.constant 0 : i32
    "tpu.region"() ({
      %run_scoped3A_564 = tpu.sem_alloc : memref<!tpu.dma_semaphore, #tpu.memory_space<semaphore_mem>>
      %dma_start3A_565 = arith.constant 0 : i32
      %dma_start3A_566 = arith.constant 0 : i32
      %dma_start3A_567 = tpu.memref_slice %arg7[%run_scoped3A_44, %dma_start3A_565, %dma_start3A_566] : memref<8x128x16xf32, #tpu.memory_space<vmem>> -> memref<1x128x16xf32, #tpu.memory_space<vmem>>
      %dma_start3A_568 = tpu.memref_squeeze %dma_start3A_567 : memref<1x128x16xf32, #tpu.memory_space<vmem>> -> memref<128x16xf32, #tpu.memory_space<vmem>>
      %dma_start3A_569 = arith.constant 0 : i32
      %dma_start3A_570 = tpu.memref_slice %arg8[%add3A_43, %dma_start3A_569] : memref<10112x16xf32, #tpu.memory_space<vmem_shared>> -> memref<128x16xf32, #tpu.memory_space<vmem_shared>>
      %dma_start3A_571 = arith.constant 0 : i32
      %dma_start3A_572 = tpu.memref_slice %arg8[%add3A_43, %dma_start3A_571] : memref<10112x16xf32, #tpu.memory_space<vmem_shared>> -> memref<128x16xf32, #tpu.memory_space<vmem_shared>>
      %dma_start3A_573 = arith.constant 0 : i32
      %dma_start3A_574 = arith.constant 0 : i32
      %dma_start3A_575 = tpu.memref_slice %arg7[%run_scoped3A_44, %dma_start3A_573, %dma_start3A_574] : memref<8x128x16xf32, #tpu.memory_space<vmem>> -> memref<1x128x16xf32, #tpu.memory_space<vmem>>
      %dma_start3A_576 = tpu.memref_squeeze %dma_start3A_575 : memref<1x128x16xf32, #tpu.memory_space<vmem>> -> memref<128x16xf32, #tpu.memory_space<vmem>>
      tpu.enqueue_dma source(%dma_start3A_576 : memref<128x16xf32, #tpu.memory_space<vmem>>) target(%dma_start3A_572 : memref<128x16xf32, #tpu.memory_space<vmem_shared>>) target_semaphore(%run_scoped3A_564 : memref<!tpu.dma_semaphore, #tpu.memory_space<semaphore_mem>>)
      %dma_wait3A_577 = arith.constant 0 : i32
      %dma_wait3A_578 = arith.constant 0 : i32
      %dma_wait3A_579 = tpu.memref_slice %arg7[%run_scoped3A_44, %dma_wait3A_577, %dma_wait3A_578] : memref<8x128x16xf32, #tpu.memory_space<vmem>> -> memref<1x128x16xf32, #tpu.memory_space<vmem>>
      %dma_wait3A_580 = tpu.memref_squeeze %dma_wait3A_579 : memref<1x128x16xf32, #tpu.memory_space<vmem>> -> memref<128x16xf32, #tpu.memory_space<vmem>>
      %dma_wait3A_581 = arith.constant 0 : i32
      %dma_wait3A_582 = tpu.memref_slice %arg8[%add3A_43, %dma_wait3A_581] : memref<10112x16xf32, #tpu.memory_space<vmem_shared>> -> memref<128x16xf32, #tpu.memory_space<vmem_shared>>
      %dma_wait3A_583 = arith.constant 0 : i32
      %dma_wait3A_584 = tpu.memref_slice %arg8[%add3A_43, %dma_wait3A_583] : memref<10112x16xf32, #tpu.memory_space<vmem_shared>> -> memref<128x16xf32, #tpu.memory_space<vmem_shared>>
      %dma_wait3A_585 = arith.constant 0 : i32
      %dma_wait3A_586 = arith.constant 0 : i32
      %dma_wait3A_587 = tpu.memref_slice %arg7[%run_scoped3A_44, %dma_wait3A_585, %dma_wait3A_586] : memref<8x128x16xf32, #tpu.memory_space<vmem>> -> memref<1x128x16xf32, #tpu.memory_space<vmem>>
      %dma_wait3A_588 = tpu.memref_squeeze %dma_wait3A_587 : memref<1x128x16xf32, #tpu.memory_space<vmem>> -> memref<128x16xf32, #tpu.memory_space<vmem>>
      tpu.wait_dma2 semaphore(%run_scoped3A_564 : memref<!tpu.dma_semaphore, #tpu.memory_space<semaphore_mem>>) src(%dma_wait3A_588 : memref<128x16xf32, #tpu.memory_space<vmem>>) dst(%dma_wait3A_584 : memref<128x16xf32, #tpu.memory_space<vmem_shared>>)
      tpu.yield
    }) : () -> ()
    %mul3A_45 = arith.constant 632 : i32
    %mul3A_46 = arith.muli %arg1, %mul3A_45 : i32
    %add3A_47 = arith.constant 384 : i32
    %add3A_48 = arith.addi %mul3A_46, %add3A_47 : i32
    %run_scoped3A_49 = arith.constant 0 : i32
    "tpu.region"() ({
      %run_scoped3A_564 = tpu.sem_alloc : memref<!tpu.dma_semaphore, #tpu.memory_space<semaphore_mem>>
      %dma_start3A_565 = arith.constant 0 : i32
      %dma_start3A_566 = arith.constant 0 : i32
      %dma_start3A_567 = tpu.memref_slice %arg7[%run_scoped3A_49, %dma_start3A_565, %dma_start3A_566] : memref<8x128x16xf32, #tpu.memory_space<vmem>> -> memref<1x128x16xf32, #tpu.memory_space<vmem>>
      %dma_start3A_568 = tpu.memref_squeeze %dma_start3A_567 : memref<1x128x16xf32, #tpu.memory_space<vmem>> -> memref<128x16xf32, #tpu.memory_space<vmem>>
      %dma_start3A_569 = arith.constant 0 : i32
      %dma_start3A_570 = tpu.memref_slice %arg8[%add3A_48, %dma_start3A_569] : memref<10112x16xf32, #tpu.memory_space<vmem_shared>> -> memref<128x16xf32, #tpu.memory_space<vmem_shared>>
      %dma_start3A_571 = arith.constant 0 : i32
      %dma_start3A_572 = tpu.memref_slice %arg8[%add3A_48, %dma_start3A_571] : memref<10112x16xf32, #tpu.memory_space<vmem_shared>> -> memref<128x16xf32, #tpu.memory_space<vmem_shared>>
      %dma_start3A_573 = arith.constant 0 : i32
      %dma_start3A_574 = arith.constant 0 : i32
      %dma_start3A_575 = tpu.memref_slice %arg7[%run_scoped3A_49, %dma_start3A_573, %dma_start3A_574] : memref<8x128x16xf32, #tpu.memory_space<vmem>> -> memref<1x128x16xf32, #tpu.memory_space<vmem>>
      %dma_start3A_576 = tpu.memref_squeeze %dma_start3A_575 : memref<1x128x16xf32, #tpu.memory_space<vmem>> -> memref<128x16xf32, #tpu.memory_space<vmem>>
      tpu.enqueue_dma source(%dma_start3A_576 : memref<128x16xf32, #tpu.memory_space<vmem>>) target(%dma_start3A_572 : memref<128x16xf32, #tpu.memory_space<vmem_shared>>) target_semaphore(%run_scoped3A_564 : memref<!tpu.dma_semaphore, #tpu.memory_space<semaphore_mem>>)
      %dma_wait3A_577 = arith.constant 0 : i32
      %dma_wait3A_578 = arith.constant 0 : i32
      %dma_wait3A_579 = tpu.memref_slice %arg7[%run_scoped3A_49, %dma_wait3A_577, %dma_wait3A_578] : memref<8x128x16xf32, #tpu.memory_space<vmem>> -> memref<1x128x16xf32, #tpu.memory_space<vmem>>
      %dma_wait3A_580 = tpu.memref_squeeze %dma_wait3A_579 : memref<1x128x16xf32, #tpu.memory_space<vmem>> -> memref<128x16xf32, #tpu.memory_space<vmem>>
      %dma_wait3A_581 = arith.constant 0 : i32
      %dma_wait3A_582 = tpu.memref_slice %arg8[%add3A_48, %dma_wait3A_581] : memref<10112x16xf32, #tpu.memory_space<vmem_shared>> -> memref<128x16xf32, #tpu.memory_space<vmem_shared>>
      %dma_wait3A_583 = arith.constant 0 : i32
      %dma_wait3A_584 = tpu.memref_slice %arg8[%add3A_48, %dma_wait3A_583] : memref<10112x16xf32, #tpu.memory_space<vmem_shared>> -> memref<128x16xf32, #tpu.memory_space<vmem_shared>>
      %dma_wait3A_585 = arith.constant 0 : i32
      %dma_wait3A_586 = arith.constant 0 : i32
      %dma_wait3A_587 = tpu.memref_slice %arg7[%run_scoped3A_49, %dma_wait3A_585, %dma_wait3A_586] : memref<8x128x16xf32, #tpu.memory_space<vmem>> -> memref<1x128x16xf32, #tpu.memory_space<vmem>>
      %dma_wait3A_588 = tpu.memref_squeeze %dma_wait3A_587 : memref<1x128x16xf32, #tpu.memory_space<vmem>> -> memref<128x16xf32, #tpu.memory_space<vmem>>
      tpu.wait_dma2 semaphore(%run_scoped3A_564 : memref<!tpu.dma_semaphore, #tpu.memory_space<semaphore_mem>>) src(%dma_wait3A_588 : memref<128x16xf32, #tpu.memory_space<vmem>>) dst(%dma_wait3A_584 : memref<128x16xf32, #tpu.memory_space<vmem_shared>>)
      tpu.yield
    }) : () -> ()
    %mul3A_50 = arith.constant 632 : i32
    %mul3A_51 = arith.muli %arg1, %mul3A_50 : i32
    %add3A_52 = arith.constant 512 : i32
    %add3A_53 = arith.addi %mul3A_51, %add3A_52 : i32
    %run_scoped3A_54 = arith.constant 0 : i32
    "tpu.region"() ({
      %run_scoped3A_564 = tpu.sem_alloc : memref<!tpu.dma_semaphore, #tpu.memory_space<semaphore_mem>>
      %dma_start3A_565 = arith.constant 0 : i32
      %dma_start3A_566 = arith.constant 0 : i32
      %dma_start3A_567 = tpu.memref_slice %arg7[%run_scoped3A_54, %dma_start3A_565, %dma_start3A_566] : memref<8x128x16xf32, #tpu.memory_space<vmem>> -> memref<1x128x16xf32, #tpu.memory_space<vmem>>
      %dma_start3A_568 = tpu.memref_squeeze %dma_start3A_567 : memref<1x128x16xf32, #tpu.memory_space<vmem>> -> memref<128x16xf32, #tpu.memory_space<vmem>>
      %dma_start3A_569 = arith.constant 0 : i32
      %dma_start3A_570 = arith.constant 0 : i32
      %dma_start3A_571 = tpu.memref_slice %dma_start3A_568[%dma_start3A_569, %dma_start3A_570] : memref<128x16xf32, #tpu.memory_space<vmem>> -> memref<120x16xf32, #tpu.memory_space<vmem>>
      %dma_start3A_572 = arith.constant 0 : i32
      %dma_start3A_573 = tpu.memref_slice %arg8[%add3A_53, %dma_start3A_572] : memref<10112x16xf32, #tpu.memory_space<vmem_shared>> -> memref<120x16xf32, #tpu.memory_space<vmem_shared>>
      %dma_start3A_574 = arith.constant 0 : i32
      %dma_start3A_575 = tpu.memref_slice %arg8[%add3A_53, %dma_start3A_574] : memref<10112x16xf32, #tpu.memory_space<vmem_shared>> -> memref<120x16xf32, #tpu.memory_space<vmem_shared>>
      %dma_start3A_576 = arith.constant 0 : i32
      %dma_start3A_577 = arith.constant 0 : i32
      %dma_start3A_578 = tpu.memref_slice %arg7[%run_scoped3A_54, %dma_start3A_576, %dma_start3A_577] : memref<8x128x16xf32, #tpu.memory_space<vmem>> -> memref<1x128x16xf32, #tpu.memory_space<vmem>>
      %dma_start3A_579 = tpu.memref_squeeze %dma_start3A_578 : memref<1x128x16xf32, #tpu.memory_space<vmem>> -> memref<128x16xf32, #tpu.memory_space<vmem>>
      %dma_start3A_580 = arith.constant 0 : i32
      %dma_start3A_581 = arith.constant 0 : i32
      %dma_start3A_582 = tpu.memref_slice %dma_start3A_579[%dma_start3A_580, %dma_start3A_581] : memref<128x16xf32, #tpu.memory_space<vmem>> -> memref<120x16xf32, #tpu.memory_space<vmem>>
      tpu.enqueue_dma source(%dma_start3A_582 : memref<120x16xf32, #tpu.memory_space<vmem>>) target(%dma_start3A_575 : memref<120x16xf32, #tpu.memory_space<vmem_shared>>) target_semaphore(%run_scoped3A_564 : memref<!tpu.dma_semaphore, #tpu.memory_space<semaphore_mem>>)
      %dma_wait3A_583 = arith.constant 0 : i32
      %dma_wait3A_584 = arith.constant 0 : i32
      %dma_wait3A_585 = tpu.memref_slice %arg7[%run_scoped3A_54, %dma_wait3A_583, %dma_wait3A_584] : memref<8x128x16xf32, #tpu.memory_space<vmem>> -> memref<1x128x16xf32, #tpu.memory_space<vmem>>
      %dma_wait3A_586 = tpu.memref_squeeze %dma_wait3A_585 : memref<1x128x16xf32, #tpu.memory_space<vmem>> -> memref<128x16xf32, #tpu.memory_space<vmem>>
      %dma_wait3A_587 = arith.constant 0 : i32
      %dma_wait3A_588 = arith.constant 0 : i32
      %dma_wait3A_589 = tpu.memref_slice %dma_wait3A_586[%dma_wait3A_587, %dma_wait3A_588] : memref<128x16xf32, #tpu.memory_space<vmem>> -> memref<120x16xf32, #tpu.memory_space<vmem>>
      %dma_wait3A_590 = arith.constant 0 : i32
      %dma_wait3A_591 = tpu.memref_slice %arg8[%add3A_53, %dma_wait3A_590] : memref<10112x16xf32, #tpu.memory_space<vmem_shared>> -> memref<120x16xf32, #tpu.memory_space<vmem_shared>>
      %dma_wait3A_592 = arith.constant 0 : i32
      %dma_wait3A_593 = tpu.memref_slice %arg8[%add3A_53, %dma_wait3A_592] : memref<10112x16xf32, #tpu.memory_space<vmem_shared>> -> memref<120x16xf32, #tpu.memory_space<vmem_shared>>
      %dma_wait3A_594 = arith.constant 0 : i32
      %dma_wait3A_595 = arith.constant 0 : i32
      %dma_wait3A_596 = tpu.memref_slice %arg7[%run_scoped3A_54, %dma_wait3A_594, %dma_wait3A_595] : memref<8x128x16xf32, #tpu.memory_space<vmem>> -> memref<1x128x16xf32, #tpu.memory_space<vmem>>
      %dma_wait3A_597 = tpu.memref_squeeze %dma_wait3A_596 : memref<1x128x16xf32, #tpu.memory_space<vmem>> -> memref<128x16xf32, #tpu.memory_space<vmem>>
      %dma_wait3A_598 = arith.constant 0 : i32
      %dma_wait3A_599 = arith.constant 0 : i32
      %dma_wait3A_600 = tpu.memref_slice %dma_wait3A_597[%dma_wait3A_598, %dma_wait3A_599] : memref<128x16xf32, #tpu.memory_space<vmem>> -> memref<120x16xf32, #tpu.memory_space<vmem>>
      tpu.wait_dma2 semaphore(%run_scoped3A_564 : memref<!tpu.dma_semaphore, #tpu.memory_space<semaphore_mem>>) src(%dma_wait3A_600 : memref<120x16xf32, #tpu.memory_space<vmem>>) dst(%dma_wait3A_593 : memref<120x16xf32, #tpu.memory_space<vmem_shared>>)
      tpu.yield
    }) : () -> ()
    %dma_wait3A = arith.constant 0 : i32
    %dma_wait3A_55 = arith.constant 0 : i32
    %dma_wait3A_56 = arith.constant 0 : i32
    %dma_wait3A_57 = arith.constant 0 : i32
    %dma_wait3A_58 = tpu.memref_slice %arg3[%dma_wait3A, %add3A, %dma_wait3A_56, %dma_wait3A_57] : memref<2x32x80x128xi32, #tpu.memory_space<hbm>> -> memref<1x1x80x128xi32, #tpu.memory_space<hbm>>
    %dma_wait3A_59 = tpu.memref_squeeze %dma_wait3A_58 : memref<1x1x80x128xi32, #tpu.memory_space<hbm>> -> memref<80x128xi32, #tpu.memory_space<hbm>>
    %dma_wait3A_60 = tpu.memref_slice %arg9[%dma_wait3A_55] : memref<8x!tpu.dma_semaphore, #tpu.memory_space<semaphore_mem>> -> memref<1x!tpu.dma_semaphore, #tpu.memory_space<semaphore_mem>>
    %dma_wait3A_61 = tpu.memref_squeeze %dma_wait3A_60 : memref<1x!tpu.dma_semaphore, #tpu.memory_space<semaphore_mem>> -> memref<!tpu.dma_semaphore, #tpu.memory_space<semaphore_mem>>
    %dma_wait3A_62 = arith.constant 0 : i32
    %dma_wait3A_63 = arith.constant 0 : i32
    %dma_wait3A_64 = tpu.memref_slice %arg3[%dma_wait3A, %add3A, %dma_wait3A_62, %dma_wait3A_63] : memref<2x32x80x128xi32, #tpu.memory_space<hbm>> -> memref<1x1x80x128xi32, #tpu.memory_space<hbm>>
    %dma_wait3A_65 = tpu.memref_squeeze %dma_wait3A_64 : memref<1x1x80x128xi32, #tpu.memory_space<hbm>> -> memref<80x128xi32, #tpu.memory_space<hbm>>
    tpu.wait_dma2 semaphore(%dma_wait3A_61 : memref<!tpu.dma_semaphore, #tpu.memory_space<semaphore_mem>>) src(%dma_wait3A_65 : memref<80x128xi32, #tpu.memory_space<hbm>>) dst(%arg5 : memref<80x128xi32, #tpu.memory_space<vmem>>)
    %dma_wait3A_66 = arith.constant 1 : i32
    %dma_wait3A_67 = arith.constant 1 : i32
    %dma_wait3A_68 = arith.constant 0 : i32
    %dma_wait3A_69 = arith.constant 0 : i32
    %dma_wait3A_70 = tpu.memref_slice %arg3[%dma_wait3A_66, %add3A, %dma_wait3A_68, %dma_wait3A_69] : memref<2x32x80x128xi32, #tpu.memory_space<hbm>> -> memref<1x1x80x128xi32, #tpu.memory_space<hbm>>
    %dma_wait3A_71 = tpu.memref_squeeze %dma_wait3A_70 : memref<1x1x80x128xi32, #tpu.memory_space<hbm>> -> memref<80x128xi32, #tpu.memory_space<hbm>>
    %dma_wait3A_72 = tpu.memref_slice %arg9[%dma_wait3A_67] : memref<8x!tpu.dma_semaphore, #tpu.memory_space<semaphore_mem>> -> memref<1x!tpu.dma_semaphore, #tpu.memory_space<semaphore_mem>>
    %dma_wait3A_73 = tpu.memref_squeeze %dma_wait3A_72 : memref<1x!tpu.dma_semaphore, #tpu.memory_space<semaphore_mem>> -> memref<!tpu.dma_semaphore, #tpu.memory_space<semaphore_mem>>
    %dma_wait3A_74 = arith.constant 0 : i32
    %dma_wait3A_75 = arith.constant 0 : i32
    %dma_wait3A_76 = tpu.memref_slice %arg3[%dma_wait3A_66, %add3A, %dma_wait3A_74, %dma_wait3A_75] : memref<2x32x80x128xi32, #tpu.memory_space<hbm>> -> memref<1x1x80x128xi32, #tpu.memory_space<hbm>>
    %dma_wait3A_77 = tpu.memref_squeeze %dma_wait3A_76 : memref<1x1x80x128xi32, #tpu.memory_space<hbm>> -> memref<80x128xi32, #tpu.memory_space<hbm>>
    tpu.wait_dma2 semaphore(%dma_wait3A_73 : memref<!tpu.dma_semaphore, #tpu.memory_space<semaphore_mem>>) src(%dma_wait3A_77 : memref<80x128xi32, #tpu.memory_space<hbm>>) dst(%arg6 : memref<80x128xi32, #tpu.memory_space<vmem>>)
    %barrier3A = arith.constant 0 : index
    tpu.barrier barrier_id(%barrier3A)
    %dma_start3A_78 = arith.constant 0 : i32
    %dma_start3A_79 = arith.constant 0 : i32
    %dma_start3A_80 = arith.constant 0 : i32
    %dma_start3A_81 = arith.constant 0 : i32
    %dma_start3A_82 = arith.constant 0 : i32
    %dma_start3A_83 = tpu.memref_slice %arg7[%dma_start3A_79, %dma_start3A_81, %dma_start3A_82] : memref<8x128x16xf32, #tpu.memory_space<vmem>> -> memref<1x128x16xf32, #tpu.memory_space<vmem>>
    %dma_start3A_84 = tpu.memref_squeeze %dma_start3A_83 : memref<1x128x16xf32, #tpu.memory_space<vmem>> -> memref<128x16xf32, #tpu.memory_space<vmem>>
    %dma_start3A_85 = arith.constant 0 : i32
    %dma_start3A_86 = tpu.memref_slice %arg5[%dma_start3A_78, %dma_start3A_85] : memref<80x128xi32, #tpu.memory_space<vmem>> -> memref<1x128xi32, #tpu.memory_space<vmem>>
    %dma_start3A_87 = tpu.memref_squeeze %dma_start3A_86 : memref<1x128xi32, #tpu.memory_space<vmem>> -> memref<128xi32, #tpu.memory_space<vmem>>
    %dma_start3A_88 = arith.constant 0 : i32
    %dma_start3A_89 = arith.constant 0 : i32
    %dma_start3A_90 = tpu.memref_slice %arg2[%dma_start3A_88, %dma_start3A_89] : memref<10112x16xf32, #tpu.memory_space<hbm>> -> memref<10112x16xf32, #tpu.memory_space<hbm>>
    %dma_start3A_91 = tpu.memref_slice %arg9[%dma_start3A_80] : memref<8x!tpu.dma_semaphore, #tpu.memory_space<semaphore_mem>> -> memref<1x!tpu.dma_semaphore, #tpu.memory_space<semaphore_mem>>
    %dma_start3A_92 = tpu.memref_squeeze %dma_start3A_91 : memref<1x!tpu.dma_semaphore, #tpu.memory_space<semaphore_mem>> -> memref<!tpu.dma_semaphore, #tpu.memory_space<semaphore_mem>>
    tpu.enqueue_indirect_dma source(%dma_start3A_90 : memref<10112x16xf32, #tpu.memory_space<hbm>>) target(%dma_start3A_84 : memref<128x16xf32, #tpu.memory_space<vmem>>) offsets(%dma_start3A_87 : memref<128xi32, #tpu.memory_space<vmem>>) semaphore(%dma_start3A_92 : memref<!tpu.dma_semaphore, #tpu.memory_space<semaphore_mem>>)
    %dma_start3A_93 = arith.constant 1 : i32
    %dma_start3A_94 = arith.constant 1 : i32
    %dma_start3A_95 = arith.constant 1 : i32
    %dma_start3A_96 = arith.constant 0 : i32
    %dma_start3A_97 = arith.constant 0 : i32
    %dma_start3A_98 = tpu.memref_slice %arg7[%dma_start3A_94, %dma_start3A_96, %dma_start3A_97] : memref<8x128x16xf32, #tpu.memory_space<vmem>> -> memref<1x128x16xf32, #tpu.memory_space<vmem>>
    %dma_start3A_99 = tpu.memref_squeeze %dma_start3A_98 : memref<1x128x16xf32, #tpu.memory_space<vmem>> -> memref<128x16xf32, #tpu.memory_space<vmem>>
    %dma_start3A_100 = arith.constant 0 : i32
    %dma_start3A_101 = tpu.memref_slice %arg5[%dma_start3A_93, %dma_start3A_100] : memref<80x128xi32, #tpu.memory_space<vmem>> -> memref<1x128xi32, #tpu.memory_space<vmem>>
    %dma_start3A_102 = tpu.memref_squeeze %dma_start3A_101 : memref<1x128xi32, #tpu.memory_space<vmem>> -> memref<128xi32, #tpu.memory_space<vmem>>
    %dma_start3A_103 = arith.constant 0 : i32
    %dma_start3A_104 = arith.constant 0 : i32
    %dma_start3A_105 = tpu.memref_slice %arg2[%dma_start3A_103, %dma_start3A_104] : memref<10112x16xf32, #tpu.memory_space<hbm>> -> memref<10112x16xf32, #tpu.memory_space<hbm>>
    %dma_start3A_106 = tpu.memref_slice %arg9[%dma_start3A_95] : memref<8x!tpu.dma_semaphore, #tpu.memory_space<semaphore_mem>> -> memref<1x!tpu.dma_semaphore, #tpu.memory_space<semaphore_mem>>
    %dma_start3A_107 = tpu.memref_squeeze %dma_start3A_106 : memref<1x!tpu.dma_semaphore, #tpu.memory_space<semaphore_mem>> -> memref<!tpu.dma_semaphore, #tpu.memory_space<semaphore_mem>>
    tpu.enqueue_indirect_dma source(%dma_start3A_105 : memref<10112x16xf32, #tpu.memory_space<hbm>>) target(%dma_start3A_99 : memref<128x16xf32, #tpu.memory_space<vmem>>) offsets(%dma_start3A_102 : memref<128xi32, #tpu.memory_space<vmem>>) semaphore(%dma_start3A_107 : memref<!tpu.dma_semaphore, #tpu.memory_space<semaphore_mem>>)
    %dma_start3A_108 = arith.constant 2 : i32
    %dma_start3A_109 = arith.constant 2 : i32
    %dma_start3A_110 = arith.constant 2 : i32
    %dma_start3A_111 = arith.constant 0 : i32
    %dma_start3A_112 = arith.constant 0 : i32
    %dma_start3A_113 = tpu.memref_slice %arg7[%dma_start3A_109, %dma_start3A_111, %dma_start3A_112] : memref<8x128x16xf32, #tpu.memory_space<vmem>> -> memref<1x128x16xf32, #tpu.memory_space<vmem>>
    %dma_start3A_114 = tpu.memref_squeeze %dma_start3A_113 : memref<1x128x16xf32, #tpu.memory_space<vmem>> -> memref<128x16xf32, #tpu.memory_space<vmem>>
    %dma_start3A_115 = arith.constant 0 : i32
    %dma_start3A_116 = tpu.memref_slice %arg5[%dma_start3A_108, %dma_start3A_115] : memref<80x128xi32, #tpu.memory_space<vmem>> -> memref<1x128xi32, #tpu.memory_space<vmem>>
    %dma_start3A_117 = tpu.memref_squeeze %dma_start3A_116 : memref<1x128xi32, #tpu.memory_space<vmem>> -> memref<128xi32, #tpu.memory_space<vmem>>
    %dma_start3A_118 = arith.constant 0 : i32
    %dma_start3A_119 = arith.constant 0 : i32
    %dma_start3A_120 = tpu.memref_slice %arg2[%dma_start3A_118, %dma_start3A_119] : memref<10112x16xf32, #tpu.memory_space<hbm>> -> memref<10112x16xf32, #tpu.memory_space<hbm>>
    %dma_start3A_121 = tpu.memref_slice %arg9[%dma_start3A_110] : memref<8x!tpu.dma_semaphore, #tpu.memory_space<semaphore_mem>> -> memref<1x!tpu.dma_semaphore, #tpu.memory_space<semaphore_mem>>
    %dma_start3A_122 = tpu.memref_squeeze %dma_start3A_121 : memref<1x!tpu.dma_semaphore, #tpu.memory_space<semaphore_mem>> -> memref<!tpu.dma_semaphore, #tpu.memory_space<semaphore_mem>>
    tpu.enqueue_indirect_dma source(%dma_start3A_120 : memref<10112x16xf32, #tpu.memory_space<hbm>>) target(%dma_start3A_114 : memref<128x16xf32, #tpu.memory_space<vmem>>) offsets(%dma_start3A_117 : memref<128xi32, #tpu.memory_space<vmem>>) semaphore(%dma_start3A_122 : memref<!tpu.dma_semaphore, #tpu.memory_space<semaphore_mem>>)
    %dma_start3A_123 = arith.constant 3 : i32
    %dma_start3A_124 = arith.constant 3 : i32
    %dma_start3A_125 = arith.constant 3 : i32
    %dma_start3A_126 = arith.constant 0 : i32
    %dma_start3A_127 = arith.constant 0 : i32
    %dma_start3A_128 = tpu.memref_slice %arg7[%dma_start3A_124, %dma_start3A_126, %dma_start3A_127] : memref<8x128x16xf32, #tpu.memory_space<vmem>> -> memref<1x128x16xf32, #tpu.memory_space<vmem>>
    %dma_start3A_129 = tpu.memref_squeeze %dma_start3A_128 : memref<1x128x16xf32, #tpu.memory_space<vmem>> -> memref<128x16xf32, #tpu.memory_space<vmem>>
    %dma_start3A_130 = arith.constant 0 : i32
    %dma_start3A_131 = tpu.memref_slice %arg5[%dma_start3A_123, %dma_start3A_130] : memref<80x128xi32, #tpu.memory_space<vmem>> -> memref<1x128xi32, #tpu.memory_space<vmem>>
    %dma_start3A_132 = tpu.memref_squeeze %dma_start3A_131 : memref<1x128xi32, #tpu.memory_space<vmem>> -> memref<128xi32, #tpu.memory_space<vmem>>
    %dma_start3A_133 = arith.constant 0 : i32
    %dma_start3A_134 = arith.constant 0 : i32
    %dma_start3A_135 = tpu.memref_slice %arg2[%dma_start3A_133, %dma_start3A_134] : memref<10112x16xf32, #tpu.memory_space<hbm>> -> memref<10112x16xf32, #tpu.memory_space<hbm>>
    %dma_start3A_136 = tpu.memref_slice %arg9[%dma_start3A_125] : memref<8x!tpu.dma_semaphore, #tpu.memory_space<semaphore_mem>> -> memref<1x!tpu.dma_semaphore, #tpu.memory_space<semaphore_mem>>
    %dma_start3A_137 = tpu.memref_squeeze %dma_start3A_136 : memref<1x!tpu.dma_semaphore, #tpu.memory_space<semaphore_mem>> -> memref<!tpu.dma_semaphore, #tpu.memory_space<semaphore_mem>>
    tpu.enqueue_indirect_dma source(%dma_start3A_135 : memref<10112x16xf32, #tpu.memory_space<hbm>>) target(%dma_start3A_129 : memref<128x16xf32, #tpu.memory_space<vmem>>) offsets(%dma_start3A_132 : memref<128xi32, #tpu.memory_space<vmem>>) semaphore(%dma_start3A_137 : memref<!tpu.dma_semaphore, #tpu.memory_space<semaphore_mem>>)
    %dma_start3A_138 = arith.constant 4 : i32
    %dma_start3A_139 = arith.constant 4 : i32
    %dma_start3A_140 = arith.constant 4 : i32
    %dma_start3A_141 = arith.constant 0 : i32
    %dma_start3A_142 = arith.constant 0 : i32
    %dma_start3A_143 = tpu.memref_slice %arg7[%dma_start3A_139, %dma_start3A_141, %dma_start3A_142] : memref<8x128x16xf32, #tpu.memory_space<vmem>> -> memref<1x128x16xf32, #tpu.memory_space<vmem>>
    %dma_start3A_144 = tpu.memref_squeeze %dma_start3A_143 : memref<1x128x16xf32, #tpu.memory_space<vmem>> -> memref<128x16xf32, #tpu.memory_space<vmem>>
    %dma_start3A_145 = arith.constant 0 : i32
    %dma_start3A_146 = tpu.memref_slice %arg5[%dma_start3A_138, %dma_start3A_145] : memref<80x128xi32, #tpu.memory_space<vmem>> -> memref<1x128xi32, #tpu.memory_space<vmem>>
    %dma_start3A_147 = tpu.memref_squeeze %dma_start3A_146 : memref<1x128xi32, #tpu.memory_space<vmem>> -> memref<128xi32, #tpu.memory_space<vmem>>
    %dma_start3A_148 = arith.constant 0 : i32
    %dma_start3A_149 = arith.constant 0 : i32
    %dma_start3A_150 = tpu.memref_slice %arg2[%dma_start3A_148, %dma_start3A_149] : memref<10112x16xf32, #tpu.memory_space<hbm>> -> memref<10112x16xf32, #tpu.memory_space<hbm>>
    %dma_start3A_151 = tpu.memref_slice %arg9[%dma_start3A_140] : memref<8x!tpu.dma_semaphore, #tpu.memory_space<semaphore_mem>> -> memref<1x!tpu.dma_semaphore, #tpu.memory_space<semaphore_mem>>
    %dma_start3A_152 = tpu.memref_squeeze %dma_start3A_151 : memref<1x!tpu.dma_semaphore, #tpu.memory_space<semaphore_mem>> -> memref<!tpu.dma_semaphore, #tpu.memory_space<semaphore_mem>>
    tpu.enqueue_indirect_dma source(%dma_start3A_150 : memref<10112x16xf32, #tpu.memory_space<hbm>>) target(%dma_start3A_144 : memref<128x16xf32, #tpu.memory_space<vmem>>) offsets(%dma_start3A_147 : memref<128xi32, #tpu.memory_space<vmem>>) semaphore(%dma_start3A_152 : memref<!tpu.dma_semaphore, #tpu.memory_space<semaphore_mem>>)
    %dma_start3A_153 = arith.constant 5 : i32
    %dma_start3A_154 = arith.constant 5 : i32
    %dma_start3A_155 = arith.constant 5 : i32
    %dma_start3A_156 = arith.constant 0 : i32
    %dma_start3A_157 = arith.constant 0 : i32
    %dma_start3A_158 = tpu.memref_slice %arg7[%dma_start3A_154, %dma_start3A_156, %dma_start3A_157] : memref<8x128x16xf32, #tpu.memory_space<vmem>> -> memref<1x128x16xf32, #tpu.memory_space<vmem>>
    %dma_start3A_159 = tpu.memref_squeeze %dma_start3A_158 : memref<1x128x16xf32, #tpu.memory_space<vmem>> -> memref<128x16xf32, #tpu.memory_space<vmem>>
    %dma_start3A_160 = arith.constant 0 : i32
    %dma_start3A_161 = tpu.memref_slice %arg5[%dma_start3A_153, %dma_start3A_160] : memref<80x128xi32, #tpu.memory_space<vmem>> -> memref<1x128xi32, #tpu.memory_space<vmem>>
    %dma_start3A_162 = tpu.memref_squeeze %dma_start3A_161 : memref<1x128xi32, #tpu.memory_space<vmem>> -> memref<128xi32, #tpu.memory_space<vmem>>
    %dma_start3A_163 = arith.constant 0 : i32
    %dma_start3A_164 = arith.constant 0 : i32
    %dma_start3A_165 = tpu.memref_slice %arg2[%dma_start3A_163, %dma_start3A_164] : memref<10112x16xf32, #tpu.memory_space<hbm>> -> memref<10112x16xf32, #tpu.memory_space<hbm>>
    %dma_start3A_166 = tpu.memref_slice %arg9[%dma_start3A_155] : memref<8x!tpu.dma_semaphore, #tpu.memory_space<semaphore_mem>> -> memref<1x!tpu.dma_semaphore, #tpu.memory_space<semaphore_mem>>
    %dma_start3A_167 = tpu.memref_squeeze %dma_start3A_166 : memref<1x!tpu.dma_semaphore, #tpu.memory_space<semaphore_mem>> -> memref<!tpu.dma_semaphore, #tpu.memory_space<semaphore_mem>>
    tpu.enqueue_indirect_dma source(%dma_start3A_165 : memref<10112x16xf32, #tpu.memory_space<hbm>>) target(%dma_start3A_159 : memref<128x16xf32, #tpu.memory_space<vmem>>) offsets(%dma_start3A_162 : memref<128xi32, #tpu.memory_space<vmem>>) semaphore(%dma_start3A_167 : memref<!tpu.dma_semaphore, #tpu.memory_space<semaphore_mem>>)
    %dma_start3A_168 = arith.constant 6 : i32
    %dma_start3A_169 = arith.constant 6 : i32
    %dma_start3A_170 = arith.constant 6 : i32
    %dma_start3A_171 = arith.constant 0 : i32
    %dma_start3A_172 = arith.constant 0 : i32
    %dma_start3A_173 = tpu.memref_slice %arg7[%dma_start3A_169, %dma_start3A_171, %dma_start3A_172] : memref<8x128x16xf32, #tpu.memory_space<vmem>> -> memref<1x128x16xf32, #tpu.memory_space<vmem>>
    %dma_start3A_174 = tpu.memref_squeeze %dma_start3A_173 : memref<1x128x16xf32, #tpu.memory_space<vmem>> -> memref<128x16xf32, #tpu.memory_space<vmem>>
    %dma_start3A_175 = arith.constant 0 : i32
    %dma_start3A_176 = tpu.memref_slice %arg5[%dma_start3A_168, %dma_start3A_175] : memref<80x128xi32, #tpu.memory_space<vmem>> -> memref<1x128xi32, #tpu.memory_space<vmem>>
    %dma_start3A_177 = tpu.memref_squeeze %dma_start3A_176 : memref<1x128xi32, #tpu.memory_space<vmem>> -> memref<128xi32, #tpu.memory_space<vmem>>
    %dma_start3A_178 = arith.constant 0 : i32
    %dma_start3A_179 = arith.constant 0 : i32
    %dma_start3A_180 = tpu.memref_slice %arg2[%dma_start3A_178, %dma_start3A_179] : memref<10112x16xf32, #tpu.memory_space<hbm>> -> memref<10112x16xf32, #tpu.memory_space<hbm>>
    %dma_start3A_181 = tpu.memref_slice %arg9[%dma_start3A_170] : memref<8x!tpu.dma_semaphore, #tpu.memory_space<semaphore_mem>> -> memref<1x!tpu.dma_semaphore, #tpu.memory_space<semaphore_mem>>
    %dma_start3A_182 = tpu.memref_squeeze %dma_start3A_181 : memref<1x!tpu.dma_semaphore, #tpu.memory_space<semaphore_mem>> -> memref<!tpu.dma_semaphore, #tpu.memory_space<semaphore_mem>>
    tpu.enqueue_indirect_dma source(%dma_start3A_180 : memref<10112x16xf32, #tpu.memory_space<hbm>>) target(%dma_start3A_174 : memref<128x16xf32, #tpu.memory_space<vmem>>) offsets(%dma_start3A_177 : memref<128xi32, #tpu.memory_space<vmem>>) semaphore(%dma_start3A_182 : memref<!tpu.dma_semaphore, #tpu.memory_space<semaphore_mem>>)
    %dma_start3A_183 = arith.constant 7 : i32
    %dma_start3A_184 = arith.constant 7 : i32
    %dma_start3A_185 = arith.constant 7 : i32
    %dma_start3A_186 = arith.constant 0 : i32
    %dma_start3A_187 = arith.constant 0 : i32
    %dma_start3A_188 = tpu.memref_slice %arg7[%dma_start3A_184, %dma_start3A_186, %dma_start3A_187] : memref<8x128x16xf32, #tpu.memory_space<vmem>> -> memref<1x128x16xf32, #tpu.memory_space<vmem>>
    %dma_start3A_189 = tpu.memref_squeeze %dma_start3A_188 : memref<1x128x16xf32, #tpu.memory_space<vmem>> -> memref<128x16xf32, #tpu.memory_space<vmem>>
    %dma_start3A_190 = arith.constant 0 : i32
    %dma_start3A_191 = tpu.memref_slice %arg5[%dma_start3A_183, %dma_start3A_190] : memref<80x128xi32, #tpu.memory_space<vmem>> -> memref<1x128xi32, #tpu.memory_space<vmem>>
    %dma_start3A_192 = tpu.memref_squeeze %dma_start3A_191 : memref<1x128xi32, #tpu.memory_space<vmem>> -> memref<128xi32, #tpu.memory_space<vmem>>
    %dma_start3A_193 = arith.constant 0 : i32
    %dma_start3A_194 = arith.constant 0 : i32
    %dma_start3A_195 = tpu.memref_slice %arg2[%dma_start3A_193, %dma_start3A_194] : memref<10112x16xf32, #tpu.memory_space<hbm>> -> memref<10112x16xf32, #tpu.memory_space<hbm>>
    %dma_start3A_196 = tpu.memref_slice %arg9[%dma_start3A_185] : memref<8x!tpu.dma_semaphore, #tpu.memory_space<semaphore_mem>> -> memref<1x!tpu.dma_semaphore, #tpu.memory_space<semaphore_mem>>
    %dma_start3A_197 = tpu.memref_squeeze %dma_start3A_196 : memref<1x!tpu.dma_semaphore, #tpu.memory_space<semaphore_mem>> -> memref<!tpu.dma_semaphore, #tpu.memory_space<semaphore_mem>>
    tpu.enqueue_indirect_dma source(%dma_start3A_195 : memref<10112x16xf32, #tpu.memory_space<hbm>>) target(%dma_start3A_189 : memref<128x16xf32, #tpu.memory_space<vmem>>) offsets(%dma_start3A_192 : memref<128xi32, #tpu.memory_space<vmem>>) semaphore(%dma_start3A_197 : memref<!tpu.dma_semaphore, #tpu.memory_space<semaphore_mem>>)
    %scan3A_198 = arith.constant 0 : i32
    %scan3A_199 = arith.constant 9 : i32
    %scan3A_200 = arith.addi %scan3A_198, %scan3A_199 : i32
    %scan3A_201 = arith.constant 1 : i32
    scf.for %scan3A_564 = %scan3A_198 to %scan3A_200 step %scan3A_201  : i32 {
      %mul3A_565 = arith.constant 8 : i32
      %mul3A_566 = arith.muli %scan3A_564, %mul3A_565 : i32
      %add3A_567 = arith.constant 0 : i32
      %add3A_568 = arith.addi %add3A_567, %mul3A_566 : i32
      %add3A_569 = arith.constant 0 : i32
      %add3A_570 = arith.addi %add3A_568, %add3A_569 : i32
      %dma_wait3A_571 = arith.constant 0 : i32
      %dma_wait3A_572 = arith.constant 0 : i32
      %dma_wait3A_573 = arith.constant 0 : i32
      %dma_wait3A_574 = arith.constant 0 : i32
      %dma_wait3A_575 = tpu.memref_slice %arg7[%dma_wait3A_571, %dma_wait3A_573, %dma_wait3A_574] : memref<8x128x16xf32, #tpu.memory_space<vmem>> -> memref<1x128x16xf32, #tpu.memory_space<vmem>>
      %dma_wait3A_576 = tpu.memref_squeeze %dma_wait3A_575 : memref<1x128x16xf32, #tpu.memory_space<vmem>> -> memref<128x16xf32, #tpu.memory_space<vmem>>
      %dma_wait3A_577 = arith.constant 0 : i32
      %dma_wait3A_578 = tpu.memref_slice %arg5[%add3A_570, %dma_wait3A_577] : memref<80x128xi32, #tpu.memory_space<vmem>> -> memref<1x128xi32, #tpu.memory_space<vmem>>
      %dma_wait3A_579 = tpu.memref_squeeze %dma_wait3A_578 : memref<1x128xi32, #tpu.memory_space<vmem>> -> memref<128xi32, #tpu.memory_space<vmem>>
      %dma_wait3A_580 = arith.constant 0 : i32
      %dma_wait3A_581 = arith.constant 0 : i32
      %dma_wait3A_582 = tpu.memref_slice %arg2[%dma_wait3A_580, %dma_wait3A_581] : memref<10112x16xf32, #tpu.memory_space<hbm>> -> memref<10112x16xf32, #tpu.memory_space<hbm>>
      %dma_wait3A_583 = tpu.memref_slice %arg9[%dma_wait3A_572] : memref<8x!tpu.dma_semaphore, #tpu.memory_space<semaphore_mem>> -> memref<1x!tpu.dma_semaphore, #tpu.memory_space<semaphore_mem>>
      %dma_wait3A_584 = tpu.memref_squeeze %dma_wait3A_583 : memref<1x!tpu.dma_semaphore, #tpu.memory_space<semaphore_mem>> -> memref<!tpu.dma_semaphore, #tpu.memory_space<semaphore_mem>>
      tpu.wait_indirect_dma semaphore(%dma_wait3A_584 : memref<!tpu.dma_semaphore, #tpu.memory_space<semaphore_mem>>) src(%dma_wait3A_582 : memref<10112x16xf32, #tpu.memory_space<hbm>>) dst(%dma_wait3A_576 : memref<128x16xf32, #tpu.memory_space<vmem>>)
      %add3A_585 = arith.constant 0 : i32
      %add3A_586 = arith.addi %add3A_568, %add3A_585 : i32
      %dma_start3A_587 = arith.constant 0 : i32
      %dma_start3A_588 = arith.constant 0 : i32
      %dma_start3A_589 = arith.constant 0 : i32
      %dma_start3A_590 = arith.constant 0 : i32
      %dma_start3A_591 = tpu.memref_slice %arg7[%dma_start3A_587, %dma_start3A_589, %dma_start3A_590] : memref<8x128x16xf32, #tpu.memory_space<vmem>> -> memref<1x128x16xf32, #tpu.memory_space<vmem>>
      %dma_start3A_592 = tpu.memref_squeeze %dma_start3A_591 : memref<1x128x16xf32, #tpu.memory_space<vmem>> -> memref<128x16xf32, #tpu.memory_space<vmem>>
      %dma_start3A_593 = arith.constant 0 : i32
      %dma_start3A_594 = tpu.memref_slice %arg6[%add3A_586, %dma_start3A_593] : memref<80x128xi32, #tpu.memory_space<vmem>> -> memref<1x128xi32, #tpu.memory_space<vmem>>
      %dma_start3A_595 = tpu.memref_squeeze %dma_start3A_594 : memref<1x128xi32, #tpu.memory_space<vmem>> -> memref<128xi32, #tpu.memory_space<vmem>>
      %dma_start3A_596 = arith.constant 0 : i32
      %dma_start3A_597 = arith.constant 0 : i32
      %dma_start3A_598 = tpu.memref_slice %arg8[%dma_start3A_596, %dma_start3A_597] : memref<10112x16xf32, #tpu.memory_space<vmem_shared>> -> memref<10112x16xf32, #tpu.memory_space<vmem_shared>>
      %dma_start3A_599 = tpu.memref_slice %arg10[%dma_start3A_588] : memref<8x!tpu.dma_semaphore, #tpu.memory_space<semaphore_mem>> -> memref<1x!tpu.dma_semaphore, #tpu.memory_space<semaphore_mem>>
      %dma_start3A_600 = tpu.memref_squeeze %dma_start3A_599 : memref<1x!tpu.dma_semaphore, #tpu.memory_space<semaphore_mem>> -> memref<!tpu.dma_semaphore, #tpu.memory_space<semaphore_mem>>
      tpu.enqueue_indirect_dma source(%dma_start3A_592 : memref<128x16xf32, #tpu.memory_space<vmem>>) target(%dma_start3A_598 : memref<10112x16xf32, #tpu.memory_space<vmem_shared>>) offsets(%dma_start3A_595 : memref<128xi32, #tpu.memory_space<vmem>>) semaphore(%dma_start3A_600 : memref<!tpu.dma_semaphore, #tpu.memory_space<semaphore_mem>>) {add = true}
      %add3A_601 = arith.constant 1 : i32
      %add3A_602 = arith.addi %add3A_568, %add3A_601 : i32
      %dma_wait3A_603 = arith.constant 1 : i32
      %dma_wait3A_604 = arith.constant 1 : i32
      %dma_wait3A_605 = arith.constant 0 : i32
      %dma_wait3A_606 = arith.constant 0 : i32
      %dma_wait3A_607 = tpu.memref_slice %arg7[%dma_wait3A_603, %dma_wait3A_605, %dma_wait3A_606] : memref<8x128x16xf32, #tpu.memory_space<vmem>> -> memref<1x128x16xf32, #tpu.memory_space<vmem>>
      %dma_wait3A_608 = tpu.memref_squeeze %dma_wait3A_607 : memref<1x128x16xf32, #tpu.memory_space<vmem>> -> memref<128x16xf32, #tpu.memory_space<vmem>>
      %dma_wait3A_609 = arith.constant 0 : i32
      %dma_wait3A_610 = tpu.memref_slice %arg5[%add3A_602, %dma_wait3A_609] : memref<80x128xi32, #tpu.memory_space<vmem>> -> memref<1x128xi32, #tpu.memory_space<vmem>>
      %dma_wait3A_611 = tpu.memref_squeeze %dma_wait3A_610 : memref<1x128xi32, #tpu.memory_space<vmem>> -> memref<128xi32, #tpu.memory_space<vmem>>
      %dma_wait3A_612 = arith.constant 0 : i32
      %dma_wait3A_613 = arith.constant 0 : i32
      %dma_wait3A_614 = tpu.memref_slice %arg2[%dma_wait3A_612, %dma_wait3A_613] : memref<10112x16xf32, #tpu.memory_space<hbm>> -> memref<10112x16xf32, #tpu.memory_space<hbm>>
      %dma_wait3A_615 = tpu.memref_slice %arg9[%dma_wait3A_604] : memref<8x!tpu.dma_semaphore, #tpu.memory_space<semaphore_mem>> -> memref<1x!tpu.dma_semaphore, #tpu.memory_space<semaphore_mem>>
      %dma_wait3A_616 = tpu.memref_squeeze %dma_wait3A_615 : memref<1x!tpu.dma_semaphore, #tpu.memory_space<semaphore_mem>> -> memref<!tpu.dma_semaphore, #tpu.memory_space<semaphore_mem>>
      tpu.wait_indirect_dma semaphore(%dma_wait3A_616 : memref<!tpu.dma_semaphore, #tpu.memory_space<semaphore_mem>>) src(%dma_wait3A_614 : memref<10112x16xf32, #tpu.memory_space<hbm>>) dst(%dma_wait3A_608 : memref<128x16xf32, #tpu.memory_space<vmem>>)
      %add3A_617 = arith.constant 1 : i32
      %add3A_618 = arith.addi %add3A_568, %add3A_617 : i32
      %dma_start3A_619 = arith.constant 1 : i32
      %dma_start3A_620 = arith.constant 1 : i32
      %dma_start3A_621 = arith.constant 0 : i32
      %dma_start3A_622 = arith.constant 0 : i32
      %dma_start3A_623 = tpu.memref_slice %arg7[%dma_start3A_619, %dma_start3A_621, %dma_start3A_622] : memref<8x128x16xf32, #tpu.memory_space<vmem>> -> memref<1x128x16xf32, #tpu.memory_space<vmem>>
      %dma_start3A_624 = tpu.memref_squeeze %dma_start3A_623 : memref<1x128x16xf32, #tpu.memory_space<vmem>> -> memref<128x16xf32, #tpu.memory_space<vmem>>
      %dma_start3A_625 = arith.constant 0 : i32
      %dma_start3A_626 = tpu.memref_slice %arg6[%add3A_618, %dma_start3A_625] : memref<80x128xi32, #tpu.memory_space<vmem>> -> memref<1x128xi32, #tpu.memory_space<vmem>>
      %dma_start3A_627 = tpu.memref_squeeze %dma_start3A_626 : memref<1x128xi32, #tpu.memory_space<vmem>> -> memref<128xi32, #tpu.memory_space<vmem>>
      %dma_start3A_628 = arith.constant 0 : i32
      %dma_start3A_629 = arith.constant 0 : i32
      %dma_start3A_630 = tpu.memref_slice %arg8[%dma_start3A_628, %dma_start3A_629] : memref<10112x16xf32, #tpu.memory_space<vmem_shared>> -> memref<10112x16xf32, #tpu.memory_space<vmem_shared>>
      %dma_start3A_631 = tpu.memref_slice %arg10[%dma_start3A_620] : memref<8x!tpu.dma_semaphore, #tpu.memory_space<semaphore_mem>> -> memref<1x!tpu.dma_semaphore, #tpu.memory_space<semaphore_mem>>
      %dma_start3A_632 = tpu.memref_squeeze %dma_start3A_631 : memref<1x!tpu.dma_semaphore, #tpu.memory_space<semaphore_mem>> -> memref<!tpu.dma_semaphore, #tpu.memory_space<semaphore_mem>>
      tpu.enqueue_indirect_dma source(%dma_start3A_624 : memref<128x16xf32, #tpu.memory_space<vmem>>) target(%dma_start3A_630 : memref<10112x16xf32, #tpu.memory_space<vmem_shared>>) offsets(%dma_start3A_627 : memref<128xi32, #tpu.memory_space<vmem>>) semaphore(%dma_start3A_632 : memref<!tpu.dma_semaphore, #tpu.memory_space<semaphore_mem>>) {add = true}
      %add3A_633 = arith.constant 2 : i32
      %add3A_634 = arith.addi %add3A_568, %add3A_633 : i32
      %dma_wait3A_635 = arith.constant 2 : i32
      %dma_wait3A_636 = arith.constant 2 : i32
      %dma_wait3A_637 = arith.constant 0 : i32
      %dma_wait3A_638 = arith.constant 0 : i32
      %dma_wait3A_639 = tpu.memref_slice %arg7[%dma_wait3A_635, %dma_wait3A_637, %dma_wait3A_638] : memref<8x128x16xf32, #tpu.memory_space<vmem>> -> memref<1x128x16xf32, #tpu.memory_space<vmem>>
      %dma_wait3A_640 = tpu.memref_squeeze %dma_wait3A_639 : memref<1x128x16xf32, #tpu.memory_space<vmem>> -> memref<128x16xf32, #tpu.memory_space<vmem>>
      %dma_wait3A_641 = arith.constant 0 : i32
      %dma_wait3A_642 = tpu.memref_slice %arg5[%add3A_634, %dma_wait3A_641] : memref<80x128xi32, #tpu.memory_space<vmem>> -> memref<1x128xi32, #tpu.memory_space<vmem>>
      %dma_wait3A_643 = tpu.memref_squeeze %dma_wait3A_642 : memref<1x128xi32, #tpu.memory_space<vmem>> -> memref<128xi32, #tpu.memory_space<vmem>>
      %dma_wait3A_644 = arith.constant 0 : i32
      %dma_wait3A_645 = arith.constant 0 : i32
      %dma_wait3A_646 = tpu.memref_slice %arg2[%dma_wait3A_644, %dma_wait3A_645] : memref<10112x16xf32, #tpu.memory_space<hbm>> -> memref<10112x16xf32, #tpu.memory_space<hbm>>
      %dma_wait3A_647 = tpu.memref_slice %arg9[%dma_wait3A_636] : memref<8x!tpu.dma_semaphore, #tpu.memory_space<semaphore_mem>> -> memref<1x!tpu.dma_semaphore, #tpu.memory_space<semaphore_mem>>
      %dma_wait3A_648 = tpu.memref_squeeze %dma_wait3A_647 : memref<1x!tpu.dma_semaphore, #tpu.memory_space<semaphore_mem>> -> memref<!tpu.dma_semaphore, #tpu.memory_space<semaphore_mem>>
      tpu.wait_indirect_dma semaphore(%dma_wait3A_648 : memref<!tpu.dma_semaphore, #tpu.memory_space<semaphore_mem>>) src(%dma_wait3A_646 : memref<10112x16xf32, #tpu.memory_space<hbm>>) dst(%dma_wait3A_640 : memref<128x16xf32, #tpu.memory_space<vmem>>)
      %add3A_649 = arith.constant 2 : i32
      %add3A_650 = arith.addi %add3A_568, %add3A_649 : i32
      %dma_start3A_651 = arith.constant 2 : i32
      %dma_start3A_652 = arith.constant 2 : i32
      %dma_start3A_653 = arith.constant 0 : i32
      %dma_start3A_654 = arith.constant 0 : i32
      %dma_start3A_655 = tpu.memref_slice %arg7[%dma_start3A_651, %dma_start3A_653, %dma_start3A_654] : memref<8x128x16xf32, #tpu.memory_space<vmem>> -> memref<1x128x16xf32, #tpu.memory_space<vmem>>
      %dma_start3A_656 = tpu.memref_squeeze %dma_start3A_655 : memref<1x128x16xf32, #tpu.memory_space<vmem>> -> memref<128x16xf32, #tpu.memory_space<vmem>>
      %dma_start3A_657 = arith.constant 0 : i32
      %dma_start3A_658 = tpu.memref_slice %arg6[%add3A_650, %dma_start3A_657] : memref<80x128xi32, #tpu.memory_space<vmem>> -> memref<1x128xi32, #tpu.memory_space<vmem>>
      %dma_start3A_659 = tpu.memref_squeeze %dma_start3A_658 : memref<1x128xi32, #tpu.memory_space<vmem>> -> memref<128xi32, #tpu.memory_space<vmem>>
      %dma_start3A_660 = arith.constant 0 : i32
      %dma_start3A_661 = arith.constant 0 : i32
      %dma_start3A_662 = tpu.memref_slice %arg8[%dma_start3A_660, %dma_start3A_661] : memref<10112x16xf32, #tpu.memory_space<vmem_shared>> -> memref<10112x16xf32, #tpu.memory_space<vmem_shared>>
      %dma_start3A_663 = tpu.memref_slice %arg10[%dma_start3A_652] : memref<8x!tpu.dma_semaphore, #tpu.memory_space<semaphore_mem>> -> memref<1x!tpu.dma_semaphore, #tpu.memory_space<semaphore_mem>>
      %dma_start3A_664 = tpu.memref_squeeze %dma_start3A_663 : memref<1x!tpu.dma_semaphore, #tpu.memory_space<semaphore_mem>> -> memref<!tpu.dma_semaphore, #tpu.memory_space<semaphore_mem>>
      tpu.enqueue_indirect_dma source(%dma_start3A_656 : memref<128x16xf32, #tpu.memory_space<vmem>>) target(%dma_start3A_662 : memref<10112x16xf32, #tpu.memory_space<vmem_shared>>) offsets(%dma_start3A_659 : memref<128xi32, #tpu.memory_space<vmem>>) semaphore(%dma_start3A_664 : memref<!tpu.dma_semaphore, #tpu.memory_space<semaphore_mem>>) {add = true}
      %add3A_665 = arith.constant 3 : i32
      %add3A_666 = arith.addi %add3A_568, %add3A_665 : i32
      %dma_wait3A_667 = arith.constant 3 : i32
      %dma_wait3A_668 = arith.constant 3 : i32
      %dma_wait3A_669 = arith.constant 0 : i32
      %dma_wait3A_670 = arith.constant 0 : i32
      %dma_wait3A_671 = tpu.memref_slice %arg7[%dma_wait3A_667, %dma_wait3A_669, %dma_wait3A_670] : memref<8x128x16xf32, #tpu.memory_space<vmem>> -> memref<1x128x16xf32, #tpu.memory_space<vmem>>
      %dma_wait3A_672 = tpu.memref_squeeze %dma_wait3A_671 : memref<1x128x16xf32, #tpu.memory_space<vmem>> -> memref<128x16xf32, #tpu.memory_space<vmem>>
      %dma_wait3A_673 = arith.constant 0 : i32
      %dma_wait3A_674 = tpu.memref_slice %arg5[%add3A_666, %dma_wait3A_673] : memref<80x128xi32, #tpu.memory_space<vmem>> -> memref<1x128xi32, #tpu.memory_space<vmem>>
      %dma_wait3A_675 = tpu.memref_squeeze %dma_wait3A_674 : memref<1x128xi32, #tpu.memory_space<vmem>> -> memref<128xi32, #tpu.memory_space<vmem>>
      %dma_wait3A_676 = arith.constant 0 : i32
      %dma_wait3A_677 = arith.constant 0 : i32
      %dma_wait3A_678 = tpu.memref_slice %arg2[%dma_wait3A_676, %dma_wait3A_677] : memref<10112x16xf32, #tpu.memory_space<hbm>> -> memref<10112x16xf32, #tpu.memory_space<hbm>>
      %dma_wait3A_679 = tpu.memref_slice %arg9[%dma_wait3A_668] : memref<8x!tpu.dma_semaphore, #tpu.memory_space<semaphore_mem>> -> memref<1x!tpu.dma_semaphore, #tpu.memory_space<semaphore_mem>>
      %dma_wait3A_680 = tpu.memref_squeeze %dma_wait3A_679 : memref<1x!tpu.dma_semaphore, #tpu.memory_space<semaphore_mem>> -> memref<!tpu.dma_semaphore, #tpu.memory_space<semaphore_mem>>
      tpu.wait_indirect_dma semaphore(%dma_wait3A_680 : memref<!tpu.dma_semaphore, #tpu.memory_space<semaphore_mem>>) src(%dma_wait3A_678 : memref<10112x16xf32, #tpu.memory_space<hbm>>) dst(%dma_wait3A_672 : memref<128x16xf32, #tpu.memory_space<vmem>>)
      %add3A_681 = arith.constant 3 : i32
      %add3A_682 = arith.addi %add3A_568, %add3A_681 : i32
      %dma_start3A_683 = arith.constant 3 : i32
      %dma_start3A_684 = arith.constant 3 : i32
      %dma_start3A_685 = arith.constant 0 : i32
      %dma_start3A_686 = arith.constant 0 : i32
      %dma_start3A_687 = tpu.memref_slice %arg7[%dma_start3A_683, %dma_start3A_685, %dma_start3A_686] : memref<8x128x16xf32, #tpu.memory_space<vmem>> -> memref<1x128x16xf32, #tpu.memory_space<vmem>>
      %dma_start3A_688 = tpu.memref_squeeze %dma_start3A_687 : memref<1x128x16xf32, #tpu.memory_space<vmem>> -> memref<128x16xf32, #tpu.memory_space<vmem>>
      %dma_start3A_689 = arith.constant 0 : i32
      %dma_start3A_690 = tpu.memref_slice %arg6[%add3A_682, %dma_start3A_689] : memref<80x128xi32, #tpu.memory_space<vmem>> -> memref<1x128xi32, #tpu.memory_space<vmem>>
      %dma_start3A_691 = tpu.memref_squeeze %dma_start3A_690 : memref<1x128xi32, #tpu.memory_space<vmem>> -> memref<128xi32, #tpu.memory_space<vmem>>
      %dma_start3A_692 = arith.constant 0 : i32
      %dma_start3A_693 = arith.constant 0 : i32
      %dma_start3A_694 = tpu.memref_slice %arg8[%dma_start3A_692, %dma_start3A_693] : memref<10112x16xf32, #tpu.memory_space<vmem_shared>> -> memref<10112x16xf32, #tpu.memory_space<vmem_shared>>
      %dma_start3A_695 = tpu.memref_slice %arg10[%dma_start3A_684] : memref<8x!tpu.dma_semaphore, #tpu.memory_space<semaphore_mem>> -> memref<1x!tpu.dma_semaphore, #tpu.memory_space<semaphore_mem>>
      %dma_start3A_696 = tpu.memref_squeeze %dma_start3A_695 : memref<1x!tpu.dma_semaphore, #tpu.memory_space<semaphore_mem>> -> memref<!tpu.dma_semaphore, #tpu.memory_space<semaphore_mem>>
      tpu.enqueue_indirect_dma source(%dma_start3A_688 : memref<128x16xf32, #tpu.memory_space<vmem>>) target(%dma_start3A_694 : memref<10112x16xf32, #tpu.memory_space<vmem_shared>>) offsets(%dma_start3A_691 : memref<128xi32, #tpu.memory_space<vmem>>) semaphore(%dma_start3A_696 : memref<!tpu.dma_semaphore, #tpu.memory_space<semaphore_mem>>) {add = true}
      %add3A_697 = arith.constant 4 : i32
      %add3A_698 = arith.addi %add3A_568, %add3A_697 : i32
      %dma_wait3A_699 = arith.constant 4 : i32
      %dma_wait3A_700 = arith.constant 4 : i32
      %dma_wait3A_701 = arith.constant 0 : i32
      %dma_wait3A_702 = arith.constant 0 : i32
      %dma_wait3A_703 = tpu.memref_slice %arg7[%dma_wait3A_699, %dma_wait3A_701, %dma_wait3A_702] : memref<8x128x16xf32, #tpu.memory_space<vmem>> -> memref<1x128x16xf32, #tpu.memory_space<vmem>>
      %dma_wait3A_704 = tpu.memref_squeeze %dma_wait3A_703 : memref<1x128x16xf32, #tpu.memory_space<vmem>> -> memref<128x16xf32, #tpu.memory_space<vmem>>
      %dma_wait3A_705 = arith.constant 0 : i32
      %dma_wait3A_706 = tpu.memref_slice %arg5[%add3A_698, %dma_wait3A_705] : memref<80x128xi32, #tpu.memory_space<vmem>> -> memref<1x128xi32, #tpu.memory_space<vmem>>
      %dma_wait3A_707 = tpu.memref_squeeze %dma_wait3A_706 : memref<1x128xi32, #tpu.memory_space<vmem>> -> memref<128xi32, #tpu.memory_space<vmem>>
      %dma_wait3A_708 = arith.constant 0 : i32
      %dma_wait3A_709 = arith.constant 0 : i32
      %dma_wait3A_710 = tpu.memref_slice %arg2[%dma_wait3A_708, %dma_wait3A_709] : memref<10112x16xf32, #tpu.memory_space<hbm>> -> memref<10112x16xf32, #tpu.memory_space<hbm>>
      %dma_wait3A_711 = tpu.memref_slice %arg9[%dma_wait3A_700] : memref<8x!tpu.dma_semaphore, #tpu.memory_space<semaphore_mem>> -> memref<1x!tpu.dma_semaphore, #tpu.memory_space<semaphore_mem>>
      %dma_wait3A_712 = tpu.memref_squeeze %dma_wait3A_711 : memref<1x!tpu.dma_semaphore, #tpu.memory_space<semaphore_mem>> -> memref<!tpu.dma_semaphore, #tpu.memory_space<semaphore_mem>>
      tpu.wait_indirect_dma semaphore(%dma_wait3A_712 : memref<!tpu.dma_semaphore, #tpu.memory_space<semaphore_mem>>) src(%dma_wait3A_710 : memref<10112x16xf32, #tpu.memory_space<hbm>>) dst(%dma_wait3A_704 : memref<128x16xf32, #tpu.memory_space<vmem>>)
      %add3A_713 = arith.constant 4 : i32
      %add3A_714 = arith.addi %add3A_568, %add3A_713 : i32
      %dma_start3A_715 = arith.constant 4 : i32
      %dma_start3A_716 = arith.constant 4 : i32
      %dma_start3A_717 = arith.constant 0 : i32
      %dma_start3A_718 = arith.constant 0 : i32
      %dma_start3A_719 = tpu.memref_slice %arg7[%dma_start3A_715, %dma_start3A_717, %dma_start3A_718] : memref<8x128x16xf32, #tpu.memory_space<vmem>> -> memref<1x128x16xf32, #tpu.memory_space<vmem>>
      %dma_start3A_720 = tpu.memref_squeeze %dma_start3A_719 : memref<1x128x16xf32, #tpu.memory_space<vmem>> -> memref<128x16xf32, #tpu.memory_space<vmem>>
      %dma_start3A_721 = arith.constant 0 : i32
      %dma_start3A_722 = tpu.memref_slice %arg6[%add3A_714, %dma_start3A_721] : memref<80x128xi32, #tpu.memory_space<vmem>> -> memref<1x128xi32, #tpu.memory_space<vmem>>
      %dma_start3A_723 = tpu.memref_squeeze %dma_start3A_722 : memref<1x128xi32, #tpu.memory_space<vmem>> -> memref<128xi32, #tpu.memory_space<vmem>>
      %dma_start3A_724 = arith.constant 0 : i32
      %dma_start3A_725 = arith.constant 0 : i32
      %dma_start3A_726 = tpu.memref_slice %arg8[%dma_start3A_724, %dma_start3A_725] : memref<10112x16xf32, #tpu.memory_space<vmem_shared>> -> memref<10112x16xf32, #tpu.memory_space<vmem_shared>>
      %dma_start3A_727 = tpu.memref_slice %arg10[%dma_start3A_716] : memref<8x!tpu.dma_semaphore, #tpu.memory_space<semaphore_mem>> -> memref<1x!tpu.dma_semaphore, #tpu.memory_space<semaphore_mem>>
      %dma_start3A_728 = tpu.memref_squeeze %dma_start3A_727 : memref<1x!tpu.dma_semaphore, #tpu.memory_space<semaphore_mem>> -> memref<!tpu.dma_semaphore, #tpu.memory_space<semaphore_mem>>
      tpu.enqueue_indirect_dma source(%dma_start3A_720 : memref<128x16xf32, #tpu.memory_space<vmem>>) target(%dma_start3A_726 : memref<10112x16xf32, #tpu.memory_space<vmem_shared>>) offsets(%dma_start3A_723 : memref<128xi32, #tpu.memory_space<vmem>>) semaphore(%dma_start3A_728 : memref<!tpu.dma_semaphore, #tpu.memory_space<semaphore_mem>>) {add = true}
      %add3A_729 = arith.constant 5 : i32
      %add3A_730 = arith.addi %add3A_568, %add3A_729 : i32
      %dma_wait3A_731 = arith.constant 5 : i32
      %dma_wait3A_732 = arith.constant 5 : i32
      %dma_wait3A_733 = arith.constant 0 : i32
      %dma_wait3A_734 = arith.constant 0 : i32
      %dma_wait3A_735 = tpu.memref_slice %arg7[%dma_wait3A_731, %dma_wait3A_733, %dma_wait3A_734] : memref<8x128x16xf32, #tpu.memory_space<vmem>> -> memref<1x128x16xf32, #tpu.memory_space<vmem>>
      %dma_wait3A_736 = tpu.memref_squeeze %dma_wait3A_735 : memref<1x128x16xf32, #tpu.memory_space<vmem>> -> memref<128x16xf32, #tpu.memory_space<vmem>>
      %dma_wait3A_737 = arith.constant 0 : i32
      %dma_wait3A_738 = tpu.memref_slice %arg5[%add3A_730, %dma_wait3A_737] : memref<80x128xi32, #tpu.memory_space<vmem>> -> memref<1x128xi32, #tpu.memory_space<vmem>>
      %dma_wait3A_739 = tpu.memref_squeeze %dma_wait3A_738 : memref<1x128xi32, #tpu.memory_space<vmem>> -> memref<128xi32, #tpu.memory_space<vmem>>
      %dma_wait3A_740 = arith.constant 0 : i32
      %dma_wait3A_741 = arith.constant 0 : i32
      %dma_wait3A_742 = tpu.memref_slice %arg2[%dma_wait3A_740, %dma_wait3A_741] : memref<10112x16xf32, #tpu.memory_space<hbm>> -> memref<10112x16xf32, #tpu.memory_space<hbm>>
      %dma_wait3A_743 = tpu.memref_slice %arg9[%dma_wait3A_732] : memref<8x!tpu.dma_semaphore, #tpu.memory_space<semaphore_mem>> -> memref<1x!tpu.dma_semaphore, #tpu.memory_space<semaphore_mem>>
      %dma_wait3A_744 = tpu.memref_squeeze %dma_wait3A_743 : memref<1x!tpu.dma_semaphore, #tpu.memory_space<semaphore_mem>> -> memref<!tpu.dma_semaphore, #tpu.memory_space<semaphore_mem>>
      tpu.wait_indirect_dma semaphore(%dma_wait3A_744 : memref<!tpu.dma_semaphore, #tpu.memory_space<semaphore_mem>>) src(%dma_wait3A_742 : memref<10112x16xf32, #tpu.memory_space<hbm>>) dst(%dma_wait3A_736 : memref<128x16xf32, #tpu.memory_space<vmem>>)
      %add3A_745 = arith.constant 5 : i32
      %add3A_746 = arith.addi %add3A_568, %add3A_745 : i32
      %dma_start3A_747 = arith.constant 5 : i32
      %dma_start3A_748 = arith.constant 5 : i32
      %dma_start3A_749 = arith.constant 0 : i32
      %dma_start3A_750 = arith.constant 0 : i32
      %dma_start3A_751 = tpu.memref_slice %arg7[%dma_start3A_747, %dma_start3A_749, %dma_start3A_750] : memref<8x128x16xf32, #tpu.memory_space<vmem>> -> memref<1x128x16xf32, #tpu.memory_space<vmem>>
      %dma_start3A_752 = tpu.memref_squeeze %dma_start3A_751 : memref<1x128x16xf32, #tpu.memory_space<vmem>> -> memref<128x16xf32, #tpu.memory_space<vmem>>
      %dma_start3A_753 = arith.constant 0 : i32
      %dma_start3A_754 = tpu.memref_slice %arg6[%add3A_746, %dma_start3A_753] : memref<80x128xi32, #tpu.memory_space<vmem>> -> memref<1x128xi32, #tpu.memory_space<vmem>>
      %dma_start3A_755 = tpu.memref_squeeze %dma_start3A_754 : memref<1x128xi32, #tpu.memory_space<vmem>> -> memref<128xi32, #tpu.memory_space<vmem>>
      %dma_start3A_756 = arith.constant 0 : i32
      %dma_start3A_757 = arith.constant 0 : i32
      %dma_start3A_758 = tpu.memref_slice %arg8[%dma_start3A_756, %dma_start3A_757] : memref<10112x16xf32, #tpu.memory_space<vmem_shared>> -> memref<10112x16xf32, #tpu.memory_space<vmem_shared>>
      %dma_start3A_759 = tpu.memref_slice %arg10[%dma_start3A_748] : memref<8x!tpu.dma_semaphore, #tpu.memory_space<semaphore_mem>> -> memref<1x!tpu.dma_semaphore, #tpu.memory_space<semaphore_mem>>
      %dma_start3A_760 = tpu.memref_squeeze %dma_start3A_759 : memref<1x!tpu.dma_semaphore, #tpu.memory_space<semaphore_mem>> -> memref<!tpu.dma_semaphore, #tpu.memory_space<semaphore_mem>>
      tpu.enqueue_indirect_dma source(%dma_start3A_752 : memref<128x16xf32, #tpu.memory_space<vmem>>) target(%dma_start3A_758 : memref<10112x16xf32, #tpu.memory_space<vmem_shared>>) offsets(%dma_start3A_755 : memref<128xi32, #tpu.memory_space<vmem>>) semaphore(%dma_start3A_760 : memref<!tpu.dma_semaphore, #tpu.memory_space<semaphore_mem>>) {add = true}
      %add3A_761 = arith.constant 6 : i32
      %add3A_762 = arith.addi %add3A_568, %add3A_761 : i32
      %dma_wait3A_763 = arith.constant 6 : i32
      %dma_wait3A_764 = arith.constant 6 : i32
      %dma_wait3A_765 = arith.constant 0 : i32
      %dma_wait3A_766 = arith.constant 0 : i32
      %dma_wait3A_767 = tpu.memref_slice %arg7[%dma_wait3A_763, %dma_wait3A_765, %dma_wait3A_766] : memref<8x128x16xf32, #tpu.memory_space<vmem>> -> memref<1x128x16xf32, #tpu.memory_space<vmem>>
      %dma_wait3A_768 = tpu.memref_squeeze %dma_wait3A_767 : memref<1x128x16xf32, #tpu.memory_space<vmem>> -> memref<128x16xf32, #tpu.memory_space<vmem>>
      %dma_wait3A_769 = arith.constant 0 : i32
      %dma_wait3A_770 = tpu.memref_slice %arg5[%add3A_762, %dma_wait3A_769] : memref<80x128xi32, #tpu.memory_space<vmem>> -> memref<1x128xi32, #tpu.memory_space<vmem>>
      %dma_wait3A_771 = tpu.memref_squeeze %dma_wait3A_770 : memref<1x128xi32, #tpu.memory_space<vmem>> -> memref<128xi32, #tpu.memory_space<vmem>>
      %dma_wait3A_772 = arith.constant 0 : i32
      %dma_wait3A_773 = arith.constant 0 : i32
      %dma_wait3A_774 = tpu.memref_slice %arg2[%dma_wait3A_772, %dma_wait3A_773] : memref<10112x16xf32, #tpu.memory_space<hbm>> -> memref<10112x16xf32, #tpu.memory_space<hbm>>
      %dma_wait3A_775 = tpu.memref_slice %arg9[%dma_wait3A_764] : memref<8x!tpu.dma_semaphore, #tpu.memory_space<semaphore_mem>> -> memref<1x!tpu.dma_semaphore, #tpu.memory_space<semaphore_mem>>
      %dma_wait3A_776 = tpu.memref_squeeze %dma_wait3A_775 : memref<1x!tpu.dma_semaphore, #tpu.memory_space<semaphore_mem>> -> memref<!tpu.dma_semaphore, #tpu.memory_space<semaphore_mem>>
      tpu.wait_indirect_dma semaphore(%dma_wait3A_776 : memref<!tpu.dma_semaphore, #tpu.memory_space<semaphore_mem>>) src(%dma_wait3A_774 : memref<10112x16xf32, #tpu.memory_space<hbm>>) dst(%dma_wait3A_768 : memref<128x16xf32, #tpu.memory_space<vmem>>)
      %add3A_777 = arith.constant 6 : i32
      %add3A_778 = arith.addi %add3A_568, %add3A_777 : i32
      %dma_start3A_779 = arith.constant 6 : i32
      %dma_start3A_780 = arith.constant 6 : i32
      %dma_start3A_781 = arith.constant 0 : i32
      %dma_start3A_782 = arith.constant 0 : i32
      %dma_start3A_783 = tpu.memref_slice %arg7[%dma_start3A_779, %dma_start3A_781, %dma_start3A_782] : memref<8x128x16xf32, #tpu.memory_space<vmem>> -> memref<1x128x16xf32, #tpu.memory_space<vmem>>
      %dma_start3A_784 = tpu.memref_squeeze %dma_start3A_783 : memref<1x128x16xf32, #tpu.memory_space<vmem>> -> memref<128x16xf32, #tpu.memory_space<vmem>>
      %dma_start3A_785 = arith.constant 0 : i32
      %dma_start3A_786 = tpu.memref_slice %arg6[%add3A_778, %dma_start3A_785] : memref<80x128xi32, #tpu.memory_space<vmem>> -> memref<1x128xi32, #tpu.memory_space<vmem>>
      %dma_start3A_787 = tpu.memref_squeeze %dma_start3A_786 : memref<1x128xi32, #tpu.memory_space<vmem>> -> memref<128xi32, #tpu.memory_space<vmem>>
      %dma_start3A_788 = arith.constant 0 : i32
      %dma_start3A_789 = arith.constant 0 : i32
      %dma_start3A_790 = tpu.memref_slice %arg8[%dma_start3A_788, %dma_start3A_789] : memref<10112x16xf32, #tpu.memory_space<vmem_shared>> -> memref<10112x16xf32, #tpu.memory_space<vmem_shared>>
      %dma_start3A_791 = tpu.memref_slice %arg10[%dma_start3A_780] : memref<8x!tpu.dma_semaphore, #tpu.memory_space<semaphore_mem>> -> memref<1x!tpu.dma_semaphore, #tpu.memory_space<semaphore_mem>>
      %dma_start3A_792 = tpu.memref_squeeze %dma_start3A_791 : memref<1x!tpu.dma_semaphore, #tpu.memory_space<semaphore_mem>> -> memref<!tpu.dma_semaphore, #tpu.memory_space<semaphore_mem>>
      tpu.enqueue_indirect_dma source(%dma_start3A_784 : memref<128x16xf32, #tpu.memory_space<vmem>>) target(%dma_start3A_790 : memref<10112x16xf32, #tpu.memory_space<vmem_shared>>) offsets(%dma_start3A_787 : memref<128xi32, #tpu.memory_space<vmem>>) semaphore(%dma_start3A_792 : memref<!tpu.dma_semaphore, #tpu.memory_space<semaphore_mem>>) {add = true}
      %add3A_793 = arith.constant 7 : i32
      %add3A_794 = arith.addi %add3A_568, %add3A_793 : i32
      %dma_wait3A_795 = arith.constant 7 : i32
      %dma_wait3A_796 = arith.constant 7 : i32
      %dma_wait3A_797 = arith.constant 0 : i32
      %dma_wait3A_798 = arith.constant 0 : i32
      %dma_wait3A_799 = tpu.memref_slice %arg7[%dma_wait3A_795, %dma_wait3A_797, %dma_wait3A_798] : memref<8x128x16xf32, #tpu.memory_space<vmem>> -> memref<1x128x16xf32, #tpu.memory_space<vmem>>
      %dma_wait3A_800 = tpu.memref_squeeze %dma_wait3A_799 : memref<1x128x16xf32, #tpu.memory_space<vmem>> -> memref<128x16xf32, #tpu.memory_space<vmem>>
      %dma_wait3A_801 = arith.constant 0 : i32
      %dma_wait3A_802 = tpu.memref_slice %arg5[%add3A_794, %dma_wait3A_801] : memref<80x128xi32, #tpu.memory_space<vmem>> -> memref<1x128xi32, #tpu.memory_space<vmem>>
      %dma_wait3A_803 = tpu.memref_squeeze %dma_wait3A_802 : memref<1x128xi32, #tpu.memory_space<vmem>> -> memref<128xi32, #tpu.memory_space<vmem>>
      %dma_wait3A_804 = arith.constant 0 : i32
      %dma_wait3A_805 = arith.constant 0 : i32
      %dma_wait3A_806 = tpu.memref_slice %arg2[%dma_wait3A_804, %dma_wait3A_805] : memref<10112x16xf32, #tpu.memory_space<hbm>> -> memref<10112x16xf32, #tpu.memory_space<hbm>>
      %dma_wait3A_807 = tpu.memref_slice %arg9[%dma_wait3A_796] : memref<8x!tpu.dma_semaphore, #tpu.memory_space<semaphore_mem>> -> memref<1x!tpu.dma_semaphore, #tpu.memory_space<semaphore_mem>>
      %dma_wait3A_808 = tpu.memref_squeeze %dma_wait3A_807 : memref<1x!tpu.dma_semaphore, #tpu.memory_space<semaphore_mem>> -> memref<!tpu.dma_semaphore, #tpu.memory_space<semaphore_mem>>
      tpu.wait_indirect_dma semaphore(%dma_wait3A_808 : memref<!tpu.dma_semaphore, #tpu.memory_space<semaphore_mem>>) src(%dma_wait3A_806 : memref<10112x16xf32, #tpu.memory_space<hbm>>) dst(%dma_wait3A_800 : memref<128x16xf32, #tpu.memory_space<vmem>>)
      %add3A_809 = arith.constant 7 : i32
      %add3A_810 = arith.addi %add3A_568, %add3A_809 : i32
      %dma_start3A_811 = arith.constant 7 : i32
      %dma_start3A_812 = arith.constant 7 : i32
      %dma_start3A_813 = arith.constant 0 : i32
      %dma_start3A_814 = arith.constant 0 : i32
      %dma_start3A_815 = tpu.memref_slice %arg7[%dma_start3A_811, %dma_start3A_813, %dma_start3A_814] : memref<8x128x16xf32, #tpu.memory_space<vmem>> -> memref<1x128x16xf32, #tpu.memory_space<vmem>>
      %dma_start3A_816 = tpu.memref_squeeze %dma_start3A_815 : memref<1x128x16xf32, #tpu.memory_space<vmem>> -> memref<128x16xf32, #tpu.memory_space<vmem>>
      %dma_start3A_817 = arith.constant 0 : i32
      %dma_start3A_818 = tpu.memref_slice %arg6[%add3A_810, %dma_start3A_817] : memref<80x128xi32, #tpu.memory_space<vmem>> -> memref<1x128xi32, #tpu.memory_space<vmem>>
      %dma_start3A_819 = tpu.memref_squeeze %dma_start3A_818 : memref<1x128xi32, #tpu.memory_space<vmem>> -> memref<128xi32, #tpu.memory_space<vmem>>
      %dma_start3A_820 = arith.constant 0 : i32
      %dma_start3A_821 = arith.constant 0 : i32
      %dma_start3A_822 = tpu.memref_slice %arg8[%dma_start3A_820, %dma_start3A_821] : memref<10112x16xf32, #tpu.memory_space<vmem_shared>> -> memref<10112x16xf32, #tpu.memory_space<vmem_shared>>
      %dma_start3A_823 = tpu.memref_slice %arg10[%dma_start3A_812] : memref<8x!tpu.dma_semaphore, #tpu.memory_space<semaphore_mem>> -> memref<1x!tpu.dma_semaphore, #tpu.memory_space<semaphore_mem>>
      %dma_start3A_824 = tpu.memref_squeeze %dma_start3A_823 : memref<1x!tpu.dma_semaphore, #tpu.memory_space<semaphore_mem>> -> memref<!tpu.dma_semaphore, #tpu.memory_space<semaphore_mem>>
      tpu.enqueue_indirect_dma source(%dma_start3A_816 : memref<128x16xf32, #tpu.memory_space<vmem>>) target(%dma_start3A_822 : memref<10112x16xf32, #tpu.memory_space<vmem_shared>>) offsets(%dma_start3A_819 : memref<128xi32, #tpu.memory_space<vmem>>) semaphore(%dma_start3A_824 : memref<!tpu.dma_semaphore, #tpu.memory_space<semaphore_mem>>) {add = true}
      %add3A_825 = arith.constant 0 : i32
      %add3A_826 = arith.addi %add3A_568, %add3A_825 : i32
      %dma_wait3A_827 = arith.constant 0 : i32
      %dma_wait3A_828 = arith.constant 0 : i32
      %dma_wait3A_829 = arith.constant 0 : i32
      %dma_wait3A_830 = arith.constant 0 : i32
      %dma_wait3A_831 = tpu.memref_slice %arg7[%dma_wait3A_827, %dma_wait3A_829, %dma_wait3A_830] : memref<8x128x16xf32, #tpu.memory_space<vmem>> -> memref<1x128x16xf32, #tpu.memory_space<vmem>>
      %dma_wait3A_832 = tpu.memref_squeeze %dma_wait3A_831 : memref<1x128x16xf32, #tpu.memory_space<vmem>> -> memref<128x16xf32, #tpu.memory_space<vmem>>
      %dma_wait3A_833 = arith.constant 0 : i32
      %dma_wait3A_834 = tpu.memref_slice %arg6[%add3A_826, %dma_wait3A_833] : memref<80x128xi32, #tpu.memory_space<vmem>> -> memref<1x128xi32, #tpu.memory_space<vmem>>
      %dma_wait3A_835 = tpu.memref_squeeze %dma_wait3A_834 : memref<1x128xi32, #tpu.memory_space<vmem>> -> memref<128xi32, #tpu.memory_space<vmem>>
      %dma_wait3A_836 = arith.constant 0 : i32
      %dma_wait3A_837 = arith.constant 0 : i32
      %dma_wait3A_838 = tpu.memref_slice %arg8[%dma_wait3A_836, %dma_wait3A_837] : memref<10112x16xf32, #tpu.memory_space<vmem_shared>> -> memref<10112x16xf32, #tpu.memory_space<vmem_shared>>
      %dma_wait3A_839 = tpu.memref_slice %arg10[%dma_wait3A_828] : memref<8x!tpu.dma_semaphore, #tpu.memory_space<semaphore_mem>> -> memref<1x!tpu.dma_semaphore, #tpu.memory_space<semaphore_mem>>
      %dma_wait3A_840 = tpu.memref_squeeze %dma_wait3A_839 : memref<1x!tpu.dma_semaphore, #tpu.memory_space<semaphore_mem>> -> memref<!tpu.dma_semaphore, #tpu.memory_space<semaphore_mem>>
      tpu.wait_indirect_dma semaphore(%dma_wait3A_840 : memref<!tpu.dma_semaphore, #tpu.memory_space<semaphore_mem>>) src(%dma_wait3A_832 : memref<128x16xf32, #tpu.memory_space<vmem>>) dst(%dma_wait3A_838 : memref<10112x16xf32, #tpu.memory_space<vmem_shared>>)
      %add3A_841 = arith.constant 0 : i32
      %add3A_842 = arith.addi %add3A_568, %add3A_841 : i32
      %add3A_843 = arith.constant 8 : i32
      %add3A_844 = arith.addi %add3A_842, %add3A_843 : i32
      %dma_start3A_845 = arith.constant 0 : i32
      %dma_start3A_846 = arith.constant 0 : i32
      %dma_start3A_847 = arith.constant 0 : i32
      %dma_start3A_848 = arith.constant 0 : i32
      %dma_start3A_849 = tpu.memref_slice %arg7[%dma_start3A_845, %dma_start3A_847, %dma_start3A_848] : memref<8x128x16xf32, #tpu.memory_space<vmem>> -> memref<1x128x16xf32, #tpu.memory_space<vmem>>
      %dma_start3A_850 = tpu.memref_squeeze %dma_start3A_849 : memref<1x128x16xf32, #tpu.memory_space<vmem>> -> memref<128x16xf32, #tpu.memory_space<vmem>>
      %dma_start3A_851 = arith.constant 0 : i32
      %dma_start3A_852 = tpu.memref_slice %arg5[%add3A_844, %dma_start3A_851] : memref<80x128xi32, #tpu.memory_space<vmem>> -> memref<1x128xi32, #tpu.memory_space<vmem>>
      %dma_start3A_853 = tpu.memref_squeeze %dma_start3A_852 : memref<1x128xi32, #tpu.memory_space<vmem>> -> memref<128xi32, #tpu.memory_space<vmem>>
      %dma_start3A_854 = arith.constant 0 : i32
      %dma_start3A_855 = arith.constant 0 : i32
      %dma_start3A_856 = tpu.memref_slice %arg2[%dma_start3A_854, %dma_start3A_855] : memref<10112x16xf32, #tpu.memory_space<hbm>> -> memref<10112x16xf32, #tpu.memory_space<hbm>>
      %dma_start3A_857 = tpu.memref_slice %arg9[%dma_start3A_846] : memref<8x!tpu.dma_semaphore, #tpu.memory_space<semaphore_mem>> -> memref<1x!tpu.dma_semaphore, #tpu.memory_space<semaphore_mem>>
      %dma_start3A_858 = tpu.memref_squeeze %dma_start3A_857 : memref<1x!tpu.dma_semaphore, #tpu.memory_space<semaphore_mem>> -> memref<!tpu.dma_semaphore, #tpu.memory_space<semaphore_mem>>
      tpu.enqueue_indirect_dma source(%dma_start3A_856 : memref<10112x16xf32, #tpu.memory_space<hbm>>) target(%dma_start3A_850 : memref<128x16xf32, #tpu.memory_space<vmem>>) offsets(%dma_start3A_853 : memref<128xi32, #tpu.memory_space<vmem>>) semaphore(%dma_start3A_858 : memref<!tpu.dma_semaphore, #tpu.memory_space<semaphore_mem>>)
      %add3A_859 = arith.constant 1 : i32
      %add3A_860 = arith.addi %add3A_568, %add3A_859 : i32
      %dma_wait3A_861 = arith.constant 1 : i32
      %dma_wait3A_862 = arith.constant 1 : i32
      %dma_wait3A_863 = arith.constant 0 : i32
      %dma_wait3A_864 = arith.constant 0 : i32
      %dma_wait3A_865 = tpu.memref_slice %arg7[%dma_wait3A_861, %dma_wait3A_863, %dma_wait3A_864] : memref<8x128x16xf32, #tpu.memory_space<vmem>> -> memref<1x128x16xf32, #tpu.memory_space<vmem>>
      %dma_wait3A_866 = tpu.memref_squeeze %dma_wait3A_865 : memref<1x128x16xf32, #tpu.memory_space<vmem>> -> memref<128x16xf32, #tpu.memory_space<vmem>>
      %dma_wait3A_867 = arith.constant 0 : i32
      %dma_wait3A_868 = tpu.memref_slice %arg6[%add3A_860, %dma_wait3A_867] : memref<80x128xi32, #tpu.memory_space<vmem>> -> memref<1x128xi32, #tpu.memory_space<vmem>>
      %dma_wait3A_869 = tpu.memref_squeeze %dma_wait3A_868 : memref<1x128xi32, #tpu.memory_space<vmem>> -> memref<128xi32, #tpu.memory_space<vmem>>
      %dma_wait3A_870 = arith.constant 0 : i32
      %dma_wait3A_871 = arith.constant 0 : i32
      %dma_wait3A_872 = tpu.memref_slice %arg8[%dma_wait3A_870, %dma_wait3A_871] : memref<10112x16xf32, #tpu.memory_space<vmem_shared>> -> memref<10112x16xf32, #tpu.memory_space<vmem_shared>>
      %dma_wait3A_873 = tpu.memref_slice %arg10[%dma_wait3A_862] : memref<8x!tpu.dma_semaphore, #tpu.memory_space<semaphore_mem>> -> memref<1x!tpu.dma_semaphore, #tpu.memory_space<semaphore_mem>>
      %dma_wait3A_874 = tpu.memref_squeeze %dma_wait3A_873 : memref<1x!tpu.dma_semaphore, #tpu.memory_space<semaphore_mem>> -> memref<!tpu.dma_semaphore, #tpu.memory_space<semaphore_mem>>
      tpu.wait_indirect_dma semaphore(%dma_wait3A_874 : memref<!tpu.dma_semaphore, #tpu.memory_space<semaphore_mem>>) src(%dma_wait3A_866 : memref<128x16xf32, #tpu.memory_space<vmem>>) dst(%dma_wait3A_872 : memref<10112x16xf32, #tpu.memory_space<vmem_shared>>)
      %add3A_875 = arith.constant 1 : i32
      %add3A_876 = arith.addi %add3A_568, %add3A_875 : i32
      %add3A_877 = arith.constant 8 : i32
      %add3A_878 = arith.addi %add3A_876, %add3A_877 : i32
      %dma_start3A_879 = arith.constant 1 : i32
      %dma_start3A_880 = arith.constant 1 : i32
      %dma_start3A_881 = arith.constant 0 : i32
      %dma_start3A_882 = arith.constant 0 : i32
      %dma_start3A_883 = tpu.memref_slice %arg7[%dma_start3A_879, %dma_start3A_881, %dma_start3A_882] : memref<8x128x16xf32, #tpu.memory_space<vmem>> -> memref<1x128x16xf32, #tpu.memory_space<vmem>>
      %dma_start3A_884 = tpu.memref_squeeze %dma_start3A_883 : memref<1x128x16xf32, #tpu.memory_space<vmem>> -> memref<128x16xf32, #tpu.memory_space<vmem>>
      %dma_start3A_885 = arith.constant 0 : i32
      %dma_start3A_886 = tpu.memref_slice %arg5[%add3A_878, %dma_start3A_885] : memref<80x128xi32, #tpu.memory_space<vmem>> -> memref<1x128xi32, #tpu.memory_space<vmem>>
      %dma_start3A_887 = tpu.memref_squeeze %dma_start3A_886 : memref<1x128xi32, #tpu.memory_space<vmem>> -> memref<128xi32, #tpu.memory_space<vmem>>
      %dma_start3A_888 = arith.constant 0 : i32
      %dma_start3A_889 = arith.constant 0 : i32
      %dma_start3A_890 = tpu.memref_slice %arg2[%dma_start3A_888, %dma_start3A_889] : memref<10112x16xf32, #tpu.memory_space<hbm>> -> memref<10112x16xf32, #tpu.memory_space<hbm>>
      %dma_start3A_891 = tpu.memref_slice %arg9[%dma_start3A_880] : memref<8x!tpu.dma_semaphore, #tpu.memory_space<semaphore_mem>> -> memref<1x!tpu.dma_semaphore, #tpu.memory_space<semaphore_mem>>
      %dma_start3A_892 = tpu.memref_squeeze %dma_start3A_891 : memref<1x!tpu.dma_semaphore, #tpu.memory_space<semaphore_mem>> -> memref<!tpu.dma_semaphore, #tpu.memory_space<semaphore_mem>>
      tpu.enqueue_indirect_dma source(%dma_start3A_890 : memref<10112x16xf32, #tpu.memory_space<hbm>>) target(%dma_start3A_884 : memref<128x16xf32, #tpu.memory_space<vmem>>) offsets(%dma_start3A_887 : memref<128xi32, #tpu.memory_space<vmem>>) semaphore(%dma_start3A_892 : memref<!tpu.dma_semaphore, #tpu.memory_space<semaphore_mem>>)
      %add3A_893 = arith.constant 2 : i32
      %add3A_894 = arith.addi %add3A_568, %add3A_893 : i32
      %dma_wait3A_895 = arith.constant 2 : i32
      %dma_wait3A_896 = arith.constant 2 : i32
      %dma_wait3A_897 = arith.constant 0 : i32
      %dma_wait3A_898 = arith.constant 0 : i32
      %dma_wait3A_899 = tpu.memref_slice %arg7[%dma_wait3A_895, %dma_wait3A_897, %dma_wait3A_898] : memref<8x128x16xf32, #tpu.memory_space<vmem>> -> memref<1x128x16xf32, #tpu.memory_space<vmem>>
      %dma_wait3A_900 = tpu.memref_squeeze %dma_wait3A_899 : memref<1x128x16xf32, #tpu.memory_space<vmem>> -> memref<128x16xf32, #tpu.memory_space<vmem>>
      %dma_wait3A_901 = arith.constant 0 : i32
      %dma_wait3A_902 = tpu.memref_slice %arg6[%add3A_894, %dma_wait3A_901] : memref<80x128xi32, #tpu.memory_space<vmem>> -> memref<1x128xi32, #tpu.memory_space<vmem>>
      %dma_wait3A_903 = tpu.memref_squeeze %dma_wait3A_902 : memref<1x128xi32, #tpu.memory_space<vmem>> -> memref<128xi32, #tpu.memory_space<vmem>>
      %dma_wait3A_904 = arith.constant 0 : i32
      %dma_wait3A_905 = arith.constant 0 : i32
      %dma_wait3A_906 = tpu.memref_slice %arg8[%dma_wait3A_904, %dma_wait3A_905] : memref<10112x16xf32, #tpu.memory_space<vmem_shared>> -> memref<10112x16xf32, #tpu.memory_space<vmem_shared>>
      %dma_wait3A_907 = tpu.memref_slice %arg10[%dma_wait3A_896] : memref<8x!tpu.dma_semaphore, #tpu.memory_space<semaphore_mem>> -> memref<1x!tpu.dma_semaphore, #tpu.memory_space<semaphore_mem>>
      %dma_wait3A_908 = tpu.memref_squeeze %dma_wait3A_907 : memref<1x!tpu.dma_semaphore, #tpu.memory_space<semaphore_mem>> -> memref<!tpu.dma_semaphore, #tpu.memory_space<semaphore_mem>>
      tpu.wait_indirect_dma semaphore(%dma_wait3A_908 : memref<!tpu.dma_semaphore, #tpu.memory_space<semaphore_mem>>) src(%dma_wait3A_900 : memref<128x16xf32, #tpu.memory_space<vmem>>) dst(%dma_wait3A_906 : memref<10112x16xf32, #tpu.memory_space<vmem_shared>>)
      %add3A_909 = arith.constant 2 : i32
      %add3A_910 = arith.addi %add3A_568, %add3A_909 : i32
      %add3A_911 = arith.constant 8 : i32
      %add3A_912 = arith.addi %add3A_910, %add3A_911 : i32
      %dma_start3A_913 = arith.constant 2 : i32
      %dma_start3A_914 = arith.constant 2 : i32
      %dma_start3A_915 = arith.constant 0 : i32
      %dma_start3A_916 = arith.constant 0 : i32
      %dma_start3A_917 = tpu.memref_slice %arg7[%dma_start3A_913, %dma_start3A_915, %dma_start3A_916] : memref<8x128x16xf32, #tpu.memory_space<vmem>> -> memref<1x128x16xf32, #tpu.memory_space<vmem>>
      %dma_start3A_918 = tpu.memref_squeeze %dma_start3A_917 : memref<1x128x16xf32, #tpu.memory_space<vmem>> -> memref<128x16xf32, #tpu.memory_space<vmem>>
      %dma_start3A_919 = arith.constant 0 : i32
      %dma_start3A_920 = tpu.memref_slice %arg5[%add3A_912, %dma_start3A_919] : memref<80x128xi32, #tpu.memory_space<vmem>> -> memref<1x128xi32, #tpu.memory_space<vmem>>
      %dma_start3A_921 = tpu.memref_squeeze %dma_start3A_920 : memref<1x128xi32, #tpu.memory_space<vmem>> -> memref<128xi32, #tpu.memory_space<vmem>>
      %dma_start3A_922 = arith.constant 0 : i32
      %dma_start3A_923 = arith.constant 0 : i32
      %dma_start3A_924 = tpu.memref_slice %arg2[%dma_start3A_922, %dma_start3A_923] : memref<10112x16xf32, #tpu.memory_space<hbm>> -> memref<10112x16xf32, #tpu.memory_space<hbm>>
      %dma_start3A_925 = tpu.memref_slice %arg9[%dma_start3A_914] : memref<8x!tpu.dma_semaphore, #tpu.memory_space<semaphore_mem>> -> memref<1x!tpu.dma_semaphore, #tpu.memory_space<semaphore_mem>>
      %dma_start3A_926 = tpu.memref_squeeze %dma_start3A_925 : memref<1x!tpu.dma_semaphore, #tpu.memory_space<semaphore_mem>> -> memref<!tpu.dma_semaphore, #tpu.memory_space<semaphore_mem>>
      tpu.enqueue_indirect_dma source(%dma_start3A_924 : memref<10112x16xf32, #tpu.memory_space<hbm>>) target(%dma_start3A_918 : memref<128x16xf32, #tpu.memory_space<vmem>>) offsets(%dma_start3A_921 : memref<128xi32, #tpu.memory_space<vmem>>) semaphore(%dma_start3A_926 : memref<!tpu.dma_semaphore, #tpu.memory_space<semaphore_mem>>)
      %add3A_927 = arith.constant 3 : i32
      %add3A_928 = arith.addi %add3A_568, %add3A_927 : i32
      %dma_wait3A_929 = arith.constant 3 : i32
      %dma_wait3A_930 = arith.constant 3 : i32
      %dma_wait3A_931 = arith.constant 0 : i32
      %dma_wait3A_932 = arith.constant 0 : i32
      %dma_wait3A_933 = tpu.memref_slice %arg7[%dma_wait3A_929, %dma_wait3A_931, %dma_wait3A_932] : memref<8x128x16xf32, #tpu.memory_space<vmem>> -> memref<1x128x16xf32, #tpu.memory_space<vmem>>
      %dma_wait3A_934 = tpu.memref_squeeze %dma_wait3A_933 : memref<1x128x16xf32, #tpu.memory_space<vmem>> -> memref<128x16xf32, #tpu.memory_space<vmem>>
      %dma_wait3A_935 = arith.constant 0 : i32
      %dma_wait3A_936 = tpu.memref_slice %arg6[%add3A_928, %dma_wait3A_935] : memref<80x128xi32, #tpu.memory_space<vmem>> -> memref<1x128xi32, #tpu.memory_space<vmem>>
      %dma_wait3A_937 = tpu.memref_squeeze %dma_wait3A_936 : memref<1x128xi32, #tpu.memory_space<vmem>> -> memref<128xi32, #tpu.memory_space<vmem>>
      %dma_wait3A_938 = arith.constant 0 : i32
      %dma_wait3A_939 = arith.constant 0 : i32
      %dma_wait3A_940 = tpu.memref_slice %arg8[%dma_wait3A_938, %dma_wait3A_939] : memref<10112x16xf32, #tpu.memory_space<vmem_shared>> -> memref<10112x16xf32, #tpu.memory_space<vmem_shared>>
      %dma_wait3A_941 = tpu.memref_slice %arg10[%dma_wait3A_930] : memref<8x!tpu.dma_semaphore, #tpu.memory_space<semaphore_mem>> -> memref<1x!tpu.dma_semaphore, #tpu.memory_space<semaphore_mem>>
      %dma_wait3A_942 = tpu.memref_squeeze %dma_wait3A_941 : memref<1x!tpu.dma_semaphore, #tpu.memory_space<semaphore_mem>> -> memref<!tpu.dma_semaphore, #tpu.memory_space<semaphore_mem>>
      tpu.wait_indirect_dma semaphore(%dma_wait3A_942 : memref<!tpu.dma_semaphore, #tpu.memory_space<semaphore_mem>>) src(%dma_wait3A_934 : memref<128x16xf32, #tpu.memory_space<vmem>>) dst(%dma_wait3A_940 : memref<10112x16xf32, #tpu.memory_space<vmem_shared>>)
      %add3A_943 = arith.constant 3 : i32
      %add3A_944 = arith.addi %add3A_568, %add3A_943 : i32
      %add3A_945 = arith.constant 8 : i32
      %add3A_946 = arith.addi %add3A_944, %add3A_945 : i32
      %dma_start3A_947 = arith.constant 3 : i32
      %dma_start3A_948 = arith.constant 3 : i32
      %dma_start3A_949 = arith.constant 0 : i32
      %dma_start3A_950 = arith.constant 0 : i32
      %dma_start3A_951 = tpu.memref_slice %arg7[%dma_start3A_947, %dma_start3A_949, %dma_start3A_950] : memref<8x128x16xf32, #tpu.memory_space<vmem>> -> memref<1x128x16xf32, #tpu.memory_space<vmem>>
      %dma_start3A_952 = tpu.memref_squeeze %dma_start3A_951 : memref<1x128x16xf32, #tpu.memory_space<vmem>> -> memref<128x16xf32, #tpu.memory_space<vmem>>
      %dma_start3A_953 = arith.constant 0 : i32
      %dma_start3A_954 = tpu.memref_slice %arg5[%add3A_946, %dma_start3A_953] : memref<80x128xi32, #tpu.memory_space<vmem>> -> memref<1x128xi32, #tpu.memory_space<vmem>>
      %dma_start3A_955 = tpu.memref_squeeze %dma_start3A_954 : memref<1x128xi32, #tpu.memory_space<vmem>> -> memref<128xi32, #tpu.memory_space<vmem>>
      %dma_start3A_956 = arith.constant 0 : i32
      %dma_start3A_957 = arith.constant 0 : i32
      %dma_start3A_958 = tpu.memref_slice %arg2[%dma_start3A_956, %dma_start3A_957] : memref<10112x16xf32, #tpu.memory_space<hbm>> -> memref<10112x16xf32, #tpu.memory_space<hbm>>
      %dma_start3A_959 = tpu.memref_slice %arg9[%dma_start3A_948] : memref<8x!tpu.dma_semaphore, #tpu.memory_space<semaphore_mem>> -> memref<1x!tpu.dma_semaphore, #tpu.memory_space<semaphore_mem>>
      %dma_start3A_960 = tpu.memref_squeeze %dma_start3A_959 : memref<1x!tpu.dma_semaphore, #tpu.memory_space<semaphore_mem>> -> memref<!tpu.dma_semaphore, #tpu.memory_space<semaphore_mem>>
      tpu.enqueue_indirect_dma source(%dma_start3A_958 : memref<10112x16xf32, #tpu.memory_space<hbm>>) target(%dma_start3A_952 : memref<128x16xf32, #tpu.memory_space<vmem>>) offsets(%dma_start3A_955 : memref<128xi32, #tpu.memory_space<vmem>>) semaphore(%dma_start3A_960 : memref<!tpu.dma_semaphore, #tpu.memory_space<semaphore_mem>>)
      %add3A_961 = arith.constant 4 : i32
      %add3A_962 = arith.addi %add3A_568, %add3A_961 : i32
      %dma_wait3A_963 = arith.constant 4 : i32
      %dma_wait3A_964 = arith.constant 4 : i32
      %dma_wait3A_965 = arith.constant 0 : i32
      %dma_wait3A_966 = arith.constant 0 : i32
      %dma_wait3A_967 = tpu.memref_slice %arg7[%dma_wait3A_963, %dma_wait3A_965, %dma_wait3A_966] : memref<8x128x16xf32, #tpu.memory_space<vmem>> -> memref<1x128x16xf32, #tpu.memory_space<vmem>>
      %dma_wait3A_968 = tpu.memref_squeeze %dma_wait3A_967 : memref<1x128x16xf32, #tpu.memory_space<vmem>> -> memref<128x16xf32, #tpu.memory_space<vmem>>
      %dma_wait3A_969 = arith.constant 0 : i32
      %dma_wait3A_970 = tpu.memref_slice %arg6[%add3A_962, %dma_wait3A_969] : memref<80x128xi32, #tpu.memory_space<vmem>> -> memref<1x128xi32, #tpu.memory_space<vmem>>
      %dma_wait3A_971 = tpu.memref_squeeze %dma_wait3A_970 : memref<1x128xi32, #tpu.memory_space<vmem>> -> memref<128xi32, #tpu.memory_space<vmem>>
      %dma_wait3A_972 = arith.constant 0 : i32
      %dma_wait3A_973 = arith.constant 0 : i32
      %dma_wait3A_974 = tpu.memref_slice %arg8[%dma_wait3A_972, %dma_wait3A_973] : memref<10112x16xf32, #tpu.memory_space<vmem_shared>> -> memref<10112x16xf32, #tpu.memory_space<vmem_shared>>
      %dma_wait3A_975 = tpu.memref_slice %arg10[%dma_wait3A_964] : memref<8x!tpu.dma_semaphore, #tpu.memory_space<semaphore_mem>> -> memref<1x!tpu.dma_semaphore, #tpu.memory_space<semaphore_mem>>
      %dma_wait3A_976 = tpu.memref_squeeze %dma_wait3A_975 : memref<1x!tpu.dma_semaphore, #tpu.memory_space<semaphore_mem>> -> memref<!tpu.dma_semaphore, #tpu.memory_space<semaphore_mem>>
      tpu.wait_indirect_dma semaphore(%dma_wait3A_976 : memref<!tpu.dma_semaphore, #tpu.memory_space<semaphore_mem>>) src(%dma_wait3A_968 : memref<128x16xf32, #tpu.memory_space<vmem>>) dst(%dma_wait3A_974 : memref<10112x16xf32, #tpu.memory_space<vmem_shared>>)
      %add3A_977 = arith.constant 4 : i32
      %add3A_978 = arith.addi %add3A_568, %add3A_977 : i32
      %add3A_979 = arith.constant 8 : i32
      %add3A_980 = arith.addi %add3A_978, %add3A_979 : i32
      %dma_start3A_981 = arith.constant 4 : i32
      %dma_start3A_982 = arith.constant 4 : i32
      %dma_start3A_983 = arith.constant 0 : i32
      %dma_start3A_984 = arith.constant 0 : i32
      %dma_start3A_985 = tpu.memref_slice %arg7[%dma_start3A_981, %dma_start3A_983, %dma_start3A_984] : memref<8x128x16xf32, #tpu.memory_space<vmem>> -> memref<1x128x16xf32, #tpu.memory_space<vmem>>
      %dma_start3A_986 = tpu.memref_squeeze %dma_start3A_985 : memref<1x128x16xf32, #tpu.memory_space<vmem>> -> memref<128x16xf32, #tpu.memory_space<vmem>>
      %dma_start3A_987 = arith.constant 0 : i32
      %dma_start3A_988 = tpu.memref_slice %arg5[%add3A_980, %dma_start3A_987] : memref<80x128xi32, #tpu.memory_space<vmem>> -> memref<1x128xi32, #tpu.memory_space<vmem>>
      %dma_start3A_989 = tpu.memref_squeeze %dma_start3A_988 : memref<1x128xi32, #tpu.memory_space<vmem>> -> memref<128xi32, #tpu.memory_space<vmem>>
      %dma_start3A_990 = arith.constant 0 : i32
      %dma_start3A_991 = arith.constant 0 : i32
      %dma_start3A_992 = tpu.memref_slice %arg2[%dma_start3A_990, %dma_start3A_991] : memref<10112x16xf32, #tpu.memory_space<hbm>> -> memref<10112x16xf32, #tpu.memory_space<hbm>>
      %dma_start3A_993 = tpu.memref_slice %arg9[%dma_start3A_982] : memref<8x!tpu.dma_semaphore, #tpu.memory_space<semaphore_mem>> -> memref<1x!tpu.dma_semaphore, #tpu.memory_space<semaphore_mem>>
      %dma_start3A_994 = tpu.memref_squeeze %dma_start3A_993 : memref<1x!tpu.dma_semaphore, #tpu.memory_space<semaphore_mem>> -> memref<!tpu.dma_semaphore, #tpu.memory_space<semaphore_mem>>
      tpu.enqueue_indirect_dma source(%dma_start3A_992 : memref<10112x16xf32, #tpu.memory_space<hbm>>) target(%dma_start3A_986 : memref<128x16xf32, #tpu.memory_space<vmem>>) offsets(%dma_start3A_989 : memref<128xi32, #tpu.memory_space<vmem>>) semaphore(%dma_start3A_994 : memref<!tpu.dma_semaphore, #tpu.memory_space<semaphore_mem>>)
      %add3A_995 = arith.constant 5 : i32
      %add3A_996 = arith.addi %add3A_568, %add3A_995 : i32
      %dma_wait3A_997 = arith.constant 5 : i32
      %dma_wait3A_998 = arith.constant 5 : i32
      %dma_wait3A_999 = arith.constant 0 : i32
      %dma_wait3A_1000 = arith.constant 0 : i32
      %dma_wait3A_1001 = tpu.memref_slice %arg7[%dma_wait3A_997, %dma_wait3A_999, %dma_wait3A_1000] : memref<8x128x16xf32, #tpu.memory_space<vmem>> -> memref<1x128x16xf32, #tpu.memory_space<vmem>>
      %dma_wait3A_1002 = tpu.memref_squeeze %dma_wait3A_1001 : memref<1x128x16xf32, #tpu.memory_space<vmem>> -> memref<128x16xf32, #tpu.memory_space<vmem>>
      %dma_wait3A_1003 = arith.constant 0 : i32
      %dma_wait3A_1004 = tpu.memref_slice %arg6[%add3A_996, %dma_wait3A_1003] : memref<80x128xi32, #tpu.memory_space<vmem>> -> memref<1x128xi32, #tpu.memory_space<vmem>>
      %dma_wait3A_1005 = tpu.memref_squeeze %dma_wait3A_1004 : memref<1x128xi32, #tpu.memory_space<vmem>> -> memref<128xi32, #tpu.memory_space<vmem>>
      %dma_wait3A_1006 = arith.constant 0 : i32
      %dma_wait3A_1007 = arith.constant 0 : i32
      %dma_wait3A_1008 = tpu.memref_slice %arg8[%dma_wait3A_1006, %dma_wait3A_1007] : memref<10112x16xf32, #tpu.memory_space<vmem_shared>> -> memref<10112x16xf32, #tpu.memory_space<vmem_shared>>
      %dma_wait3A_1009 = tpu.memref_slice %arg10[%dma_wait3A_998] : memref<8x!tpu.dma_semaphore, #tpu.memory_space<semaphore_mem>> -> memref<1x!tpu.dma_semaphore, #tpu.memory_space<semaphore_mem>>
      %dma_wait3A_1010 = tpu.memref_squeeze %dma_wait3A_1009 : memref<1x!tpu.dma_semaphore, #tpu.memory_space<semaphore_mem>> -> memref<!tpu.dma_semaphore, #tpu.memory_space<semaphore_mem>>
      tpu.wait_indirect_dma semaphore(%dma_wait3A_1010 : memref<!tpu.dma_semaphore, #tpu.memory_space<semaphore_mem>>) src(%dma_wait3A_1002 : memref<128x16xf32, #tpu.memory_space<vmem>>) dst(%dma_wait3A_1008 : memref<10112x16xf32, #tpu.memory_space<vmem_shared>>)
      %add3A_1011 = arith.constant 5 : i32
      %add3A_1012 = arith.addi %add3A_568, %add3A_1011 : i32
      %add3A_1013 = arith.constant 8 : i32
      %add3A_1014 = arith.addi %add3A_1012, %add3A_1013 : i32
      %dma_start3A_1015 = arith.constant 5 : i32
      %dma_start3A_1016 = arith.constant 5 : i32
      %dma_start3A_1017 = arith.constant 0 : i32
      %dma_start3A_1018 = arith.constant 0 : i32
      %dma_start3A_1019 = tpu.memref_slice %arg7[%dma_start3A_1015, %dma_start3A_1017, %dma_start3A_1018] : memref<8x128x16xf32, #tpu.memory_space<vmem>> -> memref<1x128x16xf32, #tpu.memory_space<vmem>>
      %dma_start3A_1020 = tpu.memref_squeeze %dma_start3A_1019 : memref<1x128x16xf32, #tpu.memory_space<vmem>> -> memref<128x16xf32, #tpu.memory_space<vmem>>
      %dma_start3A_1021 = arith.constant 0 : i32
      %dma_start3A_1022 = tpu.memref_slice %arg5[%add3A_1014, %dma_start3A_1021] : memref<80x128xi32, #tpu.memory_space<vmem>> -> memref<1x128xi32, #tpu.memory_space<vmem>>
      %dma_start3A_1023 = tpu.memref_squeeze %dma_start3A_1022 : memref<1x128xi32, #tpu.memory_space<vmem>> -> memref<128xi32, #tpu.memory_space<vmem>>
      %dma_start3A_1024 = arith.constant 0 : i32
      %dma_start3A_1025 = arith.constant 0 : i32
      %dma_start3A_1026 = tpu.memref_slice %arg2[%dma_start3A_1024, %dma_start3A_1025] : memref<10112x16xf32, #tpu.memory_space<hbm>> -> memref<10112x16xf32, #tpu.memory_space<hbm>>
      %dma_start3A_1027 = tpu.memref_slice %arg9[%dma_start3A_1016] : memref<8x!tpu.dma_semaphore, #tpu.memory_space<semaphore_mem>> -> memref<1x!tpu.dma_semaphore, #tpu.memory_space<semaphore_mem>>
      %dma_start3A_1028 = tpu.memref_squeeze %dma_start3A_1027 : memref<1x!tpu.dma_semaphore, #tpu.memory_space<semaphore_mem>> -> memref<!tpu.dma_semaphore, #tpu.memory_space<semaphore_mem>>
      tpu.enqueue_indirect_dma source(%dma_start3A_1026 : memref<10112x16xf32, #tpu.memory_space<hbm>>) target(%dma_start3A_1020 : memref<128x16xf32, #tpu.memory_space<vmem>>) offsets(%dma_start3A_1023 : memref<128xi32, #tpu.memory_space<vmem>>) semaphore(%dma_start3A_1028 : memref<!tpu.dma_semaphore, #tpu.memory_space<semaphore_mem>>)
      %add3A_1029 = arith.constant 6 : i32
      %add3A_1030 = arith.addi %add3A_568, %add3A_1029 : i32
      %dma_wait3A_1031 = arith.constant 6 : i32
      %dma_wait3A_1032 = arith.constant 6 : i32
      %dma_wait3A_1033 = arith.constant 0 : i32
      %dma_wait3A_1034 = arith.constant 0 : i32
      %dma_wait3A_1035 = tpu.memref_slice %arg7[%dma_wait3A_1031, %dma_wait3A_1033, %dma_wait3A_1034] : memref<8x128x16xf32, #tpu.memory_space<vmem>> -> memref<1x128x16xf32, #tpu.memory_space<vmem>>
      %dma_wait3A_1036 = tpu.memref_squeeze %dma_wait3A_1035 : memref<1x128x16xf32, #tpu.memory_space<vmem>> -> memref<128x16xf32, #tpu.memory_space<vmem>>
      %dma_wait3A_1037 = arith.constant 0 : i32
      %dma_wait3A_1038 = tpu.memref_slice %arg6[%add3A_1030, %dma_wait3A_1037] : memref<80x128xi32, #tpu.memory_space<vmem>> -> memref<1x128xi32, #tpu.memory_space<vmem>>
      %dma_wait3A_1039 = tpu.memref_squeeze %dma_wait3A_1038 : memref<1x128xi32, #tpu.memory_space<vmem>> -> memref<128xi32, #tpu.memory_space<vmem>>
      %dma_wait3A_1040 = arith.constant 0 : i32
      %dma_wait3A_1041 = arith.constant 0 : i32
      %dma_wait3A_1042 = tpu.memref_slice %arg8[%dma_wait3A_1040, %dma_wait3A_1041] : memref<10112x16xf32, #tpu.memory_space<vmem_shared>> -> memref<10112x16xf32, #tpu.memory_space<vmem_shared>>
      %dma_wait3A_1043 = tpu.memref_slice %arg10[%dma_wait3A_1032] : memref<8x!tpu.dma_semaphore, #tpu.memory_space<semaphore_mem>> -> memref<1x!tpu.dma_semaphore, #tpu.memory_space<semaphore_mem>>
      %dma_wait3A_1044 = tpu.memref_squeeze %dma_wait3A_1043 : memref<1x!tpu.dma_semaphore, #tpu.memory_space<semaphore_mem>> -> memref<!tpu.dma_semaphore, #tpu.memory_space<semaphore_mem>>
      tpu.wait_indirect_dma semaphore(%dma_wait3A_1044 : memref<!tpu.dma_semaphore, #tpu.memory_space<semaphore_mem>>) src(%dma_wait3A_1036 : memref<128x16xf32, #tpu.memory_space<vmem>>) dst(%dma_wait3A_1042 : memref<10112x16xf32, #tpu.memory_space<vmem_shared>>)
      %add3A_1045 = arith.constant 6 : i32
      %add3A_1046 = arith.addi %add3A_568, %add3A_1045 : i32
      %add3A_1047 = arith.constant 8 : i32
      %add3A_1048 = arith.addi %add3A_1046, %add3A_1047 : i32
      %dma_start3A_1049 = arith.constant 6 : i32
      %dma_start3A_1050 = arith.constant 6 : i32
      %dma_start3A_1051 = arith.constant 0 : i32
      %dma_start3A_1052 = arith.constant 0 : i32
      %dma_start3A_1053 = tpu.memref_slice %arg7[%dma_start3A_1049, %dma_start3A_1051, %dma_start3A_1052] : memref<8x128x16xf32, #tpu.memory_space<vmem>> -> memref<1x128x16xf32, #tpu.memory_space<vmem>>
      %dma_start3A_1054 = tpu.memref_squeeze %dma_start3A_1053 : memref<1x128x16xf32, #tpu.memory_space<vmem>> -> memref<128x16xf32, #tpu.memory_space<vmem>>
      %dma_start3A_1055 = arith.constant 0 : i32
      %dma_start3A_1056 = tpu.memref_slice %arg5[%add3A_1048, %dma_start3A_1055] : memref<80x128xi32, #tpu.memory_space<vmem>> -> memref<1x128xi32, #tpu.memory_space<vmem>>
      %dma_start3A_1057 = tpu.memref_squeeze %dma_start3A_1056 : memref<1x128xi32, #tpu.memory_space<vmem>> -> memref<128xi32, #tpu.memory_space<vmem>>
      %dma_start3A_1058 = arith.constant 0 : i32
      %dma_start3A_1059 = arith.constant 0 : i32
      %dma_start3A_1060 = tpu.memref_slice %arg2[%dma_start3A_1058, %dma_start3A_1059] : memref<10112x16xf32, #tpu.memory_space<hbm>> -> memref<10112x16xf32, #tpu.memory_space<hbm>>
      %dma_start3A_1061 = tpu.memref_slice %arg9[%dma_start3A_1050] : memref<8x!tpu.dma_semaphore, #tpu.memory_space<semaphore_mem>> -> memref<1x!tpu.dma_semaphore, #tpu.memory_space<semaphore_mem>>
      %dma_start3A_1062 = tpu.memref_squeeze %dma_start3A_1061 : memref<1x!tpu.dma_semaphore, #tpu.memory_space<semaphore_mem>> -> memref<!tpu.dma_semaphore, #tpu.memory_space<semaphore_mem>>
      tpu.enqueue_indirect_dma source(%dma_start3A_1060 : memref<10112x16xf32, #tpu.memory_space<hbm>>) target(%dma_start3A_1054 : memref<128x16xf32, #tpu.memory_space<vmem>>) offsets(%dma_start3A_1057 : memref<128xi32, #tpu.memory_space<vmem>>) semaphore(%dma_start3A_1062 : memref<!tpu.dma_semaphore, #tpu.memory_space<semaphore_mem>>)
      %add3A_1063 = arith.constant 7 : i32
      %add3A_1064 = arith.addi %add3A_568, %add3A_1063 : i32
      %dma_wait3A_1065 = arith.constant 7 : i32
      %dma_wait3A_1066 = arith.constant 7 : i32
      %dma_wait3A_1067 = arith.constant 0 : i32
      %dma_wait3A_1068 = arith.constant 0 : i32
      %dma_wait3A_1069 = tpu.memref_slice %arg7[%dma_wait3A_1065, %dma_wait3A_1067, %dma_wait3A_1068] : memref<8x128x16xf32, #tpu.memory_space<vmem>> -> memref<1x128x16xf32, #tpu.memory_space<vmem>>
      %dma_wait3A_1070 = tpu.memref_squeeze %dma_wait3A_1069 : memref<1x128x16xf32, #tpu.memory_space<vmem>> -> memref<128x16xf32, #tpu.memory_space<vmem>>
      %dma_wait3A_1071 = arith.constant 0 : i32
      %dma_wait3A_1072 = tpu.memref_slice %arg6[%add3A_1064, %dma_wait3A_1071] : memref<80x128xi32, #tpu.memory_space<vmem>> -> memref<1x128xi32, #tpu.memory_space<vmem>>
      %dma_wait3A_1073 = tpu.memref_squeeze %dma_wait3A_1072 : memref<1x128xi32, #tpu.memory_space<vmem>> -> memref<128xi32, #tpu.memory_space<vmem>>
      %dma_wait3A_1074 = arith.constant 0 : i32
      %dma_wait3A_1075 = arith.constant 0 : i32
      %dma_wait3A_1076 = tpu.memref_slice %arg8[%dma_wait3A_1074, %dma_wait3A_1075] : memref<10112x16xf32, #tpu.memory_space<vmem_shared>> -> memref<10112x16xf32, #tpu.memory_space<vmem_shared>>
      %dma_wait3A_1077 = tpu.memref_slice %arg10[%dma_wait3A_1066] : memref<8x!tpu.dma_semaphore, #tpu.memory_space<semaphore_mem>> -> memref<1x!tpu.dma_semaphore, #tpu.memory_space<semaphore_mem>>
      %dma_wait3A_1078 = tpu.memref_squeeze %dma_wait3A_1077 : memref<1x!tpu.dma_semaphore, #tpu.memory_space<semaphore_mem>> -> memref<!tpu.dma_semaphore, #tpu.memory_space<semaphore_mem>>
      tpu.wait_indirect_dma semaphore(%dma_wait3A_1078 : memref<!tpu.dma_semaphore, #tpu.memory_space<semaphore_mem>>) src(%dma_wait3A_1070 : memref<128x16xf32, #tpu.memory_space<vmem>>) dst(%dma_wait3A_1076 : memref<10112x16xf32, #tpu.memory_space<vmem_shared>>)
      %add3A_1079 = arith.constant 7 : i32
      %add3A_1080 = arith.addi %add3A_568, %add3A_1079 : i32
      %add3A_1081 = arith.constant 8 : i32
      %add3A_1082 = arith.addi %add3A_1080, %add3A_1081 : i32
      %dma_start3A_1083 = arith.constant 7 : i32
      %dma_start3A_1084 = arith.constant 7 : i32
      %dma_start3A_1085 = arith.constant 0 : i32
      %dma_start3A_1086 = arith.constant 0 : i32
      %dma_start3A_1087 = tpu.memref_slice %arg7[%dma_start3A_1083, %dma_start3A_1085, %dma_start3A_1086] : memref<8x128x16xf32, #tpu.memory_space<vmem>> -> memref<1x128x16xf32, #tpu.memory_space<vmem>>
      %dma_start3A_1088 = tpu.memref_squeeze %dma_start3A_1087 : memref<1x128x16xf32, #tpu.memory_space<vmem>> -> memref<128x16xf32, #tpu.memory_space<vmem>>
      %dma_start3A_1089 = arith.constant 0 : i32
      %dma_start3A_1090 = tpu.memref_slice %arg5[%add3A_1082, %dma_start3A_1089] : memref<80x128xi32, #tpu.memory_space<vmem>> -> memref<1x128xi32, #tpu.memory_space<vmem>>
      %dma_start3A_1091 = tpu.memref_squeeze %dma_start3A_1090 : memref<1x128xi32, #tpu.memory_space<vmem>> -> memref<128xi32, #tpu.memory_space<vmem>>
      %dma_start3A_1092 = arith.constant 0 : i32
      %dma_start3A_1093 = arith.constant 0 : i32
      %dma_start3A_1094 = tpu.memref_slice %arg2[%dma_start3A_1092, %dma_start3A_1093] : memref<10112x16xf32, #tpu.memory_space<hbm>> -> memref<10112x16xf32, #tpu.memory_space<hbm>>
      %dma_start3A_1095 = tpu.memref_slice %arg9[%dma_start3A_1084] : memref<8x!tpu.dma_semaphore, #tpu.memory_space<semaphore_mem>> -> memref<1x!tpu.dma_semaphore, #tpu.memory_space<semaphore_mem>>
      %dma_start3A_1096 = tpu.memref_squeeze %dma_start3A_1095 : memref<1x!tpu.dma_semaphore, #tpu.memory_space<semaphore_mem>> -> memref<!tpu.dma_semaphore, #tpu.memory_space<semaphore_mem>>
      tpu.enqueue_indirect_dma source(%dma_start3A_1094 : memref<10112x16xf32, #tpu.memory_space<hbm>>) target(%dma_start3A_1088 : memref<128x16xf32, #tpu.memory_space<vmem>>) offsets(%dma_start3A_1091 : memref<128xi32, #tpu.memory_space<vmem>>) semaphore(%dma_start3A_1096 : memref<!tpu.dma_semaphore, #tpu.memory_space<semaphore_mem>>)
    }
    %scan3A_202 = arith.constant 9 : i32
    %dma_wait3A_203 = arith.constant 72 : i32
    %dma_wait3A_204 = arith.constant 0 : i32
    %dma_wait3A_205 = arith.constant 0 : i32
    %dma_wait3A_206 = arith.constant 0 : i32
    %dma_wait3A_207 = arith.constant 0 : i32
    %dma_wait3A_208 = tpu.memref_slice %arg7[%dma_wait3A_204, %dma_wait3A_206, %dma_wait3A_207] : memref<8x128x16xf32, #tpu.memory_space<vmem>> -> memref<1x128x16xf32, #tpu.memory_space<vmem>>
    %dma_wait3A_209 = tpu.memref_squeeze %dma_wait3A_208 : memref<1x128x16xf32, #tpu.memory_space<vmem>> -> memref<128x16xf32, #tpu.memory_space<vmem>>
    %dma_wait3A_210 = arith.constant 0 : i32
    %dma_wait3A_211 = tpu.memref_slice %arg5[%dma_wait3A_203, %dma_wait3A_210] : memref<80x128xi32, #tpu.memory_space<vmem>> -> memref<1x128xi32, #tpu.memory_space<vmem>>
    %dma_wait3A_212 = tpu.memref_squeeze %dma_wait3A_211 : memref<1x128xi32, #tpu.memory_space<vmem>> -> memref<128xi32, #tpu.memory_space<vmem>>
    %dma_wait3A_213 = arith.constant 0 : i32
    %dma_wait3A_214 = arith.constant 0 : i32
    %dma_wait3A_215 = tpu.memref_slice %arg2[%dma_wait3A_213, %dma_wait3A_214] : memref<10112x16xf32, #tpu.memory_space<hbm>> -> memref<10112x16xf32, #tpu.memory_space<hbm>>
    %dma_wait3A_216 = tpu.memref_slice %arg9[%dma_wait3A_205] : memref<8x!tpu.dma_semaphore, #tpu.memory_space<semaphore_mem>> -> memref<1x!tpu.dma_semaphore, #tpu.memory_space<semaphore_mem>>
    %dma_wait3A_217 = tpu.memref_squeeze %dma_wait3A_216 : memref<1x!tpu.dma_semaphore, #tpu.memory_space<semaphore_mem>> -> memref<!tpu.dma_semaphore, #tpu.memory_space<semaphore_mem>>
    tpu.wait_indirect_dma semaphore(%dma_wait3A_217 : memref<!tpu.dma_semaphore, #tpu.memory_space<semaphore_mem>>) src(%dma_wait3A_215 : memref<10112x16xf32, #tpu.memory_space<hbm>>) dst(%dma_wait3A_209 : memref<128x16xf32, #tpu.memory_space<vmem>>)
    %dma_start3A_218 = arith.constant 0 : i32
    %dma_start3A_219 = arith.constant 72 : i32
    %dma_start3A_220 = arith.constant 0 : i32
    %dma_start3A_221 = arith.constant 0 : i32
    %dma_start3A_222 = arith.constant 0 : i32
    %dma_start3A_223 = tpu.memref_slice %arg7[%dma_start3A_218, %dma_start3A_221, %dma_start3A_222] : memref<8x128x16xf32, #tpu.memory_space<vmem>> -> memref<1x128x16xf32, #tpu.memory_space<vmem>>
    %dma_start3A_224 = tpu.memref_squeeze %dma_start3A_223 : memref<1x128x16xf32, #tpu.memory_space<vmem>> -> memref<128x16xf32, #tpu.memory_space<vmem>>
    %dma_start3A_225 = arith.constant 0 : i32
    %dma_start3A_226 = tpu.memref_slice %arg6[%dma_start3A_219, %dma_start3A_225] : memref<80x128xi32, #tpu.memory_space<vmem>> -> memref<1x128xi32, #tpu.memory_space<vmem>>
    %dma_start3A_227 = tpu.memref_squeeze %dma_start3A_226 : memref<1x128xi32, #tpu.memory_space<vmem>> -> memref<128xi32, #tpu.memory_space<vmem>>
    %dma_start3A_228 = arith.constant 0 : i32
    %dma_start3A_229 = arith.constant 0 : i32
    %dma_start3A_230 = tpu.memref_slice %arg8[%dma_start3A_228, %dma_start3A_229] : memref<10112x16xf32, #tpu.memory_space<vmem_shared>> -> memref<10112x16xf32, #tpu.memory_space<vmem_shared>>
    %dma_start3A_231 = tpu.memref_slice %arg10[%dma_start3A_220] : memref<8x!tpu.dma_semaphore, #tpu.memory_space<semaphore_mem>> -> memref<1x!tpu.dma_semaphore, #tpu.memory_space<semaphore_mem>>
    %dma_start3A_232 = tpu.memref_squeeze %dma_start3A_231 : memref<1x!tpu.dma_semaphore, #tpu.memory_space<semaphore_mem>> -> memref<!tpu.dma_semaphore, #tpu.memory_space<semaphore_mem>>
    tpu.enqueue_indirect_dma source(%dma_start3A_224 : memref<128x16xf32, #tpu.memory_space<vmem>>) target(%dma_start3A_230 : memref<10112x16xf32, #tpu.memory_space<vmem_shared>>) offsets(%dma_start3A_227 : memref<128xi32, #tpu.memory_space<vmem>>) semaphore(%dma_start3A_232 : memref<!tpu.dma_semaphore, #tpu.memory_space<semaphore_mem>>) {add = true}
    %dma_wait3A_233 = arith.constant 73 : i32
    %dma_wait3A_234 = arith.constant 1 : i32
    %dma_wait3A_235 = arith.constant 1 : i32
    %dma_wait3A_236 = arith.constant 0 : i32
    %dma_wait3A_237 = arith.constant 0 : i32
    %dma_wait3A_238 = tpu.memref_slice %arg7[%dma_wait3A_234, %dma_wait3A_236, %dma_wait3A_237] : memref<8x128x16xf32, #tpu.memory_space<vmem>> -> memref<1x128x16xf32, #tpu.memory_space<vmem>>
    %dma_wait3A_239 = tpu.memref_squeeze %dma_wait3A_238 : memref<1x128x16xf32, #tpu.memory_space<vmem>> -> memref<128x16xf32, #tpu.memory_space<vmem>>
    %dma_wait3A_240 = arith.constant 0 : i32
    %dma_wait3A_241 = tpu.memref_slice %arg5[%dma_wait3A_233, %dma_wait3A_240] : memref<80x128xi32, #tpu.memory_space<vmem>> -> memref<1x128xi32, #tpu.memory_space<vmem>>
    %dma_wait3A_242 = tpu.memref_squeeze %dma_wait3A_241 : memref<1x128xi32, #tpu.memory_space<vmem>> -> memref<128xi32, #tpu.memory_space<vmem>>
    %dma_wait3A_243 = arith.constant 0 : i32
    %dma_wait3A_244 = arith.constant 0 : i32
    %dma_wait3A_245 = tpu.memref_slice %arg2[%dma_wait3A_243, %dma_wait3A_244] : memref<10112x16xf32, #tpu.memory_space<hbm>> -> memref<10112x16xf32, #tpu.memory_space<hbm>>
    %dma_wait3A_246 = tpu.memref_slice %arg9[%dma_wait3A_235] : memref<8x!tpu.dma_semaphore, #tpu.memory_space<semaphore_mem>> -> memref<1x!tpu.dma_semaphore, #tpu.memory_space<semaphore_mem>>
    %dma_wait3A_247 = tpu.memref_squeeze %dma_wait3A_246 : memref<1x!tpu.dma_semaphore, #tpu.memory_space<semaphore_mem>> -> memref<!tpu.dma_semaphore, #tpu.memory_space<semaphore_mem>>
    tpu.wait_indirect_dma semaphore(%dma_wait3A_247 : memref<!tpu.dma_semaphore, #tpu.memory_space<semaphore_mem>>) src(%dma_wait3A_245 : memref<10112x16xf32, #tpu.memory_space<hbm>>) dst(%dma_wait3A_239 : memref<128x16xf32, #tpu.memory_space<vmem>>)
    %dma_start3A_248 = arith.constant 1 : i32
    %dma_start3A_249 = arith.constant 73 : i32
    %dma_start3A_250 = arith.constant 1 : i32
    %dma_start3A_251 = arith.constant 0 : i32
    %dma_start3A_252 = arith.constant 0 : i32
    %dma_start3A_253 = tpu.memref_slice %arg7[%dma_start3A_248, %dma_start3A_251, %dma_start3A_252] : memref<8x128x16xf32, #tpu.memory_space<vmem>> -> memref<1x128x16xf32, #tpu.memory_space<vmem>>
    %dma_start3A_254 = tpu.memref_squeeze %dma_start3A_253 : memref<1x128x16xf32, #tpu.memory_space<vmem>> -> memref<128x16xf32, #tpu.memory_space<vmem>>
    %dma_start3A_255 = arith.constant 0 : i32
    %dma_start3A_256 = tpu.memref_slice %arg6[%dma_start3A_249, %dma_start3A_255] : memref<80x128xi32, #tpu.memory_space<vmem>> -> memref<1x128xi32, #tpu.memory_space<vmem>>
    %dma_start3A_257 = tpu.memref_squeeze %dma_start3A_256 : memref<1x128xi32, #tpu.memory_space<vmem>> -> memref<128xi32, #tpu.memory_space<vmem>>
    %dma_start3A_258 = arith.constant 0 : i32
    %dma_start3A_259 = arith.constant 0 : i32
    %dma_start3A_260 = tpu.memref_slice %arg8[%dma_start3A_258, %dma_start3A_259] : memref<10112x16xf32, #tpu.memory_space<vmem_shared>> -> memref<10112x16xf32, #tpu.memory_space<vmem_shared>>
    %dma_start3A_261 = tpu.memref_slice %arg10[%dma_start3A_250] : memref<8x!tpu.dma_semaphore, #tpu.memory_space<semaphore_mem>> -> memref<1x!tpu.dma_semaphore, #tpu.memory_space<semaphore_mem>>
    %dma_start3A_262 = tpu.memref_squeeze %dma_start3A_261 : memref<1x!tpu.dma_semaphore, #tpu.memory_space<semaphore_mem>> -> memref<!tpu.dma_semaphore, #tpu.memory_space<semaphore_mem>>
    tpu.enqueue_indirect_dma source(%dma_start3A_254 : memref<128x16xf32, #tpu.memory_space<vmem>>) target(%dma_start3A_260 : memref<10112x16xf32, #tpu.memory_space<vmem_shared>>) offsets(%dma_start3A_257 : memref<128xi32, #tpu.memory_space<vmem>>) semaphore(%dma_start3A_262 : memref<!tpu.dma_semaphore, #tpu.memory_space<semaphore_mem>>) {add = true}
    %dma_wait3A_263 = arith.constant 74 : i32
    %dma_wait3A_264 = arith.constant 2 : i32
    %dma_wait3A_265 = arith.constant 2 : i32
    %dma_wait3A_266 = arith.constant 0 : i32
    %dma_wait3A_267 = arith.constant 0 : i32
    %dma_wait3A_268 = tpu.memref_slice %arg7[%dma_wait3A_264, %dma_wait3A_266, %dma_wait3A_267] : memref<8x128x16xf32, #tpu.memory_space<vmem>> -> memref<1x128x16xf32, #tpu.memory_space<vmem>>
    %dma_wait3A_269 = tpu.memref_squeeze %dma_wait3A_268 : memref<1x128x16xf32, #tpu.memory_space<vmem>> -> memref<128x16xf32, #tpu.memory_space<vmem>>
    %dma_wait3A_270 = arith.constant 0 : i32
    %dma_wait3A_271 = tpu.memref_slice %arg5[%dma_wait3A_263, %dma_wait3A_270] : memref<80x128xi32, #tpu.memory_space<vmem>> -> memref<1x128xi32, #tpu.memory_space<vmem>>
    %dma_wait3A_272 = tpu.memref_squeeze %dma_wait3A_271 : memref<1x128xi32, #tpu.memory_space<vmem>> -> memref<128xi32, #tpu.memory_space<vmem>>
    %dma_wait3A_273 = arith.constant 0 : i32
    %dma_wait3A_274 = arith.constant 0 : i32
    %dma_wait3A_275 = tpu.memref_slice %arg2[%dma_wait3A_273, %dma_wait3A_274] : memref<10112x16xf32, #tpu.memory_space<hbm>> -> memref<10112x16xf32, #tpu.memory_space<hbm>>
    %dma_wait3A_276 = tpu.memref_slice %arg9[%dma_wait3A_265] : memref<8x!tpu.dma_semaphore, #tpu.memory_space<semaphore_mem>> -> memref<1x!tpu.dma_semaphore, #tpu.memory_space<semaphore_mem>>
    %dma_wait3A_277 = tpu.memref_squeeze %dma_wait3A_276 : memref<1x!tpu.dma_semaphore, #tpu.memory_space<semaphore_mem>> -> memref<!tpu.dma_semaphore, #tpu.memory_space<semaphore_mem>>
    tpu.wait_indirect_dma semaphore(%dma_wait3A_277 : memref<!tpu.dma_semaphore, #tpu.memory_space<semaphore_mem>>) src(%dma_wait3A_275 : memref<10112x16xf32, #tpu.memory_space<hbm>>) dst(%dma_wait3A_269 : memref<128x16xf32, #tpu.memory_space<vmem>>)
    %dma_start3A_278 = arith.constant 2 : i32
    %dma_start3A_279 = arith.constant 74 : i32
    %dma_start3A_280 = arith.constant 2 : i32
    %dma_start3A_281 = arith.constant 0 : i32
    %dma_start3A_282 = arith.constant 0 : i32
    %dma_start3A_283 = tpu.memref_slice %arg7[%dma_start3A_278, %dma_start3A_281, %dma_start3A_282] : memref<8x128x16xf32, #tpu.memory_space<vmem>> -> memref<1x128x16xf32, #tpu.memory_space<vmem>>
    %dma_start3A_284 = tpu.memref_squeeze %dma_start3A_283 : memref<1x128x16xf32, #tpu.memory_space<vmem>> -> memref<128x16xf32, #tpu.memory_space<vmem>>
    %dma_start3A_285 = arith.constant 0 : i32
    %dma_start3A_286 = tpu.memref_slice %arg6[%dma_start3A_279, %dma_start3A_285] : memref<80x128xi32, #tpu.memory_space<vmem>> -> memref<1x128xi32, #tpu.memory_space<vmem>>
    %dma_start3A_287 = tpu.memref_squeeze %dma_start3A_286 : memref<1x128xi32, #tpu.memory_space<vmem>> -> memref<128xi32, #tpu.memory_space<vmem>>
    %dma_start3A_288 = arith.constant 0 : i32
    %dma_start3A_289 = arith.constant 0 : i32
    %dma_start3A_290 = tpu.memref_slice %arg8[%dma_start3A_288, %dma_start3A_289] : memref<10112x16xf32, #tpu.memory_space<vmem_shared>> -> memref<10112x16xf32, #tpu.memory_space<vmem_shared>>
    %dma_start3A_291 = tpu.memref_slice %arg10[%dma_start3A_280] : memref<8x!tpu.dma_semaphore, #tpu.memory_space<semaphore_mem>> -> memref<1x!tpu.dma_semaphore, #tpu.memory_space<semaphore_mem>>
    %dma_start3A_292 = tpu.memref_squeeze %dma_start3A_291 : memref<1x!tpu.dma_semaphore, #tpu.memory_space<semaphore_mem>> -> memref<!tpu.dma_semaphore, #tpu.memory_space<semaphore_mem>>
    tpu.enqueue_indirect_dma source(%dma_start3A_284 : memref<128x16xf32, #tpu.memory_space<vmem>>) target(%dma_start3A_290 : memref<10112x16xf32, #tpu.memory_space<vmem_shared>>) offsets(%dma_start3A_287 : memref<128xi32, #tpu.memory_space<vmem>>) semaphore(%dma_start3A_292 : memref<!tpu.dma_semaphore, #tpu.memory_space<semaphore_mem>>) {add = true}
    %dma_wait3A_293 = arith.constant 75 : i32
    %dma_wait3A_294 = arith.constant 3 : i32
    %dma_wait3A_295 = arith.constant 3 : i32
    %dma_wait3A_296 = arith.constant 0 : i32
    %dma_wait3A_297 = arith.constant 0 : i32
    %dma_wait3A_298 = tpu.memref_slice %arg7[%dma_wait3A_294, %dma_wait3A_296, %dma_wait3A_297] : memref<8x128x16xf32, #tpu.memory_space<vmem>> -> memref<1x128x16xf32, #tpu.memory_space<vmem>>
    %dma_wait3A_299 = tpu.memref_squeeze %dma_wait3A_298 : memref<1x128x16xf32, #tpu.memory_space<vmem>> -> memref<128x16xf32, #tpu.memory_space<vmem>>
    %dma_wait3A_300 = arith.constant 0 : i32
    %dma_wait3A_301 = tpu.memref_slice %arg5[%dma_wait3A_293, %dma_wait3A_300] : memref<80x128xi32, #tpu.memory_space<vmem>> -> memref<1x128xi32, #tpu.memory_space<vmem>>
    %dma_wait3A_302 = tpu.memref_squeeze %dma_wait3A_301 : memref<1x128xi32, #tpu.memory_space<vmem>> -> memref<128xi32, #tpu.memory_space<vmem>>
    %dma_wait3A_303 = arith.constant 0 : i32
    %dma_wait3A_304 = arith.constant 0 : i32
    %dma_wait3A_305 = tpu.memref_slice %arg2[%dma_wait3A_303, %dma_wait3A_304] : memref<10112x16xf32, #tpu.memory_space<hbm>> -> memref<10112x16xf32, #tpu.memory_space<hbm>>
    %dma_wait3A_306 = tpu.memref_slice %arg9[%dma_wait3A_295] : memref<8x!tpu.dma_semaphore, #tpu.memory_space<semaphore_mem>> -> memref<1x!tpu.dma_semaphore, #tpu.memory_space<semaphore_mem>>
    %dma_wait3A_307 = tpu.memref_squeeze %dma_wait3A_306 : memref<1x!tpu.dma_semaphore, #tpu.memory_space<semaphore_mem>> -> memref<!tpu.dma_semaphore, #tpu.memory_space<semaphore_mem>>
    tpu.wait_indirect_dma semaphore(%dma_wait3A_307 : memref<!tpu.dma_semaphore, #tpu.memory_space<semaphore_mem>>) src(%dma_wait3A_305 : memref<10112x16xf32, #tpu.memory_space<hbm>>) dst(%dma_wait3A_299 : memref<128x16xf32, #tpu.memory_space<vmem>>)
    %dma_start3A_308 = arith.constant 3 : i32
    %dma_start3A_309 = arith.constant 75 : i32
    %dma_start3A_310 = arith.constant 3 : i32
    %dma_start3A_311 = arith.constant 0 : i32
    %dma_start3A_312 = arith.constant 0 : i32
    %dma_start3A_313 = tpu.memref_slice %arg7[%dma_start3A_308, %dma_start3A_311, %dma_start3A_312] : memref<8x128x16xf32, #tpu.memory_space<vmem>> -> memref<1x128x16xf32, #tpu.memory_space<vmem>>
    %dma_start3A_314 = tpu.memref_squeeze %dma_start3A_313 : memref<1x128x16xf32, #tpu.memory_space<vmem>> -> memref<128x16xf32, #tpu.memory_space<vmem>>
    %dma_start3A_315 = arith.constant 0 : i32
    %dma_start3A_316 = tpu.memref_slice %arg6[%dma_start3A_309, %dma_start3A_315] : memref<80x128xi32, #tpu.memory_space<vmem>> -> memref<1x128xi32, #tpu.memory_space<vmem>>
    %dma_start3A_317 = tpu.memref_squeeze %dma_start3A_316 : memref<1x128xi32, #tpu.memory_space<vmem>> -> memref<128xi32, #tpu.memory_space<vmem>>
    %dma_start3A_318 = arith.constant 0 : i32
    %dma_start3A_319 = arith.constant 0 : i32
    %dma_start3A_320 = tpu.memref_slice %arg8[%dma_start3A_318, %dma_start3A_319] : memref<10112x16xf32, #tpu.memory_space<vmem_shared>> -> memref<10112x16xf32, #tpu.memory_space<vmem_shared>>
    %dma_start3A_321 = tpu.memref_slice %arg10[%dma_start3A_310] : memref<8x!tpu.dma_semaphore, #tpu.memory_space<semaphore_mem>> -> memref<1x!tpu.dma_semaphore, #tpu.memory_space<semaphore_mem>>
    %dma_start3A_322 = tpu.memref_squeeze %dma_start3A_321 : memref<1x!tpu.dma_semaphore, #tpu.memory_space<semaphore_mem>> -> memref<!tpu.dma_semaphore, #tpu.memory_space<semaphore_mem>>
    tpu.enqueue_indirect_dma source(%dma_start3A_314 : memref<128x16xf32, #tpu.memory_space<vmem>>) target(%dma_start3A_320 : memref<10112x16xf32, #tpu.memory_space<vmem_shared>>) offsets(%dma_start3A_317 : memref<128xi32, #tpu.memory_space<vmem>>) semaphore(%dma_start3A_322 : memref<!tpu.dma_semaphore, #tpu.memory_space<semaphore_mem>>) {add = true}
    %dma_wait3A_323 = arith.constant 76 : i32
    %dma_wait3A_324 = arith.constant 4 : i32
    %dma_wait3A_325 = arith.constant 4 : i32
    %dma_wait3A_326 = arith.constant 0 : i32
    %dma_wait3A_327 = arith.constant 0 : i32
    %dma_wait3A_328 = tpu.memref_slice %arg7[%dma_wait3A_324, %dma_wait3A_326, %dma_wait3A_327] : memref<8x128x16xf32, #tpu.memory_space<vmem>> -> memref<1x128x16xf32, #tpu.memory_space<vmem>>
    %dma_wait3A_329 = tpu.memref_squeeze %dma_wait3A_328 : memref<1x128x16xf32, #tpu.memory_space<vmem>> -> memref<128x16xf32, #tpu.memory_space<vmem>>
    %dma_wait3A_330 = arith.constant 0 : i32
    %dma_wait3A_331 = tpu.memref_slice %arg5[%dma_wait3A_323, %dma_wait3A_330] : memref<80x128xi32, #tpu.memory_space<vmem>> -> memref<1x128xi32, #tpu.memory_space<vmem>>
    %dma_wait3A_332 = tpu.memref_squeeze %dma_wait3A_331 : memref<1x128xi32, #tpu.memory_space<vmem>> -> memref<128xi32, #tpu.memory_space<vmem>>
    %dma_wait3A_333 = arith.constant 0 : i32
    %dma_wait3A_334 = arith.constant 0 : i32
    %dma_wait3A_335 = tpu.memref_slice %arg2[%dma_wait3A_333, %dma_wait3A_334] : memref<10112x16xf32, #tpu.memory_space<hbm>> -> memref<10112x16xf32, #tpu.memory_space<hbm>>
    %dma_wait3A_336 = tpu.memref_slice %arg9[%dma_wait3A_325] : memref<8x!tpu.dma_semaphore, #tpu.memory_space<semaphore_mem>> -> memref<1x!tpu.dma_semaphore, #tpu.memory_space<semaphore_mem>>
    %dma_wait3A_337 = tpu.memref_squeeze %dma_wait3A_336 : memref<1x!tpu.dma_semaphore, #tpu.memory_space<semaphore_mem>> -> memref<!tpu.dma_semaphore, #tpu.memory_space<semaphore_mem>>
    tpu.wait_indirect_dma semaphore(%dma_wait3A_337 : memref<!tpu.dma_semaphore, #tpu.memory_space<semaphore_mem>>) src(%dma_wait3A_335 : memref<10112x16xf32, #tpu.memory_space<hbm>>) dst(%dma_wait3A_329 : memref<128x16xf32, #tpu.memory_space<vmem>>)
    %dma_start3A_338 = arith.constant 4 : i32
    %dma_start3A_339 = arith.constant 76 : i32
    %dma_start3A_340 = arith.constant 4 : i32
    %dma_start3A_341 = arith.constant 0 : i32
    %dma_start3A_342 = arith.constant 0 : i32
    %dma_start3A_343 = tpu.memref_slice %arg7[%dma_start3A_338, %dma_start3A_341, %dma_start3A_342] : memref<8x128x16xf32, #tpu.memory_space<vmem>> -> memref<1x128x16xf32, #tpu.memory_space<vmem>>
    %dma_start3A_344 = tpu.memref_squeeze %dma_start3A_343 : memref<1x128x16xf32, #tpu.memory_space<vmem>> -> memref<128x16xf32, #tpu.memory_space<vmem>>
    %dma_start3A_345 = arith.constant 0 : i32
    %dma_start3A_346 = tpu.memref_slice %arg6[%dma_start3A_339, %dma_start3A_345] : memref<80x128xi32, #tpu.memory_space<vmem>> -> memref<1x128xi32, #tpu.memory_space<vmem>>
    %dma_start3A_347 = tpu.memref_squeeze %dma_start3A_346 : memref<1x128xi32, #tpu.memory_space<vmem>> -> memref<128xi32, #tpu.memory_space<vmem>>
    %dma_start3A_348 = arith.constant 0 : i32
    %dma_start3A_349 = arith.constant 0 : i32
    %dma_start3A_350 = tpu.memref_slice %arg8[%dma_start3A_348, %dma_start3A_349] : memref<10112x16xf32, #tpu.memory_space<vmem_shared>> -> memref<10112x16xf32, #tpu.memory_space<vmem_shared>>
    %dma_start3A_351 = tpu.memref_slice %arg10[%dma_start3A_340] : memref<8x!tpu.dma_semaphore, #tpu.memory_space<semaphore_mem>> -> memref<1x!tpu.dma_semaphore, #tpu.memory_space<semaphore_mem>>
    %dma_start3A_352 = tpu.memref_squeeze %dma_start3A_351 : memref<1x!tpu.dma_semaphore, #tpu.memory_space<semaphore_mem>> -> memref<!tpu.dma_semaphore, #tpu.memory_space<semaphore_mem>>
    tpu.enqueue_indirect_dma source(%dma_start3A_344 : memref<128x16xf32, #tpu.memory_space<vmem>>) target(%dma_start3A_350 : memref<10112x16xf32, #tpu.memory_space<vmem_shared>>) offsets(%dma_start3A_347 : memref<128xi32, #tpu.memory_space<vmem>>) semaphore(%dma_start3A_352 : memref<!tpu.dma_semaphore, #tpu.memory_space<semaphore_mem>>) {add = true}
    %dma_wait3A_353 = arith.constant 77 : i32
    %dma_wait3A_354 = arith.constant 5 : i32
    %dma_wait3A_355 = arith.constant 5 : i32
    %dma_wait3A_356 = arith.constant 0 : i32
    %dma_wait3A_357 = arith.constant 0 : i32
    %dma_wait3A_358 = tpu.memref_slice %arg7[%dma_wait3A_354, %dma_wait3A_356, %dma_wait3A_357] : memref<8x128x16xf32, #tpu.memory_space<vmem>> -> memref<1x128x16xf32, #tpu.memory_space<vmem>>
    %dma_wait3A_359 = tpu.memref_squeeze %dma_wait3A_358 : memref<1x128x16xf32, #tpu.memory_space<vmem>> -> memref<128x16xf32, #tpu.memory_space<vmem>>
    %dma_wait3A_360 = arith.constant 0 : i32
    %dma_wait3A_361 = tpu.memref_slice %arg5[%dma_wait3A_353, %dma_wait3A_360] : memref<80x128xi32, #tpu.memory_space<vmem>> -> memref<1x128xi32, #tpu.memory_space<vmem>>
    %dma_wait3A_362 = tpu.memref_squeeze %dma_wait3A_361 : memref<1x128xi32, #tpu.memory_space<vmem>> -> memref<128xi32, #tpu.memory_space<vmem>>
    %dma_wait3A_363 = arith.constant 0 : i32
    %dma_wait3A_364 = arith.constant 0 : i32
    %dma_wait3A_365 = tpu.memref_slice %arg2[%dma_wait3A_363, %dma_wait3A_364] : memref<10112x16xf32, #tpu.memory_space<hbm>> -> memref<10112x16xf32, #tpu.memory_space<hbm>>
    %dma_wait3A_366 = tpu.memref_slice %arg9[%dma_wait3A_355] : memref<8x!tpu.dma_semaphore, #tpu.memory_space<semaphore_mem>> -> memref<1x!tpu.dma_semaphore, #tpu.memory_space<semaphore_mem>>
    %dma_wait3A_367 = tpu.memref_squeeze %dma_wait3A_366 : memref<1x!tpu.dma_semaphore, #tpu.memory_space<semaphore_mem>> -> memref<!tpu.dma_semaphore, #tpu.memory_space<semaphore_mem>>
    tpu.wait_indirect_dma semaphore(%dma_wait3A_367 : memref<!tpu.dma_semaphore, #tpu.memory_space<semaphore_mem>>) src(%dma_wait3A_365 : memref<10112x16xf32, #tpu.memory_space<hbm>>) dst(%dma_wait3A_359 : memref<128x16xf32, #tpu.memory_space<vmem>>)
    %dma_start3A_368 = arith.constant 5 : i32
    %dma_start3A_369 = arith.constant 77 : i32
    %dma_start3A_370 = arith.constant 5 : i32
    %dma_start3A_371 = arith.constant 0 : i32
    %dma_start3A_372 = arith.constant 0 : i32
    %dma_start3A_373 = tpu.memref_slice %arg7[%dma_start3A_368, %dma_start3A_371, %dma_start3A_372] : memref<8x128x16xf32, #tpu.memory_space<vmem>> -> memref<1x128x16xf32, #tpu.memory_space<vmem>>
    %dma_start3A_374 = tpu.memref_squeeze %dma_start3A_373 : memref<1x128x16xf32, #tpu.memory_space<vmem>> -> memref<128x16xf32, #tpu.memory_space<vmem>>
    %dma_start3A_375 = arith.constant 0 : i32
    %dma_start3A_376 = tpu.memref_slice %arg6[%dma_start3A_369, %dma_start3A_375] : memref<80x128xi32, #tpu.memory_space<vmem>> -> memref<1x128xi32, #tpu.memory_space<vmem>>
    %dma_start3A_377 = tpu.memref_squeeze %dma_start3A_376 : memref<1x128xi32, #tpu.memory_space<vmem>> -> memref<128xi32, #tpu.memory_space<vmem>>
    %dma_start3A_378 = arith.constant 0 : i32
    %dma_start3A_379 = arith.constant 0 : i32
    %dma_start3A_380 = tpu.memref_slice %arg8[%dma_start3A_378, %dma_start3A_379] : memref<10112x16xf32, #tpu.memory_space<vmem_shared>> -> memref<10112x16xf32, #tpu.memory_space<vmem_shared>>
    %dma_start3A_381 = tpu.memref_slice %arg10[%dma_start3A_370] : memref<8x!tpu.dma_semaphore, #tpu.memory_space<semaphore_mem>> -> memref<1x!tpu.dma_semaphore, #tpu.memory_space<semaphore_mem>>
    %dma_start3A_382 = tpu.memref_squeeze %dma_start3A_381 : memref<1x!tpu.dma_semaphore, #tpu.memory_space<semaphore_mem>> -> memref<!tpu.dma_semaphore, #tpu.memory_space<semaphore_mem>>
    tpu.enqueue_indirect_dma source(%dma_start3A_374 : memref<128x16xf32, #tpu.memory_space<vmem>>) target(%dma_start3A_380 : memref<10112x16xf32, #tpu.memory_space<vmem_shared>>) offsets(%dma_start3A_377 : memref<128xi32, #tpu.memory_space<vmem>>) semaphore(%dma_start3A_382 : memref<!tpu.dma_semaphore, #tpu.memory_space<semaphore_mem>>) {add = true}
    %dma_wait3A_383 = arith.constant 78 : i32
    %dma_wait3A_384 = arith.constant 6 : i32
    %dma_wait3A_385 = arith.constant 6 : i32
    %dma_wait3A_386 = arith.constant 0 : i32
    %dma_wait3A_387 = arith.constant 0 : i32
    %dma_wait3A_388 = tpu.memref_slice %arg7[%dma_wait3A_384, %dma_wait3A_386, %dma_wait3A_387] : memref<8x128x16xf32, #tpu.memory_space<vmem>> -> memref<1x128x16xf32, #tpu.memory_space<vmem>>
    %dma_wait3A_389 = tpu.memref_squeeze %dma_wait3A_388 : memref<1x128x16xf32, #tpu.memory_space<vmem>> -> memref<128x16xf32, #tpu.memory_space<vmem>>
    %dma_wait3A_390 = arith.constant 0 : i32
    %dma_wait3A_391 = tpu.memref_slice %arg5[%dma_wait3A_383, %dma_wait3A_390] : memref<80x128xi32, #tpu.memory_space<vmem>> -> memref<1x128xi32, #tpu.memory_space<vmem>>
    %dma_wait3A_392 = tpu.memref_squeeze %dma_wait3A_391 : memref<1x128xi32, #tpu.memory_space<vmem>> -> memref<128xi32, #tpu.memory_space<vmem>>
    %dma_wait3A_393 = arith.constant 0 : i32
    %dma_wait3A_394 = arith.constant 0 : i32
    %dma_wait3A_395 = tpu.memref_slice %arg2[%dma_wait3A_393, %dma_wait3A_394] : memref<10112x16xf32, #tpu.memory_space<hbm>> -> memref<10112x16xf32, #tpu.memory_space<hbm>>
    %dma_wait3A_396 = tpu.memref_slice %arg9[%dma_wait3A_385] : memref<8x!tpu.dma_semaphore, #tpu.memory_space<semaphore_mem>> -> memref<1x!tpu.dma_semaphore, #tpu.memory_space<semaphore_mem>>
    %dma_wait3A_397 = tpu.memref_squeeze %dma_wait3A_396 : memref<1x!tpu.dma_semaphore, #tpu.memory_space<semaphore_mem>> -> memref<!tpu.dma_semaphore, #tpu.memory_space<semaphore_mem>>
    tpu.wait_indirect_dma semaphore(%dma_wait3A_397 : memref<!tpu.dma_semaphore, #tpu.memory_space<semaphore_mem>>) src(%dma_wait3A_395 : memref<10112x16xf32, #tpu.memory_space<hbm>>) dst(%dma_wait3A_389 : memref<128x16xf32, #tpu.memory_space<vmem>>)
    %dma_start3A_398 = arith.constant 6 : i32
    %dma_start3A_399 = arith.constant 78 : i32
    %dma_start3A_400 = arith.constant 6 : i32
    %dma_start3A_401 = arith.constant 0 : i32
    %dma_start3A_402 = arith.constant 0 : i32
    %dma_start3A_403 = tpu.memref_slice %arg7[%dma_start3A_398, %dma_start3A_401, %dma_start3A_402] : memref<8x128x16xf32, #tpu.memory_space<vmem>> -> memref<1x128x16xf32, #tpu.memory_space<vmem>>
    %dma_start3A_404 = tpu.memref_squeeze %dma_start3A_403 : memref<1x128x16xf32, #tpu.memory_space<vmem>> -> memref<128x16xf32, #tpu.memory_space<vmem>>
    %dma_start3A_405 = arith.constant 0 : i32
    %dma_start3A_406 = tpu.memref_slice %arg6[%dma_start3A_399, %dma_start3A_405] : memref<80x128xi32, #tpu.memory_space<vmem>> -> memref<1x128xi32, #tpu.memory_space<vmem>>
    %dma_start3A_407 = tpu.memref_squeeze %dma_start3A_406 : memref<1x128xi32, #tpu.memory_space<vmem>> -> memref<128xi32, #tpu.memory_space<vmem>>
    %dma_start3A_408 = arith.constant 0 : i32
    %dma_start3A_409 = arith.constant 0 : i32
    %dma_start3A_410 = tpu.memref_slice %arg8[%dma_start3A_408, %dma_start3A_409] : memref<10112x16xf32, #tpu.memory_space<vmem_shared>> -> memref<10112x16xf32, #tpu.memory_space<vmem_shared>>
    %dma_start3A_411 = tpu.memref_slice %arg10[%dma_start3A_400] : memref<8x!tpu.dma_semaphore, #tpu.memory_space<semaphore_mem>> -> memref<1x!tpu.dma_semaphore, #tpu.memory_space<semaphore_mem>>
    %dma_start3A_412 = tpu.memref_squeeze %dma_start3A_411 : memref<1x!tpu.dma_semaphore, #tpu.memory_space<semaphore_mem>> -> memref<!tpu.dma_semaphore, #tpu.memory_space<semaphore_mem>>
    tpu.enqueue_indirect_dma source(%dma_start3A_404 : memref<128x16xf32, #tpu.memory_space<vmem>>) target(%dma_start3A_410 : memref<10112x16xf32, #tpu.memory_space<vmem_shared>>) offsets(%dma_start3A_407 : memref<128xi32, #tpu.memory_space<vmem>>) semaphore(%dma_start3A_412 : memref<!tpu.dma_semaphore, #tpu.memory_space<semaphore_mem>>) {add = true}
    %dma_wait3A_413 = arith.constant 79 : i32
    %dma_wait3A_414 = arith.constant 7 : i32
    %dma_wait3A_415 = arith.constant 7 : i32
    %dma_wait3A_416 = arith.constant 0 : i32
    %dma_wait3A_417 = arith.constant 0 : i32
    %dma_wait3A_418 = tpu.memref_slice %arg7[%dma_wait3A_414, %dma_wait3A_416, %dma_wait3A_417] : memref<8x128x16xf32, #tpu.memory_space<vmem>> -> memref<1x128x16xf32, #tpu.memory_space<vmem>>
    %dma_wait3A_419 = tpu.memref_squeeze %dma_wait3A_418 : memref<1x128x16xf32, #tpu.memory_space<vmem>> -> memref<128x16xf32, #tpu.memory_space<vmem>>
    %dma_wait3A_420 = arith.constant 0 : i32
    %dma_wait3A_421 = tpu.memref_slice %arg5[%dma_wait3A_413, %dma_wait3A_420] : memref<80x128xi32, #tpu.memory_space<vmem>> -> memref<1x128xi32, #tpu.memory_space<vmem>>
    %dma_wait3A_422 = tpu.memref_squeeze %dma_wait3A_421 : memref<1x128xi32, #tpu.memory_space<vmem>> -> memref<128xi32, #tpu.memory_space<vmem>>
    %dma_wait3A_423 = arith.constant 0 : i32
    %dma_wait3A_424 = arith.constant 0 : i32
    %dma_wait3A_425 = tpu.memref_slice %arg2[%dma_wait3A_423, %dma_wait3A_424] : memref<10112x16xf32, #tpu.memory_space<hbm>> -> memref<10112x16xf32, #tpu.memory_space<hbm>>
    %dma_wait3A_426 = tpu.memref_slice %arg9[%dma_wait3A_415] : memref<8x!tpu.dma_semaphore, #tpu.memory_space<semaphore_mem>> -> memref<1x!tpu.dma_semaphore, #tpu.memory_space<semaphore_mem>>
    %dma_wait3A_427 = tpu.memref_squeeze %dma_wait3A_426 : memref<1x!tpu.dma_semaphore, #tpu.memory_space<semaphore_mem>> -> memref<!tpu.dma_semaphore, #tpu.memory_space<semaphore_mem>>
    tpu.wait_indirect_dma semaphore(%dma_wait3A_427 : memref<!tpu.dma_semaphore, #tpu.memory_space<semaphore_mem>>) src(%dma_wait3A_425 : memref<10112x16xf32, #tpu.memory_space<hbm>>) dst(%dma_wait3A_419 : memref<128x16xf32, #tpu.memory_space<vmem>>)
    %dma_start3A_428 = arith.constant 7 : i32
    %dma_start3A_429 = arith.constant 79 : i32
    %dma_start3A_430 = arith.constant 7 : i32
    %dma_start3A_431 = arith.constant 0 : i32
    %dma_start3A_432 = arith.constant 0 : i32
    %dma_start3A_433 = tpu.memref_slice %arg7[%dma_start3A_428, %dma_start3A_431, %dma_start3A_432] : memref<8x128x16xf32, #tpu.memory_space<vmem>> -> memref<1x128x16xf32, #tpu.memory_space<vmem>>
    %dma_start3A_434 = tpu.memref_squeeze %dma_start3A_433 : memref<1x128x16xf32, #tpu.memory_space<vmem>> -> memref<128x16xf32, #tpu.memory_space<vmem>>
    %dma_start3A_435 = arith.constant 0 : i32
    %dma_start3A_436 = tpu.memref_slice %arg6[%dma_start3A_429, %dma_start3A_435] : memref<80x128xi32, #tpu.memory_space<vmem>> -> memref<1x128xi32, #tpu.memory_space<vmem>>
    %dma_start3A_437 = tpu.memref_squeeze %dma_start3A_436 : memref<1x128xi32, #tpu.memory_space<vmem>> -> memref<128xi32, #tpu.memory_space<vmem>>
    %dma_start3A_438 = arith.constant 0 : i32
    %dma_start3A_439 = arith.constant 0 : i32
    %dma_start3A_440 = tpu.memref_slice %arg8[%dma_start3A_438, %dma_start3A_439] : memref<10112x16xf32, #tpu.memory_space<vmem_shared>> -> memref<10112x16xf32, #tpu.memory_space<vmem_shared>>
    %dma_start3A_441 = tpu.memref_slice %arg10[%dma_start3A_430] : memref<8x!tpu.dma_semaphore, #tpu.memory_space<semaphore_mem>> -> memref<1x!tpu.dma_semaphore, #tpu.memory_space<semaphore_mem>>
    %dma_start3A_442 = tpu.memref_squeeze %dma_start3A_441 : memref<1x!tpu.dma_semaphore, #tpu.memory_space<semaphore_mem>> -> memref<!tpu.dma_semaphore, #tpu.memory_space<semaphore_mem>>
    tpu.enqueue_indirect_dma source(%dma_start3A_434 : memref<128x16xf32, #tpu.memory_space<vmem>>) target(%dma_start3A_440 : memref<10112x16xf32, #tpu.memory_space<vmem_shared>>) offsets(%dma_start3A_437 : memref<128xi32, #tpu.memory_space<vmem>>) semaphore(%dma_start3A_442 : memref<!tpu.dma_semaphore, #tpu.memory_space<semaphore_mem>>) {add = true}
    %dma_wait3A_443 = arith.constant 0 : i32
    %dma_wait3A_444 = arith.constant 72 : i32
    %dma_wait3A_445 = arith.constant 0 : i32
    %dma_wait3A_446 = arith.constant 0 : i32
    %dma_wait3A_447 = arith.constant 0 : i32
    %dma_wait3A_448 = tpu.memref_slice %arg7[%dma_wait3A_443, %dma_wait3A_446, %dma_wait3A_447] : memref<8x128x16xf32, #tpu.memory_space<vmem>> -> memref<1x128x16xf32, #tpu.memory_space<vmem>>
    %dma_wait3A_449 = tpu.memref_squeeze %dma_wait3A_448 : memref<1x128x16xf32, #tpu.memory_space<vmem>> -> memref<128x16xf32, #tpu.memory_space<vmem>>
    %dma_wait3A_450 = arith.constant 0 : i32
    %dma_wait3A_451 = tpu.memref_slice %arg6[%dma_wait3A_444, %dma_wait3A_450] : memref<80x128xi32, #tpu.memory_space<vmem>> -> memref<1x128xi32, #tpu.memory_space<vmem>>
    %dma_wait3A_452 = tpu.memref_squeeze %dma_wait3A_451 : memref<1x128xi32, #tpu.memory_space<vmem>> -> memref<128xi32, #tpu.memory_space<vmem>>
    %dma_wait3A_453 = arith.constant 0 : i32
    %dma_wait3A_454 = arith.constant 0 : i32
    %dma_wait3A_455 = tpu.memref_slice %arg8[%dma_wait3A_453, %dma_wait3A_454] : memref<10112x16xf32, #tpu.memory_space<vmem_shared>> -> memref<10112x16xf32, #tpu.memory_space<vmem_shared>>
    %dma_wait3A_456 = tpu.memref_slice %arg10[%dma_wait3A_445] : memref<8x!tpu.dma_semaphore, #tpu.memory_space<semaphore_mem>> -> memref<1x!tpu.dma_semaphore, #tpu.memory_space<semaphore_mem>>
    %dma_wait3A_457 = tpu.memref_squeeze %dma_wait3A_456 : memref<1x!tpu.dma_semaphore, #tpu.memory_space<semaphore_mem>> -> memref<!tpu.dma_semaphore, #tpu.memory_space<semaphore_mem>>
    tpu.wait_indirect_dma semaphore(%dma_wait3A_457 : memref<!tpu.dma_semaphore, #tpu.memory_space<semaphore_mem>>) src(%dma_wait3A_449 : memref<128x16xf32, #tpu.memory_space<vmem>>) dst(%dma_wait3A_455 : memref<10112x16xf32, #tpu.memory_space<vmem_shared>>)
    %dma_wait3A_458 = arith.constant 1 : i32
    %dma_wait3A_459 = arith.constant 73 : i32
    %dma_wait3A_460 = arith.constant 1 : i32
    %dma_wait3A_461 = arith.constant 0 : i32
    %dma_wait3A_462 = arith.constant 0 : i32
    %dma_wait3A_463 = tpu.memref_slice %arg7[%dma_wait3A_458, %dma_wait3A_461, %dma_wait3A_462] : memref<8x128x16xf32, #tpu.memory_space<vmem>> -> memref<1x128x16xf32, #tpu.memory_space<vmem>>
    %dma_wait3A_464 = tpu.memref_squeeze %dma_wait3A_463 : memref<1x128x16xf32, #tpu.memory_space<vmem>> -> memref<128x16xf32, #tpu.memory_space<vmem>>
    %dma_wait3A_465 = arith.constant 0 : i32
    %dma_wait3A_466 = tpu.memref_slice %arg6[%dma_wait3A_459, %dma_wait3A_465] : memref<80x128xi32, #tpu.memory_space<vmem>> -> memref<1x128xi32, #tpu.memory_space<vmem>>
    %dma_wait3A_467 = tpu.memref_squeeze %dma_wait3A_466 : memref<1x128xi32, #tpu.memory_space<vmem>> -> memref<128xi32, #tpu.memory_space<vmem>>
    %dma_wait3A_468 = arith.constant 0 : i32
    %dma_wait3A_469 = arith.constant 0 : i32
    %dma_wait3A_470 = tpu.memref_slice %arg8[%dma_wait3A_468, %dma_wait3A_469] : memref<10112x16xf32, #tpu.memory_space<vmem_shared>> -> memref<10112x16xf32, #tpu.memory_space<vmem_shared>>
    %dma_wait3A_471 = tpu.memref_slice %arg10[%dma_wait3A_460] : memref<8x!tpu.dma_semaphore, #tpu.memory_space<semaphore_mem>> -> memref<1x!tpu.dma_semaphore, #tpu.memory_space<semaphore_mem>>
    %dma_wait3A_472 = tpu.memref_squeeze %dma_wait3A_471 : memref<1x!tpu.dma_semaphore, #tpu.memory_space<semaphore_mem>> -> memref<!tpu.dma_semaphore, #tpu.memory_space<semaphore_mem>>
    tpu.wait_indirect_dma semaphore(%dma_wait3A_472 : memref<!tpu.dma_semaphore, #tpu.memory_space<semaphore_mem>>) src(%dma_wait3A_464 : memref<128x16xf32, #tpu.memory_space<vmem>>) dst(%dma_wait3A_470 : memref<10112x16xf32, #tpu.memory_space<vmem_shared>>)
    %dma_wait3A_473 = arith.constant 2 : i32
    %dma_wait3A_474 = arith.constant 74 : i32
    %dma_wait3A_475 = arith.constant 2 : i32
    %dma_wait3A_476 = arith.constant 0 : i32
    %dma_wait3A_477 = arith.constant 0 : i32
    %dma_wait3A_478 = tpu.memref_slice %arg7[%dma_wait3A_473, %dma_wait3A_476, %dma_wait3A_477] : memref<8x128x16xf32, #tpu.memory_space<vmem>> -> memref<1x128x16xf32, #tpu.memory_space<vmem>>
    %dma_wait3A_479 = tpu.memref_squeeze %dma_wait3A_478 : memref<1x128x16xf32, #tpu.memory_space<vmem>> -> memref<128x16xf32, #tpu.memory_space<vmem>>
    %dma_wait3A_480 = arith.constant 0 : i32
    %dma_wait3A_481 = tpu.memref_slice %arg6[%dma_wait3A_474, %dma_wait3A_480] : memref<80x128xi32, #tpu.memory_space<vmem>> -> memref<1x128xi32, #tpu.memory_space<vmem>>
    %dma_wait3A_482 = tpu.memref_squeeze %dma_wait3A_481 : memref<1x128xi32, #tpu.memory_space<vmem>> -> memref<128xi32, #tpu.memory_space<vmem>>
    %dma_wait3A_483 = arith.constant 0 : i32
    %dma_wait3A_484 = arith.constant 0 : i32
    %dma_wait3A_485 = tpu.memref_slice %arg8[%dma_wait3A_483, %dma_wait3A_484] : memref<10112x16xf32, #tpu.memory_space<vmem_shared>> -> memref<10112x16xf32, #tpu.memory_space<vmem_shared>>
    %dma_wait3A_486 = tpu.memref_slice %arg10[%dma_wait3A_475] : memref<8x!tpu.dma_semaphore, #tpu.memory_space<semaphore_mem>> -> memref<1x!tpu.dma_semaphore, #tpu.memory_space<semaphore_mem>>
    %dma_wait3A_487 = tpu.memref_squeeze %dma_wait3A_486 : memref<1x!tpu.dma_semaphore, #tpu.memory_space<semaphore_mem>> -> memref<!tpu.dma_semaphore, #tpu.memory_space<semaphore_mem>>
    tpu.wait_indirect_dma semaphore(%dma_wait3A_487 : memref<!tpu.dma_semaphore, #tpu.memory_space<semaphore_mem>>) src(%dma_wait3A_479 : memref<128x16xf32, #tpu.memory_space<vmem>>) dst(%dma_wait3A_485 : memref<10112x16xf32, #tpu.memory_space<vmem_shared>>)
    %dma_wait3A_488 = arith.constant 3 : i32
    %dma_wait3A_489 = arith.constant 75 : i32
    %dma_wait3A_490 = arith.constant 3 : i32
    %dma_wait3A_491 = arith.constant 0 : i32
    %dma_wait3A_492 = arith.constant 0 : i32
    %dma_wait3A_493 = tpu.memref_slice %arg7[%dma_wait3A_488, %dma_wait3A_491, %dma_wait3A_492] : memref<8x128x16xf32, #tpu.memory_space<vmem>> -> memref<1x128x16xf32, #tpu.memory_space<vmem>>
    %dma_wait3A_494 = tpu.memref_squeeze %dma_wait3A_493 : memref<1x128x16xf32, #tpu.memory_space<vmem>> -> memref<128x16xf32, #tpu.memory_space<vmem>>
    %dma_wait3A_495 = arith.constant 0 : i32
    %dma_wait3A_496 = tpu.memref_slice %arg6[%dma_wait3A_489, %dma_wait3A_495] : memref<80x128xi32, #tpu.memory_space<vmem>> -> memref<1x128xi32, #tpu.memory_space<vmem>>
    %dma_wait3A_497 = tpu.memref_squeeze %dma_wait3A_496 : memref<1x128xi32, #tpu.memory_space<vmem>> -> memref<128xi32, #tpu.memory_space<vmem>>
    %dma_wait3A_498 = arith.constant 0 : i32
    %dma_wait3A_499 = arith.constant 0 : i32
    %dma_wait3A_500 = tpu.memref_slice %arg8[%dma_wait3A_498, %dma_wait3A_499] : memref<10112x16xf32, #tpu.memory_space<vmem_shared>> -> memref<10112x16xf32, #tpu.memory_space<vmem_shared>>
    %dma_wait3A_501 = tpu.memref_slice %arg10[%dma_wait3A_490] : memref<8x!tpu.dma_semaphore, #tpu.memory_space<semaphore_mem>> -> memref<1x!tpu.dma_semaphore, #tpu.memory_space<semaphore_mem>>
    %dma_wait3A_502 = tpu.memref_squeeze %dma_wait3A_501 : memref<1x!tpu.dma_semaphore, #tpu.memory_space<semaphore_mem>> -> memref<!tpu.dma_semaphore, #tpu.memory_space<semaphore_mem>>
    tpu.wait_indirect_dma semaphore(%dma_wait3A_502 : memref<!tpu.dma_semaphore, #tpu.memory_space<semaphore_mem>>) src(%dma_wait3A_494 : memref<128x16xf32, #tpu.memory_space<vmem>>) dst(%dma_wait3A_500 : memref<10112x16xf32, #tpu.memory_space<vmem_shared>>)
    %dma_wait3A_503 = arith.constant 4 : i32
    %dma_wait3A_504 = arith.constant 76 : i32
    %dma_wait3A_505 = arith.constant 4 : i32
    %dma_wait3A_506 = arith.constant 0 : i32
    %dma_wait3A_507 = arith.constant 0 : i32
    %dma_wait3A_508 = tpu.memref_slice %arg7[%dma_wait3A_503, %dma_wait3A_506, %dma_wait3A_507] : memref<8x128x16xf32, #tpu.memory_space<vmem>> -> memref<1x128x16xf32, #tpu.memory_space<vmem>>
    %dma_wait3A_509 = tpu.memref_squeeze %dma_wait3A_508 : memref<1x128x16xf32, #tpu.memory_space<vmem>> -> memref<128x16xf32, #tpu.memory_space<vmem>>
    %dma_wait3A_510 = arith.constant 0 : i32
    %dma_wait3A_511 = tpu.memref_slice %arg6[%dma_wait3A_504, %dma_wait3A_510] : memref<80x128xi32, #tpu.memory_space<vmem>> -> memref<1x128xi32, #tpu.memory_space<vmem>>
    %dma_wait3A_512 = tpu.memref_squeeze %dma_wait3A_511 : memref<1x128xi32, #tpu.memory_space<vmem>> -> memref<128xi32, #tpu.memory_space<vmem>>
    %dma_wait3A_513 = arith.constant 0 : i32
    %dma_wait3A_514 = arith.constant 0 : i32
    %dma_wait3A_515 = tpu.memref_slice %arg8[%dma_wait3A_513, %dma_wait3A_514] : memref<10112x16xf32, #tpu.memory_space<vmem_shared>> -> memref<10112x16xf32, #tpu.memory_space<vmem_shared>>
    %dma_wait3A_516 = tpu.memref_slice %arg10[%dma_wait3A_505] : memref<8x!tpu.dma_semaphore, #tpu.memory_space<semaphore_mem>> -> memref<1x!tpu.dma_semaphore, #tpu.memory_space<semaphore_mem>>
    %dma_wait3A_517 = tpu.memref_squeeze %dma_wait3A_516 : memref<1x!tpu.dma_semaphore, #tpu.memory_space<semaphore_mem>> -> memref<!tpu.dma_semaphore, #tpu.memory_space<semaphore_mem>>
    tpu.wait_indirect_dma semaphore(%dma_wait3A_517 : memref<!tpu.dma_semaphore, #tpu.memory_space<semaphore_mem>>) src(%dma_wait3A_509 : memref<128x16xf32, #tpu.memory_space<vmem>>) dst(%dma_wait3A_515 : memref<10112x16xf32, #tpu.memory_space<vmem_shared>>)
    %dma_wait3A_518 = arith.constant 5 : i32
    %dma_wait3A_519 = arith.constant 77 : i32
    %dma_wait3A_520 = arith.constant 5 : i32
    %dma_wait3A_521 = arith.constant 0 : i32
    %dma_wait3A_522 = arith.constant 0 : i32
    %dma_wait3A_523 = tpu.memref_slice %arg7[%dma_wait3A_518, %dma_wait3A_521, %dma_wait3A_522] : memref<8x128x16xf32, #tpu.memory_space<vmem>> -> memref<1x128x16xf32, #tpu.memory_space<vmem>>
    %dma_wait3A_524 = tpu.memref_squeeze %dma_wait3A_523 : memref<1x128x16xf32, #tpu.memory_space<vmem>> -> memref<128x16xf32, #tpu.memory_space<vmem>>
    %dma_wait3A_525 = arith.constant 0 : i32
    %dma_wait3A_526 = tpu.memref_slice %arg6[%dma_wait3A_519, %dma_wait3A_525] : memref<80x128xi32, #tpu.memory_space<vmem>> -> memref<1x128xi32, #tpu.memory_space<vmem>>
    %dma_wait3A_527 = tpu.memref_squeeze %dma_wait3A_526 : memref<1x128xi32, #tpu.memory_space<vmem>> -> memref<128xi32, #tpu.memory_space<vmem>>
    %dma_wait3A_528 = arith.constant 0 : i32
    %dma_wait3A_529 = arith.constant 0 : i32
    %dma_wait3A_530 = tpu.memref_slice %arg8[%dma_wait3A_528, %dma_wait3A_529] : memref<10112x16xf32, #tpu.memory_space<vmem_shared>> -> memref<10112x16xf32, #tpu.memory_space<vmem_shared>>
    %dma_wait3A_531 = tpu.memref_slice %arg10[%dma_wait3A_520] : memref<8x!tpu.dma_semaphore, #tpu.memory_space<semaphore_mem>> -> memref<1x!tpu.dma_semaphore, #tpu.memory_space<semaphore_mem>>
    %dma_wait3A_532 = tpu.memref_squeeze %dma_wait3A_531 : memref<1x!tpu.dma_semaphore, #tpu.memory_space<semaphore_mem>> -> memref<!tpu.dma_semaphore, #tpu.memory_space<semaphore_mem>>
    tpu.wait_indirect_dma semaphore(%dma_wait3A_532 : memref<!tpu.dma_semaphore, #tpu.memory_space<semaphore_mem>>) src(%dma_wait3A_524 : memref<128x16xf32, #tpu.memory_space<vmem>>) dst(%dma_wait3A_530 : memref<10112x16xf32, #tpu.memory_space<vmem_shared>>)
    %dma_wait3A_533 = arith.constant 6 : i32
    %dma_wait3A_534 = arith.constant 78 : i32
    %dma_wait3A_535 = arith.constant 6 : i32
    %dma_wait3A_536 = arith.constant 0 : i32
    %dma_wait3A_537 = arith.constant 0 : i32
    %dma_wait3A_538 = tpu.memref_slice %arg7[%dma_wait3A_533, %dma_wait3A_536, %dma_wait3A_537] : memref<8x128x16xf32, #tpu.memory_space<vmem>> -> memref<1x128x16xf32, #tpu.memory_space<vmem>>
    %dma_wait3A_539 = tpu.memref_squeeze %dma_wait3A_538 : memref<1x128x16xf32, #tpu.memory_space<vmem>> -> memref<128x16xf32, #tpu.memory_space<vmem>>
    %dma_wait3A_540 = arith.constant 0 : i32
    %dma_wait3A_541 = tpu.memref_slice %arg6[%dma_wait3A_534, %dma_wait3A_540] : memref<80x128xi32, #tpu.memory_space<vmem>> -> memref<1x128xi32, #tpu.memory_space<vmem>>
    %dma_wait3A_542 = tpu.memref_squeeze %dma_wait3A_541 : memref<1x128xi32, #tpu.memory_space<vmem>> -> memref<128xi32, #tpu.memory_space<vmem>>
    %dma_wait3A_543 = arith.constant 0 : i32
    %dma_wait3A_544 = arith.constant 0 : i32
    %dma_wait3A_545 = tpu.memref_slice %arg8[%dma_wait3A_543, %dma_wait3A_544] : memref<10112x16xf32, #tpu.memory_space<vmem_shared>> -> memref<10112x16xf32, #tpu.memory_space<vmem_shared>>
    %dma_wait3A_546 = tpu.memref_slice %arg10[%dma_wait3A_535] : memref<8x!tpu.dma_semaphore, #tpu.memory_space<semaphore_mem>> -> memref<1x!tpu.dma_semaphore, #tpu.memory_space<semaphore_mem>>
    %dma_wait3A_547 = tpu.memref_squeeze %dma_wait3A_546 : memref<1x!tpu.dma_semaphore, #tpu.memory_space<semaphore_mem>> -> memref<!tpu.dma_semaphore, #tpu.memory_space<semaphore_mem>>
    tpu.wait_indirect_dma semaphore(%dma_wait3A_547 : memref<!tpu.dma_semaphore, #tpu.memory_space<semaphore_mem>>) src(%dma_wait3A_539 : memref<128x16xf32, #tpu.memory_space<vmem>>) dst(%dma_wait3A_545 : memref<10112x16xf32, #tpu.memory_space<vmem_shared>>)
    %dma_wait3A_548 = arith.constant 7 : i32
    %dma_wait3A_549 = arith.constant 79 : i32
    %dma_wait3A_550 = arith.constant 7 : i32
    %dma_wait3A_551 = arith.constant 0 : i32
    %dma_wait3A_552 = arith.constant 0 : i32
    %dma_wait3A_553 = tpu.memref_slice %arg7[%dma_wait3A_548, %dma_wait3A_551, %dma_wait3A_552] : memref<8x128x16xf32, #tpu.memory_space<vmem>> -> memref<1x128x16xf32, #tpu.memory_space<vmem>>
    %dma_wait3A_554 = tpu.memref_squeeze %dma_wait3A_553 : memref<1x128x16xf32, #tpu.memory_space<vmem>> -> memref<128x16xf32, #tpu.memory_space<vmem>>
    %dma_wait3A_555 = arith.constant 0 : i32
    %dma_wait3A_556 = tpu.memref_slice %arg6[%dma_wait3A_549, %dma_wait3A_555] : memref<80x128xi32, #tpu.memory_space<vmem>> -> memref<1x128xi32, #tpu.memory_space<vmem>>
    %dma_wait3A_557 = tpu.memref_squeeze %dma_wait3A_556 : memref<1x128xi32, #tpu.memory_space<vmem>> -> memref<128xi32, #tpu.memory_space<vmem>>
    %dma_wait3A_558 = arith.constant 0 : i32
    %dma_wait3A_559 = arith.constant 0 : i32
    %dma_wait3A_560 = tpu.memref_slice %arg8[%dma_wait3A_558, %dma_wait3A_559] : memref<10112x16xf32, #tpu.memory_space<vmem_shared>> -> memref<10112x16xf32, #tpu.memory_space<vmem_shared>>
    %dma_wait3A_561 = tpu.memref_slice %arg10[%dma_wait3A_550] : memref<8x!tpu.dma_semaphore, #tpu.memory_space<semaphore_mem>> -> memref<1x!tpu.dma_semaphore, #tpu.memory_space<semaphore_mem>>
    %dma_wait3A_562 = tpu.memref_squeeze %dma_wait3A_561 : memref<1x!tpu.dma_semaphore, #tpu.memory_space<semaphore_mem>> -> memref<!tpu.dma_semaphore, #tpu.memory_space<semaphore_mem>>
    tpu.wait_indirect_dma semaphore(%dma_wait3A_562 : memref<!tpu.dma_semaphore, #tpu.memory_space<semaphore_mem>>) src(%dma_wait3A_554 : memref<128x16xf32, #tpu.memory_space<vmem>>) dst(%dma_wait3A_560 : memref<10112x16xf32, #tpu.memory_space<vmem_shared>>)
    %barrier3A_563 = arith.constant 0 : index
    tpu.barrier barrier_id(%barrier3A_563)
    "tpu.region"() ({
      %run_scoped3A_564 = tpu.sem_alloc : memref<!tpu.dma_semaphore, #tpu.memory_space<semaphore_mem>>
      %dma_start3A_565 = arith.constant 0 : i32
      %dma_start3A_566 = arith.constant 0 : i32
      %dma_start3A_567 = tpu.memref_slice %arg4[%arg0, %dma_start3A_565, %dma_start3A_566] : memref<2x10112x16xf32, #tpu.memory_space<hbm>> -> memref<1x10112x16xf32, #tpu.memory_space<hbm>>
      %dma_start3A_568 = tpu.memref_squeeze %dma_start3A_567 : memref<1x10112x16xf32, #tpu.memory_space<hbm>> -> memref<10112x16xf32, #tpu.memory_space<hbm>>
      %dma_start3A_569 = arith.constant 0 : i32
      %dma_start3A_570 = tpu.memref_slice %dma_start3A_568[%mul3A_2, %dma_start3A_569] : memref<10112x16xf32, #tpu.memory_space<hbm>> -> memref<632x16xf32, #tpu.memory_space<hbm>>
      %dma_start3A_571 = arith.constant 0 : i32
      %dma_start3A_572 = tpu.memref_slice %arg8[%mul3A_2, %dma_start3A_571] : memref<10112x16xf32, #tpu.memory_space<vmem_shared>> -> memref<632x16xf32, #tpu.memory_space<vmem_shared>>
      tpu.enqueue_dma source(%dma_start3A_572 : memref<632x16xf32, #tpu.memory_space<vmem_shared>>) target(%dma_start3A_570 : memref<632x16xf32, #tpu.memory_space<hbm>>) target_semaphore(%run_scoped3A_564 : memref<!tpu.dma_semaphore, #tpu.memory_space<semaphore_mem>>)
      %dma_wait3A_573 = arith.constant 0 : i32
      %dma_wait3A_574 = arith.constant 0 : i32
      %dma_wait3A_575 = tpu.memref_slice %arg4[%arg0, %dma_wait3A_573, %dma_wait3A_574] : memref<2x10112x16xf32, #tpu.memory_space<hbm>> -> memref<1x10112x16xf32, #tpu.memory_space<hbm>>
      %dma_wait3A_576 = tpu.memref_squeeze %dma_wait3A_575 : memref<1x10112x16xf32, #tpu.memory_space<hbm>> -> memref<10112x16xf32, #tpu.memory_space<hbm>>
      %dma_wait3A_577 = arith.constant 0 : i32
      %dma_wait3A_578 = tpu.memref_slice %dma_wait3A_576[%mul3A_2, %dma_wait3A_577] : memref<10112x16xf32, #tpu.memory_space<hbm>> -> memref<632x16xf32, #tpu.memory_space<hbm>>
      %dma_wait3A_579 = arith.constant 0 : i32
      %dma_wait3A_580 = tpu.memref_slice %arg8[%mul3A_2, %dma_wait3A_579] : memref<10112x16xf32, #tpu.memory_space<vmem_shared>> -> memref<632x16xf32, #tpu.memory_space<vmem_shared>>
      tpu.wait_dma2 semaphore(%run_scoped3A_564 : memref<!tpu.dma_semaphore, #tpu.memory_space<semaphore_mem>>) src(%dma_wait3A_580 : memref<632x16xf32, #tpu.memory_space<vmem_shared>>) dst(%dma_wait3A_578 : memref<632x16xf32, #tpu.memory_space<hbm>>)
      tpu.yield
    }) : () -> ()
    return
  }
}

#map = affine_map<(d0, d1) -> (0, 0)>
module attributes {stable_mosaic.version = 14 : i64} {
  func.func @_sc_degree(%arg0: i32, %arg1: i32, %arg2: memref<2x320000xi32, #tpu.memory_space<hbm>>, %arg3: memref<32x10112xf32, #tpu.memory_space<hbm>>, %arg4: memref<10000xi32, #tpu.memory_space<vmem>>, %arg5: memref<10112xf32, #tpu.memory_space<vmem>>) attributes {dimension_semantics = [#tpu.dimension_semantics<core_parallel>, #tpu.dimension_semantics<subcore_parallel>], iteration_bounds = array<i64: 2, 16>, scalar_prefetch = 0 : i64, scratch_operands = 2 : i64, tpu.core_type = #tpu.core_type<sc_vector_subcore>, window_params = [{transform_indices = #map}, {transform_indices = #map}]} {
    %mul3A = arith.constant 2 : i32
    %mul3A_0 = arith.muli %arg1, %mul3A : i32
    %add3A = arith.addi %mul3A_0, %arg0 : i32
    %broadcast_in_dim3A = arith.constant 0.000000e+00 : f32
    %broadcast_in_dim3A_1 = vector.broadcast %broadcast_in_dim3A : f32 to vector<16xf32>
    %broadcast_in_dim3A_2 = arith.constant 1.000000e+00 : f32
    %broadcast_in_dim3A_3 = vector.broadcast %broadcast_in_dim3A_2 : f32 to vector<16xf32>
    %mul3A_4 = arith.constant 10000 : i32
    %mul3A_5 = arith.muli %add3A, %mul3A_4 : i32
    %run_scoped3A = arith.constant 1 : i32
    "tpu.region"() ({
      %run_scoped3A_22 = tpu.sem_alloc : memref<!tpu.dma_semaphore, #tpu.memory_space<semaphore_mem>>
      %dma_start3A = tpu.memref_slice %arg2[%run_scoped3A, %mul3A_5] : memref<2x320000xi32, #tpu.memory_space<hbm>> -> memref<1x10000xi32, #tpu.memory_space<hbm>>
      %dma_start3A_23 = tpu.memref_squeeze %dma_start3A : memref<1x10000xi32, #tpu.memory_space<hbm>> -> memref<10000xi32, #tpu.memory_space<hbm>>
      %dma_start3A_24 = tpu.memref_slice %arg2[%run_scoped3A, %mul3A_5] : memref<2x320000xi32, #tpu.memory_space<hbm>> -> memref<1x10000xi32, #tpu.memory_space<hbm>>
      %dma_start3A_25 = tpu.memref_squeeze %dma_start3A_24 : memref<1x10000xi32, #tpu.memory_space<hbm>> -> memref<10000xi32, #tpu.memory_space<hbm>>
      tpu.enqueue_dma source(%dma_start3A_25 : memref<10000xi32, #tpu.memory_space<hbm>>) target(%arg4 : memref<10000xi32, #tpu.memory_space<vmem>>) target_semaphore(%run_scoped3A_22 : memref<!tpu.dma_semaphore, #tpu.memory_space<semaphore_mem>>)
      %dma_wait3A = tpu.memref_slice %arg2[%run_scoped3A, %mul3A_5] : memref<2x320000xi32, #tpu.memory_space<hbm>> -> memref<1x10000xi32, #tpu.memory_space<hbm>>
      %dma_wait3A_26 = tpu.memref_squeeze %dma_wait3A : memref<1x10000xi32, #tpu.memory_space<hbm>> -> memref<10000xi32, #tpu.memory_space<hbm>>
      %dma_wait3A_27 = tpu.memref_slice %arg2[%run_scoped3A, %mul3A_5] : memref<2x320000xi32, #tpu.memory_space<hbm>> -> memref<1x10000xi32, #tpu.memory_space<hbm>>
      %dma_wait3A_28 = tpu.memref_squeeze %dma_wait3A_27 : memref<1x10000xi32, #tpu.memory_space<hbm>> -> memref<10000xi32, #tpu.memory_space<hbm>>
      tpu.wait_dma2 semaphore(%run_scoped3A_22 : memref<!tpu.dma_semaphore, #tpu.memory_space<semaphore_mem>>) src(%dma_wait3A_28 : memref<10000xi32, #tpu.memory_space<hbm>>) dst(%arg4 : memref<10000xi32, #tpu.memory_space<vmem>>)
      tpu.yield
    }) : () -> ()
    %scan3A = arith.constant 0 : i32
    %scan3A_6 = arith.constant 632 : i32
    %scan3A_7 = arith.addi %scan3A, %scan3A_6 : i32
    %scan3A_8 = arith.constant 1 : i32
    scf.for %scan3A_22 = %scan3A to %scan3A_7 step %scan3A_8  : i32 {
      %mul3A_23 = arith.constant 16 : i32
      %mul3A_24 = arith.muli %scan3A_22, %mul3A_23 : i32
      %add3A_25 = arith.constant 0 : i32
      %add3A_26 = arith.addi %add3A_25, %mul3A_24 : i32
      %swap3A = arith.index_cast %add3A_26 : i32 to index
      %swap3A_27 = tpu.vector_load %arg5[%swap3A] {strides = array<i32>} : memref<10112xf32, #tpu.memory_space<vmem>>, vector<16xf32>,
      tpu.vector_store %arg5[%swap3A], %broadcast_in_dim3A_1 {strides = array<i32>} : memref<10112xf32, #tpu.memory_space<vmem>>, vector<16xf32>,
    }
    %scan3A_9 = arith.constant 632 : i32
    %scan3A_10 = arith.constant 0 : i32
    %scan3A_11 = arith.constant 78 : i32
    %scan3A_12 = arith.addi %scan3A_10, %scan3A_11 : i32
    %scan3A_13 = arith.constant 1 : i32
    scf.for %scan3A_22 = %scan3A_10 to %scan3A_12 step %scan3A_13  : i32 {
      %mul3A_23 = arith.constant 128 : i32
      %mul3A_24 = arith.muli %scan3A_22, %mul3A_23 : i32
      %add3A_25 = arith.constant 0 : i32
      %add3A_26 = arith.addi %add3A_25, %mul3A_24 : i32
      %add3A_27 = arith.constant 0 : i32
      %add3A_28 = arith.addi %add3A_26, %add3A_27 : i32
      %get3A_29 = arith.index_cast %add3A_28 : i32 to index
      %get3A_30 = tpu.vector_load %arg4[%get3A_29] {strides = array<i32>} : memref<10000xi32, #tpu.memory_space<vmem>>, vector<16xi32>,
      tpu.vector_store_idx %arg5[%get3A_30], %broadcast_in_dim3A_3 {add = true} : memref<10112xf32, #tpu.memory_space<vmem>>[vector<16xi32>], vector<16xf32>,
      %add3A_31 = arith.constant 16 : i32
      %add3A_32 = arith.addi %add3A_26, %add3A_31 : i32
      %get3A_33 = arith.index_cast %add3A_32 : i32 to index
      %get3A_34 = tpu.vector_load %arg4[%get3A_33] {strides = array<i32>} : memref<10000xi32, #tpu.memory_space<vmem>>, vector<16xi32>,
      tpu.vector_store_idx %arg5[%get3A_34], %broadcast_in_dim3A_3 {add = true} : memref<10112xf32, #tpu.memory_space<vmem>>[vector<16xi32>], vector<16xf32>,
      %add3A_35 = arith.constant 32 : i32
      %add3A_36 = arith.addi %add3A_26, %add3A_35 : i32
      %get3A_37 = arith.index_cast %add3A_36 : i32 to index
      %get3A_38 = tpu.vector_load %arg4[%get3A_37] {strides = array<i32>} : memref<10000xi32, #tpu.memory_space<vmem>>, vector<16xi32>,
      tpu.vector_store_idx %arg5[%get3A_38], %broadcast_in_dim3A_3 {add = true} : memref<10112xf32, #tpu.memory_space<vmem>>[vector<16xi32>], vector<16xf32>,
      %add3A_39 = arith.constant 48 : i32
      %add3A_40 = arith.addi %add3A_26, %add3A_39 : i32
      %get3A_41 = arith.index_cast %add3A_40 : i32 to index
      %get3A_42 = tpu.vector_load %arg4[%get3A_41] {strides = array<i32>} : memref<10000xi32, #tpu.memory_space<vmem>>, vector<16xi32>,
      tpu.vector_store_idx %arg5[%get3A_42], %broadcast_in_dim3A_3 {add = true} : memref<10112xf32, #tpu.memory_space<vmem>>[vector<16xi32>], vector<16xf32>,
      %add3A_43 = arith.constant 64 : i32
      %add3A_44 = arith.addi %add3A_26, %add3A_43 : i32
      %get3A_45 = arith.index_cast %add3A_44 : i32 to index
      %get3A_46 = tpu.vector_load %arg4[%get3A_45] {strides = array<i32>} : memref<10000xi32, #tpu.memory_space<vmem>>, vector<16xi32>,
      tpu.vector_store_idx %arg5[%get3A_46], %broadcast_in_dim3A_3 {add = true} : memref<10112xf32, #tpu.memory_space<vmem>>[vector<16xi32>], vector<16xf32>,
      %add3A_47 = arith.constant 80 : i32
      %add3A_48 = arith.addi %add3A_26, %add3A_47 : i32
      %get3A_49 = arith.index_cast %add3A_48 : i32 to index
      %get3A_50 = tpu.vector_load %arg4[%get3A_49] {strides = array<i32>} : memref<10000xi32, #tpu.memory_space<vmem>>, vector<16xi32>,
      tpu.vector_store_idx %arg5[%get3A_50], %broadcast_in_dim3A_3 {add = true} : memref<10112xf32, #tpu.memory_space<vmem>>[vector<16xi32>], vector<16xf32>,
      %add3A_51 = arith.constant 96 : i32
      %add3A_52 = arith.addi %add3A_26, %add3A_51 : i32
      %get3A_53 = arith.index_cast %add3A_52 : i32 to index
      %get3A_54 = tpu.vector_load %arg4[%get3A_53] {strides = array<i32>} : memref<10000xi32, #tpu.memory_space<vmem>>, vector<16xi32>,
      tpu.vector_store_idx %arg5[%get3A_54], %broadcast_in_dim3A_3 {add = true} : memref<10112xf32, #tpu.memory_space<vmem>>[vector<16xi32>], vector<16xf32>,
      %add3A_55 = arith.constant 112 : i32
      %add3A_56 = arith.addi %add3A_26, %add3A_55 : i32
      %get3A_57 = arith.index_cast %add3A_56 : i32 to index
      %get3A_58 = tpu.vector_load %arg4[%get3A_57] {strides = array<i32>} : memref<10000xi32, #tpu.memory_space<vmem>>, vector<16xi32>,
      tpu.vector_store_idx %arg5[%get3A_58], %broadcast_in_dim3A_3 {add = true} : memref<10112xf32, #tpu.memory_space<vmem>>[vector<16xi32>], vector<16xf32>,
    }
    %scan3A_14 = arith.constant 78 : i32
    %scan3A_15 = arith.constant 0 : i32
    %mul3A_16 = arith.constant 16 : i32
    %mul3A_17 = arith.muli %scan3A_15, %mul3A_16 : i32
    %add3A_18 = arith.constant 9984 : i32
    %add3A_19 = arith.addi %add3A_18, %mul3A_17 : i32
    %get3A = arith.index_cast %add3A_19 : i32 to index
    %get3A_20 = tpu.vector_load %arg4[%get3A] {strides = array<i32>} : memref<10000xi32, #tpu.memory_space<vmem>>, vector<16xi32>,
    tpu.vector_store_idx %arg5[%get3A_20], %broadcast_in_dim3A_3 {add = true} : memref<10112xf32, #tpu.memory_space<vmem>>[vector<16xi32>], vector<16xf32>,
    %scan3A_21 = arith.constant 1 : i32
    "tpu.region"() ({
      %run_scoped3A_22 = tpu.sem_alloc : memref<!tpu.dma_semaphore, #tpu.memory_space<semaphore_mem>>
      %dma_start3A = arith.constant 0 : i32
      %dma_start3A_23 = tpu.memref_slice %arg3[%add3A, %dma_start3A] : memref<32x10112xf32, #tpu.memory_space<hbm>> -> memref<1x10112xf32, #tpu.memory_space<hbm>>
      %dma_start3A_24 = tpu.memref_squeeze %dma_start3A_23 : memref<1x10112xf32, #tpu.memory_space<hbm>> -> memref<10112xf32, #tpu.memory_space<hbm>>
      %dma_start3A_25 = arith.constant 0 : i32
      %dma_start3A_26 = tpu.memref_slice %arg3[%add3A, %dma_start3A_25] : memref<32x10112xf32, #tpu.memory_space<hbm>> -> memref<1x10112xf32, #tpu.memory_space<hbm>>
      %dma_start3A_27 = tpu.memref_squeeze %dma_start3A_26 : memref<1x10112xf32, #tpu.memory_space<hbm>> -> memref<10112xf32, #tpu.memory_space<hbm>>
      tpu.enqueue_dma source(%arg5 : memref<10112xf32, #tpu.memory_space<vmem>>) target(%dma_start3A_27 : memref<10112xf32, #tpu.memory_space<hbm>>) target_semaphore(%run_scoped3A_22 : memref<!tpu.dma_semaphore, #tpu.memory_space<semaphore_mem>>)
      %dma_wait3A = arith.constant 0 : i32
      %dma_wait3A_28 = tpu.memref_slice %arg3[%add3A, %dma_wait3A] : memref<32x10112xf32, #tpu.memory_space<hbm>> -> memref<1x10112xf32, #tpu.memory_space<hbm>>
      %dma_wait3A_29 = tpu.memref_squeeze %dma_wait3A_28 : memref<1x10112xf32, #tpu.memory_space<hbm>> -> memref<10112xf32, #tpu.memory_space<hbm>>
      %dma_wait3A_30 = arith.constant 0 : i32
      %dma_wait3A_31 = tpu.memref_slice %arg3[%add3A, %dma_wait3A_30] : memref<32x10112xf32, #tpu.memory_space<hbm>> -> memref<1x10112xf32, #tpu.memory_space<hbm>>
      %dma_wait3A_32 = tpu.memref_squeeze %dma_wait3A_31 : memref<1x10112xf32, #tpu.memory_space<hbm>> -> memref<10112xf32, #tpu.memory_space<hbm>>
      tpu.wait_dma2 semaphore(%run_scoped3A_22 : memref<!tpu.dma_semaphore, #tpu.memory_space<semaphore_mem>>) src(%arg5 : memref<10112xf32, #tpu.memory_space<vmem>>) dst(%dma_wait3A_32 : memref<10112xf32, #tpu.memory_space<hbm>>)
      tpu.yield
    }) : () -> ()
    return
  }
}

module attributes {stable_mosaic.version = 14 : i64} {
  func.func @_tc_scale1(%arg0: memref<10000x128xf32, #tpu.memory_space<vmem>>, %arg1: memref<128x64xf32, #tpu.memory_space<vmem>>, %arg2: memref<32x10112xf32, #tpu.memory_space<vmem>>, %arg3: memref<10112x64xf32, #tpu.memory_space<vmem>>, %arg4: memref<10112x1xf32, #tpu.memory_space<vmem>>) attributes {dimension_semantics = [], scalar_prefetch = 0 : i64, scratch_operands = 0 : i64, tpu.core_type = #tpu.core_type<tc>} {
    %broadcast_in_dim3A = arith.constant 1.000000e+00 : f32
    %broadcast_in_dim3A_0 = vector.broadcast %broadcast_in_dim3A : f32 to vector<32x1xf32>
    %get3A = arith.constant 0 : index
    %get3A_1 = arith.constant 0 : index
    %get3A_2 = vector.load %arg2[%get3A, %get3A_1] : memref<32x10112xf32, #tpu.memory_space<vmem>>, vector<32x10112xf32>
    %dot_general3A = arith.constant dense<0.000000e+00> : vector<10112x1xf32>
    %dot_general3A_3 = tpu.matmul %get3A_2, %broadcast_in_dim3A_0, %dot_general3A {dimension_numbers = #tpu.dot_dimension_numbers<[0], [0], [1], [1], [0, 1, 1, 1], [], []>, transpose_lhs_hint = false} : vector<32x10112xf32>, vector<32x1xf32>, vector<10112x1xf32> -> vector<10112x1xf32>
    %add3A = arith.constant 1.000000e+00 : f32
    %add3A_4 = vector.broadcast %add3A : f32 to vector<10112x1xf32>
    %add3A_5 = arith.addf %dot_general3A_3, %add3A_4 : vector<10112x1xf32>
    %rsqrt3A = math.rsqrt %add3A_5 : vector<10112x1xf32>
    %get3A_6 = arith.constant 0 : index
    %get3A_7 = arith.constant 0 : index
    %get3A_8 = vector.load %arg0[%get3A_6, %get3A_7] : memref<10000x128xf32, #tpu.memory_space<vmem>>, vector<10000x128xf32>
    %get3A_9 = arith.constant 0 : index
    %get3A_10 = arith.constant 0 : index
    %get3A_11 = vector.load %arg1[%get3A_9, %get3A_10] : memref<128x64xf32, #tpu.memory_space<vmem>>, vector<128x64xf32>
    %dot_general3A_12 = arith.constant dense<0.000000e+00> : vector<10000x64xf32>
    %dot_general3A_13 = tpu.matmul %get3A_8, %get3A_11, %dot_general3A_12 {dimension_numbers = #tpu.dot_dimension_numbers<[1], [0], [0], [1], [0, 0, 1, 1], [], []>, transpose_lhs_hint = false} : vector<10000x128xf32>, vector<128x64xf32>, vector<10000x64xf32> -> vector<10000x64xf32>
    %slice3A = vector.extract_strided_slice %rsqrt3A {offsets = [0, 0], sizes = [10000, 1], strides = [1, 1]} : vector<10112x1xf32> to vector<10000x1xf32>
    %mul3A = vector.broadcast %slice3A : vector<10000x1xf32> to vector<10000x64xf32>
    %mul3A_14 = arith.mulf %dot_general3A_13, %mul3A : vector<10000x64xf32>
    %swap3A = arith.constant 0 : index
    %swap3A_15 = arith.constant 0 : index
    %swap3A_16 = vector.load %arg3[%swap3A, %swap3A_15] : memref<10112x64xf32, #tpu.memory_space<vmem>>, vector<10000x64xf32>
    tpu.vector_store %arg3[%swap3A, %swap3A_15], %mul3A_14 {strides = array<i32>} : memref<10112x64xf32, #tpu.memory_space<vmem>>, vector<10000x64xf32>,
    %broadcast_in_dim3A_17 = arith.constant 0.000000e+00 : f32
    %broadcast_in_dim3A_18 = vector.broadcast %broadcast_in_dim3A_17 : f32 to vector<112x64xf32>
    %swap3A_19 = arith.constant 10000 : index
    %swap3A_20 = arith.constant 0 : index
    %swap3A_21 = vector.load %arg3[%swap3A_19, %swap3A_20] : memref<10112x64xf32, #tpu.memory_space<vmem>>, vector<112x64xf32>
    tpu.vector_store %arg3[%swap3A_19, %swap3A_20], %broadcast_in_dim3A_18 {strides = array<i32>} : memref<10112x64xf32, #tpu.memory_space<vmem>>, vector<112x64xf32>,
    %swap3A_22 = arith.constant 0 : index
    %swap3A_23 = arith.constant 0 : index
    %swap3A_24 = vector.load %arg4[%swap3A_22, %swap3A_23] : memref<10112x1xf32, #tpu.memory_space<vmem>>, vector<10112x1xf32>
    tpu.vector_store %arg4[%swap3A_22, %swap3A_23], %rsqrt3A {strides = array<i32>} : memref<10112x1xf32, #tpu.memory_space<vmem>>, vector<10112x1xf32>,
    return
  }
}

module attributes {stable_mosaic.version = 14 : i64} {
  func.func @_tc_mid(%arg0: memref<10112x1xf32, #tpu.memory_space<vmem>>, %arg1: memref<2x10112x64xf32, #tpu.memory_space<vmem>>, %arg2: memref<10112x64xf32, #tpu.memory_space<vmem>>, %arg3: memref<1x64xf32, #tpu.memory_space<vmem>>, %arg4: memref<64x16xf32, #tpu.memory_space<vmem>>, %arg5: memref<10112x16xf32, #tpu.memory_space<vmem>>) attributes {dimension_semantics = [], scalar_prefetch = 0 : i64, scratch_operands = 0 : i64, tpu.core_type = #tpu.core_type<tc>} {
    %get3A = arith.constant 0 : index
    %get3A_0 = arith.constant 0 : index
    %get3A_1 = vector.load %arg0[%get3A, %get3A_0] : memref<10112x1xf32, #tpu.memory_space<vmem>>, vector<10112x1xf32>
    %get3A_2 = arith.constant 0 : index
    %get3A_3 = arith.constant 0 : index
    %get3A_4 = arith.constant 0 : index
    %get3A_5 = vector.load %arg1[%get3A_2, %get3A_3, %get3A_4] : memref<2x10112x64xf32, #tpu.memory_space<vmem>>, vector<1x10112x64xf32>
    %get3A_6 = vector.shape_cast %get3A_5 : vector<1x10112x64xf32> to vector<10112x64xf32>
    %get3A_7 = arith.constant 1 : index
    %get3A_8 = arith.constant 0 : index
    %get3A_9 = arith.constant 0 : index
    %get3A_10 = vector.load %arg1[%get3A_7, %get3A_8, %get3A_9] : memref<2x10112x64xf32, #tpu.memory_space<vmem>>, vector<1x10112x64xf32>
    %get3A_11 = vector.shape_cast %get3A_10 : vector<1x10112x64xf32> to vector<10112x64xf32>
    %add3A = arith.addf %get3A_6, %get3A_11 : vector<10112x64xf32>
    %get3A_12 = arith.constant 0 : index
    %get3A_13 = arith.constant 0 : index
    %get3A_14 = vector.load %arg2[%get3A_12, %get3A_13] : memref<10112x64xf32, #tpu.memory_space<vmem>>, vector<10112x64xf32>
    %add3A_15 = arith.addf %add3A, %get3A_14 : vector<10112x64xf32>
    %mul3A = vector.broadcast %get3A_1 : vector<10112x1xf32> to vector<10112x64xf32>
    %mul3A_16 = arith.mulf %mul3A, %add3A_15 : vector<10112x64xf32>
    %get3A_17 = arith.constant 0 : index
    %get3A_18 = arith.constant 0 : index
    %get3A_19 = vector.load %arg3[%get3A_17, %get3A_18] : memref<1x64xf32, #tpu.memory_space<vmem>>, vector<1x64xf32>
    %add3A_20 = vector.broadcast %get3A_19 : vector<1x64xf32> to vector<10112x64xf32>
    %add3A_21 = arith.addf %mul3A_16, %add3A_20 : vector<10112x64xf32>
    %max3A = arith.constant 0.000000e+00 : f32
    %max3A_22 = vector.broadcast %max3A : f32 to vector<10112x64xf32>
    %max3A_23 = arith.maximumf %add3A_21, %max3A_22 : vector<10112x64xf32>
    %get3A_24 = arith.constant 0 : index
    %get3A_25 = arith.constant 0 : index
    %get3A_26 = vector.load %arg4[%get3A_24, %get3A_25] : memref<64x16xf32, #tpu.memory_space<vmem>>, vector<64x16xf32>
    %dot_general3A = arith.constant dense<0.000000e+00> : vector<10112x16xf32>
    %dot_general3A_27 = tpu.matmul %max3A_23, %get3A_26, %dot_general3A {dimension_numbers = #tpu.dot_dimension_numbers<[1], [0], [0], [1], [0, 0, 1, 1], [], []>, transpose_lhs_hint = false} : vector<10112x64xf32>, vector<64x16xf32>, vector<10112x16xf32> -> vector<10112x16xf32>
    %mul3A_28 = vector.broadcast %get3A_1 : vector<10112x1xf32> to vector<10112x16xf32>
    %mul3A_29 = arith.mulf %dot_general3A_27, %mul3A_28 : vector<10112x16xf32>
    %swap3A = arith.constant 0 : index
    %swap3A_30 = arith.constant 0 : index
    %swap3A_31 = vector.load %arg5[%swap3A, %swap3A_30] : memref<10112x16xf32, #tpu.memory_space<vmem>>, vector<10112x16xf32>
    tpu.vector_store %arg5[%swap3A, %swap3A_30], %mul3A_29 {strides = array<i32>} : memref<10112x16xf32, #tpu.memory_space<vmem>>, vector<10112x16xf32>,
    return
  }
}

module attributes {stable_mosaic.version = 14 : i64} {
  func.func @_tc_final(%arg0: memref<10112x1xf32, #tpu.memory_space<vmem>>, %arg1: memref<2x10112x16xf32, #tpu.memory_space<vmem>>, %arg2: memref<10112x16xf32, #tpu.memory_space<vmem>>, %arg3: memref<1x16xf32, #tpu.memory_space<vmem>>, %arg4: memref<10000x3xf32, #tpu.memory_space<vmem>>) attributes {dimension_semantics = [], scalar_prefetch = 0 : i64, scratch_operands = 0 : i64, tpu.core_type = #tpu.core_type<tc>} {
    %get3A = arith.constant 0 : index
    %get3A_0 = arith.constant 0 : index
    %get3A_1 = vector.load %arg0[%get3A, %get3A_0] : memref<10112x1xf32, #tpu.memory_space<vmem>>, vector<10112x1xf32>
    %get3A_2 = arith.constant 0 : index
    %get3A_3 = arith.constant 0 : index
    %get3A_4 = arith.constant 0 : index
    %get3A_5 = vector.load %arg1[%get3A_2, %get3A_3, %get3A_4] : memref<2x10112x16xf32, #tpu.memory_space<vmem>>, vector<1x10112x16xf32>
    %get3A_6 = vector.shape_cast %get3A_5 : vector<1x10112x16xf32> to vector<10112x16xf32>
    %get3A_7 = arith.constant 1 : index
    %get3A_8 = arith.constant 0 : index
    %get3A_9 = arith.constant 0 : index
    %get3A_10 = vector.load %arg1[%get3A_7, %get3A_8, %get3A_9] : memref<2x10112x16xf32, #tpu.memory_space<vmem>>, vector<1x10112x16xf32>
    %get3A_11 = vector.shape_cast %get3A_10 : vector<1x10112x16xf32> to vector<10112x16xf32>
    %add3A = arith.addf %get3A_6, %get3A_11 : vector<10112x16xf32>
    %get3A_12 = arith.constant 0 : index
    %get3A_13 = arith.constant 0 : index
    %get3A_14 = vector.load %arg2[%get3A_12, %get3A_13] : memref<10112x16xf32, #tpu.memory_space<vmem>>, vector<10112x16xf32>
    %add3A_15 = arith.addf %add3A, %get3A_14 : vector<10112x16xf32>
    %mul3A = vector.broadcast %get3A_1 : vector<10112x1xf32> to vector<10112x16xf32>
    %mul3A_16 = arith.mulf %mul3A, %add3A_15 : vector<10112x16xf32>
    %get3A_17 = arith.constant 0 : index
    %get3A_18 = arith.constant 0 : index
    %get3A_19 = vector.load %arg3[%get3A_17, %get3A_18] : memref<1x16xf32, #tpu.memory_space<vmem>>, vector<1x16xf32>
    %add3A_20 = vector.broadcast %get3A_19 : vector<1x16xf32> to vector<10112x16xf32>
    %add3A_21 = arith.addf %mul3A_16, %add3A_20 : vector<10112x16xf32>
    %slice3A = vector.extract_strided_slice %add3A_21 {offsets = [0, 0], sizes = [10000, 3], strides = [1, 1]} : vector<10112x16xf32> to vector<10000x3xf32>
    %swap3A = arith.constant 0 : index
    %swap3A_22 = arith.constant 0 : index
    %swap3A_23 = vector.load %arg4[%swap3A, %swap3A_22] : memref<10000x3xf32, #tpu.memory_space<vmem>>, vector<10000x3xf32>
    tpu.vector_store %arg4[%swap3A, %swap3A_22], %slice3A {strides = array<i32>} : memref<10000x3xf32, #tpu.memory_space<vmem>>, vector<10000x3xf32>,
    return
  }
}

</mosaic_0001>

<sc_bundles>
// kernel: kernel.11.cloned.1.call-start
scs
__scs_entry_jumppad:
0x0: {  	(pc) =	sbr.rel $0x88, $3  }
0x1: {  	(tag) =	ssettag $0x0;
	lr =	simm.s32 $0x1  }
0x2: {  	[smem:$0x3F9B] =	sst lr;
	_ =	strace $0xD0000000  }
0x3: {  	_ = 	snop  }
0x4: {  	_ = 	snop  }
0x5: {  	_ = 	snop  }
0x6: {  	_ = 	snop  }
0x7: {  	_ = 	snop  }
__scs_overlays_trampoline_lowered:
0x8: {  	[smem:$0x3FAA] =	sst s0  }
0x9: {  	[smem:$0x3FAB] =	sst s1  }
0xa: {  	[smem:$0x3FAC] =	sst s2  }
0xb: {  	[smem:$0x3FAD] =	sst s3  }
0xc: {  	[smem:$0x3FAE] =	sst s4  }
0xd: {  	[smem:$0x3FAF] =	sst s5  }
0xe: {  	[smem:$0x3FB0] =	sst s6  }
0xf: {  	[smem:$0x3FB1] =	sst s7  }
0x10: {  	[smem:$0x3FB2] =	sst s8  }
0x11: {  	[smem:$0x3FB3] =	sst s9;
	s0 =	simm.s32 @!p0 $0x0  }
0x12: {  	s1 =	sld [smem:$0x3F99];
	s0 =	simm.s32 @p0 $0x1  }
0x13: {  	[smem:$0x3FB4] =	sst s0;
	s0 =	simm.s32 @!p1 $0x0  }
0x14: {  	s2 =	sld [smem:$0x3F98];
	s0 =	simm.s32 @p1 $0x1  }
0x15: {  	[smem:$0x3FB5] =	sst s0;
	s0 =	simm.s32 @!p2 $0x0  }
0x16: {  	s3 =	sld [smem:$0x3FDB];
	s0 =	simm.s32 @p2 $0x1  }
0x17: {  	s4 =	simm.s32 $0x1BF5;
	[smem:$0x3FB7] =	sst s0  }
0x18: {  	s0 =	sld [smem:$0x3F9A];
	_ =	swait.ge [sflag:s4], $0x0  }
0x19: {  	s7 =	sld [smem:$0x3F9B]  }
0x1a: {  	s8 =	sadd.s32 $0xFFFFE003, lr  }
0x1b: {  	s9 =	sadd.s32 $0xFFFFFEF7, lr;
	s5 =	simm.s32 $0xFFFFFFFF;
	p2 =	slt.u32 s8, $0xFFFFF086  }
0x1c: {  	p1 =	slt.u32 s9, $0xF7A;
	s5 =	simm.s32 @!p2 $0x0  }
0x1d: {  	s5 =	simm.s32 @p1 $0x1;
	p0 =	seq.s32 s7, s2  }
0x1e: {  	s7 =	smul.u32 @!p0 $0xF7A, s2;
	p2 =	seq.s32 @!p0 s5, $0x0  }
0x1f: {  	s9 =	smul.u32 $0xF7A, s1;
	s8 =	simm.s32 @!p0 $0x1BF5;
	p2 =	por !p2, p0  }
0x20: {  	[sflag:s8] =	ssyncset.s32 @!p0 $0xFFFFF086;
	s6 =	sadd.s32 @!p0 s3, s7;
	s7 =	simm.s32 @!p0 $0x108  }
0x21: {  	s3 =	sadd.s32 s3, s9;
	s6 =	sadd.s32 @!p0 $0x88, s6;
	s7 =	simm.s32 @p2 $0x1082  }
0x22: {  	[simem:s7], [sflag:s8] =	dma.local @!p0 [hbm:s6], $0xF7A  }
0x23: {  	s9 =	sor.u32 $0xD0000000, s2;
	s6 =	simm.s32 $0x108;
	_ =	swait.ge @!p0 [sflag:s8], $0x0  }
0x24: {  	s3 =	sadd.s32 $0x88, s3;
	s6 =	simm.s32 @!p1 $0x1082;
	[sflag:s4] =	ssyncset.s32 $0xFFFFF086  }
0x25: {  	[simem:s6], [sflag:s4] =	dma.local [hbm:s3], $0xF7A  }
0x26: {  	[smem:$0x3F9B] =	sst s1;
	(tag) =	ssettag s2;
	_ =	strace s9  }
0x27: {  	s1 =	sld [smem:$0x3FAB]  }
0x28: {  	s2 =	sld [smem:$0x3FAC]  }
0x29: {  	s4 =	sld [smem:$0x3FAE]  }
0x2a: {  	p0 =	seq.s32 s5, $0x0;
	s5 =	sld [smem:$0x3FAF]  }
0x2b: {  	s6 =	sld [smem:$0x3FB0]  }
0x2c: {  	s7 =	sld [smem:$0x3FB1]  }
0x2d: {  	s3 =	simm.s32 $0x108;
	s8 =	sld [smem:$0x3FB2]  }
0x2e: {  	s3 =	simm.s32 @!p0 $0x1082;
	s9 =	sld [smem:$0x3FB3]  }
0x2f: {  	lr =	sadd.s32 s0, s3;
	s0 =	sld [smem:$0x3FAA]  }
0x30: {  	s3 =	sld [smem:$0x3FAD]  }
0x31: {  	[smem:$0x3FB6] =	sst s10  }
0x32: {  	s10 =	sld [smem:$0x3FB4];
	_ =	sdelay $0x3  }
0x33: {  	p0 =	seq.s32 s10, $0x1;
	s10 =	sld [smem:$0x3FB6];
	_ =	sdelay $0x3  }
0x34: {  	[smem:$0x3FB6] =	sst s10  }
0x35: {  	s10 =	sld [smem:$0x3FB5];
	_ =	sdelay $0x3  }
0x36: {  	p1 =	seq.s32 s10, $0x1;
	s10 =	sld [smem:$0x3FB6];
	_ =	sdelay $0x3  }
0x37: {  	[smem:$0x3FB6] =	sst s10  }
0x38: {  	s10 =	sld [smem:$0x3FB7]  }
0x39: {  	_ = 	snop;
	(pc) =	sbr.ind lr, $3  }
0x3a: {  	_ = 	snop  }
0x3b: {  	_ = 	snop  }
0x3c: {  	p2 =	seq.s32 s10, $0x1;
	s10 =	sld [smem:$0x3FB6]  }
0x3d: {  	_ =	shalt  }
0x3e: {  	_ =	shalt  }
0x3f: {  	_ =	shalt  }
0x40: {  	_ =	shalt  }
0x41: {  	_ =	shalt  }
0x42: {  	_ =	shalt  }
0x43: {  	_ =	shalt  }
0x44: {  	_ =	shalt  }
0x45: {  	_ =	shalt  }
0x46: {  	_ =	shalt  }
0x47: {  	_ =	shalt  }
0x48: {  	_ =	shalt  }
0x49: {  	_ =	shalt  }
0x4a: {  	_ =	shalt  }
0x4b: {  	_ =	shalt  }
0x4c: {  	_ =	shalt  }
0x4d: {  	_ =	shalt  }
0x4e: {  	_ =	shalt  }
0x4f: {  	_ =	shalt  }
0x50: {  	_ =	shalt  }
0x51: {  	_ =	shalt  }
0x52: {  	_ =	shalt  }
0x53: {  	_ =	shalt  }
0x54: {  	_ =	shalt  }
0x55: {  	_ =	shalt  }
0x56: {  	_ =	shalt  }
0x57: {  	_ =	shalt  }
0x58: {  	_ =	shalt  }
0x59: {  	_ =	shalt  }
0x5a: {  	_ =	shalt  }
0x5b: {  	_ =	shalt  }
0x5c: {  	_ =	shalt  }
0x5d: {  	_ =	shalt  }
0x5e: {  	_ =	shalt  }
0x5f: {  	_ =	shalt  }
0x60: {  	_ =	shalt  }
0x61: {  	_ =	shalt  }
0x62: {  	_ =	shalt  }
0x63: {  	_ =	shalt  }
0x64: {  	_ =	shalt  }
0x65: {  	_ =	shalt  }
0x66: {  	_ =	shalt  }
0x67: {  	_ =	shalt  }
0x68: {  	_ =	shalt  }
0x69: {  	_ =	shalt  }
0x6a: {  	_ =	shalt  }
0x6b: {  	_ =	shalt  }
0x6c: {  	_ =	shalt  }
0x6d: {  	_ =	shalt  }
0x6e: {  	_ =	shalt  }
0x6f: {  	_ =	shalt  }
0x70: {  	_ =	shalt  }
0x71: {  	_ =	shalt  }
0x72: {  	_ =	shalt  }
0x73: {  	_ =	shalt  }
0x74: {  	_ =	shalt  }
0x75: {  	_ =	shalt  }
0x76: {  	_ =	shalt  }
0x77: {  	_ =	shalt  }
0x78: {  	_ =	shalt  }
0x79: {  	_ =	shalt  }
0x7a: {  	_ =	shalt  }
0x7b: {  	_ =	shalt  }
0x7c: {  	_ =	shalt  }
0x7d: {  	_ =	shalt  }
0x7e: {  	_ =	shalt  }
0x7f: {  	_ =	shalt  }
0x80: {  	_ =	shalt  }
0x81: {  	_ =	shalt  }
0x82: {  	_ =	shalt  }
0x83: {  	_ =	shalt  }
0x84: {  	_ =	shalt  }
0x85: {  	_ =	shalt  }
0x86: {  	_ =	shalt  }
0x87: {  	_ =	shalt  }
.Lfunc_end0:
.L_simem_size_0:
called_computation.1_lowered:
.L_overlay_start_0:
0x88: {  	s2 =	sld [smem:$0x3FD9]  }
0x89: {  	s3 =	sld [smem:$0x3FFE];
	_ =	sdelay $0x1  }
0x8a: {  	s1 =	srdreg.scid  }
0x8b: {  	s0 =	sand.u32 $0x1, s1  }
0x8c: {  	s16 =	sshll.u32 s0, $0xA;
	s2 =	sadd.s32 s3, s2  }
0x8d: {  	s2 =	sadd.s32 s2, s16  }
0x8e: {  	[smem:$0x3FC2] =	sst s2  }
0x8f: {  	_ = 	snop  }
0x90: {  	(tm) =	ssettm $0x1  }
0x91: {  	s17 =	sld [smem:$0x3FFB];
	_ =	sdelay $0x3  }
0x92: {  	_ =	strace s17  }
0x93: {  	s2 =	sld [smem:$0x3FFC];
	_ =	sdelay $0x3  }
0x94: {  	_ =	strace s2  }
0x95: {  	s2 =	sld [smem:$0x3FFD];
	_ =	sdelay $0x3  }
0x96: {  	_ =	strace s2  }
0x97: {  	_ =	strace $0x8FFFFFFF  }
0x98: {  	s18 =	sld [smem:$0x3FDB];
	_ =	sdelay $0x1  }
0x99: {  	s19 =	simm.s32 $_scs_section_size  }
0x9a: {  	s4 =	simm.s32 $_size__tile_overlayer_lowered;
	s5 =	simm.s32 $_tile_overlayer_lowered  }
0x9b: {  	s22 =	simm.s32 $0x1BFF;
	s21 =	sshll.u32 s5, $0x1;
	s2 =	sadd.s32 s19, s18  }
0x9c: {  	s6 =	simm.s32 $0x0;
	s20 =	sshll.u32 s4, $0x1;
	s4 =	sadd.s32 s21, s2  }
0x9d: {  	[timem:s6], [sflag:s22] =	dma.local [hbm:s4], s20  }
0x9e: {  	_ =	swait.ge [sflag:s22], s20  }
0x9f: {  	s3 =	ssub.s32 $0x0, s20;
	[sflag:s22] =	ssyncset.done $0x0  }
0xa0: {  	[sflag:s22] =	ssyncadd.s32 s3;
	_ =	sdelay $0x1  }
0xa1: {  	s23 =	simm.s32 $0x1B8B  }
0xa2: {  	_ =	swait.ge [sflag:s23], $0x1  }
0xa3: {  	[sflag:s23] =	ssyncset.done $0x0  }
0xa4: {  	s25 =	simm.s32 $0x1B8E;
	s24 =	sld [smem:$0x3FFE];
	[sflag:s23] =	ssyncadd.s32 $0xFFFFFFFF  }
0xa5: {  	s26 =	simm.s32 $execute0_lowered;
	[smem:$0x3FD2] =	sst s25  }
0xa6: {  	s4 =	sshll.u32 s26, $0x1;
	_ =	strace $0x80000049;
	[dreg:$0x1] =	wrdreg $0xFFFFFFFF  }
0xa7: {  	s28 =	simm.s32 $_size_execute0_lowered;
	s2 =	sadd.s32 s2, s4;
	[dreg:$0x0] =	wrdreg $0x0  }
0xa8: {  	s4 =	sshll.u32 s28, $0x1;
	[dreg:$0x2] =	wrdreg s2  }
0xa9: {  	[dreg:$0x3] =	wrdreg s4  }
0xaa: {  	[dreg:$0x4] =	wrdreg $0xC0  }
0xab: {  	_ =	task [dreg:s6], $0x5FFFF  }
0xac: {  	[dreg:$0x1] =	wrdreg $0xFFFFFFFF  }
0xad: {  	[dreg:$0x0] =	wrdreg $0x60  }
0xae: {  	[dreg:$0x2] =	wrdreg s24  }
0xaf: {  	[dreg:$0x3] =	wrdreg $0x150000  }
0xb0: {  	[dreg:$0x4] =	wrdreg $0x9  }
0xb1: {  	_ =	task.clear_ibuf [dreg:s6], $0x5FFFF;
	_ =	strace $0x90000049  }
0xb2: {  	s29 =	simm.s32 $0x9;
	_ =	strace $0x8000004B  }
0xb3: {  	_ =	swait.ge [sflag:s29], $0x1  }
0xb4: {  	[sflag:s29] =	ssyncadd.s32 $0xFFFFFFFF  }
0xb5: {  	_ =	strace $0x9000004B  }
0xb6: {  	_ =	sfence  }
0xb7: {  	s30 =	sld [smem:$0x0];
	_ =	sdelay $0x2  }
0xb8: {  	s31 =	sshll.u32 s1, $0xD;
	s1 =	sshrl.u32 s1, $0x2  }
0xb9: {  	s3 =	sand.u32 $0x4000, s31;
	s1 =	sadd.s32 s1, s30  }
0xba: {  	s0 =	sor.u32 s3, s0;
	s1 =	sshll.u32 s1, $0x11  }
0xbb: {  	s0 =	sor.u32 s1, s0  }
0xbc: {  	s0 =	sadd.s32 $0x8F2B, s0  }
0xbd: {  	[sflag:s0] =	ssyncadd.remote.s32 $0x1  }
0xbe: {  	_ =	sfence.sel $0xFFFF  }
0xbf: {  	[dreg:$0x0] =	wrdreg $0xFFFFFFFF;
	(pc) =	sbr.abs _section_cstart, $3  }
0xc0: {  	[dreg:$0x1] =	wrdreg $0xFFFFFFFF  }
0xc1: {  	_ =	task.clear_ibuf [dreg:s6], $0x2FFFF;
	_ =	strace $0x9FFFFFFF  }
0xc2: {  	(tm) =	ssettm $0x7FFFFFFF  }
0xc3: {  	_ =	shalt  }
tec
execute0_lowered:
.L_overlay_start_1:
0x0: {  	(tag) =	ssettag $0x1  }
0x1: {  	s0 =	rddreg [dreg:$0x0];
	s1 =	srdreg.scid  }
0x2: {  	s7 =	stileid.u32;
	s2 =	rddreg [dreg:$0x1]  }
0x3: {  	s4 =	simm.s32 $0x0;
	s14 =	simm.s32 $0x5000;
	s15 =	simm.s32 $0x11  }
0x4: {  	s16 =	simm.s32 $0x1;
	s17 =	simm.s32 $0x2;
	s29 =	simm.s32 $0xF000  }
0x5: {  	s31 =	simm.s32 $0x11000;
	s13 =	simm.s32 $0x13000;
	s28 =	simm.s32 $0x6  }
0x6: {  	s30 =	simm.s32 $0x8;
	s8 =	simm.s32 $0xD;
	s9 =	simm.s32 $0xE  }
0x7: {  	s10 =	simm.s32 $0xF;
	s11 =	simm.s32 $0x10;
	s12 =	simm.s32 $0x0  }
0x8: {  	s1 =	sand.u32 $0x1, s1;
	s3 =	sshll.u32 s7, $0x1;
	s6 =	smul.u32 $0x27800, s7  }
0x9: {  	[smem:$0x7FF] =	sst s4;
	s4 =	sadd.s32 $0x2000, s0;
	s19 =	smul.u32 $0x9E00, s7  }
0xa: {  	s3 =	sor.u32 s1, s3;
	s5 =	smul.u32 $0x13C00, s1;
	s1 =	ssub.s32 $0x2, s1  }
0xb: {  	_ =	strace $0x8000004A;
	s3 =	smul.u32 $0x2800, s3;
	s18 =	sshrl.u32 s1, $0x1  }
0xc: {  	s6 =	sshrl.u32 s6, $0x2;
	s22 =	sadd.s32 s19, s2;
	s26 =	sshrl.u32 s19, $0x3  }
0xd: {  	s19 =	simm.s32 $0x7000;
	s1 =	ssub.s32 s1, s18;
	s21 =	sadd.s32 s6, s2  }
0xe: {  	[dreg:$0x5] =	wrdreg s22;
	s18 =	simm.s32 $0x80;
	s23 =	sadd.s32 $0x2000, s21  }
0xf: {  	s22 =	simm.s32 $0x4;
	s24 =	sadd.s32 $0x4000, s21;
	[dreg:$0x6] =	wrdreg s23  }
0x10: {  	s6 =	simm.s32 $0xC;
	s25 =	sadd.s32 $0x6000, s21;
	[dreg:$0x7] =	wrdreg s24  }
0x11: {  	s3 =	sshrl.u32 s3, $0x3;
	s1 =	smax.u32 s1, $0x1;
	[dreg:$0x8] =	wrdreg s25  }
0x12: {  	s3 =	sadd.s32 s3, s0;
	s0 =	sadd.s32 s5, s0;
	[dreg:$0xa] =	wrdreg s1  }
0x13: {  	s23 =	simm.s32 $0xB000;
	s25 =	simm.s32 $0x5;
	s20 =	sadd.s32 $0x1F800, s3  }
0x14: {  	s1 =	simm.s32 $0x9;
	s3 =	sadd.s32 $0x29800, s3;
	[dreg:$0x3] =	wrdreg s20  }
0x15: {  	s5 =	simm.s32 $0xB;
	s0 =	sadd.s32 $0x33800, s0;
	[dreg:$0x4] =	wrdreg s3  }
0x16: {  	s3 =	sadd.s32 $0x8000, s21;
	s21 =	simm.s32 $0x9000;
	s0 =	sadd.s32 s26, s0  }
0x17: {  	s26 =	simm.s32 $0xD000;
	s20 =	simm.s32 $0x3;
	[dreg:$0x9] =	wrdreg s3  }
0x18: {  	v0 =	vimm.f32 $0.0e+00;
	[dreg:$0xb] =	wrdreg s0;
	s0 =	simm.s32 $0x7;
	s3 =	simm.s32 $0xA  }
.LBB2_1:
0x19: {  	[dreg:$0xc] =	wrdreg s12  }
0x1a: {  	s7 =	simm.s32 $0x0;
	s24 =	rddreg [dreg:$0x3]  }
0x1b: {  	[tilespmem:s7], [sflag:$0x1] =	stream.linear.gather [hbm4b:s24+s7], $0x2800, $0x38;
	[tilespmem:$0x1EE00] =	vst v63  }
0x1c: {  	s12 =	rddreg [dreg:$0x4];
	s24 =	simm.s32 $0x2800  }
0x1d: {  	[tilespmem:s24], [sflag:$0x2] =	stream.linear.gather [hbm4b:s12+s7], $0x2800, $0x38;
	[tilespmem:$0x1EE00] =	vst v63  }
0x1e: {  	s24 =	simm.s32 $0x100;
	s7 =	simm.s32 $0x0  }
.LBB2_2:
0x1f: {  	p0 =	sne.s32 s24, $0x7F00;
	[tilespmem:s7+$0x5030] =	vst v0;
	s12 =	smov.u32 s24;
	s24 =	sadd.s32 $0x100, s24  }
.Ltmp0:
0x20: {  	[tilespmem:s7+$0x5020] =	vst v0;
	(pc) =	sbr.rel @p0 .LBB2_2-.Ltmp0, $3  }
0x21: {  	[tilespmem:s7+$0x5000] =	vst v0  }
0x22: {  	[tilespmem:s7+$0x5010] =	vst v0;
	_ =	sdelay $0x1  }
0x23: {  	s7 =	sshra.s32 s12, $0x2  }
0x24: {  	[tilespmem:s7+$0x5030] =	vst v0  }
0x25: {  	[tilespmem:s7+$0x5020] =	vst v0  }
0x26: {  	[tilespmem:s7+$0x5000] =	vst v0  }
0x27: {  	[tilespmem:s7+$0x5010] =	vst v0;
	s24 =	rddreg [dreg:$0x5]  }
0x28: {  	[spmem:s24] =	stream.linear.scatter [tilespmem:s14], [sflag:$0x11], $0x2000, $0x38;
	[tilespmem:$0x1EE00] =	vst v63  }
0x29: {  	_ =	swait.ge [sflag:s15], $0x2000  }
0x2a: {  	[sflag:s15] =	ssyncset.done $0x0  }
0x2b: {  	s12 =	rddreg [dreg:$0x6];
	[sflag:s15] =	ssyncadd.s32 $0xFFFFE000  }
0x2c: {  	[spmem:s12] =	stream.linear.scatter [tilespmem:s14], [sflag:$0x11], $0x2000, $0x38;
	[tilespmem:$0x1EE00] =	vst v63  }
0x2d: {  	_ =	swait.ge [sflag:s15], $0x2000  }
0x2e: {  	[sflag:s15] =	ssyncset.done $0x0  }
0x2f: {  	s24 =	rddreg [dreg:$0x7];
	[sflag:s15] =	ssyncadd.s32 $0xFFFFE000  }
0x30: {  	[spmem:s24] =	stream.linear.scatter [tilespmem:s14], [sflag:$0x11], $0x2000, $0x38;
	[tilespmem:$0x1EE00] =	vst v63  }
0x31: {  	_ =	swait.ge [sflag:s15], $0x2000  }
0x32: {  	[sflag:s15] =	ssyncset.done $0x0  }
0x33: {  	s12 =	rddreg [dreg:$0x8];
	[sflag:s15] =	ssyncadd.s32 $0xFFFFE000  }
0x34: {  	[spmem:s12] =	stream.linear.scatter [tilespmem:s14], [sflag:$0x11], $0x2000, $0x38;
	[tilespmem:$0x1EE00] =	vst v63  }
0x35: {  	_ =	swait.ge [sflag:s15], $0x2000  }
0x36: {  	[sflag:s15] =	ssyncset.done $0x0  }
0x37: {  	s24 =	rddreg [dreg:$0x9];
	[sflag:s15] =	ssyncadd.s32 $0xFFFFE000  }
0x38: {  	[spmem:s24] =	stream.linear.scatter [tilespmem:s14], [sflag:$0x11], $0x1E00, $0x38;
	[tilespmem:$0x1EE00] =	vst v63  }
0x39: {  	_ =	swait.ge [sflag:s15], $0x1E00  }
0x3a: {  	[sflag:s15] =	ssyncset.done $0x0  }
0x3b: {  	[sflag:s15] =	ssyncadd.s32 $0xFFFFE200  }
0x3c: {  	_ =	swait.ge [sflag:s16], $0x2800  }
0x3d: {  	[sflag:s16] =	ssyncset.done $0x0  }
0x3e: {  	[sflag:s16] =	ssyncadd.s32 $0xFFFFD800  }
0x3f: {  	_ =	swait.ge [sflag:s17], $0x2800  }
0x40: {  	[sflag:s17] =	ssyncset.done $0x0  }
0x41: {  	[sflag:s17] =	ssyncadd.s32 $0xFFFFD800  }
0x42: {  	s12 =	simm.s32 $0x0;
	[bflag:$0x0] =	sbarrier.arrive $0xFFFF  }
0x43: {  	[tilespmem:s14], [sflag:$0x1] =	stream.indirect.gather [hbm4b:s4+s18], $0x40, s12, s18, $0xb8;
	[tilespmem:$0x1EE00] =	vst v63  }
0x44: {  	_ = 	snop  }
0x45: {  	[tilespmem:s19], [sflag:$0x2] =	stream.indirect.gather [hbm4b:s4+s18], $0x40, s18, s18, $0xb8;
	[tilespmem:$0x1EE00] =	vst v63  }
0x46: {  	s24 =	simm.s32 $0x100  }
0x47: {  	[tilespmem:s21], [sflag:$0x3] =	stream.indirect.gather [hbm4b:s4+s18], $0x40, s24, s18, $0xb8;
	[tilespmem:$0x1EE00] =	vst v63  }
0x48: {  	s12 =	simm.s32 $0x180  }
0x49: {  	[tilespmem:s23], [sflag:$0x4] =	stream.indirect.gather [hbm4b:s4+s18], $0x40, s12, s18, $0xb8;
	[tilespmem:$0x1EE00] =	vst v63  }
0x4a: {  	s24 =	simm.s32 $0x200  }
0x4b: {  	[tilespmem:s26], [sflag:$0x5] =	stream.indirect.gather [hbm4b:s4+s18], $0x40, s24, s18, $0xb8;
	[tilespmem:$0x1EE00] =	vst v63  }
0x4c: {  	s12 =	simm.s32 $0x280  }
0x4d: {  	[tilespmem:s29], [sflag:$0x6] =	stream.indirect.gather [hbm4b:s4+s18], $0x40, s12, s18, $0xb8;
	[tilespmem:$0x1EE00] =	vst v63  }
0x4e: {  	s24 =	simm.s32 $0x300  }
0x4f: {  	[tilespmem:s31], [sflag:$0x7] =	stream.indirect.gather [hbm4b:s4+s18], $0x40, s24, s18, $0xb8;
	[tilespmem:$0x1EE00] =	vst v63  }
0x50: {  	s12 =	simm.s32 $0x380  }
0x51: {  	[tilespmem:s13], [sflag:$0x8] =	stream.indirect.gather [hbm4b:s4+s18], $0x40, s12, s18, $0xb8;
	[tilespmem:$0x1EE00] =	vst v63  }
0x52: {  	_ =	swait.ge [sflag:s16], $0x2000  }
0x53: {  	[sflag:s16] =	ssyncset.done $0x0  }
0x54: {  	s24 =	simm.s32 $0x2800;
	[sflag:s16] =	ssyncadd.s32 $0xFFFFE000  }
0x55: {  	[spmem:s2] =	stream.indirect.scatter.add.f32 [tilespmem:s14], [sflag:$0x9], $0x40, s24, s18, $0xb8;
	[tilespmem:$0x1EE00] =	vst v63  }
0x56: {  	_ =	swait.ge [sflag:s17], $0x2000  }
0x57: {  	[sflag:s17] =	ssyncset.done $0x0  }
0x58: {  	s12 =	simm.s32 $0x2880;
	[sflag:s17] =	ssyncadd.s32 $0xFFFFE000  }
0x59: {  	[spmem:s2] =	stream.indirect.scatter.add.f32 [tilespmem:s19], [sflag:$0xA], $0x40, s12, s18, $0xb8;
	[tilespmem:$0x1EE00] =	vst v63  }
0x5a: {  	_ =	swait.ge [sflag:s20], $0x2000  }
0x5b: {  	[sflag:s20] =	ssyncset.done $0x0  }
0x5c: {  	s24 =	simm.s32 $0x2900;
	[sflag:s20] =	ssyncadd.s32 $0xFFFFE000  }
0x5d: {  	[spmem:s2] =	stream.indirect.scatter.add.f32 [tilespmem:s21], [sflag:$0xB], $0x40, s24, s18, $0xb8;
	[tilespmem:$0x1EE00] =	vst v63  }
0x5e: {  	_ =	swait.ge [sflag:s22], $0x2000  }
0x5f: {  	[sflag:s22] =	ssyncset.done $0x0  }
0x60: {  	s12 =	simm.s32 $0x2980;
	[sflag:s22] =	ssyncadd.s32 $0xFFFFE000  }
0x61: {  	[spmem:s2] =	stream.indirect.scatter.add.f32 [tilespmem:s23], [sflag:$0xC], $0x40, s12, s18, $0xb8;
	[tilespmem:$0x1EE00] =	vst v63  }
0x62: {  	_ =	swait.ge [sflag:s25], $0x2000  }
0x63: {  	[sflag:s25] =	ssyncset.done $0x0  }
0x64: {  	s24 =	simm.s32 $0x2A00;
	[sflag:s25] =	ssyncadd.s32 $0xFFFFE000  }
0x65: {  	[spmem:s2] =	stream.indirect.scatter.add.f32 [tilespmem:s26], [sflag:$0xD], $0x40, s24, s18, $0xb8;
	[tilespmem:$0x1EE00] =	vst v63  }
0x66: {  	_ =	swait.ge [sflag:s28], $0x2000  }
0x67: {  	[sflag:s28] =	ssyncset.done $0x0  }
0x68: {  	s12 =	simm.s32 $0x2A80;
	[sflag:s28] =	ssyncadd.s32 $0xFFFFE000  }
0x69: {  	[spmem:s2] =	stream.indirect.scatter.add.f32 [tilespmem:s29], [sflag:$0xE], $0x40, s12, s18, $0xb8;
	[tilespmem:$0x1EE00] =	vst v63  }
0x6a: {  	_ =	swait.ge [sflag:s0], $0x2000  }
0x6b: {  	[sflag:s0] =	ssyncset.done $0x0  }
0x6c: {  	s24 =	simm.s32 $0x2B00;
	[sflag:s0] =	ssyncadd.s32 $0xFFFFE000  }
0x6d: {  	[spmem:s2] =	stream.indirect.scatter.add.f32 [tilespmem:s31], [sflag:$0xF], $0x40, s24, s18, $0xb8;
	[tilespmem:$0x1EE00] =	vst v63  }
0x6e: {  	_ =	swait.ge [sflag:s30], $0x2000  }
0x6f: {  	[sflag:s30] =	ssyncset.done $0x0  }
0x70: {  	s12 =	simm.s32 $0x2B80;
	[sflag:s30] =	ssyncadd.s32 $0xFFFFE000  }
0x71: {  	[spmem:s2] =	stream.indirect.scatter.add.f32 [tilespmem:s13], [sflag:$0x10], $0x40, s12, s18, $0xb8;
	[tilespmem:$0x1EE00] =	vst v63  }
0x72: {  	_ =	swait.ge [sflag:s1], $0x2000  }
0x73: {  	[sflag:s1] =	ssyncset.done $0x0  }
0x74: {  	s24 =	simm.s32 $0x400;
	[sflag:s1] =	ssyncadd.s32 $0xFFFFE000  }
0x75: {  	[tilespmem:s14], [sflag:$0x1] =	stream.indirect.gather [hbm4b:s4+s18], $0x40, s24, s18, $0xb8;
	[tilespmem:$0x1EE00] =	vst v63  }
0x76: {  	_ =	swait.ge [sflag:s3], $0x2000  }
0x77: {  	[sflag:s3] =	ssyncset.done $0x0  }
0x78: {  	s12 =	simm.s32 $0x480;
	[sflag:s3] =	ssyncadd.s32 $0xFFFFE000  }
0x79: {  	[tilespmem:s19], [sflag:$0x2] =	stream.indirect.gather [hbm4b:s4+s18], $0x40, s12, s18, $0xb8;
	[tilespmem:$0x1EE00] =	vst v63  }
0x7a: {  	_ =	swait.ge [sflag:s5], $0x2000  }
0x7b: {  	[sflag:s5] =	ssyncset.done $0x0  }
0x7c: {  	s24 =	simm.s32 $0x500;
	[sflag:s5] =	ssyncadd.s32 $0xFFFFE000  }
0x7d: {  	[tilespmem:s21], [sflag:$0x3] =	stream.indirect.gather [hbm4b:s4+s18], $0x40, s24, s18, $0xb8;
	[tilespmem:$0x1EE00] =	vst v63  }
0x7e: {  	_ =	swait.ge [sflag:s6], $0x2000  }
0x7f: {  	[sflag:s6] =	ssyncset.done $0x0  }
0x80: {  	s12 =	simm.s32 $0x580;
	[sflag:s6] =	ssyncadd.s32 $0xFFFFE000  }
0x81: {  	[tilespmem:s23], [sflag:$0x4] =	stream.indirect.gather [hbm4b:s4+s18], $0x40, s12, s18, $0xb8;
	[tilespmem:$0x1EE00] =	vst v63  }
0x82: {  	_ =	swait.ge [sflag:s8], $0x2000  }
0x83: {  	[sflag:s8] =	ssyncset.done $0x0  }
0x84: {  	s24 =	simm.s32 $0x600;
	[sflag:s8] =	ssyncadd.s32 $0xFFFFE000  }
0x85: {  	[tilespmem:s26], [sflag:$0x5] =	stream.indirect.gather [hbm4b:s4+s18], $0x40, s24, s18, $0xb8;
	[tilespmem:$0x1EE00] =	vst v63  }
0x86: {  	_ =	swait.ge [sflag:s9], $0x2000  }
0x87: {  	[sflag:s9] =	ssyncset.done $0x0  }
0x88: {  	s12 =	simm.s32 $0x680;
	[sflag:s9] =	ssyncadd.s32 $0xFFFFE000  }
0x89: {  	[tilespmem:s29], [sflag:$0x6] =	stream.indirect.gather [hbm4b:s4+s18], $0x40, s12, s18, $0xb8;
	[tilespmem:$0x1EE00] =	vst v63  }
0x8a: {  	_ =	swait.ge [sflag:s10], $0x2000  }
0x8b: {  	[sflag:s10] =	ssyncset.done $0x0  }
0x8c: {  	s24 =	simm.s32 $0x700;
	[sflag:s10] =	ssyncadd.s32 $0xFFFFE000  }
0x8d: {  	[tilespmem:s31], [sflag:$0x7] =	stream.indirect.gather [hbm4b:s4+s18], $0x40, s24, s18, $0xb8;
	[tilespmem:$0x1EE00] =	vst v63  }
0x8e: {  	_ =	swait.ge [sflag:s11], $0x2000  }
0x8f: {  	[sflag:s11] =	ssyncset.done $0x0  }
0x90: {  	s7 =	simm.s32 $0x780;
	s24 =	simm.s32 $0x1000;
	[sflag:s11] =	ssyncadd.s32 $0xFFFFE000  }
.LBB2_4:
0x91: {  	[tilespmem:s13], [sflag:$0x8] =	stream.indirect.gather [hbm4b:s4+s18], $0x40, s7, s18, $0xb8;
	[tilespmem:$0x1EE00] =	vst v63  }
0x92: {  	s7 =	smov.u32 s24  }
0x93: {  	p0 =	sne.s32 s24, $0x8000;
	s24 =	sadd.s32 $0x1000, s24;
	_ =	swait.ge [sflag:s16], $0x2000  }
0x94: {  	s7 =	sshra.s32 s7, $0x2;
	[sflag:s16] =	ssyncset.done $0x0  }
0x95: {  	s12 =	sadd.s32 $0x2800, s7;
	[sflag:s16] =	ssyncadd.s32 $0xFFFFE000  }
0x96: {  	[spmem:s2] =	stream.indirect.scatter.add.f32 [tilespmem:s14], [sflag:$0x9], $0x40, s12, s18, $0xb8;
	[tilespmem:$0x1EE00] =	vst v63  }
0x97: {  	_ =	swait.ge [sflag:s17], $0x2000  }
0x98: {  	[sflag:s17] =	ssyncset.done $0x0  }
0x99: {  	s12 =	sadd.s32 $0x2880, s7;
	[sflag:s17] =	ssyncadd.s32 $0xFFFFE000  }
0x9a: {  	[spmem:s2] =	stream.indirect.scatter.add.f32 [tilespmem:s19], [sflag:$0xA], $0x40, s12, s18, $0xb8;
	[tilespmem:$0x1EE00] =	vst v63  }
0x9b: {  	_ =	swait.ge [sflag:s20], $0x2000  }
0x9c: {  	[sflag:s20] =	ssyncset.done $0x0  }
0x9d: {  	s12 =	sadd.s32 $0x2900, s7;
	[sflag:s20] =	ssyncadd.s32 $0xFFFFE000  }
0x9e: {  	[spmem:s2] =	stream.indirect.scatter.add.f32 [tilespmem:s21], [sflag:$0xB], $0x40, s12, s18, $0xb8;
	[tilespmem:$0x1EE00] =	vst v63  }
0x9f: {  	_ =	swait.ge [sflag:s22], $0x2000  }
0xa0: {  	[sflag:s22] =	ssyncset.done $0x0  }
0xa1: {  	s12 =	sadd.s32 $0x2980, s7;
	[sflag:s22] =	ssyncadd.s32 $0xFFFFE000  }
0xa2: {  	[spmem:s2] =	stream.indirect.scatter.add.f32 [tilespmem:s23], [sflag:$0xC], $0x40, s12, s18, $0xb8;
	[tilespmem:$0x1EE00] =	vst v63  }
0xa3: {  	_ =	swait.ge [sflag:s25], $0x2000  }
0xa4: {  	[sflag:s25] =	ssyncset.done $0x0  }
0xa5: {  	s12 =	sadd.s32 $0x2A00, s7;
	[sflag:s25] =	ssyncadd.s32 $0xFFFFE000  }
0xa6: {  	[spmem:s2] =	stream.indirect.scatter.add.f32 [tilespmem:s26], [sflag:$0xD], $0x40, s12, s18, $0xb8;
	[tilespmem:$0x1EE00] =	vst v63  }
0xa7: {  	_ =	swait.ge [sflag:s28], $0x2000  }
0xa8: {  	[sflag:s28] =	ssyncset.done $0x0  }
0xa9: {  	s12 =	sadd.s32 $0x2A80, s7;
	[sflag:s28] =	ssyncadd.s32 $0xFFFFE000  }
0xaa: {  	[spmem:s2] =	stream.indirect.scatter.add.f32 [tilespmem:s29], [sflag:$0xE], $0x40, s12, s18, $0xb8;
	[tilespmem:$0x1EE00] =	vst v63  }
0xab: {  	_ =	swait.ge [sflag:s0], $0x2000  }
0xac: {  	[sflag:s0] =	ssyncset.done $0x0  }
0xad: {  	s12 =	sadd.s32 $0x2B00, s7;
	[sflag:s0] =	ssyncadd.s32 $0xFFFFE000  }
0xae: {  	[spmem:s2] =	stream.indirect.scatter.add.f32 [tilespmem:s31], [sflag:$0xF], $0x40, s12, s18, $0xb8;
	[tilespmem:$0x1EE00] =	vst v63  }
0xaf: {  	_ =	swait.ge [sflag:s30], $0x2000  }
0xb0: {  	[sflag:s30] =	ssyncset.done $0x0  }
0xb1: {  	s12 =	sadd.s32 $0x2B80, s7;
	[sflag:s30] =	ssyncadd.s32 $0xFFFFE000  }
0xb2: {  	[spmem:s2] =	stream.indirect.scatter.add.f32 [tilespmem:s13], [sflag:$0x10], $0x40, s12, s18, $0xb8;
	[tilespmem:$0x1EE00] =	vst v63  }
0xb3: {  	_ =	swait.ge [sflag:s1], $0x2000  }
0xb4: {  	[sflag:s1] =	ssyncset.done $0x0  }
0xb5: {  	s12 =	sadd.s32 $0x400, s7;
	[sflag:s1] =	ssyncadd.s32 $0xFFFFE000  }
0xb6: {  	[tilespmem:s14], [sflag:$0x1] =	stream.indirect.gather [hbm4b:s4+s18], $0x40, s12, s18, $0xb8;
	[tilespmem:$0x1EE00] =	vst v63  }
0xb7: {  	_ =	swait.ge [sflag:s3], $0x2000  }
0xb8: {  	[sflag:s3] =	ssyncset.done $0x0  }
0xb9: {  	s12 =	sadd.s32 $0x480, s7;
	[sflag:s3] =	ssyncadd.s32 $0xFFFFE000  }
0xba: {  	[tilespmem:s19], [sflag:$0x2] =	stream.indirect.gather [hbm4b:s4+s18], $0x40, s12, s18, $0xb8;
	[tilespmem:$0x1EE00] =	vst v63  }
0xbb: {  	_ =	swait.ge [sflag:s5], $0x2000  }
0xbc: {  	[sflag:s5] =	ssyncset.done $0x0  }
0xbd: {  	s12 =	sadd.s32 $0x500, s7;
	[sflag:s5] =	ssyncadd.s32 $0xFFFFE000  }
0xbe: {  	[tilespmem:s21], [sflag:$0x3] =	stream.indirect.gather [hbm4b:s4+s18], $0x40, s12, s18, $0xb8;
	[tilespmem:$0x1EE00] =	vst v63  }
0xbf: {  	_ =	swait.ge [sflag:s6], $0x2000  }
0xc0: {  	[sflag:s6] =	ssyncset.done $0x0  }
0xc1: {  	s12 =	sadd.s32 $0x580, s7;
	[sflag:s6] =	ssyncadd.s32 $0xFFFFE000  }
0xc2: {  	[tilespmem:s23], [sflag:$0x4] =	stream.indirect.gather [hbm4b:s4+s18], $0x40, s12, s18, $0xb8;
	[tilespmem:$0x1EE00] =	vst v63  }
0xc3: {  	_ =	swait.ge [sflag:s8], $0x2000  }
0xc4: {  	[sflag:s8] =	ssyncset.done $0x0  }
0xc5: {  	s12 =	sadd.s32 $0x600, s7;
	[sflag:s8] =	ssyncadd.s32 $0xFFFFE000  }
0xc6: {  	[tilespmem:s26], [sflag:$0x5] =	stream.indirect.gather [hbm4b:s4+s18], $0x40, s12, s18, $0xb8;
	[tilespmem:$0x1EE00] =	vst v63  }
0xc7: {  	_ =	swait.ge [sflag:s9], $0x2000  }
0xc8: {  	[sflag:s9] =	ssyncset.done $0x0  }
0xc9: {  	s12 =	sadd.s32 $0x680, s7;
	[sflag:s9] =	ssyncadd.s32 $0xFFFFE000  }
0xca: {  	[tilespmem:s29], [sflag:$0x6] =	stream.indirect.gather [hbm4b:s4+s18], $0x40, s12, s18, $0xb8;
	[tilespmem:$0x1EE00] =	vst v63  }
0xcb: {  	_ =	swait.ge [sflag:s10], $0x2000  }
0xcc: {  	[sflag:s10] =	ssyncset.done $0x0  }
.Ltmp1:
0xcd: {  	s12 =	sadd.s32 $0x700, s7;
	[sflag:s10] =	ssyncadd.s32 $0xFFFFE000;
	(pc) =	sbr.rel @p0 .LBB2_4-.Ltmp1, $4  }
0xce: {  	[tilespmem:s31], [sflag:$0x7] =	stream.indirect.gather [hbm4b:s4+s18], $0x40, s12, s18, $0xb8;
	[tilespmem:$0x1EE00] =	vst v63  }
0xcf: {  	_ =	swait.ge [sflag:s11], $0x2000  }
0xd0: {  	[sflag:s11] =	ssyncset.done $0x0  }
0xd1: {  	s7 =	sadd.s32 $0x780, s7;
	[sflag:s11] =	ssyncadd.s32 $0xFFFFE000  }
0xd2: {  	[tilespmem:s13], [sflag:$0x8] =	stream.indirect.gather [hbm4b:s4+s18], $0x40, s7, s18, $0xb8;
	[tilespmem:$0x1EE00] =	vst v63  }
0xd3: {  	_ =	swait.ge [sflag:s16], $0x2000  }
0xd4: {  	[sflag:s16] =	ssyncset.done $0x0  }
0xd5: {  	s24 =	simm.s32 $0x4C00;
	[sflag:s16] =	ssyncadd.s32 $0xFFFFE000  }
0xd6: {  	[spmem:s2] =	stream.indirect.scatter.add.f32 [tilespmem:s14], [sflag:$0x9], $0x40, s24, s18, $0xb8;
	[tilespmem:$0x1EE00] =	vst v63  }
0xd7: {  	_ =	swait.ge [sflag:s17], $0x2000  }
0xd8: {  	[sflag:s17] =	ssyncset.done $0x0  }
0xd9: {  	s12 =	simm.s32 $0x4C80;
	[sflag:s17] =	ssyncadd.s32 $0xFFFFE000  }
0xda: {  	[spmem:s2] =	stream.indirect.scatter.add.f32 [tilespmem:s19], [sflag:$0xA], $0x40, s12, s18, $0xb8;
	[tilespmem:$0x1EE00] =	vst v63  }
0xdb: {  	_ =	swait.ge [sflag:s20], $0x2000  }
0xdc: {  	[sflag:s20] =	ssyncset.done $0x0  }
0xdd: {  	s24 =	simm.s32 $0x4D00;
	[sflag:s20] =	ssyncadd.s32 $0xFFFFE000  }
0xde: {  	[spmem:s2] =	stream.indirect.scatter.add.f32 [tilespmem:s21], [sflag:$0xB], $0x40, s24, s18, $0xb8;
	[tilespmem:$0x1EE00] =	vst v63  }
0xdf: {  	_ =	swait.ge [sflag:s22], $0x2000  }
0xe0: {  	[sflag:s22] =	ssyncset.done $0x0  }
0xe1: {  	s12 =	simm.s32 $0x4D80;
	[sflag:s22] =	ssyncadd.s32 $0xFFFFE000  }
0xe2: {  	[spmem:s2] =	stream.indirect.scatter.add.f32 [tilespmem:s23], [sflag:$0xC], $0x40, s12, s18, $0xb8;
	[tilespmem:$0x1EE00] =	vst v63  }
0xe3: {  	_ =	swait.ge [sflag:s25], $0x2000  }
0xe4: {  	[sflag:s25] =	ssyncset.done $0x0  }
0xe5: {  	s24 =	simm.s32 $0x4E00;
	[sflag:s25] =	ssyncadd.s32 $0xFFFFE000  }
0xe6: {  	[spmem:s2] =	stream.indirect.scatter.add.f32 [tilespmem:s26], [sflag:$0xD], $0x40, s24, s18, $0xb8;
	[tilespmem:$0x1EE00] =	vst v63  }
0xe7: {  	_ =	swait.ge [sflag:s28], $0x2000  }
0xe8: {  	[sflag:s28] =	ssyncset.done $0x0  }
0xe9: {  	s12 =	simm.s32 $0x4E80;
	[sflag:s28] =	ssyncadd.s32 $0xFFFFE000  }
0xea: {  	[spmem:s2] =	stream.indirect.scatter.add.f32 [tilespmem:s29], [sflag:$0xE], $0x40, s12, s18, $0xb8;
	[tilespmem:$0x1EE00] =	vst v63  }
0xeb: {  	_ =	swait.ge [sflag:s0], $0x2000  }
0xec: {  	[sflag:s0] =	ssyncset.done $0x0  }
0xed: {  	s24 =	simm.s32 $0x4F00;
	[sflag:s0] =	ssyncadd.s32 $0xFFFFE000  }
0xee: {  	[spmem:s2] =	stream.indirect.scatter.add.f32 [tilespmem:s31], [sflag:$0xF], $0x40, s24, s18, $0xb8;
	[tilespmem:$0x1EE00] =	vst v63  }
0xef: {  	_ =	swait.ge [sflag:s30], $0x2000  }
0xf0: {  	[sflag:s30] =	ssyncset.done $0x0  }
0xf1: {  	s12 =	simm.s32 $0x4F80;
	[sflag:s30] =	ssyncadd.s32 $0xFFFFE000  }
0xf2: {  	[spmem:s2] =	stream.indirect.scatter.add.f32 [tilespmem:s13], [sflag:$0x10], $0x40, s12, s18, $0xb8;
	[tilespmem:$0x1EE00] =	vst v63  }
0xf3: {  	_ =	swait.ge [sflag:s1], $0x2000  }
0xf4: {  	[sflag:s1] =	ssyncset.done $0x0  }
0xf5: {  	[sflag:s1] =	ssyncadd.s32 $0xFFFFE000  }
0xf6: {  	_ =	swait.ge [sflag:s3], $0x2000  }
0xf7: {  	[sflag:s3] =	ssyncset.done $0x0  }
0xf8: {  	[sflag:s3] =	ssyncadd.s32 $0xFFFFE000  }
0xf9: {  	_ =	swait.ge [sflag:s5], $0x2000  }
0xfa: {  	[sflag:s5] =	ssyncset.done $0x0  }
0xfb: {  	[sflag:s5] =	ssyncadd.s32 $0xFFFFE000  }
0xfc: {  	_ =	swait.ge [sflag:s6], $0x2000  }
0xfd: {  	[sflag:s6] =	ssyncset.done $0x0  }
0xfe: {  	[sflag:s6] =	ssyncadd.s32 $0xFFFFE000  }
0xff: {  	_ =	swait.ge [sflag:s8], $0x2000  }
0x100: {  	[sflag:s8] =	ssyncset.done $0x0  }
0x101: {  	[sflag:s8] =	ssyncadd.s32 $0xFFFFE000  }
0x102: {  	_ =	swait.ge [sflag:s9], $0x2000  }
0x103: {  	[sflag:s9] =	ssyncset.done $0x0  }
0x104: {  	[sflag:s9] =	ssyncadd.s32 $0xFFFFE000  }
0x105: {  	_ =	swait.ge [sflag:s10], $0x2000  }
0x106: {  	[sflag:s10] =	ssyncset.done $0x0  }
0x107: {  	[sflag:s10] =	ssyncadd.s32 $0xFFFFE000  }
0x108: {  	_ =	swait.ge [sflag:s11], $0x2000  }
0x109: {  	[sflag:s11] =	ssyncset.done $0x0  }
0x10a: {  	[sflag:s11] =	ssyncadd.s32 $0xFFFFE000  }
0x10b: {  	s24 =	stileid.u32;
	[bflag:$0x0] =	sbarrier.arrive $0xFFFF  }
0x10c: {  	s7 =	sshll.u32 s24, $0x6;
	s12 =	rddreg [dreg:$0x5]  }
0x10d: {  	s7 =	sor.u32 $0x1C11, s7;
	s24 =	rddreg [dreg:$0xb];
	s12 =	sshrl.u32 s12, $0x3  }
0x10e: {  	[hbm:s24], [sflag:s7] =	dma.local [spmem:s12], $0x13C0  }
0x10f: {  	_ =	swait.ge [sflag:s15], $0x13C0  }
0x110: {  	s7 =	rddreg [dreg:$0xc]  }
0x111: {  	s24 =	rddreg [dreg:$0xa];
	s12 =	sadd.s32 $0x1, s7  }
0x112: {  	p0 =	sne.s32 s12, s24  }
.Ltmp2:
0x113: {  	_ = 	snop;
	(pc) =	sbr.rel @p0 .LBB2_1-.Ltmp2, $3  }
0x114: {  	_ =	sdelay $0x1  }
0x115: {  	[sflag:s15] =	ssyncset.done $0x0  }
0x116: {  	[sflag:s15] =	ssyncadd.s32 $0xFFFFEC40  }
0x117: {  	_ =	sfence.sel $0x180000  }
0x118: {  	[bflag:$0x0] =	sbarrier.arrive $0xFFFF  }
0x119: {  	_ =	strace $0x9000004A  }
0x11a: {  	s0 =	stileid.u32;
	[bflag:$0x2] =	sbarrier.arrive $0xFFFF  }
0x11b: {  	p0 =	sne.s32 s0, $0x0;
	s0 =	rddreg [dreg:$0x2]  }
0x11c: {  	s0 =	sadd.s32 @!p0 $0x100000, s0  }
0x11d: {  	[sflag:s0] =	ssyncadd.tile.s32 @!p0 $0x1;
	_ =	shalt  }
.Lfunc_end2:
_tile_overlayer_lowered:
.L_overlay_start_2:
0x11e: {  	(tag) =	ssettag $0x2  }
0x11f: {  	s0 =	rddreg [dreg:$0x0];
	s2 =	stileid.u32  }
0x120: {  	s1 =	rddreg [dreg:$0x1];
	p0 =	sne.s32 s2, $0x0  }
0x121: {  	s3 =	rddreg [dreg:$0x2];
	[bflag:$0x3] =	sbarrier.arrive $0xFFFF;
	s2 =	simm.s32 @!p0 $0x1C11  }
0x122: {  	[timem:s3], [sflag:s2] =	dma.local @!p0 [hbm:s0], s1  }
0x123: {  	s0 =	simm.s32 @!p0 $0x11  }
0x124: {  	_ =	swait.ge @!p0 [sflag:s0], s1  }
0x125: {  	s1 =	ssub.s32 @!p0 $0x0, s1;
	[sflag:s0] =	ssyncset.done @!p0 $0x0  }
0x126: {  	[sflag:s0] =	ssyncadd.s32 @!p0 s1  }
0x127: {  	[bflag:$0x3] =	sbarrier.arrive $0xFFFF  }
0x128: {  	_ =	shalt  }

// kernel: kernel.14.cloned.1.call-start
scs
__scs_entry_jumppad:
0x0: {  	(pc) =	sbr.rel $0x88, $3  }
0x1: {  	(tag) =	ssettag $0x0;
	lr =	simm.s32 $0x1  }
0x2: {  	[smem:$0x3F9B] =	sst lr;
	_ =	strace $0xD0000000  }
0x3: {  	_ = 	snop  }
0x4: {  	_ = 	snop  }
0x5: {  	_ = 	snop  }
0x6: {  	_ = 	snop  }
0x7: {  	_ = 	snop  }
__scs_overlays_trampoline_lowered:
0x8: {  	[smem:$0x3FAA] =	sst s0  }
0x9: {  	[smem:$0x3FAB] =	sst s1  }
0xa: {  	[smem:$0x3FAC] =	sst s2  }
0xb: {  	[smem:$0x3FAD] =	sst s3  }
0xc: {  	[smem:$0x3FAE] =	sst s4  }
0xd: {  	[smem:$0x3FAF] =	sst s5  }
0xe: {  	[smem:$0x3FB0] =	sst s6  }
0xf: {  	[smem:$0x3FB1] =	sst s7  }
0x10: {  	[smem:$0x3FB2] =	sst s8  }
0x11: {  	[smem:$0x3FB3] =	sst s9;
	s0 =	simm.s32 @!p0 $0x0  }
0x12: {  	s1 =	sld [smem:$0x3F99];
	s0 =	simm.s32 @p0 $0x1  }
0x13: {  	[smem:$0x3FB4] =	sst s0;
	s0 =	simm.s32 @!p1 $0x0  }
0x14: {  	s2 =	sld [smem:$0x3F98];
	s0 =	simm.s32 @p1 $0x1  }
0x15: {  	[smem:$0x3FB5] =	sst s0;
	s0 =	simm.s32 @!p2 $0x0  }
0x16: {  	s3 =	sld [smem:$0x3FDB];
	s0 =	simm.s32 @p2 $0x1  }
0x17: {  	s4 =	simm.s32 $0x1BF5;
	[smem:$0x3FB7] =	sst s0  }
0x18: {  	s0 =	sld [smem:$0x3F9A];
	_ =	swait.ge [sflag:s4], $0x0  }
0x19: {  	s7 =	sld [smem:$0x3F9B]  }
0x1a: {  	s8 =	sadd.s32 $0xFFFFE003, lr  }
0x1b: {  	s9 =	sadd.s32 $0xFFFFFEF7, lr;
	s5 =	simm.s32 $0xFFFFFFFF;
	p2 =	slt.u32 s8, $0xFFFFF086  }
0x1c: {  	p1 =	slt.u32 s9, $0xF7A;
	s5 =	simm.s32 @!p2 $0x0  }
0x1d: {  	s5 =	simm.s32 @p1 $0x1;
	p0 =	seq.s32 s7, s2  }
0x1e: {  	s7 =	smul.u32 @!p0 $0xF7A, s2;
	p2 =	seq.s32 @!p0 s5, $0x0  }
0x1f: {  	s9 =	smul.u32 $0xF7A, s1;
	s8 =	simm.s32 @!p0 $0x1BF5;
	p2 =	por !p2, p0  }
0x20: {  	[sflag:s8] =	ssyncset.s32 @!p0 $0xFFFFF086;
	s6 =	sadd.s32 @!p0 s3, s7;
	s7 =	simm.s32 @!p0 $0x108  }
0x21: {  	s3 =	sadd.s32 s3, s9;
	s6 =	sadd.s32 @!p0 $0x88, s6;
	s7 =	simm.s32 @p2 $0x1082  }
0x22: {  	[simem:s7], [sflag:s8] =	dma.local @!p0 [hbm:s6], $0xF7A  }
0x23: {  	s9 =	sor.u32 $0xD0000000, s2;
	s6 =	simm.s32 $0x108;
	_ =	swait.ge @!p0 [sflag:s8], $0x0  }
0x24: {  	s3 =	sadd.s32 $0x88, s3;
	s6 =	simm.s32 @!p1 $0x1082;
	[sflag:s4] =	ssyncset.s32 $0xFFFFF086  }
0x25: {  	[simem:s6], [sflag:s4] =	dma.local [hbm:s3], $0xF7A  }
0x26: {  	[smem:$0x3F9B] =	sst s1;
	(tag) =	ssettag s2;
	_ =	strace s9  }
0x27: {  	s1 =	sld [smem:$0x3FAB]  }
0x28: {  	s2 =	sld [smem:$0x3FAC]  }
0x29: {  	s4 =	sld [smem:$0x3FAE]  }
0x2a: {  	p0 =	seq.s32 s5, $0x0;
	s5 =	sld [smem:$0x3FAF]  }
0x2b: {  	s6 =	sld [smem:$0x3FB0]  }
0x2c: {  	s7 =	sld [smem:$0x3FB1]  }
0x2d: {  	s3 =	simm.s32 $0x108;
	s8 =	sld [smem:$0x3FB2]  }
0x2e: {  	s3 =	simm.s32 @!p0 $0x1082;
	s9 =	sld [smem:$0x3FB3]  }
0x2f: {  	lr =	sadd.s32 s0, s3;
	s0 =	sld [smem:$0x3FAA]  }
0x30: {  	s3 =	sld [smem:$0x3FAD]  }
0x31: {  	[smem:$0x3FB6] =	sst s10  }
0x32: {  	s10 =	sld [smem:$0x3FB4];
	_ =	sdelay $0x3  }
0x33: {  	p0 =	seq.s32 s10, $0x1;
	s10 =	sld [smem:$0x3FB6];
	_ =	sdelay $0x3  }
0x34: {  	[smem:$0x3FB6] =	sst s10  }
0x35: {  	s10 =	sld [smem:$0x3FB5];
	_ =	sdelay $0x3  }
0x36: {  	p1 =	seq.s32 s10, $0x1;
	s10 =	sld [smem:$0x3FB6];
	_ =	sdelay $0x3  }
0x37: {  	[smem:$0x3FB6] =	sst s10  }
0x38: {  	s10 =	sld [smem:$0x3FB7]  }
0x39: {  	_ = 	snop;
	(pc) =	sbr.ind lr, $3  }
0x3a: {  	_ = 	snop  }
0x3b: {  	_ = 	snop  }
0x3c: {  	p2 =	seq.s32 s10, $0x1;
	s10 =	sld [smem:$0x3FB6]  }
0x3d: {  	_ =	shalt  }
0x3e: {  	_ =	shalt  }
0x3f: {  	_ =	shalt  }
0x40: {  	_ =	shalt  }
0x41: {  	_ =	shalt  }
0x42: {  	_ =	shalt  }
0x43: {  	_ =	shalt  }
0x44: {  	_ =	shalt  }
0x45: {  	_ =	shalt  }
0x46: {  	_ =	shalt  }
0x47: {  	_ =	shalt  }
0x48: {  	_ =	shalt  }
0x49: {  	_ =	shalt  }
0x4a: {  	_ =	shalt  }
0x4b: {  	_ =	shalt  }
0x4c: {  	_ =	shalt  }
0x4d: {  	_ =	shalt  }
0x4e: {  	_ =	shalt  }
0x4f: {  	_ =	shalt  }
0x50: {  	_ =	shalt  }
0x51: {  	_ =	shalt  }
0x52: {  	_ =	shalt  }
0x53: {  	_ =	shalt  }
0x54: {  	_ =	shalt  }
0x55: {  	_ =	shalt  }
0x56: {  	_ =	shalt  }
0x57: {  	_ =	shalt  }
0x58: {  	_ =	shalt  }
0x59: {  	_ =	shalt  }
0x5a: {  	_ =	shalt  }
0x5b: {  	_ =	shalt  }
0x5c: {  	_ =	shalt  }
0x5d: {  	_ =	shalt  }
0x5e: {  	_ =	shalt  }
0x5f: {  	_ =	shalt  }
0x60: {  	_ =	shalt  }
0x61: {  	_ =	shalt  }
0x62: {  	_ =	shalt  }
0x63: {  	_ =	shalt  }
0x64: {  	_ =	shalt  }
0x65: {  	_ =	shalt  }
0x66: {  	_ =	shalt  }
0x67: {  	_ =	shalt  }
0x68: {  	_ =	shalt  }
0x69: {  	_ =	shalt  }
0x6a: {  	_ =	shalt  }
0x6b: {  	_ =	shalt  }
0x6c: {  	_ =	shalt  }
0x6d: {  	_ =	shalt  }
0x6e: {  	_ =	shalt  }
0x6f: {  	_ =	shalt  }
0x70: {  	_ =	shalt  }
0x71: {  	_ =	shalt  }
0x72: {  	_ =	shalt  }
0x73: {  	_ =	shalt  }
0x74: {  	_ =	shalt  }
0x75: {  	_ =	shalt  }
0x76: {  	_ =	shalt  }
0x77: {  	_ =	shalt  }
0x78: {  	_ =	shalt  }
0x79: {  	_ =	shalt  }
0x7a: {  	_ =	shalt  }
0x7b: {  	_ =	shalt  }
0x7c: {  	_ =	shalt  }
0x7d: {  	_ =	shalt  }
0x7e: {  	_ =	shalt  }
0x7f: {  	_ =	shalt  }
0x80: {  	_ =	shalt  }
0x81: {  	_ =	shalt  }
0x82: {  	_ =	shalt  }
0x83: {  	_ =	shalt  }
0x84: {  	_ =	shalt  }
0x85: {  	_ =	shalt  }
0x86: {  	_ =	shalt  }
0x87: {  	_ =	shalt  }
.Lfunc_end0:
.L_simem_size_0:
called_computation.2_lowered:
.L_overlay_start_0:
0x88: {  	s2 =	sld [smem:$0x3FD9]  }
0x89: {  	s3 =	sld [smem:$0x3FFE];
	_ =	sdelay $0x1  }
0x8a: {  	s1 =	srdreg.scid  }
0x8b: {  	s0 =	sand.u32 $0x1, s1  }
0x8c: {  	s16 =	sshll.u32 s0, $0xA;
	s2 =	sadd.s32 s3, s2  }
0x8d: {  	s2 =	sadd.s32 s2, s16  }
0x8e: {  	[smem:$0x3FC2] =	sst s2  }
0x8f: {  	_ = 	snop  }
0x90: {  	(tm) =	ssettm $0x1  }
0x91: {  	s17 =	sld [smem:$0x3FFB];
	_ =	sdelay $0x3  }
0x92: {  	_ =	strace s17  }
0x93: {  	s2 =	sld [smem:$0x3FFC];
	_ =	sdelay $0x3  }
0x94: {  	_ =	strace s2  }
0x95: {  	s2 =	sld [smem:$0x3FFD];
	_ =	sdelay $0x3  }
0x96: {  	_ =	strace s2  }
0x97: {  	_ =	strace $0x8FFFFFFF  }
0x98: {  	s18 =	sld [smem:$0x3FDB];
	_ =	sdelay $0x1  }
0x99: {  	s19 =	simm.s32 $_scs_section_size  }
0x9a: {  	s4 =	simm.s32 $_size__tile_overlayer_lowered;
	s5 =	simm.s32 $_tile_overlayer_lowered  }
0x9b: {  	s22 =	simm.s32 $0x1BFF;
	s21 =	sshll.u32 s5, $0x1;
	s2 =	sadd.s32 s19, s18  }
0x9c: {  	s6 =	simm.s32 $0x0;
	s20 =	sshll.u32 s4, $0x1;
	s4 =	sadd.s32 s21, s2  }
0x9d: {  	[timem:s6], [sflag:s22] =	dma.local [hbm:s4], s20  }
0x9e: {  	_ =	swait.ge [sflag:s22], s20  }
0x9f: {  	s3 =	ssub.s32 $0x0, s20;
	[sflag:s22] =	ssyncset.done $0x0  }
0xa0: {  	[sflag:s22] =	ssyncadd.s32 s3;
	_ =	sdelay $0x1  }
0xa1: {  	s23 =	simm.s32 $0x1B8B  }
0xa2: {  	_ =	swait.ge [sflag:s23], $0x1  }
0xa3: {  	[sflag:s23] =	ssyncset.done $0x0  }
0xa4: {  	s25 =	simm.s32 $0x1B8E;
	s24 =	sld [smem:$0x3FFE];
	[sflag:s23] =	ssyncadd.s32 $0xFFFFFFFF  }
0xa5: {  	s26 =	simm.s32 $execute0_lowered;
	[smem:$0x3FD2] =	sst s25  }
0xa6: {  	s4 =	sshll.u32 s26, $0x1;
	_ =	strace $0x8000004C;
	[dreg:$0x1] =	wrdreg $0xFFFFFFFF  }
0xa7: {  	s28 =	simm.s32 $_size_execute0_lowered;
	s2 =	sadd.s32 s2, s4;
	[dreg:$0x0] =	wrdreg $0x0  }
0xa8: {  	s4 =	sshll.u32 s28, $0x1;
	[dreg:$0x2] =	wrdreg s2  }
0xa9: {  	[dreg:$0x3] =	wrdreg s4  }
0xaa: {  	[dreg:$0x4] =	wrdreg $0xC0  }
0xab: {  	_ =	task [dreg:s6], $0x5FFFF  }
0xac: {  	[dreg:$0x1] =	wrdreg $0xFFFFFFFF  }
0xad: {  	[dreg:$0x0] =	wrdreg $0x60  }
0xae: {  	[dreg:$0x2] =	wrdreg s24  }
0xaf: {  	[dreg:$0x3] =	wrdreg $0x90000  }
0xb0: {  	[dreg:$0x4] =	wrdreg $0x9  }
0xb1: {  	_ =	task.clear_ibuf [dreg:s6], $0x5FFFF;
	_ =	strace $0x9000004C  }
0xb2: {  	s29 =	simm.s32 $0x9;
	_ =	strace $0x8000004E  }
0xb3: {  	_ =	swait.ge [sflag:s29], $0x1  }
0xb4: {  	[sflag:s29] =	ssyncadd.s32 $0xFFFFFFFF  }
0xb5: {  	_ =	strace $0x9000004E  }
0xb6: {  	_ =	sfence  }
0xb7: {  	s30 =	sld [smem:$0x0];
	_ =	sdelay $0x2  }
0xb8: {  	s31 =	sshll.u32 s1, $0xD;
	s1 =	sshrl.u32 s1, $0x2  }
0xb9: {  	s3 =	sand.u32 $0x4000, s31;
	s1 =	sadd.s32 s1, s30  }
0xba: {  	s0 =	sor.u32 s3, s0;
	s1 =	sshll.u32 s1, $0x11  }
0xbb: {  	s0 =	sor.u32 s1, s0  }
0xbc: {  	s0 =	sadd.s32 $0x8F2B, s0  }
0xbd: {  	[sflag:s0] =	ssyncadd.remote.s32 $0x1  }
0xbe: {  	_ =	sfence.sel $0xFFFF  }
0xbf: {  	[dreg:$0x0] =	wrdreg $0xFFFFFFFF;
	(pc) =	sbr.abs _section_cstart, $3  }
0xc0: {  	[dreg:$0x1] =	wrdreg $0xFFFFFFFF  }
0xc1: {  	_ =	task.clear_ibuf [dreg:s6], $0x2FFFF;
	_ =	strace $0x9FFFFFFF  }
0xc2: {  	(tm) =	ssettm $0x7FFFFFFF  }
0xc3: {  	_ =	shalt  }
tec
execute0_lowered:
.L_overlay_start_1:
0x0: {  	(tag) =	ssettag $0x1  }
0x1: {  	s0 =	rddreg [dreg:$0x0];
	s1 =	srdreg.scid  }
0x2: {  	s7 =	stileid.u32;
	s2 =	rddreg [dreg:$0x1]  }
0x3: {  	s4 =	simm.s32 $0x0;
	s14 =	simm.s32 $0x5000;
	s15 =	simm.s32 $0x11  }
0x4: {  	s16 =	simm.s32 $0x1;
	s17 =	simm.s32 $0x2;
	s29 =	simm.s32 $0x7800  }
0x5: {  	s31 =	simm.s32 $0x8000;
	s13 =	simm.s32 $0x8800;
	s28 =	simm.s32 $0x7  }
0x6: {  	s30 =	simm.s32 $0x8;
	s8 =	simm.s32 $0xD;
	s9 =	simm.s32 $0xE  }
0x7: {  	s10 =	simm.s32 $0xF;
	s11 =	simm.s32 $0x10;
	s12 =	simm.s32 $0x0  }
0x8: {  	s1 =	sand.u32 $0x1, s1;
	s3 =	sshll.u32 s7, $0x1;
	s6 =	smul.u32 $0x9E00, s7  }
0x9: {  	[smem:$0x7FF] =	sst s4;
	s4 =	sadd.s32 $0x2000, s0;
	s19 =	smul.u32 $0x2780, s7  }
0xa: {  	s3 =	sor.u32 s1, s3;
	s5 =	smul.u32 $0x4F00, s1;
	s1 =	ssub.s32 $0x2, s1  }
0xb: {  	_ =	strace $0x8000004D;
	s3 =	smul.u32 $0x2800, s3;
	s18 =	sshrl.u32 s1, $0x1  }
0xc: {  	s6 =	sshrl.u32 s6, $0x2;
	s22 =	sadd.s32 s19, s2;
	s26 =	sshrl.u32 s19, $0x3  }
0xd: {  	s19 =	simm.s32 $0x5800;
	s1 =	ssub.s32 s1, s18;
	s21 =	sadd.s32 s6, s2  }
0xe: {  	[dreg:$0x5] =	wrdreg s22;
	s18 =	simm.s32 $0x80;
	s23 =	sadd.s32 $0x800, s21  }
0xf: {  	s22 =	simm.s32 $0x4;
	s24 =	sadd.s32 $0x1000, s21;
	[dreg:$0x6] =	wrdreg s23  }
0x10: {  	s6 =	simm.s32 $0xC;
	s25 =	sadd.s32 $0x1800, s21;
	[dreg:$0x7] =	wrdreg s24  }
0x11: {  	s3 =	sshrl.u32 s3, $0x3;
	s1 =	smax.u32 s1, $0x1;
	[dreg:$0x8] =	wrdreg s25  }
0x12: {  	s3 =	sadd.s32 s3, s0;
	s0 =	sadd.s32 s5, s0;
	[dreg:$0xa] =	wrdreg s1  }
0x13: {  	s23 =	simm.s32 $0x6800;
	s25 =	simm.s32 $0x5;
	s20 =	sadd.s32 $0x1F800, s3  }
0x14: {  	s1 =	simm.s32 $0x9;
	s3 =	sadd.s32 $0x29800, s3;
	[dreg:$0x3] =	wrdreg s20  }
0x15: {  	s5 =	simm.s32 $0xB;
	s0 =	sadd.s32 $0x7000, s0;
	[dreg:$0x4] =	wrdreg s3  }
0x16: {  	s3 =	sadd.s32 $0x2000, s21;
	s21 =	simm.s32 $0x6000;
	s0 =	sadd.s32 s26, s0  }
0x17: {  	s26 =	simm.s32 $0x7000;
	s20 =	simm.s32 $0x3;
	[dreg:$0x9] =	wrdreg s3  }
0x18: {  	v0 =	vimm.f32 $0.0e+00;
	[dreg:$0xb] =	wrdreg s0;
	s0 =	simm.s32 $0x6;
	s3 =	simm.s32 $0xA  }
.LBB2_1:
0x19: {  	[dreg:$0xc] =	wrdreg s12  }
0x1a: {  	s7 =	simm.s32 $0x0;
	s24 =	rddreg [dreg:$0x3]  }
0x1b: {  	[tilespmem:s7], [sflag:$0x1] =	stream.linear.gather [hbm4b:s24+s7], $0x2800, $0x38;
	[tilespmem:$0xB780] =	vst v63  }
0x1c: {  	s12 =	rddreg [dreg:$0x4];
	s24 =	simm.s32 $0x2800  }
0x1d: {  	[tilespmem:s24], [sflag:$0x2] =	stream.linear.gather [hbm4b:s12+s7], $0x2800, $0x38;
	[tilespmem:$0xB780] =	vst v63  }
0x1e: {  	s7 =	simm.s32 $0x40;
	s24 =	simm.s32 $0x0  }
.LBB2_2:
0x1f: {  	p0 =	sne.s32 s7, $0x1FC0;
	[tilespmem:s24+$0x5000] =	vst v0;
	s24 =	smov.u32 s7;
	s7 =	sadd.s32 $0x40, s7  }
.Ltmp0:
0x20: {  	(pc) =	sbr.rel @p0 .LBB2_2-.Ltmp0, $2  }
0x21: {  	_ =	sdelay $0x2  }
0x22: {  	s24 =	sshra.s32 s24, $0x2  }
0x23: {  	[tilespmem:s24+$0x5000] =	vst v0;
	s7 =	rddreg [dreg:$0x5]  }
0x24: {  	[spmem:s7] =	stream.linear.scatter [tilespmem:s14], [sflag:$0x11], $0x800, $0x38;
	[tilespmem:$0xB780] =	vst v63  }
0x25: {  	_ =	swait.ge [sflag:s15], $0x800  }
0x26: {  	[sflag:s15] =	ssyncset.done $0x0  }
0x27: {  	s12 =	rddreg [dreg:$0x6];
	[sflag:s15] =	ssyncadd.s32 $0xFFFFF800  }
0x28: {  	[spmem:s12] =	stream.linear.scatter [tilespmem:s14], [sflag:$0x11], $0x800, $0x38;
	[tilespmem:$0xB780] =	vst v63  }
0x29: {  	_ =	swait.ge [sflag:s15], $0x800  }
0x2a: {  	[sflag:s15] =	ssyncset.done $0x0  }
0x2b: {  	s24 =	rddreg [dreg:$0x7];
	[sflag:s15] =	ssyncadd.s32 $0xFFFFF800  }
0x2c: {  	[spmem:s24] =	stream.linear.scatter [tilespmem:s14], [sflag:$0x11], $0x800, $0x38;
	[tilespmem:$0xB780] =	vst v63  }
0x2d: {  	_ =	swait.ge [sflag:s15], $0x800  }
0x2e: {  	[sflag:s15] =	ssyncset.done $0x0  }
0x2f: {  	s12 =	rddreg [dreg:$0x8];
	[sflag:s15] =	ssyncadd.s32 $0xFFFFF800  }
0x30: {  	[spmem:s12] =	stream.linear.scatter [tilespmem:s14], [sflag:$0x11], $0x800, $0x38;
	[tilespmem:$0xB780] =	vst v63  }
0x31: {  	_ =	swait.ge [sflag:s15], $0x800  }
0x32: {  	[sflag:s15] =	ssyncset.done $0x0  }
0x33: {  	s24 =	rddreg [dreg:$0x9];
	[sflag:s15] =	ssyncadd.s32 $0xFFFFF800  }
0x34: {  	[spmem:s24] =	stream.linear.scatter [tilespmem:s14], [sflag:$0x11], $0x780, $0x38;
	[tilespmem:$0xB780] =	vst v63  }
0x35: {  	_ =	swait.ge [sflag:s15], $0x780  }
0x36: {  	[sflag:s15] =	ssyncset.done $0x0  }
0x37: {  	[sflag:s15] =	ssyncadd.s32 $0xFFFFF880  }
0x38: {  	_ =	swait.ge [sflag:s16], $0x2800  }
0x39: {  	[sflag:s16] =	ssyncset.done $0x0  }
0x3a: {  	[sflag:s16] =	ssyncadd.s32 $0xFFFFD800  }
0x3b: {  	_ =	swait.ge [sflag:s17], $0x2800  }
0x3c: {  	[sflag:s17] =	ssyncset.done $0x0  }
0x3d: {  	[sflag:s17] =	ssyncadd.s32 $0xFFFFD800  }
0x3e: {  	s12 =	simm.s32 $0x0;
	[bflag:$0x0] =	sbarrier.arrive $0xFFFF  }
0x3f: {  	[tilespmem:s14], [sflag:$0x1] =	stream.indirect.gather [hbm4b:s4+s18], $0x10, s12, s18, $0xb8;
	[tilespmem:$0xB780] =	vst v63  }
0x40: {  	_ = 	snop  }
0x41: {  	[tilespmem:s19], [sflag:$0x2] =	stream.indirect.gather [hbm4b:s4+s18], $0x10, s18, s18, $0xb8;
	[tilespmem:$0xB780] =	vst v63  }
0x42: {  	s24 =	simm.s32 $0x100  }
0x43: {  	[tilespmem:s21], [sflag:$0x3] =	stream.indirect.gather [hbm4b:s4+s18], $0x10, s24, s18, $0xb8;
	[tilespmem:$0xB780] =	vst v63  }
0x44: {  	s12 =	simm.s32 $0x180  }
0x45: {  	[tilespmem:s23], [sflag:$0x4] =	stream.indirect.gather [hbm4b:s4+s18], $0x10, s12, s18, $0xb8;
	[tilespmem:$0xB780] =	vst v63  }
0x46: {  	s24 =	simm.s32 $0x200  }
0x47: {  	[tilespmem:s26], [sflag:$0x5] =	stream.indirect.gather [hbm4b:s4+s18], $0x10, s24, s18, $0xb8;
	[tilespmem:$0xB780] =	vst v63  }
0x48: {  	s12 =	simm.s32 $0x280  }
0x49: {  	[tilespmem:s29], [sflag:$0x6] =	stream.indirect.gather [hbm4b:s4+s18], $0x10, s12, s18, $0xb8;
	[tilespmem:$0xB780] =	vst v63  }
0x4a: {  	s24 =	simm.s32 $0x300  }
0x4b: {  	[tilespmem:s31], [sflag:$0x7] =	stream.indirect.gather [hbm4b:s4+s18], $0x10, s24, s18, $0xb8;
	[tilespmem:$0xB780] =	vst v63  }
0x4c: {  	s12 =	simm.s32 $0x380  }
0x4d: {  	[tilespmem:s13], [sflag:$0x8] =	stream.indirect.gather [hbm4b:s4+s18], $0x10, s12, s18, $0xb8;
	[tilespmem:$0xB780] =	vst v63  }
0x4e: {  	_ =	swait.ge [sflag:s16], $0x800  }
0x4f: {  	[sflag:s16] =	ssyncset.done $0x0  }
0x50: {  	s24 =	simm.s32 $0x2800;
	[sflag:s16] =	ssyncadd.s32 $0xFFFFF800  }
0x51: {  	[spmem:s2] =	stream.indirect.scatter.add.f32 [tilespmem:s14], [sflag:$0x9], $0x10, s24, s18, $0xb8;
	[tilespmem:$0xB780] =	vst v63  }
0x52: {  	_ =	swait.ge [sflag:s17], $0x800  }
0x53: {  	[sflag:s17] =	ssyncset.done $0x0  }
0x54: {  	s12 =	simm.s32 $0x2880;
	[sflag:s17] =	ssyncadd.s32 $0xFFFFF800  }
0x55: {  	[spmem:s2] =	stream.indirect.scatter.add.f32 [tilespmem:s19], [sflag:$0xA], $0x10, s12, s18, $0xb8;
	[tilespmem:$0xB780] =	vst v63  }
0x56: {  	_ =	swait.ge [sflag:s20], $0x800  }
0x57: {  	[sflag:s20] =	ssyncset.done $0x0  }
0x58: {  	s24 =	simm.s32 $0x2900;
	[sflag:s20] =	ssyncadd.s32 $0xFFFFF800  }
0x59: {  	[spmem:s2] =	stream.indirect.scatter.add.f32 [tilespmem:s21], [sflag:$0xB], $0x10, s24, s18, $0xb8;
	[tilespmem:$0xB780] =	vst v63  }
0x5a: {  	_ =	swait.ge [sflag:s22], $0x800  }
0x5b: {  	[sflag:s22] =	ssyncset.done $0x0  }
0x5c: {  	s12 =	simm.s32 $0x2980;
	[sflag:s22] =	ssyncadd.s32 $0xFFFFF800  }
0x5d: {  	[spmem:s2] =	stream.indirect.scatter.add.f32 [tilespmem:s23], [sflag:$0xC], $0x10, s12, s18, $0xb8;
	[tilespmem:$0xB780] =	vst v63  }
0x5e: {  	_ =	swait.ge [sflag:s25], $0x800  }
0x5f: {  	[sflag:s25] =	ssyncset.done $0x0  }
0x60: {  	s24 =	simm.s32 $0x2A00;
	[sflag:s25] =	ssyncadd.s32 $0xFFFFF800  }
0x61: {  	[spmem:s2] =	stream.indirect.scatter.add.f32 [tilespmem:s26], [sflag:$0xD], $0x10, s24, s18, $0xb8;
	[tilespmem:$0xB780] =	vst v63  }
0x62: {  	_ =	swait.ge [sflag:s0], $0x800  }
0x63: {  	[sflag:s0] =	ssyncset.done $0x0  }
0x64: {  	s12 =	simm.s32 $0x2A80;
	[sflag:s0] =	ssyncadd.s32 $0xFFFFF800  }
0x65: {  	[spmem:s2] =	stream.indirect.scatter.add.f32 [tilespmem:s29], [sflag:$0xE], $0x10, s12, s18, $0xb8;
	[tilespmem:$0xB780] =	vst v63  }
0x66: {  	_ =	swait.ge [sflag:s28], $0x800  }
0x67: {  	[sflag:s28] =	ssyncset.done $0x0  }
0x68: {  	s24 =	simm.s32 $0x2B00;
	[sflag:s28] =	ssyncadd.s32 $0xFFFFF800  }
0x69: {  	[spmem:s2] =	stream.indirect.scatter.add.f32 [tilespmem:s31], [sflag:$0xF], $0x10, s24, s18, $0xb8;
	[tilespmem:$0xB780] =	vst v63  }
0x6a: {  	_ =	swait.ge [sflag:s30], $0x800  }
0x6b: {  	[sflag:s30] =	ssyncset.done $0x0  }
0x6c: {  	s12 =	simm.s32 $0x2B80;
	[sflag:s30] =	ssyncadd.s32 $0xFFFFF800  }
0x6d: {  	[spmem:s2] =	stream.indirect.scatter.add.f32 [tilespmem:s13], [sflag:$0x10], $0x10, s12, s18, $0xb8;
	[tilespmem:$0xB780] =	vst v63  }
0x6e: {  	_ =	swait.ge [sflag:s1], $0x800  }
0x6f: {  	[sflag:s1] =	ssyncset.done $0x0  }
0x70: {  	s24 =	simm.s32 $0x400;
	[sflag:s1] =	ssyncadd.s32 $0xFFFFF800  }
0x71: {  	[tilespmem:s14], [sflag:$0x1] =	stream.indirect.gather [hbm4b:s4+s18], $0x10, s24, s18, $0xb8;
	[tilespmem:$0xB780] =	vst v63  }
0x72: {  	_ =	swait.ge [sflag:s3], $0x800  }
0x73: {  	[sflag:s3] =	ssyncset.done $0x0  }
0x74: {  	s12 =	simm.s32 $0x480;
	[sflag:s3] =	ssyncadd.s32 $0xFFFFF800  }
0x75: {  	[tilespmem:s19], [sflag:$0x2] =	stream.indirect.gather [hbm4b:s4+s18], $0x10, s12, s18, $0xb8;
	[tilespmem:$0xB780] =	vst v63  }
0x76: {  	_ =	swait.ge [sflag:s5], $0x800  }
0x77: {  	[sflag:s5] =	ssyncset.done $0x0  }
0x78: {  	s24 =	simm.s32 $0x500;
	[sflag:s5] =	ssyncadd.s32 $0xFFFFF800  }
0x79: {  	[tilespmem:s21], [sflag:$0x3] =	stream.indirect.gather [hbm4b:s4+s18], $0x10, s24, s18, $0xb8;
	[tilespmem:$0xB780] =	vst v63  }
0x7a: {  	_ =	swait.ge [sflag:s6], $0x800  }
0x7b: {  	[sflag:s6] =	ssyncset.done $0x0  }
0x7c: {  	s12 =	simm.s32 $0x580;
	[sflag:s6] =	ssyncadd.s32 $0xFFFFF800  }
0x7d: {  	[tilespmem:s23], [sflag:$0x4] =	stream.indirect.gather [hbm4b:s4+s18], $0x10, s12, s18, $0xb8;
	[tilespmem:$0xB780] =	vst v63  }
0x7e: {  	_ =	swait.ge [sflag:s8], $0x800  }
0x7f: {  	[sflag:s8] =	ssyncset.done $0x0  }
0x80: {  	s24 =	simm.s32 $0x600;
	[sflag:s8] =	ssyncadd.s32 $0xFFFFF800  }
0x81: {  	[tilespmem:s26], [sflag:$0x5] =	stream.indirect.gather [hbm4b:s4+s18], $0x10, s24, s18, $0xb8;
	[tilespmem:$0xB780] =	vst v63  }
0x82: {  	_ =	swait.ge [sflag:s9], $0x800  }
0x83: {  	[sflag:s9] =	ssyncset.done $0x0  }
0x84: {  	s12 =	simm.s32 $0x680;
	[sflag:s9] =	ssyncadd.s32 $0xFFFFF800  }
0x85: {  	[tilespmem:s29], [sflag:$0x6] =	stream.indirect.gather [hbm4b:s4+s18], $0x10, s12, s18, $0xb8;
	[tilespmem:$0xB780] =	vst v63  }
0x86: {  	_ =	swait.ge [sflag:s10], $0x800  }
0x87: {  	[sflag:s10] =	ssyncset.done $0x0  }
0x88: {  	s24 =	simm.s32 $0x700;
	[sflag:s10] =	ssyncadd.s32 $0xFFFFF800  }
0x89: {  	[tilespmem:s31], [sflag:$0x7] =	stream.indirect.gather [hbm4b:s4+s18], $0x10, s24, s18, $0xb8;
	[tilespmem:$0xB780] =	vst v63  }
0x8a: {  	_ =	swait.ge [sflag:s11], $0x800  }
0x8b: {  	[sflag:s11] =	ssyncset.done $0x0  }
0x8c: {  	s7 =	simm.s32 $0x780;
	s24 =	simm.s32 $0x1000;
	[sflag:s11] =	ssyncadd.s32 $0xFFFFF800  }
.LBB2_4:
0x8d: {  	[tilespmem:s13], [sflag:$0x8] =	stream.indirect.gather [hbm4b:s4+s18], $0x10, s7, s18, $0xb8;
	[tilespmem:$0xB780] =	vst v63  }
0x8e: {  	s7 =	smov.u32 s24  }
0x8f: {  	p0 =	sne.s32 s24, $0x8000;
	s24 =	sadd.s32 $0x1000, s24;
	_ =	swait.ge [sflag:s16], $0x800  }
0x90: {  	s7 =	sshra.s32 s7, $0x2;
	[sflag:s16] =	ssyncset.done $0x0  }
0x91: {  	s12 =	sadd.s32 $0x2800, s7;
	[sflag:s16] =	ssyncadd.s32 $0xFFFFF800  }
0x92: {  	[spmem:s2] =	stream.indirect.scatter.add.f32 [tilespmem:s14], [sflag:$0x9], $0x10, s12, s18, $0xb8;
	[tilespmem:$0xB780] =	vst v63  }
0x93: {  	_ =	swait.ge [sflag:s17], $0x800  }
0x94: {  	[sflag:s17] =	ssyncset.done $0x0  }
0x95: {  	s12 =	sadd.s32 $0x2880, s7;
	[sflag:s17] =	ssyncadd.s32 $0xFFFFF800  }
0x96: {  	[spmem:s2] =	stream.indirect.scatter.add.f32 [tilespmem:s19], [sflag:$0xA], $0x10, s12, s18, $0xb8;
	[tilespmem:$0xB780] =	vst v63  }
0x97: {  	_ =	swait.ge [sflag:s20], $0x800  }
0x98: {  	[sflag:s20] =	ssyncset.done $0x0  }
0x99: {  	s12 =	sadd.s32 $0x2900, s7;
	[sflag:s20] =	ssyncadd.s32 $0xFFFFF800  }
0x9a: {  	[spmem:s2] =	stream.indirect.scatter.add.f32 [tilespmem:s21], [sflag:$0xB], $0x10, s12, s18, $0xb8;
	[tilespmem:$0xB780] =	vst v63  }
0x9b: {  	_ =	swait.ge [sflag:s22], $0x800  }
0x9c: {  	[sflag:s22] =	ssyncset.done $0x0  }
0x9d: {  	s12 =	sadd.s32 $0x2980, s7;
	[sflag:s22] =	ssyncadd.s32 $0xFFFFF800  }
0x9e: {  	[spmem:s2] =	stream.indirect.scatter.add.f32 [tilespmem:s23], [sflag:$0xC], $0x10, s12, s18, $0xb8;
	[tilespmem:$0xB780] =	vst v63  }
0x9f: {  	_ =	swait.ge [sflag:s25], $0x800  }
0xa0: {  	[sflag:s25] =	ssyncset.done $0x0  }
0xa1: {  	s12 =	sadd.s32 $0x2A00, s7;
	[sflag:s25] =	ssyncadd.s32 $0xFFFFF800  }
0xa2: {  	[spmem:s2] =	stream.indirect.scatter.add.f32 [tilespmem:s26], [sflag:$0xD], $0x10, s12, s18, $0xb8;
	[tilespmem:$0xB780] =	vst v63  }
0xa3: {  	_ =	swait.ge [sflag:s0], $0x800  }
0xa4: {  	[sflag:s0] =	ssyncset.done $0x0  }
0xa5: {  	s12 =	sadd.s32 $0x2A80, s7;
	[sflag:s0] =	ssyncadd.s32 $0xFFFFF800  }
0xa6: {  	[spmem:s2] =	stream.indirect.scatter.add.f32 [tilespmem:s29], [sflag:$0xE], $0x10, s12, s18, $0xb8;
	[tilespmem:$0xB780] =	vst v63  }
0xa7: {  	_ =	swait.ge [sflag:s28], $0x800  }
0xa8: {  	[sflag:s28] =	ssyncset.done $0x0  }
0xa9: {  	s12 =	sadd.s32 $0x2B00, s7;
	[sflag:s28] =	ssyncadd.s32 $0xFFFFF800  }
0xaa: {  	[spmem:s2] =	stream.indirect.scatter.add.f32 [tilespmem:s31], [sflag:$0xF], $0x10, s12, s18, $0xb8;
	[tilespmem:$0xB780] =	vst v63  }
0xab: {  	_ =	swait.ge [sflag:s30], $0x800  }
0xac: {  	[sflag:s30] =	ssyncset.done $0x0  }
0xad: {  	s12 =	sadd.s32 $0x2B80, s7;
	[sflag:s30] =	ssyncadd.s32 $0xFFFFF800  }
0xae: {  	[spmem:s2] =	stream.indirect.scatter.add.f32 [tilespmem:s13], [sflag:$0x10], $0x10, s12, s18, $0xb8;
	[tilespmem:$0xB780] =	vst v63  }
0xaf: {  	_ =	swait.ge [sflag:s1], $0x800  }
0xb0: {  	[sflag:s1] =	ssyncset.done $0x0  }
0xb1: {  	s12 =	sadd.s32 $0x400, s7;
	[sflag:s1] =	ssyncadd.s32 $0xFFFFF800  }
0xb2: {  	[tilespmem:s14], [sflag:$0x1] =	stream.indirect.gather [hbm4b:s4+s18], $0x10, s12, s18, $0xb8;
	[tilespmem:$0xB780] =	vst v63  }
0xb3: {  	_ =	swait.ge [sflag:s3], $0x800  }
0xb4: {  	[sflag:s3] =	ssyncset.done $0x0  }
0xb5: {  	s12 =	sadd.s32 $0x480, s7;
	[sflag:s3] =	ssyncadd.s32 $0xFFFFF800  }
0xb6: {  	[tilespmem:s19], [sflag:$0x2] =	stream.indirect.gather [hbm4b:s4+s18], $0x10, s12, s18, $0xb8;
	[tilespmem:$0xB780] =	vst v63  }
0xb7: {  	_ =	swait.ge [sflag:s5], $0x800  }
0xb8: {  	[sflag:s5] =	ssyncset.done $0x0  }
0xb9: {  	s12 =	sadd.s32 $0x500, s7;
	[sflag:s5] =	ssyncadd.s32 $0xFFFFF800  }
0xba: {  	[tilespmem:s21], [sflag:$0x3] =	stream.indirect.gather [hbm4b:s4+s18], $0x10, s12, s18, $0xb8;
	[tilespmem:$0xB780] =	vst v63  }
0xbb: {  	_ =	swait.ge [sflag:s6], $0x800  }
0xbc: {  	[sflag:s6] =	ssyncset.done $0x0  }
0xbd: {  	s12 =	sadd.s32 $0x580, s7;
	[sflag:s6] =	ssyncadd.s32 $0xFFFFF800  }
0xbe: {  	[tilespmem:s23], [sflag:$0x4] =	stream.indirect.gather [hbm4b:s4+s18], $0x10, s12, s18, $0xb8;
	[tilespmem:$0xB780] =	vst v63  }
0xbf: {  	_ =	swait.ge [sflag:s8], $0x800  }
0xc0: {  	[sflag:s8] =	ssyncset.done $0x0  }
0xc1: {  	s12 =	sadd.s32 $0x600, s7;
	[sflag:s8] =	ssyncadd.s32 $0xFFFFF800  }
0xc2: {  	[tilespmem:s26], [sflag:$0x5] =	stream.indirect.gather [hbm4b:s4+s18], $0x10, s12, s18, $0xb8;
	[tilespmem:$0xB780] =	vst v63  }
0xc3: {  	_ =	swait.ge [sflag:s9], $0x800  }
0xc4: {  	[sflag:s9] =	ssyncset.done $0x0  }
0xc5: {  	s12 =	sadd.s32 $0x680, s7;
	[sflag:s9] =	ssyncadd.s32 $0xFFFFF800  }
0xc6: {  	[tilespmem:s29], [sflag:$0x6] =	stream.indirect.gather [hbm4b:s4+s18], $0x10, s12, s18, $0xb8;
	[tilespmem:$0xB780] =	vst v63  }
0xc7: {  	_ =	swait.ge [sflag:s10], $0x800  }
0xc8: {  	[sflag:s10] =	ssyncset.done $0x0  }
.Ltmp1:
0xc9: {  	s12 =	sadd.s32 $0x700, s7;
	[sflag:s10] =	ssyncadd.s32 $0xFFFFF800;
	(pc) =	sbr.rel @p0 .LBB2_4-.Ltmp1, $4  }
0xca: {  	[tilespmem:s31], [sflag:$0x7] =	stream.indirect.gather [hbm4b:s4+s18], $0x10, s12, s18, $0xb8;
	[tilespmem:$0xB780] =	vst v63  }
0xcb: {  	_ =	swait.ge [sflag:s11], $0x800  }
0xcc: {  	[sflag:s11] =	ssyncset.done $0x0  }
0xcd: {  	s7 =	sadd.s32 $0x780, s7;
	[sflag:s11] =	ssyncadd.s32 $0xFFFFF800  }
0xce: {  	[tilespmem:s13], [sflag:$0x8] =	stream.indirect.gather [hbm4b:s4+s18], $0x10, s7, s18, $0xb8;
	[tilespmem:$0xB780] =	vst v63  }
0xcf: {  	_ =	swait.ge [sflag:s16], $0x800  }
0xd0: {  	[sflag:s16] =	ssyncset.done $0x0  }
0xd1: {  	s24 =	simm.s32 $0x4C00;
	[sflag:s16] =	ssyncadd.s32 $0xFFFFF800  }
0xd2: {  	[spmem:s2] =	stream.indirect.scatter.add.f32 [tilespmem:s14], [sflag:$0x9], $0x10, s24, s18, $0xb8;
	[tilespmem:$0xB780] =	vst v63  }
0xd3: {  	_ =	swait.ge [sflag:s17], $0x800  }
0xd4: {  	[sflag:s17] =	ssyncset.done $0x0  }
0xd5: {  	s12 =	simm.s32 $0x4C80;
	[sflag:s17] =	ssyncadd.s32 $0xFFFFF800  }
0xd6: {  	[spmem:s2] =	stream.indirect.scatter.add.f32 [tilespmem:s19], [sflag:$0xA], $0x10, s12, s18, $0xb8;
	[tilespmem:$0xB780] =	vst v63  }
0xd7: {  	_ =	swait.ge [sflag:s20], $0x800  }
0xd8: {  	[sflag:s20] =	ssyncset.done $0x0  }
0xd9: {  	s24 =	simm.s32 $0x4D00;
	[sflag:s20] =	ssyncadd.s32 $0xFFFFF800  }
0xda: {  	[spmem:s2] =	stream.indirect.scatter.add.f32 [tilespmem:s21], [sflag:$0xB], $0x10, s24, s18, $0xb8;
	[tilespmem:$0xB780] =	vst v63  }
0xdb: {  	_ =	swait.ge [sflag:s22], $0x800  }
0xdc: {  	[sflag:s22] =	ssyncset.done $0x0  }
0xdd: {  	s12 =	simm.s32 $0x4D80;
	[sflag:s22] =	ssyncadd.s32 $0xFFFFF800  }
0xde: {  	[spmem:s2] =	stream.indirect.scatter.add.f32 [tilespmem:s23], [sflag:$0xC], $0x10, s12, s18, $0xb8;
	[tilespmem:$0xB780] =	vst v63  }
0xdf: {  	_ =	swait.ge [sflag:s25], $0x800  }
0xe0: {  	[sflag:s25] =	ssyncset.done $0x0  }
0xe1: {  	s24 =	simm.s32 $0x4E00;
	[sflag:s25] =	ssyncadd.s32 $0xFFFFF800  }
0xe2: {  	[spmem:s2] =	stream.indirect.scatter.add.f32 [tilespmem:s26], [sflag:$0xD], $0x10, s24, s18, $0xb8;
	[tilespmem:$0xB780] =	vst v63  }
0xe3: {  	_ =	swait.ge [sflag:s0], $0x800  }
0xe4: {  	[sflag:s0] =	ssyncset.done $0x0  }
0xe5: {  	s12 =	simm.s32 $0x4E80;
	[sflag:s0] =	ssyncadd.s32 $0xFFFFF800  }
0xe6: {  	[spmem:s2] =	stream.indirect.scatter.add.f32 [tilespmem:s29], [sflag:$0xE], $0x10, s12, s18, $0xb8;
	[tilespmem:$0xB780] =	vst v63  }
0xe7: {  	_ =	swait.ge [sflag:s28], $0x800  }
0xe8: {  	[sflag:s28] =	ssyncset.done $0x0  }
0xe9: {  	s24 =	simm.s32 $0x4F00;
	[sflag:s28] =	ssyncadd.s32 $0xFFFFF800  }
0xea: {  	[spmem:s2] =	stream.indirect.scatter.add.f32 [tilespmem:s31], [sflag:$0xF], $0x10, s24, s18, $0xb8;
	[tilespmem:$0xB780] =	vst v63  }
0xeb: {  	_ =	swait.ge [sflag:s30], $0x800  }
0xec: {  	[sflag:s30] =	ssyncset.done $0x0  }
0xed: {  	s12 =	simm.s32 $0x4F80;
	[sflag:s30] =	ssyncadd.s32 $0xFFFFF800  }
0xee: {  	[spmem:s2] =	stream.indirect.scatter.add.f32 [tilespmem:s13], [sflag:$0x10], $0x10, s12, s18, $0xb8;
	[tilespmem:$0xB780] =	vst v63  }
0xef: {  	_ =	swait.ge [sflag:s1], $0x800  }
0xf0: {  	[sflag:s1] =	ssyncset.done $0x0  }
0xf1: {  	[sflag:s1] =	ssyncadd.s32 $0xFFFFF800  }
0xf2: {  	_ =	swait.ge [sflag:s3], $0x800  }
0xf3: {  	[sflag:s3] =	ssyncset.done $0x0  }
0xf4: {  	[sflag:s3] =	ssyncadd.s32 $0xFFFFF800  }
0xf5: {  	_ =	swait.ge [sflag:s5], $0x800  }
0xf6: {  	[sflag:s5] =	ssyncset.done $0x0  }
0xf7: {  	[sflag:s5] =	ssyncadd.s32 $0xFFFFF800  }
0xf8: {  	_ =	swait.ge [sflag:s6], $0x800  }
0xf9: {  	[sflag:s6] =	ssyncset.done $0x0  }
0xfa: {  	[sflag:s6] =	ssyncadd.s32 $0xFFFFF800  }
0xfb: {  	_ =	swait.ge [sflag:s8], $0x800  }
0xfc: {  	[sflag:s8] =	ssyncset.done $0x0  }
0xfd: {  	[sflag:s8] =	ssyncadd.s32 $0xFFFFF800  }
0xfe: {  	_ =	swait.ge [sflag:s9], $0x800  }
0xff: {  	[sflag:s9] =	ssyncset.done $0x0  }
0x100: {  	[sflag:s9] =	ssyncadd.s32 $0xFFFFF800  }
0x101: {  	_ =	swait.ge [sflag:s10], $0x800  }
0x102: {  	[sflag:s10] =	ssyncset.done $0x0  }
0x103: {  	[sflag:s10] =	ssyncadd.s32 $0xFFFFF800  }
0x104: {  	_ =	swait.ge [sflag:s11], $0x800  }
0x105: {  	[sflag:s11] =	ssyncset.done $0x0  }
0x106: {  	[sflag:s11] =	ssyncadd.s32 $0xFFFFF800  }
0x107: {  	s24 =	stileid.u32;
	[bflag:$0x0] =	sbarrier.arrive $0xFFFF  }
0x108: {  	s7 =	sshll.u32 s24, $0x6;
	s12 =	rddreg [dreg:$0x5]  }
0x109: {  	s7 =	sor.u32 $0x1C11, s7;
	s24 =	rddreg [dreg:$0xb];
	s12 =	sshrl.u32 s12, $0x3  }
0x10a: {  	[hbm:s24], [sflag:s7] =	dma.local [spmem:s12], $0x4F0  }
0x10b: {  	_ =	swait.ge [sflag:s15], $0x4F0  }
0x10c: {  	s7 =	rddreg [dreg:$0xc]  }
0x10d: {  	s24 =	rddreg [dreg:$0xa];
	s12 =	sadd.s32 $0x1, s7  }
0x10e: {  	p0 =	sne.s32 s12, s24  }
.Ltmp2:
0x10f: {  	_ = 	snop;
	(pc) =	sbr.rel @p0 .LBB2_1-.Ltmp2, $3  }
0x110: {  	_ =	sdelay $0x1  }
0x111: {  	[sflag:s15] =	ssyncset.done $0x0  }
0x112: {  	[sflag:s15] =	ssyncadd.s32 $0xFFFFFB10  }
0x113: {  	_ =	sfence.sel $0x180000  }
0x114: {  	[bflag:$0x0] =	sbarrier.arrive $0xFFFF  }
0x115: {  	_ =	strace $0x9000004D  }
0x116: {  	s0 =	stileid.u32;
	[bflag:$0x2] =	sbarrier.arrive $0xFFFF  }
0x117: {  	p0 =	sne.s32 s0, $0x0;
	s0 =	rddreg [dreg:$0x2]  }
0x118: {  	s0 =	sadd.s32 @!p0 $0x100000, s0  }
0x119: {  	[sflag:s0] =	ssyncadd.tile.s32 @!p0 $0x1;
	_ =	shalt  }
.Lfunc_end2:
_tile_overlayer_lowered:
.L_overlay_start_2:
0x11a: {  	(tag) =	ssettag $0x2  }
0x11b: {  	s0 =	rddreg [dreg:$0x0];
	s2 =	stileid.u32  }
0x11c: {  	s1 =	rddreg [dreg:$0x1];
	p0 =	sne.s32 s2, $0x0  }
0x11d: {  	s3 =	rddreg [dreg:$0x2];
	[bflag:$0x3] =	sbarrier.arrive $0xFFFF;
	s2 =	simm.s32 @!p0 $0x1C11  }
0x11e: {  	[timem:s3], [sflag:s2] =	dma.local @!p0 [hbm:s0], s1  }
0x11f: {  	s0 =	simm.s32 @!p0 $0x11  }
0x120: {  	_ =	swait.ge @!p0 [sflag:s0], s1  }
0x121: {  	s1 =	ssub.s32 @!p0 $0x0, s1;
	[sflag:s0] =	ssyncset.done @!p0 $0x0  }
0x122: {  	[sflag:s0] =	ssyncadd.s32 @!p0 s1  }
0x123: {  	[bflag:$0x3] =	sbarrier.arrive $0xFFFF  }
0x124: {  	_ =	shalt  }

// kernel: kernel.8.cloned.1.call-start
scs
__scs_entry_jumppad:
0x0: {  	(pc) =	sbr.rel $0x88, $3  }
0x1: {  	(tag) =	ssettag $0x0;
	lr =	simm.s32 $0x1  }
0x2: {  	[smem:$0x3F9B] =	sst lr;
	_ =	strace $0xD0000000  }
0x3: {  	_ = 	snop  }
0x4: {  	_ = 	snop  }
0x5: {  	_ = 	snop  }
0x6: {  	_ = 	snop  }
0x7: {  	_ = 	snop  }
__scs_overlays_trampoline_lowered:
0x8: {  	[smem:$0x3FAA] =	sst s0  }
0x9: {  	[smem:$0x3FAB] =	sst s1  }
0xa: {  	[smem:$0x3FAC] =	sst s2  }
0xb: {  	[smem:$0x3FAD] =	sst s3  }
0xc: {  	[smem:$0x3FAE] =	sst s4  }
0xd: {  	[smem:$0x3FAF] =	sst s5  }
0xe: {  	[smem:$0x3FB0] =	sst s6  }
0xf: {  	[smem:$0x3FB1] =	sst s7  }
0x10: {  	[smem:$0x3FB2] =	sst s8  }
0x11: {  	[smem:$0x3FB3] =	sst s9;
	s0 =	simm.s32 @!p0 $0x0  }
0x12: {  	s1 =	sld [smem:$0x3F99];
	s0 =	simm.s32 @p0 $0x1  }
0x13: {  	[smem:$0x3FB4] =	sst s0;
	s0 =	simm.s32 @!p1 $0x0  }
0x14: {  	s2 =	sld [smem:$0x3F98];
	s0 =	simm.s32 @p1 $0x1  }
0x15: {  	[smem:$0x3FB5] =	sst s0;
	s0 =	simm.s32 @!p2 $0x0  }
0x16: {  	s3 =	sld [smem:$0x3FDB];
	s0 =	simm.s32 @p2 $0x1  }
0x17: {  	s4 =	simm.s32 $0x1BF5;
	[smem:$0x3FB7] =	sst s0  }
0x18: {  	s0 =	sld [smem:$0x3F9A];
	_ =	swait.ge [sflag:s4], $0x0  }
0x19: {  	s7 =	sld [smem:$0x3F9B]  }
0x1a: {  	s8 =	sadd.s32 $0xFFFFE003, lr  }
0x1b: {  	s9 =	sadd.s32 $0xFFFFFEF7, lr;
	s5 =	simm.s32 $0xFFFFFFFF;
	p2 =	slt.u32 s8, $0xFFFFF086  }
0x1c: {  	p1 =	slt.u32 s9, $0xF7A;
	s5 =	simm.s32 @!p2 $0x0  }
0x1d: {  	s5 =	simm.s32 @p1 $0x1;
	p0 =	seq.s32 s7, s2  }
0x1e: {  	s7 =	smul.u32 @!p0 $0xF7A, s2;
	p2 =	seq.s32 @!p0 s5, $0x0  }
0x1f: {  	s9 =	smul.u32 $0xF7A, s1;
	s8 =	simm.s32 @!p0 $0x1BF5;
	p2 =	por !p2, p0  }
0x20: {  	[sflag:s8] =	ssyncset.s32 @!p0 $0xFFFFF086;
	s6 =	sadd.s32 @!p0 s3, s7;
	s7 =	simm.s32 @!p0 $0x108  }
0x21: {  	s3 =	sadd.s32 s3, s9;
	s6 =	sadd.s32 @!p0 $0x88, s6;
	s7 =	simm.s32 @p2 $0x1082  }
0x22: {  	[simem:s7], [sflag:s8] =	dma.local @!p0 [hbm:s6], $0xF7A  }
0x23: {  	s9 =	sor.u32 $0xD0000000, s2;
	s6 =	simm.s32 $0x108;
	_ =	swait.ge @!p0 [sflag:s8], $0x0  }
0x24: {  	s3 =	sadd.s32 $0x88, s3;
	s6 =	simm.s32 @!p1 $0x1082;
	[sflag:s4] =	ssyncset.s32 $0xFFFFF086  }
0x25: {  	[simem:s6], [sflag:s4] =	dma.local [hbm:s3], $0xF7A  }
0x26: {  	[smem:$0x3F9B] =	sst s1;
	(tag) =	ssettag s2;
	_ =	strace s9  }
0x27: {  	s1 =	sld [smem:$0x3FAB]  }
0x28: {  	s2 =	sld [smem:$0x3FAC]  }
0x29: {  	s4 =	sld [smem:$0x3FAE]  }
0x2a: {  	p0 =	seq.s32 s5, $0x0;
	s5 =	sld [smem:$0x3FAF]  }
0x2b: {  	s6 =	sld [smem:$0x3FB0]  }
0x2c: {  	s7 =	sld [smem:$0x3FB1]  }
0x2d: {  	s3 =	simm.s32 $0x108;
	s8 =	sld [smem:$0x3FB2]  }
0x2e: {  	s3 =	simm.s32 @!p0 $0x1082;
	s9 =	sld [smem:$0x3FB3]  }
0x2f: {  	lr =	sadd.s32 s0, s3;
	s0 =	sld [smem:$0x3FAA]  }
0x30: {  	s3 =	sld [smem:$0x3FAD]  }
0x31: {  	[smem:$0x3FB6] =	sst s10  }
0x32: {  	s10 =	sld [smem:$0x3FB4];
	_ =	sdelay $0x3  }
0x33: {  	p0 =	seq.s32 s10, $0x1;
	s10 =	sld [smem:$0x3FB6];
	_ =	sdelay $0x3  }
0x34: {  	[smem:$0x3FB6] =	sst s10  }
0x35: {  	s10 =	sld [smem:$0x3FB5];
	_ =	sdelay $0x3  }
0x36: {  	p1 =	seq.s32 s10, $0x1;
	s10 =	sld [smem:$0x3FB6];
	_ =	sdelay $0x3  }
0x37: {  	[smem:$0x3FB6] =	sst s10  }
0x38: {  	s10 =	sld [smem:$0x3FB7]  }
0x39: {  	_ = 	snop;
	(pc) =	sbr.ind lr, $3  }
0x3a: {  	_ = 	snop  }
0x3b: {  	_ = 	snop  }
0x3c: {  	p2 =	seq.s32 s10, $0x1;
	s10 =	sld [smem:$0x3FB6]  }
0x3d: {  	_ =	shalt  }
0x3e: {  	_ =	shalt  }
0x3f: {  	_ =	shalt  }
0x40: {  	_ =	shalt  }
0x41: {  	_ =	shalt  }
0x42: {  	_ =	shalt  }
0x43: {  	_ =	shalt  }
0x44: {  	_ =	shalt  }
0x45: {  	_ =	shalt  }
0x46: {  	_ =	shalt  }
0x47: {  	_ =	shalt  }
0x48: {  	_ =	shalt  }
0x49: {  	_ =	shalt  }
0x4a: {  	_ =	shalt  }
0x4b: {  	_ =	shalt  }
0x4c: {  	_ =	shalt  }
0x4d: {  	_ =	shalt  }
0x4e: {  	_ =	shalt  }
0x4f: {  	_ =	shalt  }
0x50: {  	_ =	shalt  }
0x51: {  	_ =	shalt  }
0x52: {  	_ =	shalt  }
0x53: {  	_ =	shalt  }
0x54: {  	_ =	shalt  }
0x55: {  	_ =	shalt  }
0x56: {  	_ =	shalt  }
0x57: {  	_ =	shalt  }
0x58: {  	_ =	shalt  }
0x59: {  	_ =	shalt  }
0x5a: {  	_ =	shalt  }
0x5b: {  	_ =	shalt  }
0x5c: {  	_ =	shalt  }
0x5d: {  	_ =	shalt  }
0x5e: {  	_ =	shalt  }
0x5f: {  	_ =	shalt  }
0x60: {  	_ =	shalt  }
0x61: {  	_ =	shalt  }
0x62: {  	_ =	shalt  }
0x63: {  	_ =	shalt  }
0x64: {  	_ =	shalt  }
0x65: {  	_ =	shalt  }
0x66: {  	_ =	shalt  }
0x67: {  	_ =	shalt  }
0x68: {  	_ =	shalt  }
0x69: {  	_ =	shalt  }
0x6a: {  	_ =	shalt  }
0x6b: {  	_ =	shalt  }
0x6c: {  	_ =	shalt  }
0x6d: {  	_ =	shalt  }
0x6e: {  	_ =	shalt  }
0x6f: {  	_ =	shalt  }
0x70: {  	_ =	shalt  }
0x71: {  	_ =	shalt  }
0x72: {  	_ =	shalt  }
0x73: {  	_ =	shalt  }
0x74: {  	_ =	shalt  }
0x75: {  	_ =	shalt  }
0x76: {  	_ =	shalt  }
0x77: {  	_ =	shalt  }
0x78: {  	_ =	shalt  }
0x79: {  	_ =	shalt  }
0x7a: {  	_ =	shalt  }
0x7b: {  	_ =	shalt  }
0x7c: {  	_ =	shalt  }
0x7d: {  	_ =	shalt  }
0x7e: {  	_ =	shalt  }
0x7f: {  	_ =	shalt  }
0x80: {  	_ =	shalt  }
0x81: {  	_ =	shalt  }
0x82: {  	_ =	shalt  }
0x83: {  	_ =	shalt  }
0x84: {  	_ =	shalt  }
0x85: {  	_ =	shalt  }
0x86: {  	_ =	shalt  }
0x87: {  	_ =	shalt  }
.Lfunc_end0:
.L_simem_size_0:
called_computation_lowered:
.L_overlay_start_0:
0x88: {  	s2 =	sld [smem:$0x3FD9]  }
0x89: {  	s3 =	sld [smem:$0x3FFE];
	_ =	sdelay $0x1  }
0x8a: {  	s1 =	srdreg.scid  }
0x8b: {  	s0 =	sand.u32 $0x1, s1  }
0x8c: {  	s16 =	sshll.u32 s0, $0xA;
	s2 =	sadd.s32 s3, s2  }
0x8d: {  	s2 =	sadd.s32 s2, s16  }
0x8e: {  	[smem:$0x3FC2] =	sst s2  }
0x8f: {  	_ = 	snop  }
0x90: {  	(tm) =	ssettm $0x1  }
0x91: {  	s17 =	sld [smem:$0x3FFB];
	_ =	sdelay $0x3  }
0x92: {  	_ =	strace s17  }
0x93: {  	s2 =	sld [smem:$0x3FFC];
	_ =	sdelay $0x3  }
0x94: {  	_ =	strace s2  }
0x95: {  	s2 =	sld [smem:$0x3FFD];
	_ =	sdelay $0x3  }
0x96: {  	_ =	strace s2  }
0x97: {  	_ =	strace $0x8FFFFFFF  }
0x98: {  	s18 =	sld [smem:$0x3FDB];
	_ =	sdelay $0x1  }
0x99: {  	s19 =	simm.s32 $_scs_section_size  }
0x9a: {  	s4 =	simm.s32 $_size__tile_overlayer_lowered;
	s5 =	simm.s32 $_tile_overlayer_lowered  }
0x9b: {  	s22 =	simm.s32 $0x1BFF;
	s21 =	sshll.u32 s5, $0x1;
	s2 =	sadd.s32 s19, s18  }
0x9c: {  	s6 =	simm.s32 $0x0;
	s20 =	sshll.u32 s4, $0x1;
	s4 =	sadd.s32 s21, s2  }
0x9d: {  	[timem:s6], [sflag:s22] =	dma.local [hbm:s4], s20  }
0x9e: {  	_ =	swait.ge [sflag:s22], s20  }
0x9f: {  	s3 =	ssub.s32 $0x0, s20;
	[sflag:s22] =	ssyncset.done $0x0  }
0xa0: {  	[sflag:s22] =	ssyncadd.s32 s3;
	_ =	sdelay $0x1  }
0xa1: {  	s23 =	simm.s32 $0x1B8B  }
0xa2: {  	_ =	swait.ge [sflag:s23], $0x1  }
0xa3: {  	[sflag:s23] =	ssyncset.done $0x0  }
0xa4: {  	s25 =	simm.s32 $0x1B8E;
	s24 =	sld [smem:$0x3FFE];
	[sflag:s23] =	ssyncadd.s32 $0xFFFFFFFF  }
0xa5: {  	s26 =	simm.s32 $execute0_lowered;
	[smem:$0x3FD2] =	sst s25  }
0xa6: {  	s4 =	sshll.u32 s26, $0x1;
	_ =	strace $0x80000046;
	[dreg:$0x1] =	wrdreg $0xFFFFFFFF  }
0xa7: {  	s28 =	simm.s32 $_size_execute0_lowered;
	s2 =	sadd.s32 s2, s4;
	[dreg:$0x0] =	wrdreg $0x0  }
0xa8: {  	s4 =	sshll.u32 s28, $0x1;
	[dreg:$0x2] =	wrdreg s2  }
0xa9: {  	[dreg:$0x3] =	wrdreg s4  }
0xaa: {  	[dreg:$0x4] =	wrdreg $0xC0  }
0xab: {  	_ =	task [dreg:s6], $0x5FFFF  }
0xac: {  	[dreg:$0x1] =	wrdreg $0xFFFFFFFF  }
0xad: {  	[dreg:$0x0] =	wrdreg $0x60  }
0xae: {  	[dreg:$0x2] =	wrdreg s24  }
0xaf: {  	[dreg:$0x3] =	wrdreg $0x9  }
0xb0: {  	_ =	task.clear_ibuf [dreg:s6], $0x4FFFF;
	_ =	strace $0x90000046  }
0xb1: {  	s29 =	simm.s32 $0x9;
	_ =	strace $0x80000048  }
0xb2: {  	_ =	swait.ge [sflag:s29], $0x1  }
0xb3: {  	[sflag:s29] =	ssyncadd.s32 $0xFFFFFFFF  }
0xb4: {  	_ =	strace $0x90000048  }
0xb5: {  	_ =	sfence  }
0xb6: {  	s30 =	sld [smem:$0x0];
	_ =	sdelay $0x2  }
0xb7: {  	s31 =	sshll.u32 s1, $0xD;
	s1 =	sshrl.u32 s1, $0x2  }
0xb8: {  	s3 =	sand.u32 $0x4000, s31;
	s1 =	sadd.s32 s1, s30  }
0xb9: {  	s0 =	sor.u32 s3, s0;
	s1 =	sshll.u32 s1, $0x11  }
0xba: {  	s0 =	sor.u32 s1, s0  }
0xbb: {  	s0 =	sadd.s32 $0x8F2B, s0  }
0xbc: {  	[sflag:s0] =	ssyncadd.remote.s32 $0x1  }
0xbd: {  	_ =	sfence.sel $0xFFFF  }
0xbe: {  	[dreg:$0x0] =	wrdreg $0xFFFFFFFF;
	(pc) =	sbr.abs _section_cstart, $3  }
0xbf: {  	[dreg:$0x1] =	wrdreg $0xFFFFFFFF  }
0xc0: {  	_ =	task.clear_ibuf [dreg:s6], $0x2FFFF;
	_ =	strace $0x9FFFFFFF  }
0xc1: {  	(tm) =	ssettm $0x7FFFFFFF  }
tec
execute0_lowered:
.L_overlay_start_1:
0x0: {  	(tag) =	ssettag $0x1  }
0x1: {  	s1 =	srdreg.scid;
	s0 =	stileid.u32  }
0x2: {  	s3 =	sand.u32 $0x1, s1;
	s30 =	sshll.u32 s0, $0x1  }
0x3: {  	s4 =	rddreg [dreg:$0x0];
	s5 =	sor.u32 s3, s30  }
0x4: {  	s2 =	simm.s32 $0x0;
	s8 =	simm.s32 $0x0;
	s6 =	smul.u32 $0x2710, s5  }
0x5: {  	[smem:$0x7FF] =	sst s2;
	s3 =	ssub.s32 $0x2, s3;
	s5 =	smul.u32 $0x4F0, s5  }
0x6: {  	s1 =	rddreg [dreg:$0x1];
	_ =	strace $0x80000047;
	s7 =	sshrl.u32 s3, $0x1  }
0x7: {  	s7 =	ssub.s32 s3, s7;
	s6 =	sshrl.u32 s6, $0x3;
	s5 =	sadd.s32 s5, s4  }
0x8: {  	s31 =	sadd.s32 s4, s6;
	s4 =	sadd.s32 $0x15A00, s5;
	s5 =	smax.u32 s7, $0x1  }
0x9: {  	v0 =	vimm.f32 $0.0e+00;
	v1 =	vimm.f32 $1.000000000e+00;
	s6 =	simm.s32 $0x1;
	s7 =	simm.s32 $0x2710;
	s3 =	sadd.s32 $0xBC40, s31  }
.LBB2_1:
0xa: {  	[tilespmem:s2], [sflag:$0x1] =	stream.linear.gather [hbm4b:s3+s2], $0x2710, $0x38;
	[tilespmem:$0x4E90] =	vst v63  }
0xb: {  	_ =	swait.ge [sflag:s6], $0x2710  }
0xc: {  	[sflag:s6] =	ssyncset.done $0x0  }
0xd: {  	s9 =	simm.s32 $0x0;
	[sflag:s6] =	ssyncadd.s32 $0xFFFFD8F0  }
.LBB2_2:
0xe: {  	p0 =	sne.s32 s9, $0x9DC0  }
.Ltmp0:
0xf: {  	_ = 	snop;
	(pc) =	sbr.rel @p0 .LBB2_2-.Ltmp0, $3  }
0x10: {  	_ =	sdelay $0x1  }
0x11: {  	s10 =	sshra.s32 s9, $0x2  }
0x12: {  	s9 =	sadd.s32 $0x40, s9;
	[tilespmem:s10+$0x2710] =	vst v0  }
0x13: {  	s9 =	simm.s32 $0x0  }
.LBB2_4:
0x14: {  	s10 =	sshra.s32 s9, $0x2  }
0x15: {  	v2 =	vld [tilespmem:s10+$0x0];
	_ =	sdelay $0x7  }
0x16: {  	[tilespmem:v2+s7+$0x0] =	vst.idx.add.f32.msk $0xffff, v1  }
0x17: {  	v2 =	vld [tilespmem:s10+$0x10];
	_ =	sdelay $0x7  }
0x18: {  	[tilespmem:v2+s7+$0x0] =	vst.idx.add.f32.msk $0xffff, v1  }
0x19: {  	v2 =	vld [tilespmem:s10+$0x20];
	_ =	sdelay $0x7  }
0x1a: {  	[tilespmem:v2+s7+$0x0] =	vst.idx.add.f32.msk $0xffff, v1  }
0x1b: {  	v2 =	vld [tilespmem:s10+$0x30];
	_ =	sdelay $0x7  }
0x1c: {  	[tilespmem:v2+s7+$0x0] =	vst.idx.add.f32.msk $0xffff, v1  }
0x1d: {  	v2 =	vld [tilespmem:s10+$0x40];
	_ =	sdelay $0x7  }
0x1e: {  	[tilespmem:v2+s7+$0x0] =	vst.idx.add.f32.msk $0xffff, v1  }
0x1f: {  	v2 =	vld [tilespmem:s10+$0x50];
	_ =	sdelay $0x7  }
0x20: {  	[tilespmem:v2+s7+$0x0] =	vst.idx.add.f32.msk $0xffff, v1  }
0x21: {  	v2 =	vld [tilespmem:s10+$0x60];
	_ =	sdelay $0x7  }
0x22: {  	[tilespmem:v2+s7+$0x0] =	vst.idx.add.f32.msk $0xffff, v1  }
0x23: {  	v2 =	vld [tilespmem:s10+$0x70];
	_ =	sdelay $0x2  }
0x24: {  	p0 =	sne.s32 s9, $0x9A00  }
.Ltmp1:
0x25: {  	_ = 	snop;
	(pc) =	sbr.rel @p0 .LBB2_4-.Ltmp1, $2  }
0x26: {  	_ =	sdelay $0x2  }
0x27: {  	s9 =	sadd.s32 $0x200, s9;
	[tilespmem:v2+s7+$0x0] =	vst.idx.add.f32.msk $0xffff, v1  }
0x28: {  	v2 =	vld [tilespmem:$0x2700];
	_ =	sdelay $0x5  }
0x29: {  	s8 =	sadd.s32 $0x1, s8  }
0x2a: {  	p0 =	sne.s32 s8, s5  }
.Ltmp2:
0x2b: {  	[tilespmem:v2+s7+$0x0] =	vst.idx.add.f32.msk $0xffff, v1;
	(pc) =	sbr.rel @p0 .LBB2_1-.Ltmp2, $4  }
0x2c: {  	[hbm4b:s4+s2] =	stream.linear.scatter [tilespmem:s7], [sflag:$0x1], $0x2780, $0x38;
	[tilespmem:$0x4E90] =	vst v63  }
0x2d: {  	_ =	swait.ge [sflag:s6], $0x2780  }
0x2e: {  	[sflag:s6] =	ssyncset.done $0x0  }
0x2f: {  	[sflag:s6] =	ssyncadd.s32 $0xFFFFD880  }
0x30: {  	_ =	sfence.sel $0x180000  }
0x31: {  	[bflag:$0x0] =	sbarrier.arrive $0xFFFF  }
0x32: {  	p0 =	sne.s32 s0, $0x0;
	_ =	strace $0x90000047  }
0x33: {  	s0 =	sadd.s32 @!p0 $0x100000, s1;
	[bflag:$0x2] =	sbarrier.arrive $0xFFFF  }
0x34: {  	[sflag:s0] =	ssyncadd.tile.s32 @!p0 $0x1;
	_ =	shalt  }
.Lfunc_end2:
_tile_overlayer_lowered:
.L_overlay_start_2:
0x35: {  	(tag) =	ssettag $0x2  }
0x36: {  	s0 =	rddreg [dreg:$0x0];
	s2 =	stileid.u32  }
0x37: {  	s1 =	rddreg [dreg:$0x1];
	p0 =	sne.s32 s2, $0x0  }
0x38: {  	s3 =	rddreg [dreg:$0x2];
	[bflag:$0x3] =	sbarrier.arrive $0xFFFF;
	s2 =	simm.s32 @!p0 $0x1C01  }
0x39: {  	[timem:s3], [sflag:s2] =	dma.local @!p0 [hbm:s0], s1  }
0x3a: {  	s0 =	simm.s32 @!p0 $0x1  }
0x3b: {  	_ =	swait.ge @!p0 [sflag:s0], s1  }
0x3c: {  	s1 =	ssub.s32 @!p0 $0x0, s1;
	[sflag:s0] =	ssyncset.done @!p0 $0x0  }
0x3d: {  	[sflag:s0] =	ssyncadd.s32 @!p0 s1  }
0x3e: {  	[bflag:$0x3] =	sbarrier.arrive $0xFFFF  }
0x3f: {  	_ =	shalt  }

</sc_bundles>
